<compile_context>
chip_gen: v7x
topology: tpu7x:2x2x1
jax: 0.10.2.dev20260603
libtpu: 0.0.44.dev20260713+nightly
codegen_flags: <defaults>
</compile_context>

<pallas_src>
import jax
import jax.numpy as jnp
from jax import lax
from jax.experimental import pallas as pl
from jax.experimental.pallas import tpu as pltpu
from jax.experimental.pallas import tpu_sc as plsc

N = 10000
D = 128
E = 320000
NC = 2
NS = 16
NW = NC * NS
EPT = E // NW
CH = 40
NCHUNK = EPT // CH
NBUF = 5
GLEAD = 2
ILEAD = 3
SLAG = 2
ROWS_T0 = 640
ROWS_T15 = N - (NS - 1) * ROWS_T0
ZCH = 40
RCH = 80


def _seg_body(x_hbm, ef_hbm, ew_hbm, psum_hbm, pcnt_hbm,
              sbuf_v, dbuf_v, wbuf_v, rows_v, ones_v, zc_v, accf_s, accc_s,
              gsem, ssem, csem, isem, dsem, wsem):
    c = lax.axis_index("c")
    s = lax.axis_index("s")
    wid = c * NS + s
    base0 = wid * EPT

    def idx_load(j, b):
        base = base0 + j * CH
        pltpu.async_copy(ef_hbm.at[pl.ds(E + base, CH)], sbuf_v.at[b],
                         isem.at[b])
        pltpu.async_copy(ef_hbm.at[pl.ds(base, CH)], dbuf_v.at[b],
                         dsem.at[b])
        pltpu.async_copy(ew_hbm.at[pl.ds(base, CH)], wbuf_v.at[b],
                         wsem.at[b])

    def idx_wait(b):
        pltpu.make_async_copy(ef_hbm.at[pl.ds(0, CH)], sbuf_v.at[b],
                              isem.at[b]).wait()
        pltpu.make_async_copy(ef_hbm.at[pl.ds(0, CH)], dbuf_v.at[b],
                              dsem.at[b]).wait()
        pltpu.make_async_copy(ew_hbm.at[pl.ds(0, CH)], wbuf_v.at[b],
                              wsem.at[b]).wait()

    def gather(j, b):
        pltpu.async_copy(x_hbm.at[sbuf_v.at[b]], rows_v.at[b], gsem.at[b])

    for k in range(ILEAD):
        idx_load(k, k)
    for k in range(GLEAD):
        idx_wait(k)
        gather(k, k)

    def zrow_last(t, carry):
        i = t // (D // 16)
        f = t % (D // 16)
        rows_v[NBUF - 1, i, pl.ds(f * 16, 16)] = jnp.zeros((16,), jnp.float32)
        return carry

    lax.fori_loop(0, CH * (D // 16), zrow_last, 0)

    def zsmall(t, carry):
        zc_v[pl.ds(t * 16, 16)] = jnp.zeros((16,), jnp.float32)
        return carry

    lax.fori_loop(0, RCH // 16, zsmall, 0)

    for off in (0, 16, CH - 16):
        ones_v[pl.ds(off, 16)] = jnp.ones((16,), jnp.float32)

    r0 = s * ROWS_T0
    nz = jnp.where(s == NS - 1, ROWS_T15 // ZCH, ROWS_T0 // ZCH)

    def zacc(k, carry):
        r = r0 + k * ZCH
        pltpu.sync_copy(rows_v.at[NBUF - 1], accf_s.at[pl.ds(r, ZCH)])
        return carry

    lax.fori_loop(0, nz, zacc, 0)

    nzc = jnp.where(s == NS - 1, ROWS_T15 // RCH, ROWS_T0 // RCH)

    def zcnt(k, carry):
        r = r0 + k * RCH
        pltpu.sync_copy(zc_v, accc_s.at[pl.ds(r, RCH)])
        return carry

    lax.fori_loop(0, nzc, zcnt, 0)
    plsc.subcore_barrier()

    def ring(g, carry):
        for b in range(NBUF):
            j = g * NBUF + b

            @pl.when(j >= SLAG)
            def _():
                br = (b - SLAG) % NBUF
                pltpu.make_async_copy(
                    rows_v.at[br], accf_s.at[dbuf_v.at[br]],
                    ssem.at[br]).wait()
                pltpu.make_async_copy(
                    ones_v, accc_s.at[dbuf_v.at[br]], csem.at[br]).wait()

            @pl.when(j + ILEAD < NCHUNK)
            def _():
                idx_load(j + ILEAD, (b + ILEAD) % NBUF)

            @pl.when(j + GLEAD < NCHUNK)
            def _():
                bgg = (b + GLEAD) % NBUF
                idx_wait(bgg)
                gather(j + GLEAD, bgg)

            pltpu.make_async_copy(
                x_hbm.at[sbuf_v.at[b]], rows_v.at[b], gsem.at[b]).wait()

            wref = wbuf_v.at[b]

            @plsc.parallel_loop(0, CH, step=1, unroll=4)
            def _(e):
                wsp = plsc.load_gather(
                    wref, [jnp.zeros((16,), jnp.int32) + e])
                for f in range(D // 16):
                    sl = pl.ds(f * 16, 16)
                    rows_v[b, e, sl] = rows_v[b, e, sl] * wsp

            pltpu.async_copy(rows_v.at[b], accf_s.at[dbuf_v.at[b]],
                             ssem.at[b], add=True)
            pltpu.async_copy(ones_v, accc_s.at[dbuf_v.at[b]],
                             csem.at[b], add=True)
        return carry

    lax.fori_loop(0, NCHUNK // NBUF, ring, 0)

    for b in range((NCHUNK - SLAG) % NBUF, (NCHUNK - SLAG) % NBUF + SLAG):
        bb = b % NBUF
        pltpu.make_async_copy(
            rows_v.at[bb], accf_s.at[dbuf_v.at[bb]], ssem.at[bb]).wait()
        pltpu.make_async_copy(
            ones_v, accc_s.at[dbuf_v.at[bb]], csem.at[bb]).wait()
    plsc.subcore_barrier()

    def cout(k, carry):
        r = r0 + k * RCH
        pltpu.sync_copy(accf_s.at[pl.ds(r, RCH)], psum_hbm.at[c, pl.ds(r, RCH)])
        pltpu.sync_copy(accc_s.at[pl.ds(r, RCH)], zc_v)
        pltpu.sync_copy(zc_v, pcnt_hbm.at[pl.ds(c * N + r, RCH)])
        return carry

    lax.fori_loop(0, nzc, cout, 0)


_seg_kernel = pl.kernel(
    _seg_body,
    out_type=(
        jax.ShapeDtypeStruct((NC, N, D), jnp.float32),
        jax.ShapeDtypeStruct((NC * N,), jnp.float32),
    ),
    mesh=plsc.VectorSubcoreMesh(core_axis_name="c", subcore_axis_name="s"),
    compiler_params=pltpu.CompilerParams(needs_layout_passes=False),
    scratch_types=[
        pltpu.VMEM((NBUF, CH), jnp.int32),
        pltpu.VMEM((NBUF, CH), jnp.int32),
        pltpu.VMEM((NBUF, CH), jnp.float32),
        pltpu.VMEM((NBUF, CH, D), jnp.float32),
        pltpu.VMEM((CH,), jnp.float32),
        pltpu.VMEM((RCH,), jnp.float32),
        pltpu.VMEM_SHARED((N, D), jnp.float32),
        pltpu.VMEM_SHARED((N,), jnp.float32),
        pltpu.SemaphoreType.DMA((NBUF,)),
        pltpu.SemaphoreType.DMA((NBUF,)),
        pltpu.SemaphoreType.DMA((NBUF,)),
        pltpu.SemaphoreType.DMA((NBUF,)),
        pltpu.SemaphoreType.DMA((NBUF,)),
        pltpu.SemaphoreType.DMA((NBUF,)),
    ],
)


BN_BLOCK = 2000


def _mm_body(psum_ref, pcnt_ref, w_ref, b_ref, out_ref):
    tot = psum_ref[0] + psum_ref[1]
    cnt = pcnt_ref[0] + pcnt_ref[1]
    mean = jnp.where(cnt > 0.0, tot / jnp.maximum(cnt, 1.0), 0.0)
    y = jnp.dot(mean, w_ref[...], preferred_element_type=jnp.float32)
    out_ref[...] = jnp.maximum(y + b_ref[...], 0.0)


_mm_kernel = pl.pallas_call(
    _mm_body,
    grid=(N // BN_BLOCK,),
    in_specs=[
        pl.BlockSpec((NC, BN_BLOCK, D), lambda i: (0, i, 0)),
        pl.BlockSpec((NC, BN_BLOCK, 1), lambda i: (0, i, 0)),
        pl.BlockSpec((D, D), lambda i: (0, 0)),
        pl.BlockSpec((1, D), lambda i: (0, 0)),
    ],
    out_specs=pl.BlockSpec((BN_BLOCK, D), lambda i: (i, 0)),
    out_shape=jax.ShapeDtypeStruct((N, D), jnp.float32),
)


@jax.jit
def kernel(node_features, edges, edge_weights, gamma, beta, moving_mean,
           moving_var, W, b):
    psum, pcnt = _seg_kernel(node_features, edges.reshape(2 * E),
                             edge_weights)
    scale = gamma * lax.rsqrt(moving_var + 1e-3)
    Wp = W * scale[:, None]
    bp = (beta - moving_mean * scale) @ W + b
    return _mm_kernel(psum, pcnt.reshape(NC, N, 1), Wp, bp.reshape(1, D))

# --- scband reference (transcript-rebuilt; emitter-appended) ---
"""Pipeline reference for scband-graph-conv-layer-74981539053710 (READ-ONLY COPY).

The authoritative reference and input builder live on the scoring server;
editing this copy changes nothing except your own understanding.
"""

import jax, jax.numpy as jnp
import numpy as np

N = 10000
E = 320000
D = 128
OUT_DIM = 128


def setup_inputs(seed: int = 0) -> dict:
    key = jax.random.key(seed)
    k0, k1, k2, k3 = jax.random.split(key, 4)
    node_features = jax.random.normal(k0, (N, D), dtype=jnp.float32)
    edges = jax.random.randint(k1, (2, E), 0, N, dtype=jnp.int32)
    edge_weights = jax.random.uniform(k2, (E,), dtype=jnp.float32)
    # BatchNormalization params (inference mode)
    gamma = jnp.ones((D,), dtype=jnp.float32)
    beta = jnp.zeros((D,), dtype=jnp.float32)
    moving_mean = jnp.zeros((D,), dtype=jnp.float32)
    moving_var = jnp.ones((D,), dtype=jnp.float32)
    # Dense params
    W = jax.random.normal(k3, (D, OUT_DIM), dtype=jnp.float32) * 0.05
    b = jnp.zeros((OUT_DIM,), dtype=jnp.float32)
    return {
        "node_features": node_features,
        "edges": edges,
        "edge_weights": edge_weights,
        "gamma": gamma,
        "beta": beta,
        "moving_mean": moving_mean,
        "moving_var": moving_var,
        "W": W,
        "b": b,
    }


def reference(node_features, edges, edge_weights, gamma, beta, moving_mean, moving_var, W, b):
    n_nodes = node_features.shape[0]
    node_indices = edges[0]
    neighbor_indices = edges[1]
    # gather neighbor features
    neighbor_features = jnp.take(node_features, neighbor_indices, axis=0)
    weighted_features = neighbor_features * edge_weights[:, None]
    # unsorted_segment_mean = segment_sum / counts (0 for empty segments, matching TF)
    seg_sum = jax.ops.segment_sum(weighted_features, node_indices, num_segments=n_nodes)
    counts = jax.ops.segment_sum(jnp.ones_like(edge_weights), node_indices, num_segments=n_nodes)
    seg_mean = jnp.where(counts[:, None] > 0, seg_sum / jnp.maximum(counts[:, None], 1.0), 0.0)
    # BatchNormalization (inference mode, keras default eps=1e-3)
    bn = (seg_mean - moving_mean) / jnp.sqrt(moving_var + 1e-3) * gamma + beta
    # Dropout is identity at inference
    # Dense with relu
    out = jax.nn.relu(bn @ W + b)
    return out

if __name__ == "__main__":
    import jax
    _d = setup_inputs()
    print(jax.jit(kernel)(*tuple(_d.values())))

</pallas_src>

<mosaic_0001>
#map = affine_map<(d0, d1) -> (0, 0)>
#map1 = affine_map<(d0, d1) -> (0)>
#map2 = affine_map<(d0, d1) -> (0, 0, 0)>
module attributes {stable_mosaic.version = 14 : i64} {
  func.func @_seg_body(%arg0: i32, %arg1: i32, %arg2: memref<10000x128xf32, #tpu.memory_space<hbm>>, %arg3: memref<640000xi32, #tpu.memory_space<hbm>>, %arg4: memref<320000xf32, #tpu.memory_space<hbm>>, %arg5: memref<2x10000x128xf32, #tpu.memory_space<hbm>>, %arg6: memref<20000xf32, #tpu.memory_space<hbm>>, %arg7: memref<5x40xi32, #tpu.memory_space<vmem>>, %arg8: memref<5x40xi32, #tpu.memory_space<vmem>>, %arg9: memref<5x40xf32, #tpu.memory_space<vmem>>, %arg10: memref<5x40x128xf32, #tpu.memory_space<vmem>>, %arg11: memref<40xf32, #tpu.memory_space<vmem>>, %arg12: memref<80xf32, #tpu.memory_space<vmem>>, %arg13: memref<10000x128xf32, #tpu.memory_space<vmem_shared>>, %arg14: memref<10000xf32, #tpu.memory_space<vmem_shared>>, %arg15: memref<5x!tpu.dma_semaphore, #tpu.memory_space<semaphore_mem>>, %arg16: memref<5x!tpu.dma_semaphore, #tpu.memory_space<semaphore_mem>>, %arg17: memref<5x!tpu.dma_semaphore, #tpu.memory_space<semaphore_mem>>, %arg18: memref<5x!tpu.dma_semaphore, #tpu.memory_space<semaphore_mem>>, %arg19: memref<5x!tpu.dma_semaphore, #tpu.memory_space<semaphore_mem>>, %arg20: memref<5x!tpu.dma_semaphore, #tpu.memory_space<semaphore_mem>>) attributes {dimension_semantics = [#tpu.dimension_semantics<core_parallel>, #tpu.dimension_semantics<subcore_parallel>], iteration_bounds = array<i64: 2, 16>, scalar_prefetch = 0 : i64, scratch_operands = 14 : i64, tpu.core_type = #tpu.core_type<sc_vector_subcore>, window_params = [{transform_indices = #map}, {transform_indices = #map1}, {transform_indices = #map1}, {transform_indices = #map2}, {transform_indices = #map1}]} {
    %mul3A = arith.constant 16 : i32
    %mul3A_0 = arith.muli %arg0, %mul3A : i32
    %add3A = arith.addi %mul3A_0, %arg1 : i32
    %mul3A_1 = arith.constant 10000 : i32
    %mul3A_2 = arith.muli %add3A, %mul3A_1 : i32
    %add3A_3 = arith.constant 0 : i32
    %add3A_4 = arith.addi %mul3A_2, %add3A_3 : i32
    %add3A_5 = arith.constant 320000 : i32
    %add3A_6 = arith.addi %add3A_5, %add3A_4 : i32
    %dma_start3A = arith.constant 0 : i32
    %dma_start3A_7 = arith.constant 0 : i32
    %dma_start3A_8 = arith.constant 0 : i32
    %dma_start3A_9 = tpu.memref_slice %arg7[%dma_start3A, %dma_start3A_8] : memref<5x40xi32, #tpu.memory_space<vmem>> -> memref<1x40xi32, #tpu.memory_space<vmem>>
    %dma_start3A_10 = tpu.memref_squeeze %dma_start3A_9 : memref<1x40xi32, #tpu.memory_space<vmem>> -> memref<40xi32, #tpu.memory_space<vmem>>
    %dma_start3A_11 = tpu.memref_slice %arg3[%add3A_6] : memref<640000xi32, #tpu.memory_space<hbm>> -> memref<40xi32, #tpu.memory_space<hbm>>
    %dma_start3A_12 = tpu.memref_slice %arg18[%dma_start3A_7] : memref<5x!tpu.dma_semaphore, #tpu.memory_space<semaphore_mem>> -> memref<1x!tpu.dma_semaphore, #tpu.memory_space<semaphore_mem>>
    %dma_start3A_13 = tpu.memref_squeeze %dma_start3A_12 : memref<1x!tpu.dma_semaphore, #tpu.memory_space<semaphore_mem>> -> memref<!tpu.dma_semaphore, #tpu.memory_space<semaphore_mem>>
    %dma_start3A_14 = arith.constant 0 : i32
    %dma_start3A_15 = tpu.memref_slice %arg7[%dma_start3A, %dma_start3A_14] : memref<5x40xi32, #tpu.memory_space<vmem>> -> memref<1x40xi32, #tpu.memory_space<vmem>>
    %dma_start3A_16 = tpu.memref_squeeze %dma_start3A_15 : memref<1x40xi32, #tpu.memory_space<vmem>> -> memref<40xi32, #tpu.memory_space<vmem>>
    %dma_start3A_17 = tpu.memref_slice %arg3[%add3A_6] : memref<640000xi32, #tpu.memory_space<hbm>> -> memref<40xi32, #tpu.memory_space<hbm>>
    tpu.enqueue_dma source(%dma_start3A_17 : memref<40xi32, #tpu.memory_space<hbm>>) target(%dma_start3A_16 : memref<40xi32, #tpu.memory_space<vmem>>) target_semaphore(%dma_start3A_13 : memref<!tpu.dma_semaphore, #tpu.memory_space<semaphore_mem>>)
    %dma_start3A_18 = arith.constant 0 : i32
    %dma_start3A_19 = arith.constant 0 : i32
    %dma_start3A_20 = arith.constant 0 : i32
    %dma_start3A_21 = tpu.memref_slice %arg8[%dma_start3A_18, %dma_start3A_20] : memref<5x40xi32, #tpu.memory_space<vmem>> -> memref<1x40xi32, #tpu.memory_space<vmem>>
    %dma_start3A_22 = tpu.memref_squeeze %dma_start3A_21 : memref<1x40xi32, #tpu.memory_space<vmem>> -> memref<40xi32, #tpu.memory_space<vmem>>
    %dma_start3A_23 = tpu.memref_slice %arg3[%add3A_4] : memref<640000xi32, #tpu.memory_space<hbm>> -> memref<40xi32, #tpu.memory_space<hbm>>
    %dma_start3A_24 = tpu.memref_slice %arg19[%dma_start3A_19] : memref<5x!tpu.dma_semaphore, #tpu.memory_space<semaphore_mem>> -> memref<1x!tpu.dma_semaphore, #tpu.memory_space<semaphore_mem>>
    %dma_start3A_25 = tpu.memref_squeeze %dma_start3A_24 : memref<1x!tpu.dma_semaphore, #tpu.memory_space<semaphore_mem>> -> memref<!tpu.dma_semaphore, #tpu.memory_space<semaphore_mem>>
    %dma_start3A_26 = arith.constant 0 : i32
    %dma_start3A_27 = tpu.memref_slice %arg8[%dma_start3A_18, %dma_start3A_26] : memref<5x40xi32, #tpu.memory_space<vmem>> -> memref<1x40xi32, #tpu.memory_space<vmem>>
    %dma_start3A_28 = tpu.memref_squeeze %dma_start3A_27 : memref<1x40xi32, #tpu.memory_space<vmem>> -> memref<40xi32, #tpu.memory_space<vmem>>
    %dma_start3A_29 = tpu.memref_slice %arg3[%add3A_4] : memref<640000xi32, #tpu.memory_space<hbm>> -> memref<40xi32, #tpu.memory_space<hbm>>
    tpu.enqueue_dma source(%dma_start3A_29 : memref<40xi32, #tpu.memory_space<hbm>>) target(%dma_start3A_28 : memref<40xi32, #tpu.memory_space<vmem>>) target_semaphore(%dma_start3A_25 : memref<!tpu.dma_semaphore, #tpu.memory_space<semaphore_mem>>)
    %dma_start3A_30 = arith.constant 0 : i32
    %dma_start3A_31 = arith.constant 0 : i32
    %dma_start3A_32 = arith.constant 0 : i32
    %dma_start3A_33 = tpu.memref_slice %arg9[%dma_start3A_30, %dma_start3A_32] : memref<5x40xf32, #tpu.memory_space<vmem>> -> memref<1x40xf32, #tpu.memory_space<vmem>>
    %dma_start3A_34 = tpu.memref_squeeze %dma_start3A_33 : memref<1x40xf32, #tpu.memory_space<vmem>> -> memref<40xf32, #tpu.memory_space<vmem>>
    %dma_start3A_35 = tpu.memref_slice %arg4[%add3A_4] : memref<320000xf32, #tpu.memory_space<hbm>> -> memref<40xf32, #tpu.memory_space<hbm>>
    %dma_start3A_36 = tpu.memref_slice %arg20[%dma_start3A_31] : memref<5x!tpu.dma_semaphore, #tpu.memory_space<semaphore_mem>> -> memref<1x!tpu.dma_semaphore, #tpu.memory_space<semaphore_mem>>
    %dma_start3A_37 = tpu.memref_squeeze %dma_start3A_36 : memref<1x!tpu.dma_semaphore, #tpu.memory_space<semaphore_mem>> -> memref<!tpu.dma_semaphore, #tpu.memory_space<semaphore_mem>>
    %dma_start3A_38 = arith.constant 0 : i32
    %dma_start3A_39 = tpu.memref_slice %arg9[%dma_start3A_30, %dma_start3A_38] : memref<5x40xf32, #tpu.memory_space<vmem>> -> memref<1x40xf32, #tpu.memory_space<vmem>>
    %dma_start3A_40 = tpu.memref_squeeze %dma_start3A_39 : memref<1x40xf32, #tpu.memory_space<vmem>> -> memref<40xf32, #tpu.memory_space<vmem>>
    %dma_start3A_41 = tpu.memref_slice %arg4[%add3A_4] : memref<320000xf32, #tpu.memory_space<hbm>> -> memref<40xf32, #tpu.memory_space<hbm>>
    tpu.enqueue_dma source(%dma_start3A_41 : memref<40xf32, #tpu.memory_space<hbm>>) target(%dma_start3A_40 : memref<40xf32, #tpu.memory_space<vmem>>) target_semaphore(%dma_start3A_37 : memref<!tpu.dma_semaphore, #tpu.memory_space<semaphore_mem>>)
    %add3A_42 = arith.constant 40 : i32
    %add3A_43 = arith.addi %mul3A_2, %add3A_42 : i32
    %add3A_44 = arith.constant 320000 : i32
    %add3A_45 = arith.addi %add3A_44, %add3A_43 : i32
    %dma_start3A_46 = arith.constant 1 : i32
    %dma_start3A_47 = arith.constant 1 : i32
    %dma_start3A_48 = arith.constant 0 : i32
    %dma_start3A_49 = tpu.memref_slice %arg7[%dma_start3A_46, %dma_start3A_48] : memref<5x40xi32, #tpu.memory_space<vmem>> -> memref<1x40xi32, #tpu.memory_space<vmem>>
    %dma_start3A_50 = tpu.memref_squeeze %dma_start3A_49 : memref<1x40xi32, #tpu.memory_space<vmem>> -> memref<40xi32, #tpu.memory_space<vmem>>
    %dma_start3A_51 = tpu.memref_slice %arg3[%add3A_45] : memref<640000xi32, #tpu.memory_space<hbm>> -> memref<40xi32, #tpu.memory_space<hbm>>
    %dma_start3A_52 = tpu.memref_slice %arg18[%dma_start3A_47] : memref<5x!tpu.dma_semaphore, #tpu.memory_space<semaphore_mem>> -> memref<1x!tpu.dma_semaphore, #tpu.memory_space<semaphore_mem>>
    %dma_start3A_53 = tpu.memref_squeeze %dma_start3A_52 : memref<1x!tpu.dma_semaphore, #tpu.memory_space<semaphore_mem>> -> memref<!tpu.dma_semaphore, #tpu.memory_space<semaphore_mem>>
    %dma_start3A_54 = arith.constant 0 : i32
    %dma_start3A_55 = tpu.memref_slice %arg7[%dma_start3A_46, %dma_start3A_54] : memref<5x40xi32, #tpu.memory_space<vmem>> -> memref<1x40xi32, #tpu.memory_space<vmem>>
    %dma_start3A_56 = tpu.memref_squeeze %dma_start3A_55 : memref<1x40xi32, #tpu.memory_space<vmem>> -> memref<40xi32, #tpu.memory_space<vmem>>
    %dma_start3A_57 = tpu.memref_slice %arg3[%add3A_45] : memref<640000xi32, #tpu.memory_space<hbm>> -> memref<40xi32, #tpu.memory_space<hbm>>
    tpu.enqueue_dma source(%dma_start3A_57 : memref<40xi32, #tpu.memory_space<hbm>>) target(%dma_start3A_56 : memref<40xi32, #tpu.memory_space<vmem>>) target_semaphore(%dma_start3A_53 : memref<!tpu.dma_semaphore, #tpu.memory_space<semaphore_mem>>)
    %dma_start3A_58 = arith.constant 1 : i32
    %dma_start3A_59 = arith.constant 1 : i32
    %dma_start3A_60 = arith.constant 0 : i32
    %dma_start3A_61 = tpu.memref_slice %arg8[%dma_start3A_58, %dma_start3A_60] : memref<5x40xi32, #tpu.memory_space<vmem>> -> memref<1x40xi32, #tpu.memory_space<vmem>>
    %dma_start3A_62 = tpu.memref_squeeze %dma_start3A_61 : memref<1x40xi32, #tpu.memory_space<vmem>> -> memref<40xi32, #tpu.memory_space<vmem>>
    %dma_start3A_63 = tpu.memref_slice %arg3[%add3A_43] : memref<640000xi32, #tpu.memory_space<hbm>> -> memref<40xi32, #tpu.memory_space<hbm>>
    %dma_start3A_64 = tpu.memref_slice %arg19[%dma_start3A_59] : memref<5x!tpu.dma_semaphore, #tpu.memory_space<semaphore_mem>> -> memref<1x!tpu.dma_semaphore, #tpu.memory_space<semaphore_mem>>
    %dma_start3A_65 = tpu.memref_squeeze %dma_start3A_64 : memref<1x!tpu.dma_semaphore, #tpu.memory_space<semaphore_mem>> -> memref<!tpu.dma_semaphore, #tpu.memory_space<semaphore_mem>>
    %dma_start3A_66 = arith.constant 0 : i32
    %dma_start3A_67 = tpu.memref_slice %arg8[%dma_start3A_58, %dma_start3A_66] : memref<5x40xi32, #tpu.memory_space<vmem>> -> memref<1x40xi32, #tpu.memory_space<vmem>>
    %dma_start3A_68 = tpu.memref_squeeze %dma_start3A_67 : memref<1x40xi32, #tpu.memory_space<vmem>> -> memref<40xi32, #tpu.memory_space<vmem>>
    %dma_start3A_69 = tpu.memref_slice %arg3[%add3A_43] : memref<640000xi32, #tpu.memory_space<hbm>> -> memref<40xi32, #tpu.memory_space<hbm>>
    tpu.enqueue_dma source(%dma_start3A_69 : memref<40xi32, #tpu.memory_space<hbm>>) target(%dma_start3A_68 : memref<40xi32, #tpu.memory_space<vmem>>) target_semaphore(%dma_start3A_65 : memref<!tpu.dma_semaphore, #tpu.memory_space<semaphore_mem>>)
    %dma_start3A_70 = arith.constant 1 : i32
    %dma_start3A_71 = arith.constant 1 : i32
    %dma_start3A_72 = arith.constant 0 : i32
    %dma_start3A_73 = tpu.memref_slice %arg9[%dma_start3A_70, %dma_start3A_72] : memref<5x40xf32, #tpu.memory_space<vmem>> -> memref<1x40xf32, #tpu.memory_space<vmem>>
    %dma_start3A_74 = tpu.memref_squeeze %dma_start3A_73 : memref<1x40xf32, #tpu.memory_space<vmem>> -> memref<40xf32, #tpu.memory_space<vmem>>
    %dma_start3A_75 = tpu.memref_slice %arg4[%add3A_43] : memref<320000xf32, #tpu.memory_space<hbm>> -> memref<40xf32, #tpu.memory_space<hbm>>
    %dma_start3A_76 = tpu.memref_slice %arg20[%dma_start3A_71] : memref<5x!tpu.dma_semaphore, #tpu.memory_space<semaphore_mem>> -> memref<1x!tpu.dma_semaphore, #tpu.memory_space<semaphore_mem>>
    %dma_start3A_77 = tpu.memref_squeeze %dma_start3A_76 : memref<1x!tpu.dma_semaphore, #tpu.memory_space<semaphore_mem>> -> memref<!tpu.dma_semaphore, #tpu.memory_space<semaphore_mem>>
    %dma_start3A_78 = arith.constant 0 : i32
    %dma_start3A_79 = tpu.memref_slice %arg9[%dma_start3A_70, %dma_start3A_78] : memref<5x40xf32, #tpu.memory_space<vmem>> -> memref<1x40xf32, #tpu.memory_space<vmem>>
    %dma_start3A_80 = tpu.memref_squeeze %dma_start3A_79 : memref<1x40xf32, #tpu.memory_space<vmem>> -> memref<40xf32, #tpu.memory_space<vmem>>
    %dma_start3A_81 = tpu.memref_slice %arg4[%add3A_43] : memref<320000xf32, #tpu.memory_space<hbm>> -> memref<40xf32, #tpu.memory_space<hbm>>
    tpu.enqueue_dma source(%dma_start3A_81 : memref<40xf32, #tpu.memory_space<hbm>>) target(%dma_start3A_80 : memref<40xf32, #tpu.memory_space<vmem>>) target_semaphore(%dma_start3A_77 : memref<!tpu.dma_semaphore, #tpu.memory_space<semaphore_mem>>)
    %add3A_82 = arith.constant 80 : i32
    %add3A_83 = arith.addi %mul3A_2, %add3A_82 : i32
    %add3A_84 = arith.constant 320000 : i32
    %add3A_85 = arith.addi %add3A_84, %add3A_83 : i32
    %dma_start3A_86 = arith.constant 2 : i32
    %dma_start3A_87 = arith.constant 2 : i32
    %dma_start3A_88 = arith.constant 0 : i32
    %dma_start3A_89 = tpu.memref_slice %arg7[%dma_start3A_86, %dma_start3A_88] : memref<5x40xi32, #tpu.memory_space<vmem>> -> memref<1x40xi32, #tpu.memory_space<vmem>>
    %dma_start3A_90 = tpu.memref_squeeze %dma_start3A_89 : memref<1x40xi32, #tpu.memory_space<vmem>> -> memref<40xi32, #tpu.memory_space<vmem>>
    %dma_start3A_91 = tpu.memref_slice %arg3[%add3A_85] : memref<640000xi32, #tpu.memory_space<hbm>> -> memref<40xi32, #tpu.memory_space<hbm>>
    %dma_start3A_92 = tpu.memref_slice %arg18[%dma_start3A_87] : memref<5x!tpu.dma_semaphore, #tpu.memory_space<semaphore_mem>> -> memref<1x!tpu.dma_semaphore, #tpu.memory_space<semaphore_mem>>
    %dma_start3A_93 = tpu.memref_squeeze %dma_start3A_92 : memref<1x!tpu.dma_semaphore, #tpu.memory_space<semaphore_mem>> -> memref<!tpu.dma_semaphore, #tpu.memory_space<semaphore_mem>>
    %dma_start3A_94 = arith.constant 0 : i32
    %dma_start3A_95 = tpu.memref_slice %arg7[%dma_start3A_86, %dma_start3A_94] : memref<5x40xi32, #tpu.memory_space<vmem>> -> memref<1x40xi32, #tpu.memory_space<vmem>>
    %dma_start3A_96 = tpu.memref_squeeze %dma_start3A_95 : memref<1x40xi32, #tpu.memory_space<vmem>> -> memref<40xi32, #tpu.memory_space<vmem>>
    %dma_start3A_97 = tpu.memref_slice %arg3[%add3A_85] : memref<640000xi32, #tpu.memory_space<hbm>> -> memref<40xi32, #tpu.memory_space<hbm>>
    tpu.enqueue_dma source(%dma_start3A_97 : memref<40xi32, #tpu.memory_space<hbm>>) target(%dma_start3A_96 : memref<40xi32, #tpu.memory_space<vmem>>) target_semaphore(%dma_start3A_93 : memref<!tpu.dma_semaphore, #tpu.memory_space<semaphore_mem>>)
    %dma_start3A_98 = arith.constant 2 : i32
    %dma_start3A_99 = arith.constant 2 : i32
    %dma_start3A_100 = arith.constant 0 : i32
    %dma_start3A_101 = tpu.memref_slice %arg8[%dma_start3A_98, %dma_start3A_100] : memref<5x40xi32, #tpu.memory_space<vmem>> -> memref<1x40xi32, #tpu.memory_space<vmem>>
    %dma_start3A_102 = tpu.memref_squeeze %dma_start3A_101 : memref<1x40xi32, #tpu.memory_space<vmem>> -> memref<40xi32, #tpu.memory_space<vmem>>
    %dma_start3A_103 = tpu.memref_slice %arg3[%add3A_83] : memref<640000xi32, #tpu.memory_space<hbm>> -> memref<40xi32, #tpu.memory_space<hbm>>
    %dma_start3A_104 = tpu.memref_slice %arg19[%dma_start3A_99] : memref<5x!tpu.dma_semaphore, #tpu.memory_space<semaphore_mem>> -> memref<1x!tpu.dma_semaphore, #tpu.memory_space<semaphore_mem>>
    %dma_start3A_105 = tpu.memref_squeeze %dma_start3A_104 : memref<1x!tpu.dma_semaphore, #tpu.memory_space<semaphore_mem>> -> memref<!tpu.dma_semaphore, #tpu.memory_space<semaphore_mem>>
    %dma_start3A_106 = arith.constant 0 : i32
    %dma_start3A_107 = tpu.memref_slice %arg8[%dma_start3A_98, %dma_start3A_106] : memref<5x40xi32, #tpu.memory_space<vmem>> -> memref<1x40xi32, #tpu.memory_space<vmem>>
    %dma_start3A_108 = tpu.memref_squeeze %dma_start3A_107 : memref<1x40xi32, #tpu.memory_space<vmem>> -> memref<40xi32, #tpu.memory_space<vmem>>
    %dma_start3A_109 = tpu.memref_slice %arg3[%add3A_83] : memref<640000xi32, #tpu.memory_space<hbm>> -> memref<40xi32, #tpu.memory_space<hbm>>
    tpu.enqueue_dma source(%dma_start3A_109 : memref<40xi32, #tpu.memory_space<hbm>>) target(%dma_start3A_108 : memref<40xi32, #tpu.memory_space<vmem>>) target_semaphore(%dma_start3A_105 : memref<!tpu.dma_semaphore, #tpu.memory_space<semaphore_mem>>)
    %dma_start3A_110 = arith.constant 2 : i32
    %dma_start3A_111 = arith.constant 2 : i32
    %dma_start3A_112 = arith.constant 0 : i32
    %dma_start3A_113 = tpu.memref_slice %arg9[%dma_start3A_110, %dma_start3A_112] : memref<5x40xf32, #tpu.memory_space<vmem>> -> memref<1x40xf32, #tpu.memory_space<vmem>>
    %dma_start3A_114 = tpu.memref_squeeze %dma_start3A_113 : memref<1x40xf32, #tpu.memory_space<vmem>> -> memref<40xf32, #tpu.memory_space<vmem>>
    %dma_start3A_115 = tpu.memref_slice %arg4[%add3A_83] : memref<320000xf32, #tpu.memory_space<hbm>> -> memref<40xf32, #tpu.memory_space<hbm>>
    %dma_start3A_116 = tpu.memref_slice %arg20[%dma_start3A_111] : memref<5x!tpu.dma_semaphore, #tpu.memory_space<semaphore_mem>> -> memref<1x!tpu.dma_semaphore, #tpu.memory_space<semaphore_mem>>
    %dma_start3A_117 = tpu.memref_squeeze %dma_start3A_116 : memref<1x!tpu.dma_semaphore, #tpu.memory_space<semaphore_mem>> -> memref<!tpu.dma_semaphore, #tpu.memory_space<semaphore_mem>>
    %dma_start3A_118 = arith.constant 0 : i32
    %dma_start3A_119 = tpu.memref_slice %arg9[%dma_start3A_110, %dma_start3A_118] : memref<5x40xf32, #tpu.memory_space<vmem>> -> memref<1x40xf32, #tpu.memory_space<vmem>>
    %dma_start3A_120 = tpu.memref_squeeze %dma_start3A_119 : memref<1x40xf32, #tpu.memory_space<vmem>> -> memref<40xf32, #tpu.memory_space<vmem>>
    %dma_start3A_121 = tpu.memref_slice %arg4[%add3A_83] : memref<320000xf32, #tpu.memory_space<hbm>> -> memref<40xf32, #tpu.memory_space<hbm>>
    tpu.enqueue_dma source(%dma_start3A_121 : memref<40xf32, #tpu.memory_space<hbm>>) target(%dma_start3A_120 : memref<40xf32, #tpu.memory_space<vmem>>) target_semaphore(%dma_start3A_117 : memref<!tpu.dma_semaphore, #tpu.memory_space<semaphore_mem>>)
    %dma_wait3A = arith.constant 0 : i32
    %dma_wait3A_122 = arith.constant 0 : i32
    %dma_wait3A_123 = arith.constant 0 : i32
    %dma_wait3A_124 = tpu.memref_slice %arg7[%dma_wait3A, %dma_wait3A_123] : memref<5x40xi32, #tpu.memory_space<vmem>> -> memref<1x40xi32, #tpu.memory_space<vmem>>
    %dma_wait3A_125 = tpu.memref_squeeze %dma_wait3A_124 : memref<1x40xi32, #tpu.memory_space<vmem>> -> memref<40xi32, #tpu.memory_space<vmem>>
    %dma_wait3A_126 = arith.constant 0 : i32
    %dma_wait3A_127 = tpu.memref_slice %arg3[%dma_wait3A_126] : memref<640000xi32, #tpu.memory_space<hbm>> -> memref<40xi32, #tpu.memory_space<hbm>>
    %dma_wait3A_128 = tpu.memref_slice %arg18[%dma_wait3A_122] : memref<5x!tpu.dma_semaphore, #tpu.memory_space<semaphore_mem>> -> memref<1x!tpu.dma_semaphore, #tpu.memory_space<semaphore_mem>>
    %dma_wait3A_129 = tpu.memref_squeeze %dma_wait3A_128 : memref<1x!tpu.dma_semaphore, #tpu.memory_space<semaphore_mem>> -> memref<!tpu.dma_semaphore, #tpu.memory_space<semaphore_mem>>
    %dma_wait3A_130 = arith.constant 0 : i32
    %dma_wait3A_131 = tpu.memref_slice %arg7[%dma_wait3A, %dma_wait3A_130] : memref<5x40xi32, #tpu.memory_space<vmem>> -> memref<1x40xi32, #tpu.memory_space<vmem>>
    %dma_wait3A_132 = tpu.memref_squeeze %dma_wait3A_131 : memref<1x40xi32, #tpu.memory_space<vmem>> -> memref<40xi32, #tpu.memory_space<vmem>>
    %dma_wait3A_133 = arith.constant 0 : i32
    %dma_wait3A_134 = tpu.memref_slice %arg3[%dma_wait3A_133] : memref<640000xi32, #tpu.memory_space<hbm>> -> memref<40xi32, #tpu.memory_space<hbm>>
    tpu.wait_dma2 semaphore(%dma_wait3A_129 : memref<!tpu.dma_semaphore, #tpu.memory_space<semaphore_mem>>) src(%dma_wait3A_134 : memref<40xi32, #tpu.memory_space<hbm>>) dst(%dma_wait3A_132 : memref<40xi32, #tpu.memory_space<vmem>>)
    %dma_wait3A_135 = arith.constant 0 : i32
    %dma_wait3A_136 = arith.constant 0 : i32
    %dma_wait3A_137 = arith.constant 0 : i32
    %dma_wait3A_138 = tpu.memref_slice %arg8[%dma_wait3A_135, %dma_wait3A_137] : memref<5x40xi32, #tpu.memory_space<vmem>> -> memref<1x40xi32, #tpu.memory_space<vmem>>
    %dma_wait3A_139 = tpu.memref_squeeze %dma_wait3A_138 : memref<1x40xi32, #tpu.memory_space<vmem>> -> memref<40xi32, #tpu.memory_space<vmem>>
    %dma_wait3A_140 = arith.constant 0 : i32
    %dma_wait3A_141 = tpu.memref_slice %arg3[%dma_wait3A_140] : memref<640000xi32, #tpu.memory_space<hbm>> -> memref<40xi32, #tpu.memory_space<hbm>>
    %dma_wait3A_142 = tpu.memref_slice %arg19[%dma_wait3A_136] : memref<5x!tpu.dma_semaphore, #tpu.memory_space<semaphore_mem>> -> memref<1x!tpu.dma_semaphore, #tpu.memory_space<semaphore_mem>>
    %dma_wait3A_143 = tpu.memref_squeeze %dma_wait3A_142 : memref<1x!tpu.dma_semaphore, #tpu.memory_space<semaphore_mem>> -> memref<!tpu.dma_semaphore, #tpu.memory_space<semaphore_mem>>
    %dma_wait3A_144 = arith.constant 0 : i32
    %dma_wait3A_145 = tpu.memref_slice %arg8[%dma_wait3A_135, %dma_wait3A_144] : memref<5x40xi32, #tpu.memory_space<vmem>> -> memref<1x40xi32, #tpu.memory_space<vmem>>
    %dma_wait3A_146 = tpu.memref_squeeze %dma_wait3A_145 : memref<1x40xi32, #tpu.memory_space<vmem>> -> memref<40xi32, #tpu.memory_space<vmem>>
    %dma_wait3A_147 = arith.constant 0 : i32
    %dma_wait3A_148 = tpu.memref_slice %arg3[%dma_wait3A_147] : memref<640000xi32, #tpu.memory_space<hbm>> -> memref<40xi32, #tpu.memory_space<hbm>>
    tpu.wait_dma2 semaphore(%dma_wait3A_143 : memref<!tpu.dma_semaphore, #tpu.memory_space<semaphore_mem>>) src(%dma_wait3A_148 : memref<40xi32, #tpu.memory_space<hbm>>) dst(%dma_wait3A_146 : memref<40xi32, #tpu.memory_space<vmem>>)
    %dma_wait3A_149 = arith.constant 0 : i32
    %dma_wait3A_150 = arith.constant 0 : i32
    %dma_wait3A_151 = arith.constant 0 : i32
    %dma_wait3A_152 = tpu.memref_slice %arg9[%dma_wait3A_149, %dma_wait3A_151] : memref<5x40xf32, #tpu.memory_space<vmem>> -> memref<1x40xf32, #tpu.memory_space<vmem>>
    %dma_wait3A_153 = tpu.memref_squeeze %dma_wait3A_152 : memref<1x40xf32, #tpu.memory_space<vmem>> -> memref<40xf32, #tpu.memory_space<vmem>>
    %dma_wait3A_154 = arith.constant 0 : i32
    %dma_wait3A_155 = tpu.memref_slice %arg4[%dma_wait3A_154] : memref<320000xf32, #tpu.memory_space<hbm>> -> memref<40xf32, #tpu.memory_space<hbm>>
    %dma_wait3A_156 = tpu.memref_slice %arg20[%dma_wait3A_150] : memref<5x!tpu.dma_semaphore, #tpu.memory_space<semaphore_mem>> -> memref<1x!tpu.dma_semaphore, #tpu.memory_space<semaphore_mem>>
    %dma_wait3A_157 = tpu.memref_squeeze %dma_wait3A_156 : memref<1x!tpu.dma_semaphore, #tpu.memory_space<semaphore_mem>> -> memref<!tpu.dma_semaphore, #tpu.memory_space<semaphore_mem>>
    %dma_wait3A_158 = arith.constant 0 : i32
    %dma_wait3A_159 = tpu.memref_slice %arg9[%dma_wait3A_149, %dma_wait3A_158] : memref<5x40xf32, #tpu.memory_space<vmem>> -> memref<1x40xf32, #tpu.memory_space<vmem>>
    %dma_wait3A_160 = tpu.memref_squeeze %dma_wait3A_159 : memref<1x40xf32, #tpu.memory_space<vmem>> -> memref<40xf32, #tpu.memory_space<vmem>>
    %dma_wait3A_161 = arith.constant 0 : i32
    %dma_wait3A_162 = tpu.memref_slice %arg4[%dma_wait3A_161] : memref<320000xf32, #tpu.memory_space<hbm>> -> memref<40xf32, #tpu.memory_space<hbm>>
    tpu.wait_dma2 semaphore(%dma_wait3A_157 : memref<!tpu.dma_semaphore, #tpu.memory_space<semaphore_mem>>) src(%dma_wait3A_162 : memref<40xf32, #tpu.memory_space<hbm>>) dst(%dma_wait3A_160 : memref<40xf32, #tpu.memory_space<vmem>>)
    %dma_start3A_163 = arith.constant 0 : i32
    %dma_start3A_164 = arith.constant 0 : i32
    %dma_start3A_165 = arith.constant 0 : i32
    %dma_start3A_166 = arith.constant 0 : i32
    %dma_start3A_167 = arith.constant 0 : i32
    %dma_start3A_168 = tpu.memref_slice %arg10[%dma_start3A_164, %dma_start3A_166, %dma_start3A_167] : memref<5x40x128xf32, #tpu.memory_space<vmem>> -> memref<1x40x128xf32, #tpu.memory_space<vmem>>
    %dma_start3A_169 = tpu.memref_squeeze %dma_start3A_168 : memref<1x40x128xf32, #tpu.memory_space<vmem>> -> memref<40x128xf32, #tpu.memory_space<vmem>>
    %dma_start3A_170 = arith.constant 0 : i32
    %dma_start3A_171 = tpu.memref_slice %arg7[%dma_start3A_163, %dma_start3A_170] : memref<5x40xi32, #tpu.memory_space<vmem>> -> memref<1x40xi32, #tpu.memory_space<vmem>>
    %dma_start3A_172 = tpu.memref_squeeze %dma_start3A_171 : memref<1x40xi32, #tpu.memory_space<vmem>> -> memref<40xi32, #tpu.memory_space<vmem>>
    %dma_start3A_173 = arith.constant 0 : i32
    %dma_start3A_174 = arith.constant 0 : i32
    %dma_start3A_175 = tpu.memref_slice %arg2[%dma_start3A_173, %dma_start3A_174] : memref<10000x128xf32, #tpu.memory_space<hbm>> -> memref<10000x128xf32, #tpu.memory_space<hbm>>
    %dma_start3A_176 = tpu.memref_slice %arg15[%dma_start3A_165] : memref<5x!tpu.dma_semaphore, #tpu.memory_space<semaphore_mem>> -> memref<1x!tpu.dma_semaphore, #tpu.memory_space<semaphore_mem>>
    %dma_start3A_177 = tpu.memref_squeeze %dma_start3A_176 : memref<1x!tpu.dma_semaphore, #tpu.memory_space<semaphore_mem>> -> memref<!tpu.dma_semaphore, #tpu.memory_space<semaphore_mem>>
    tpu.enqueue_indirect_dma source(%dma_start3A_175 : memref<10000x128xf32, #tpu.memory_space<hbm>>) target(%dma_start3A_169 : memref<40x128xf32, #tpu.memory_space<vmem>>) offsets(%dma_start3A_172 : memref<40xi32, #tpu.memory_space<vmem>>) semaphore(%dma_start3A_177 : memref<!tpu.dma_semaphore, #tpu.memory_space<semaphore_mem>>)
    %dma_wait3A_178 = arith.constant 1 : i32
    %dma_wait3A_179 = arith.constant 1 : i32
    %dma_wait3A_180 = arith.constant 0 : i32
    %dma_wait3A_181 = tpu.memref_slice %arg7[%dma_wait3A_178, %dma_wait3A_180] : memref<5x40xi32, #tpu.memory_space<vmem>> -> memref<1x40xi32, #tpu.memory_space<vmem>>
    %dma_wait3A_182 = tpu.memref_squeeze %dma_wait3A_181 : memref<1x40xi32, #tpu.memory_space<vmem>> -> memref<40xi32, #tpu.memory_space<vmem>>
    %dma_wait3A_183 = arith.constant 0 : i32
    %dma_wait3A_184 = tpu.memref_slice %arg3[%dma_wait3A_183] : memref<640000xi32, #tpu.memory_space<hbm>> -> memref<40xi32, #tpu.memory_space<hbm>>
    %dma_wait3A_185 = tpu.memref_slice %arg18[%dma_wait3A_179] : memref<5x!tpu.dma_semaphore, #tpu.memory_space<semaphore_mem>> -> memref<1x!tpu.dma_semaphore, #tpu.memory_space<semaphore_mem>>
    %dma_wait3A_186 = tpu.memref_squeeze %dma_wait3A_185 : memref<1x!tpu.dma_semaphore, #tpu.memory_space<semaphore_mem>> -> memref<!tpu.dma_semaphore, #tpu.memory_space<semaphore_mem>>
    %dma_wait3A_187 = arith.constant 0 : i32
    %dma_wait3A_188 = tpu.memref_slice %arg7[%dma_wait3A_178, %dma_wait3A_187] : memref<5x40xi32, #tpu.memory_space<vmem>> -> memref<1x40xi32, #tpu.memory_space<vmem>>
    %dma_wait3A_189 = tpu.memref_squeeze %dma_wait3A_188 : memref<1x40xi32, #tpu.memory_space<vmem>> -> memref<40xi32, #tpu.memory_space<vmem>>
    %dma_wait3A_190 = arith.constant 0 : i32
    %dma_wait3A_191 = tpu.memref_slice %arg3[%dma_wait3A_190] : memref<640000xi32, #tpu.memory_space<hbm>> -> memref<40xi32, #tpu.memory_space<hbm>>
    tpu.wait_dma2 semaphore(%dma_wait3A_186 : memref<!tpu.dma_semaphore, #tpu.memory_space<semaphore_mem>>) src(%dma_wait3A_191 : memref<40xi32, #tpu.memory_space<hbm>>) dst(%dma_wait3A_189 : memref<40xi32, #tpu.memory_space<vmem>>)
    %dma_wait3A_192 = arith.constant 1 : i32
    %dma_wait3A_193 = arith.constant 1 : i32
    %dma_wait3A_194 = arith.constant 0 : i32
    %dma_wait3A_195 = tpu.memref_slice %arg8[%dma_wait3A_192, %dma_wait3A_194] : memref<5x40xi32, #tpu.memory_space<vmem>> -> memref<1x40xi32, #tpu.memory_space<vmem>>
    %dma_wait3A_196 = tpu.memref_squeeze %dma_wait3A_195 : memref<1x40xi32, #tpu.memory_space<vmem>> -> memref<40xi32, #tpu.memory_space<vmem>>
    %dma_wait3A_197 = arith.constant 0 : i32
    %dma_wait3A_198 = tpu.memref_slice %arg3[%dma_wait3A_197] : memref<640000xi32, #tpu.memory_space<hbm>> -> memref<40xi32, #tpu.memory_space<hbm>>
    %dma_wait3A_199 = tpu.memref_slice %arg19[%dma_wait3A_193] : memref<5x!tpu.dma_semaphore, #tpu.memory_space<semaphore_mem>> -> memref<1x!tpu.dma_semaphore, #tpu.memory_space<semaphore_mem>>
    %dma_wait3A_200 = tpu.memref_squeeze %dma_wait3A_199 : memref<1x!tpu.dma_semaphore, #tpu.memory_space<semaphore_mem>> -> memref<!tpu.dma_semaphore, #tpu.memory_space<semaphore_mem>>
    %dma_wait3A_201 = arith.constant 0 : i32
    %dma_wait3A_202 = tpu.memref_slice %arg8[%dma_wait3A_192, %dma_wait3A_201] : memref<5x40xi32, #tpu.memory_space<vmem>> -> memref<1x40xi32, #tpu.memory_space<vmem>>
    %dma_wait3A_203 = tpu.memref_squeeze %dma_wait3A_202 : memref<1x40xi32, #tpu.memory_space<vmem>> -> memref<40xi32, #tpu.memory_space<vmem>>
    %dma_wait3A_204 = arith.constant 0 : i32
    %dma_wait3A_205 = tpu.memref_slice %arg3[%dma_wait3A_204] : memref<640000xi32, #tpu.memory_space<hbm>> -> memref<40xi32, #tpu.memory_space<hbm>>
    tpu.wait_dma2 semaphore(%dma_wait3A_200 : memref<!tpu.dma_semaphore, #tpu.memory_space<semaphore_mem>>) src(%dma_wait3A_205 : memref<40xi32, #tpu.memory_space<hbm>>) dst(%dma_wait3A_203 : memref<40xi32, #tpu.memory_space<vmem>>)
    %dma_wait3A_206 = arith.constant 1 : i32
    %dma_wait3A_207 = arith.constant 1 : i32
    %dma_wait3A_208 = arith.constant 0 : i32
    %dma_wait3A_209 = tpu.memref_slice %arg9[%dma_wait3A_206, %dma_wait3A_208] : memref<5x40xf32, #tpu.memory_space<vmem>> -> memref<1x40xf32, #tpu.memory_space<vmem>>
    %dma_wait3A_210 = tpu.memref_squeeze %dma_wait3A_209 : memref<1x40xf32, #tpu.memory_space<vmem>> -> memref<40xf32, #tpu.memory_space<vmem>>
    %dma_wait3A_211 = arith.constant 0 : i32
    %dma_wait3A_212 = tpu.memref_slice %arg4[%dma_wait3A_211] : memref<320000xf32, #tpu.memory_space<hbm>> -> memref<40xf32, #tpu.memory_space<hbm>>
    %dma_wait3A_213 = tpu.memref_slice %arg20[%dma_wait3A_207] : memref<5x!tpu.dma_semaphore, #tpu.memory_space<semaphore_mem>> -> memref<1x!tpu.dma_semaphore, #tpu.memory_space<semaphore_mem>>
    %dma_wait3A_214 = tpu.memref_squeeze %dma_wait3A_213 : memref<1x!tpu.dma_semaphore, #tpu.memory_space<semaphore_mem>> -> memref<!tpu.dma_semaphore, #tpu.memory_space<semaphore_mem>>
    %dma_wait3A_215 = arith.constant 0 : i32
    %dma_wait3A_216 = tpu.memref_slice %arg9[%dma_wait3A_206, %dma_wait3A_215] : memref<5x40xf32, #tpu.memory_space<vmem>> -> memref<1x40xf32, #tpu.memory_space<vmem>>
    %dma_wait3A_217 = tpu.memref_squeeze %dma_wait3A_216 : memref<1x40xf32, #tpu.memory_space<vmem>> -> memref<40xf32, #tpu.memory_space<vmem>>
    %dma_wait3A_218 = arith.constant 0 : i32
    %dma_wait3A_219 = tpu.memref_slice %arg4[%dma_wait3A_218] : memref<320000xf32, #tpu.memory_space<hbm>> -> memref<40xf32, #tpu.memory_space<hbm>>
    tpu.wait_dma2 semaphore(%dma_wait3A_214 : memref<!tpu.dma_semaphore, #tpu.memory_space<semaphore_mem>>) src(%dma_wait3A_219 : memref<40xf32, #tpu.memory_space<hbm>>) dst(%dma_wait3A_217 : memref<40xf32, #tpu.memory_space<vmem>>)
    %dma_start3A_220 = arith.constant 1 : i32
    %dma_start3A_221 = arith.constant 1 : i32
    %dma_start3A_222 = arith.constant 1 : i32
    %dma_start3A_223 = arith.constant 0 : i32
    %dma_start3A_224 = arith.constant 0 : i32
    %dma_start3A_225 = tpu.memref_slice %arg10[%dma_start3A_221, %dma_start3A_223, %dma_start3A_224] : memref<5x40x128xf32, #tpu.memory_space<vmem>> -> memref<1x40x128xf32, #tpu.memory_space<vmem>>
    %dma_start3A_226 = tpu.memref_squeeze %dma_start3A_225 : memref<1x40x128xf32, #tpu.memory_space<vmem>> -> memref<40x128xf32, #tpu.memory_space<vmem>>
    %dma_start3A_227 = arith.constant 0 : i32
    %dma_start3A_228 = tpu.memref_slice %arg7[%dma_start3A_220, %dma_start3A_227] : memref<5x40xi32, #tpu.memory_space<vmem>> -> memref<1x40xi32, #tpu.memory_space<vmem>>
    %dma_start3A_229 = tpu.memref_squeeze %dma_start3A_228 : memref<1x40xi32, #tpu.memory_space<vmem>> -> memref<40xi32, #tpu.memory_space<vmem>>
    %dma_start3A_230 = arith.constant 0 : i32
    %dma_start3A_231 = arith.constant 0 : i32
    %dma_start3A_232 = tpu.memref_slice %arg2[%dma_start3A_230, %dma_start3A_231] : memref<10000x128xf32, #tpu.memory_space<hbm>> -> memref<10000x128xf32, #tpu.memory_space<hbm>>
    %dma_start3A_233 = tpu.memref_slice %arg15[%dma_start3A_222] : memref<5x!tpu.dma_semaphore, #tpu.memory_space<semaphore_mem>> -> memref<1x!tpu.dma_semaphore, #tpu.memory_space<semaphore_mem>>
    %dma_start3A_234 = tpu.memref_squeeze %dma_start3A_233 : memref<1x!tpu.dma_semaphore, #tpu.memory_space<semaphore_mem>> -> memref<!tpu.dma_semaphore, #tpu.memory_space<semaphore_mem>>
    tpu.enqueue_indirect_dma source(%dma_start3A_232 : memref<10000x128xf32, #tpu.memory_space<hbm>>) target(%dma_start3A_226 : memref<40x128xf32, #tpu.memory_space<vmem>>) offsets(%dma_start3A_229 : memref<40xi32, #tpu.memory_space<vmem>>) semaphore(%dma_start3A_234 : memref<!tpu.dma_semaphore, #tpu.memory_space<semaphore_mem>>)
    %scan3A = arith.constant 0 : i32
    %scan3A_235 = arith.constant 0 : i32
    %scan3A_236 = arith.constant 320 : i32
    %scan3A_237 = arith.addi %scan3A_235, %scan3A_236 : i32
    %scan3A_238 = arith.constant 1 : i32
    scf.for %scan3A_349 = %scan3A_235 to %scan3A_237 step %scan3A_238  : i32 {
      %jit3A_350 = arith.constant 8 : i32
      %div3A = arith.divsi %scan3A_349, %jit3A_350 : i32
      %sign3A = arith.constant 0 : i32
      %sign3A_351 = arith.cmpi sgt, %scan3A_349, %sign3A : i32
      %sign3A_352 = arith.extui %sign3A_351 : i1 to i32
      %sign3A_353 = arith.constant 0 : i32
      %sign3A_354 = arith.cmpi slt, %scan3A_349, %sign3A_353 : i32
      %sign3A_355 = arith.extui %sign3A_354 : i1 to i32
      %sign3A_356 = arith.subi %sign3A_352, %sign3A_355 : i32
      %sign3A_357 = arith.constant 0 : i32
      %sign3A_358 = arith.cmpi sgt, %jit3A_350, %sign3A_357 : i32
      %sign3A_359 = arith.extui %sign3A_358 : i1 to i32
      %sign3A_360 = arith.constant 0 : i32
      %sign3A_361 = arith.cmpi slt, %jit3A_350, %sign3A_360 : i32
      %sign3A_362 = arith.extui %sign3A_361 : i1 to i32
      %sign3A_363 = arith.subi %sign3A_359, %sign3A_362 : i32
      %ne3A = arith.cmpi ne, %sign3A_356, %sign3A_363 : i32
      %rem3A = arith.remsi %scan3A_349, %jit3A_350 : i32
      %ne3A_364 = arith.constant 0 : i32
      %ne3A_365 = arith.cmpi ne, %rem3A, %ne3A_364 : i32
      %and3A = arith.andi %ne3A, %ne3A_365 : i1
      %sub3A = arith.constant 1 : i32
      %sub3A_366 = arith.subi %div3A, %sub3A : i32
      %select_n3A_367 = arith.select %and3A, %sub3A_366, %div3A : i32
      %jit3A_368 = arith.constant 8 : i32
      %eq3A_369 = arith.constant 0 : i32
      %eq3A_370 = arith.cmpi eq, %jit3A_368, %eq3A_369 : i32
      %jit3A_371 = arith.constant 1 : i32
      %select_n3A_372 = arith.select %eq3A_370, %jit3A_371, %jit3A_368 : i32
      %rem3A_373 = arith.remsi %scan3A_349, %select_n3A_372 : i32
      %ne3A_374 = arith.constant 0 : i32
      %ne3A_375 = arith.cmpi ne, %rem3A_373, %ne3A_374 : i32
      %lt3A = arith.constant 0 : i32
      %lt3A_376 = arith.cmpi slt, %rem3A_373, %lt3A : i32
      %lt3A_377 = arith.constant 0 : i32
      %lt3A_378 = arith.cmpi slt, %select_n3A_372, %lt3A_377 : i32
      %ne3A_379 = arith.xori %lt3A_376, %lt3A_378 : i1
      %and3A_380 = arith.andi %ne3A_379, %ne3A_375 : i1
      %add3A_381 = arith.addi %rem3A_373, %select_n3A_372 : i32
      %select_n3A_382 = arith.select %and3A_380, %add3A_381, %rem3A_373 : i32
      %broadcast_in_dim3A_383 = arith.constant 0.000000e+00 : f32
      %broadcast_in_dim3A_384 = vector.broadcast %broadcast_in_dim3A_383 : f32 to vector<16xf32>
      %mul3A_385 = arith.constant 16 : i32
      %mul3A_386 = arith.muli %select_n3A_382, %mul3A_385 : i32
      %swap3A_387 = arith.constant 4 : i32
      %swap3A_388 = arith.index_cast %swap3A_387 : i32 to index
      %swap3A_389 = arith.index_cast %select_n3A_367 : i32 to index
      %swap3A_390 = arith.index_cast %mul3A_386 : i32 to index
      %swap3A_391 = tpu.vector_load %arg10[%swap3A_388, %swap3A_389, %swap3A_390] {strides = array<i32>} : memref<5x40x128xf32, #tpu.memory_space<vmem>>, vector<16xf32>,
      tpu.vector_store %arg10[%swap3A_388, %swap3A_389, %swap3A_390], %broadcast_in_dim3A_384 {strides = array<i32>} : memref<5x40x128xf32, #tpu.memory_space<vmem>>, vector<16xf32>,
    }
    %scan3A_239 = arith.constant 320 : i32
    %scan3A_240 = arith.constant 0 : i32
    %scan3A_241 = arith.constant 0 : i32
    %scan3A_242 = arith.constant 5 : i32
    %scan3A_243 = arith.addi %scan3A_241, %scan3A_242 : i32
    %scan3A_244 = arith.constant 1 : i32
    scf.for %scan3A_349 = %scan3A_241 to %scan3A_243 step %scan3A_244  : i32 {
      %broadcast_in_dim3A_350 = arith.constant 0.000000e+00 : f32
      %broadcast_in_dim3A_351 = vector.broadcast %broadcast_in_dim3A_350 : f32 to vector<16xf32>
      %mul3A_352 = arith.constant 16 : i32
      %mul3A_353 = arith.muli %scan3A_349, %mul3A_352 : i32
      %swap3A_354 = arith.index_cast %mul3A_353 : i32 to index
      %swap3A_355 = tpu.vector_load %arg12[%swap3A_354] {strides = array<i32>} : memref<80xf32, #tpu.memory_space<vmem>>, vector<16xf32>,
      tpu.vector_store %arg12[%swap3A_354], %broadcast_in_dim3A_351 {strides = array<i32>} : memref<80xf32, #tpu.memory_space<vmem>>, vector<16xf32>,
    }
    %scan3A_245 = arith.constant 5 : i32
    %broadcast_in_dim3A = arith.constant 1.000000e+00 : f32
    %broadcast_in_dim3A_246 = vector.broadcast %broadcast_in_dim3A : f32 to vector<16xf32>
    %swap3A = arith.constant 0 : index
    %swap3A_247 = tpu.vector_load %arg11[%swap3A] {strides = array<i32>} : memref<40xf32, #tpu.memory_space<vmem>>, vector<16xf32>,
    tpu.vector_store %arg11[%swap3A], %broadcast_in_dim3A_246 {strides = array<i32>} : memref<40xf32, #tpu.memory_space<vmem>>, vector<16xf32>,
    %broadcast_in_dim3A_248 = arith.constant 1.000000e+00 : f32
    %broadcast_in_dim3A_249 = vector.broadcast %broadcast_in_dim3A_248 : f32 to vector<16xf32>
    %swap3A_250 = arith.constant 16 : index
    %swap3A_251 = tpu.vector_load %arg11[%swap3A_250] {strides = array<i32>} : memref<40xf32, #tpu.memory_space<vmem>>, vector<16xf32>,
    tpu.vector_store %arg11[%swap3A_250], %broadcast_in_dim3A_249 {strides = array<i32>} : memref<40xf32, #tpu.memory_space<vmem>>, vector<16xf32>,
    %broadcast_in_dim3A_252 = arith.constant 1.000000e+00 : f32
    %broadcast_in_dim3A_253 = vector.broadcast %broadcast_in_dim3A_252 : f32 to vector<16xf32>
    %swap3A_254 = arith.constant 24 : index
    %swap3A_255 = tpu.vector_load %arg11[%swap3A_254] {strides = array<i32>} : memref<40xf32, #tpu.memory_space<vmem>>, vector<16xf32>,
    tpu.vector_store %arg11[%swap3A_254], %broadcast_in_dim3A_253 {strides = array<i32>} : memref<40xf32, #tpu.memory_space<vmem>>, vector<16xf32>,
    %mul3A_256 = arith.constant 640 : i32
    %mul3A_257 = arith.muli %arg1, %mul3A_256 : i32
    %eq3A = arith.constant 15 : i32
    %eq3A_258 = arith.cmpi eq, %arg1, %eq3A : i32
    %jit3A = arith.constant 10 : i32
    %jit3A_259 = arith.constant 16 : i32
    %select_n3A = arith.select %eq3A_258, %jit3A, %jit3A_259 : i32
    %while3A = arith.constant 0 : i32
    %while3A_260 = arith.constant 0 : i32
    %while3A_261 = arith.subi %select_n3A, %while3A_260 : i32
    %while3A_262 = arith.addi %while3A_260, %while3A_261 : i32
    %while3A_263 = arith.constant 1 : i32
    %while3A_264 = arith.divsi %while3A_261, %while3A_263 : i32
    %while3A_265 = arith.muli %while3A_264, %while3A_263 : i32
    %while3A_266 = arith.addi %while3A_260, %while3A_265 : i32
    %while3A_267 = arith.constant 1 : i32
    scf.for %while3A_349 = %while3A_260 to %while3A_266 step %while3A_267  : i32 {
      %mul3A_350 = arith.constant 40 : i32
      %mul3A_351 = arith.muli %while3A_349, %mul3A_350 : i32
      %add3A_352 = arith.addi %mul3A_257, %mul3A_351 : i32
      %run_scoped3A = arith.constant 4 : i32
      "tpu.region"() ({
        %run_scoped3A_353 = tpu.sem_alloc : memref<!tpu.dma_semaphore, #tpu.memory_space<semaphore_mem>>
        %dma_start3A_354 = arith.constant 0 : i32
        %dma_start3A_355 = arith.constant 0 : i32
        %dma_start3A_356 = tpu.memref_slice %arg10[%run_scoped3A, %dma_start3A_354, %dma_start3A_355] : memref<5x40x128xf32, #tpu.memory_space<vmem>> -> memref<1x40x128xf32, #tpu.memory_space<vmem>>
        %dma_start3A_357 = tpu.memref_squeeze %dma_start3A_356 : memref<1x40x128xf32, #tpu.memory_space<vmem>> -> memref<40x128xf32, #tpu.memory_space<vmem>>
        %dma_start3A_358 = arith.constant 0 : i32
        %dma_start3A_359 = tpu.memref_slice %arg13[%add3A_352, %dma_start3A_358] : memref<10000x128xf32, #tpu.memory_space<vmem_shared>> -> memref<40x128xf32, #tpu.memory_space<vmem_shared>>
        %dma_start3A_360 = arith.constant 0 : i32
        %dma_start3A_361 = tpu.memref_slice %arg13[%add3A_352, %dma_start3A_360] : memref<10000x128xf32, #tpu.memory_space<vmem_shared>> -> memref<40x128xf32, #tpu.memory_space<vmem_shared>>
        %dma_start3A_362 = arith.constant 0 : i32
        %dma_start3A_363 = arith.constant 0 : i32
        %dma_start3A_364 = tpu.memref_slice %arg10[%run_scoped3A, %dma_start3A_362, %dma_start3A_363] : memref<5x40x128xf32, #tpu.memory_space<vmem>> -> memref<1x40x128xf32, #tpu.memory_space<vmem>>
        %dma_start3A_365 = tpu.memref_squeeze %dma_start3A_364 : memref<1x40x128xf32, #tpu.memory_space<vmem>> -> memref<40x128xf32, #tpu.memory_space<vmem>>
        tpu.enqueue_dma source(%dma_start3A_365 : memref<40x128xf32, #tpu.memory_space<vmem>>) target(%dma_start3A_361 : memref<40x128xf32, #tpu.memory_space<vmem_shared>>) target_semaphore(%run_scoped3A_353 : memref<!tpu.dma_semaphore, #tpu.memory_space<semaphore_mem>>)
        %dma_wait3A_366 = arith.constant 0 : i32
        %dma_wait3A_367 = arith.constant 0 : i32
        %dma_wait3A_368 = tpu.memref_slice %arg10[%run_scoped3A, %dma_wait3A_366, %dma_wait3A_367] : memref<5x40x128xf32, #tpu.memory_space<vmem>> -> memref<1x40x128xf32, #tpu.memory_space<vmem>>
        %dma_wait3A_369 = tpu.memref_squeeze %dma_wait3A_368 : memref<1x40x128xf32, #tpu.memory_space<vmem>> -> memref<40x128xf32, #tpu.memory_space<vmem>>
        %dma_wait3A_370 = arith.constant 0 : i32
        %dma_wait3A_371 = tpu.memref_slice %arg13[%add3A_352, %dma_wait3A_370] : memref<10000x128xf32, #tpu.memory_space<vmem_shared>> -> memref<40x128xf32, #tpu.memory_space<vmem_shared>>
        %dma_wait3A_372 = arith.constant 0 : i32
        %dma_wait3A_373 = tpu.memref_slice %arg13[%add3A_352, %dma_wait3A_372] : memref<10000x128xf32, #tpu.memory_space<vmem_shared>> -> memref<40x128xf32, #tpu.memory_space<vmem_shared>>
        %dma_wait3A_374 = arith.constant 0 : i32
        %dma_wait3A_375 = arith.constant 0 : i32
        %dma_wait3A_376 = tpu.memref_slice %arg10[%run_scoped3A, %dma_wait3A_374, %dma_wait3A_375] : memref<5x40x128xf32, #tpu.memory_space<vmem>> -> memref<1x40x128xf32, #tpu.memory_space<vmem>>
        %dma_wait3A_377 = tpu.memref_squeeze %dma_wait3A_376 : memref<1x40x128xf32, #tpu.memory_space<vmem>> -> memref<40x128xf32, #tpu.memory_space<vmem>>
        tpu.wait_dma2 semaphore(%run_scoped3A_353 : memref<!tpu.dma_semaphore, #tpu.memory_space<semaphore_mem>>) src(%dma_wait3A_377 : memref<40x128xf32, #tpu.memory_space<vmem>>) dst(%dma_wait3A_373 : memref<40x128xf32, #tpu.memory_space<vmem_shared>>)
        tpu.yield
      }) : () -> ()
    }
    %while3A_268 = arith.constant 1 : i32
    scf.for %while3A_349 = %while3A_266 to %while3A_262 step %while3A_268  : i32 {
      %mul3A_350 = arith.constant 40 : i32
      %mul3A_351 = arith.muli %while3A_349, %mul3A_350 : i32
      %add3A_352 = arith.addi %mul3A_257, %mul3A_351 : i32
      %run_scoped3A = arith.constant 4 : i32
      "tpu.region"() ({
        %run_scoped3A_353 = tpu.sem_alloc : memref<!tpu.dma_semaphore, #tpu.memory_space<semaphore_mem>>
        %dma_start3A_354 = arith.constant 0 : i32
        %dma_start3A_355 = arith.constant 0 : i32
        %dma_start3A_356 = tpu.memref_slice %arg10[%run_scoped3A, %dma_start3A_354, %dma_start3A_355] : memref<5x40x128xf32, #tpu.memory_space<vmem>> -> memref<1x40x128xf32, #tpu.memory_space<vmem>>
        %dma_start3A_357 = tpu.memref_squeeze %dma_start3A_356 : memref<1x40x128xf32, #tpu.memory_space<vmem>> -> memref<40x128xf32, #tpu.memory_space<vmem>>
        %dma_start3A_358 = arith.constant 0 : i32
        %dma_start3A_359 = tpu.memref_slice %arg13[%add3A_352, %dma_start3A_358] : memref<10000x128xf32, #tpu.memory_space<vmem_shared>> -> memref<40x128xf32, #tpu.memory_space<vmem_shared>>
        %dma_start3A_360 = arith.constant 0 : i32
        %dma_start3A_361 = tpu.memref_slice %arg13[%add3A_352, %dma_start3A_360] : memref<10000x128xf32, #tpu.memory_space<vmem_shared>> -> memref<40x128xf32, #tpu.memory_space<vmem_shared>>
        %dma_start3A_362 = arith.constant 0 : i32
        %dma_start3A_363 = arith.constant 0 : i32
        %dma_start3A_364 = tpu.memref_slice %arg10[%run_scoped3A, %dma_start3A_362, %dma_start3A_363] : memref<5x40x128xf32, #tpu.memory_space<vmem>> -> memref<1x40x128xf32, #tpu.memory_space<vmem>>
        %dma_start3A_365 = tpu.memref_squeeze %dma_start3A_364 : memref<1x40x128xf32, #tpu.memory_space<vmem>> -> memref<40x128xf32, #tpu.memory_space<vmem>>
        tpu.enqueue_dma source(%dma_start3A_365 : memref<40x128xf32, #tpu.memory_space<vmem>>) target(%dma_start3A_361 : memref<40x128xf32, #tpu.memory_space<vmem_shared>>) target_semaphore(%run_scoped3A_353 : memref<!tpu.dma_semaphore, #tpu.memory_space<semaphore_mem>>)
        %dma_wait3A_366 = arith.constant 0 : i32
        %dma_wait3A_367 = arith.constant 0 : i32
        %dma_wait3A_368 = tpu.memref_slice %arg10[%run_scoped3A, %dma_wait3A_366, %dma_wait3A_367] : memref<5x40x128xf32, #tpu.memory_space<vmem>> -> memref<1x40x128xf32, #tpu.memory_space<vmem>>
        %dma_wait3A_369 = tpu.memref_squeeze %dma_wait3A_368 : memref<1x40x128xf32, #tpu.memory_space<vmem>> -> memref<40x128xf32, #tpu.memory_space<vmem>>
        %dma_wait3A_370 = arith.constant 0 : i32
        %dma_wait3A_371 = tpu.memref_slice %arg13[%add3A_352, %dma_wait3A_370] : memref<10000x128xf32, #tpu.memory_space<vmem_shared>> -> memref<40x128xf32, #tpu.memory_space<vmem_shared>>
        %dma_wait3A_372 = arith.constant 0 : i32
        %dma_wait3A_373 = tpu.memref_slice %arg13[%add3A_352, %dma_wait3A_372] : memref<10000x128xf32, #tpu.memory_space<vmem_shared>> -> memref<40x128xf32, #tpu.memory_space<vmem_shared>>
        %dma_wait3A_374 = arith.constant 0 : i32
        %dma_wait3A_375 = arith.constant 0 : i32
        %dma_wait3A_376 = tpu.memref_slice %arg10[%run_scoped3A, %dma_wait3A_374, %dma_wait3A_375] : memref<5x40x128xf32, #tpu.memory_space<vmem>> -> memref<1x40x128xf32, #tpu.memory_space<vmem>>
        %dma_wait3A_377 = tpu.memref_squeeze %dma_wait3A_376 : memref<1x40x128xf32, #tpu.memory_space<vmem>> -> memref<40x128xf32, #tpu.memory_space<vmem>>
        tpu.wait_dma2 semaphore(%run_scoped3A_353 : memref<!tpu.dma_semaphore, #tpu.memory_space<semaphore_mem>>) src(%dma_wait3A_377 : memref<40x128xf32, #tpu.memory_space<vmem>>) dst(%dma_wait3A_373 : memref<40x128xf32, #tpu.memory_space<vmem_shared>>)
        tpu.yield
      }) : () -> ()
    }
    %eq3A_269 = arith.constant 15 : i32
    %eq3A_270 = arith.cmpi eq, %arg1, %eq3A_269 : i32
    %jit3A_271 = arith.constant 5 : i32
    %jit3A_272 = arith.constant 8 : i32
    %select_n3A_273 = arith.select %eq3A_270, %jit3A_271, %jit3A_272 : i32
    %while3A_274 = arith.constant 0 : i32
    %while3A_275 = arith.constant 0 : i32
    %while3A_276 = arith.subi %select_n3A_273, %while3A_275 : i32
    %while3A_277 = arith.addi %while3A_275, %while3A_276 : i32
    %while3A_278 = arith.constant 1 : i32
    %while3A_279 = arith.divsi %while3A_276, %while3A_278 : i32
    %while3A_280 = arith.muli %while3A_279, %while3A_278 : i32
    %while3A_281 = arith.addi %while3A_275, %while3A_280 : i32
    %while3A_282 = arith.constant 1 : i32
    scf.for %while3A_349 = %while3A_275 to %while3A_281 step %while3A_282  : i32 {
      %mul3A_350 = arith.constant 80 : i32
      %mul3A_351 = arith.muli %while3A_349, %mul3A_350 : i32
      %add3A_352 = arith.addi %mul3A_257, %mul3A_351 : i32
      "tpu.region"() ({
        %run_scoped3A = tpu.sem_alloc : memref<!tpu.dma_semaphore, #tpu.memory_space<semaphore_mem>>
        %dma_start3A_353 = tpu.memref_slice %arg14[%add3A_352] : memref<10000xf32, #tpu.memory_space<vmem_shared>> -> memref<80xf32, #tpu.memory_space<vmem_shared>>
        %dma_start3A_354 = tpu.memref_slice %arg14[%add3A_352] : memref<10000xf32, #tpu.memory_space<vmem_shared>> -> memref<80xf32, #tpu.memory_space<vmem_shared>>
        tpu.enqueue_dma source(%arg12 : memref<80xf32, #tpu.memory_space<vmem>>) target(%dma_start3A_354 : memref<80xf32, #tpu.memory_space<vmem_shared>>) target_semaphore(%run_scoped3A : memref<!tpu.dma_semaphore, #tpu.memory_space<semaphore_mem>>)
        %dma_wait3A_355 = tpu.memref_slice %arg14[%add3A_352] : memref<10000xf32, #tpu.memory_space<vmem_shared>> -> memref<80xf32, #tpu.memory_space<vmem_shared>>
        %dma_wait3A_356 = tpu.memref_slice %arg14[%add3A_352] : memref<10000xf32, #tpu.memory_space<vmem_shared>> -> memref<80xf32, #tpu.memory_space<vmem_shared>>
        tpu.wait_dma2 semaphore(%run_scoped3A : memref<!tpu.dma_semaphore, #tpu.memory_space<semaphore_mem>>) src(%arg12 : memref<80xf32, #tpu.memory_space<vmem>>) dst(%dma_wait3A_356 : memref<80xf32, #tpu.memory_space<vmem_shared>>)
        tpu.yield
      }) : () -> ()
    }
    %while3A_283 = arith.constant 1 : i32
    scf.for %while3A_349 = %while3A_281 to %while3A_277 step %while3A_283  : i32 {
      %mul3A_350 = arith.constant 80 : i32
      %mul3A_351 = arith.muli %while3A_349, %mul3A_350 : i32
      %add3A_352 = arith.addi %mul3A_257, %mul3A_351 : i32
      "tpu.region"() ({
        %run_scoped3A = tpu.sem_alloc : memref<!tpu.dma_semaphore, #tpu.memory_space<semaphore_mem>>
        %dma_start3A_353 = tpu.memref_slice %arg14[%add3A_352] : memref<10000xf32, #tpu.memory_space<vmem_shared>> -> memref<80xf32, #tpu.memory_space<vmem_shared>>
        %dma_start3A_354 = tpu.memref_slice %arg14[%add3A_352] : memref<10000xf32, #tpu.memory_space<vmem_shared>> -> memref<80xf32, #tpu.memory_space<vmem_shared>>
        tpu.enqueue_dma source(%arg12 : memref<80xf32, #tpu.memory_space<vmem>>) target(%dma_start3A_354 : memref<80xf32, #tpu.memory_space<vmem_shared>>) target_semaphore(%run_scoped3A : memref<!tpu.dma_semaphore, #tpu.memory_space<semaphore_mem>>)
        %dma_wait3A_355 = tpu.memref_slice %arg14[%add3A_352] : memref<10000xf32, #tpu.memory_space<vmem_shared>> -> memref<80xf32, #tpu.memory_space<vmem_shared>>
        %dma_wait3A_356 = tpu.memref_slice %arg14[%add3A_352] : memref<10000xf32, #tpu.memory_space<vmem_shared>> -> memref<80xf32, #tpu.memory_space<vmem_shared>>
        tpu.wait_dma2 semaphore(%run_scoped3A : memref<!tpu.dma_semaphore, #tpu.memory_space<semaphore_mem>>) src(%arg12 : memref<80xf32, #tpu.memory_space<vmem>>) dst(%dma_wait3A_356 : memref<80xf32, #tpu.memory_space<vmem_shared>>)
        tpu.yield
      }) : () -> ()
    }
    %barrier3A = arith.constant 0 : index
    tpu.barrier barrier_id(%barrier3A)
    %scan3A_284 = arith.constant 0 : i32
    %scan3A_285 = arith.constant 0 : i32
    %scan3A_286 = arith.constant 50 : i32
    %scan3A_287 = arith.addi %scan3A_285, %scan3A_286 : i32
    %scan3A_288 = arith.constant 1 : i32
    scf.for %scan3A_349 = %scan3A_285 to %scan3A_287 step %scan3A_288  : i32 {
      %mul3A_350 = arith.constant 5 : i32
      %mul3A_351 = arith.muli %scan3A_349, %mul3A_350 : i32
      %add3A_352 = arith.constant 0 : i32
      %add3A_353 = arith.addi %mul3A_351, %add3A_352 : i32
      %ge3A = arith.constant 2 : i32
      %ge3A_354 = arith.cmpi sge, %add3A_353, %ge3A : i32
      %convert_element_type3A = arith.extui %ge3A_354 : i1 to i32
      %cond3A = arith.constant 0 : i32
      %cond3A_355 = arith.cmpi ne, %convert_element_type3A, %cond3A : i32
      scf.if %cond3A_355 {
        %dma_wait3A_675 = arith.constant 3 : i32
        %dma_wait3A_676 = arith.constant 3 : i32
        %dma_wait3A_677 = arith.constant 3 : i32
        %dma_wait3A_678 = arith.constant 0 : i32
        %dma_wait3A_679 = arith.constant 0 : i32
        %dma_wait3A_680 = tpu.memref_slice %arg10[%dma_wait3A_675, %dma_wait3A_678, %dma_wait3A_679] : memref<5x40x128xf32, #tpu.memory_space<vmem>> -> memref<1x40x128xf32, #tpu.memory_space<vmem>>
        %dma_wait3A_681 = tpu.memref_squeeze %dma_wait3A_680 : memref<1x40x128xf32, #tpu.memory_space<vmem>> -> memref<40x128xf32, #tpu.memory_space<vmem>>
        %dma_wait3A_682 = arith.constant 0 : i32
        %dma_wait3A_683 = tpu.memref_slice %arg8[%dma_wait3A_676, %dma_wait3A_682] : memref<5x40xi32, #tpu.memory_space<vmem>> -> memref<1x40xi32, #tpu.memory_space<vmem>>
        %dma_wait3A_684 = tpu.memref_squeeze %dma_wait3A_683 : memref<1x40xi32, #tpu.memory_space<vmem>> -> memref<40xi32, #tpu.memory_space<vmem>>
        %dma_wait3A_685 = arith.constant 0 : i32
        %dma_wait3A_686 = arith.constant 0 : i32
        %dma_wait3A_687 = tpu.memref_slice %arg13[%dma_wait3A_685, %dma_wait3A_686] : memref<10000x128xf32, #tpu.memory_space<vmem_shared>> -> memref<10000x128xf32, #tpu.memory_space<vmem_shared>>
        %dma_wait3A_688 = tpu.memref_slice %arg16[%dma_wait3A_677] : memref<5x!tpu.dma_semaphore, #tpu.memory_space<semaphore_mem>> -> memref<1x!tpu.dma_semaphore, #tpu.memory_space<semaphore_mem>>
        %dma_wait3A_689 = tpu.memref_squeeze %dma_wait3A_688 : memref<1x!tpu.dma_semaphore, #tpu.memory_space<semaphore_mem>> -> memref<!tpu.dma_semaphore, #tpu.memory_space<semaphore_mem>>
        tpu.wait_indirect_dma semaphore(%dma_wait3A_689 : memref<!tpu.dma_semaphore, #tpu.memory_space<semaphore_mem>>) src(%dma_wait3A_681 : memref<40x128xf32, #tpu.memory_space<vmem>>) dst(%dma_wait3A_687 : memref<10000x128xf32, #tpu.memory_space<vmem_shared>>)
        %dma_wait3A_690 = arith.constant 3 : i32
        %dma_wait3A_691 = arith.constant 3 : i32
        %dma_wait3A_692 = arith.constant 0 : i32
        %dma_wait3A_693 = tpu.memref_slice %arg8[%dma_wait3A_690, %dma_wait3A_692] : memref<5x40xi32, #tpu.memory_space<vmem>> -> memref<1x40xi32, #tpu.memory_space<vmem>>
        %dma_wait3A_694 = tpu.memref_squeeze %dma_wait3A_693 : memref<1x40xi32, #tpu.memory_space<vmem>> -> memref<40xi32, #tpu.memory_space<vmem>>
        %dma_wait3A_695 = arith.constant 0 : i32
        %dma_wait3A_696 = tpu.memref_slice %arg14[%dma_wait3A_695] : memref<10000xf32, #tpu.memory_space<vmem_shared>> -> memref<10000xf32, #tpu.memory_space<vmem_shared>>
        %dma_wait3A_697 = tpu.memref_slice %arg17[%dma_wait3A_691] : memref<5x!tpu.dma_semaphore, #tpu.memory_space<semaphore_mem>> -> memref<1x!tpu.dma_semaphore, #tpu.memory_space<semaphore_mem>>
        %dma_wait3A_698 = tpu.memref_squeeze %dma_wait3A_697 : memref<1x!tpu.dma_semaphore, #tpu.memory_space<semaphore_mem>> -> memref<!tpu.dma_semaphore, #tpu.memory_space<semaphore_mem>>
        tpu.wait_indirect_dma semaphore(%dma_wait3A_698 : memref<!tpu.dma_semaphore, #tpu.memory_space<semaphore_mem>>) src(%arg11 : memref<40xf32, #tpu.memory_space<vmem>>) dst(%dma_wait3A_696 : memref<10000xf32, #tpu.memory_space<vmem_shared>>)
      } else {
      }
      %add3A_356 = arith.constant 3 : i32
      %add3A_357 = arith.addi %add3A_353, %add3A_356 : i32
      %lt3A = arith.constant 250 : i32
      %lt3A_358 = arith.cmpi slt, %add3A_357, %lt3A : i32
      %convert_element_type3A_359 = arith.extui %lt3A_358 : i1 to i32
      %cond3A_360 = arith.constant 0 : i32
      %cond3A_361 = arith.cmpi ne, %convert_element_type3A_359, %cond3A_360 : i32
      scf.if %cond3A_361 {
        %add3A_675 = arith.constant 3 : i32
        %add3A_676 = arith.addi %add3A_353, %add3A_675 : i32
        %mul3A_677 = arith.constant 40 : i32
        %mul3A_678 = arith.muli %add3A_676, %mul3A_677 : i32
        %add3A_679 = arith.addi %mul3A_2, %mul3A_678 : i32
        %add3A_680 = arith.constant 320000 : i32
        %add3A_681 = arith.addi %add3A_680, %add3A_679 : i32
        %dma_start3A_682 = arith.constant 3 : i32
        %dma_start3A_683 = arith.constant 3 : i32
        %dma_start3A_684 = arith.constant 0 : i32
        %dma_start3A_685 = tpu.memref_slice %arg7[%dma_start3A_682, %dma_start3A_684] : memref<5x40xi32, #tpu.memory_space<vmem>> -> memref<1x40xi32, #tpu.memory_space<vmem>>
        %dma_start3A_686 = tpu.memref_squeeze %dma_start3A_685 : memref<1x40xi32, #tpu.memory_space<vmem>> -> memref<40xi32, #tpu.memory_space<vmem>>
        %dma_start3A_687 = tpu.memref_slice %arg3[%add3A_681] : memref<640000xi32, #tpu.memory_space<hbm>> -> memref<40xi32, #tpu.memory_space<hbm>>
        %dma_start3A_688 = tpu.memref_slice %arg18[%dma_start3A_683] : memref<5x!tpu.dma_semaphore, #tpu.memory_space<semaphore_mem>> -> memref<1x!tpu.dma_semaphore, #tpu.memory_space<semaphore_mem>>
        %dma_start3A_689 = tpu.memref_squeeze %dma_start3A_688 : memref<1x!tpu.dma_semaphore, #tpu.memory_space<semaphore_mem>> -> memref<!tpu.dma_semaphore, #tpu.memory_space<semaphore_mem>>
        %dma_start3A_690 = arith.constant 0 : i32
        %dma_start3A_691 = tpu.memref_slice %arg7[%dma_start3A_682, %dma_start3A_690] : memref<5x40xi32, #tpu.memory_space<vmem>> -> memref<1x40xi32, #tpu.memory_space<vmem>>
        %dma_start3A_692 = tpu.memref_squeeze %dma_start3A_691 : memref<1x40xi32, #tpu.memory_space<vmem>> -> memref<40xi32, #tpu.memory_space<vmem>>
        %dma_start3A_693 = tpu.memref_slice %arg3[%add3A_681] : memref<640000xi32, #tpu.memory_space<hbm>> -> memref<40xi32, #tpu.memory_space<hbm>>
        tpu.enqueue_dma source(%dma_start3A_693 : memref<40xi32, #tpu.memory_space<hbm>>) target(%dma_start3A_692 : memref<40xi32, #tpu.memory_space<vmem>>) target_semaphore(%dma_start3A_689 : memref<!tpu.dma_semaphore, #tpu.memory_space<semaphore_mem>>)
        %dma_start3A_694 = arith.constant 3 : i32
        %dma_start3A_695 = arith.constant 3 : i32
        %dma_start3A_696 = arith.constant 0 : i32
        %dma_start3A_697 = tpu.memref_slice %arg8[%dma_start3A_694, %dma_start3A_696] : memref<5x40xi32, #tpu.memory_space<vmem>> -> memref<1x40xi32, #tpu.memory_space<vmem>>
        %dma_start3A_698 = tpu.memref_squeeze %dma_start3A_697 : memref<1x40xi32, #tpu.memory_space<vmem>> -> memref<40xi32, #tpu.memory_space<vmem>>
        %dma_start3A_699 = tpu.memref_slice %arg3[%add3A_679] : memref<640000xi32, #tpu.memory_space<hbm>> -> memref<40xi32, #tpu.memory_space<hbm>>
        %dma_start3A_700 = tpu.memref_slice %arg19[%dma_start3A_695] : memref<5x!tpu.dma_semaphore, #tpu.memory_space<semaphore_mem>> -> memref<1x!tpu.dma_semaphore, #tpu.memory_space<semaphore_mem>>
        %dma_start3A_701 = tpu.memref_squeeze %dma_start3A_700 : memref<1x!tpu.dma_semaphore, #tpu.memory_space<semaphore_mem>> -> memref<!tpu.dma_semaphore, #tpu.memory_space<semaphore_mem>>
        %dma_start3A_702 = arith.constant 0 : i32
        %dma_start3A_703 = tpu.memref_slice %arg8[%dma_start3A_694, %dma_start3A_702] : memref<5x40xi32, #tpu.memory_space<vmem>> -> memref<1x40xi32, #tpu.memory_space<vmem>>
        %dma_start3A_704 = tpu.memref_squeeze %dma_start3A_703 : memref<1x40xi32, #tpu.memory_space<vmem>> -> memref<40xi32, #tpu.memory_space<vmem>>
        %dma_start3A_705 = tpu.memref_slice %arg3[%add3A_679] : memref<640000xi32, #tpu.memory_space<hbm>> -> memref<40xi32, #tpu.memory_space<hbm>>
        tpu.enqueue_dma source(%dma_start3A_705 : memref<40xi32, #tpu.memory_space<hbm>>) target(%dma_start3A_704 : memref<40xi32, #tpu.memory_space<vmem>>) target_semaphore(%dma_start3A_701 : memref<!tpu.dma_semaphore, #tpu.memory_space<semaphore_mem>>)
        %dma_start3A_706 = arith.constant 3 : i32
        %dma_start3A_707 = arith.constant 3 : i32
        %dma_start3A_708 = arith.constant 0 : i32
        %dma_start3A_709 = tpu.memref_slice %arg9[%dma_start3A_706, %dma_start3A_708] : memref<5x40xf32, #tpu.memory_space<vmem>> -> memref<1x40xf32, #tpu.memory_space<vmem>>
        %dma_start3A_710 = tpu.memref_squeeze %dma_start3A_709 : memref<1x40xf32, #tpu.memory_space<vmem>> -> memref<40xf32, #tpu.memory_space<vmem>>
        %dma_start3A_711 = tpu.memref_slice %arg4[%add3A_679] : memref<320000xf32, #tpu.memory_space<hbm>> -> memref<40xf32, #tpu.memory_space<hbm>>
        %dma_start3A_712 = tpu.memref_slice %arg20[%dma_start3A_707] : memref<5x!tpu.dma_semaphore, #tpu.memory_space<semaphore_mem>> -> memref<1x!tpu.dma_semaphore, #tpu.memory_space<semaphore_mem>>
        %dma_start3A_713 = tpu.memref_squeeze %dma_start3A_712 : memref<1x!tpu.dma_semaphore, #tpu.memory_space<semaphore_mem>> -> memref<!tpu.dma_semaphore, #tpu.memory_space<semaphore_mem>>
        %dma_start3A_714 = arith.constant 0 : i32
        %dma_start3A_715 = tpu.memref_slice %arg9[%dma_start3A_706, %dma_start3A_714] : memref<5x40xf32, #tpu.memory_space<vmem>> -> memref<1x40xf32, #tpu.memory_space<vmem>>
        %dma_start3A_716 = tpu.memref_squeeze %dma_start3A_715 : memref<1x40xf32, #tpu.memory_space<vmem>> -> memref<40xf32, #tpu.memory_space<vmem>>
        %dma_start3A_717 = tpu.memref_slice %arg4[%add3A_679] : memref<320000xf32, #tpu.memory_space<hbm>> -> memref<40xf32, #tpu.memory_space<hbm>>
        tpu.enqueue_dma source(%dma_start3A_717 : memref<40xf32, #tpu.memory_space<hbm>>) target(%dma_start3A_716 : memref<40xf32, #tpu.memory_space<vmem>>) target_semaphore(%dma_start3A_713 : memref<!tpu.dma_semaphore, #tpu.memory_space<semaphore_mem>>)
      } else {
      }
      %add3A_362 = arith.constant 2 : i32
      %add3A_363 = arith.addi %add3A_353, %add3A_362 : i32
      %lt3A_364 = arith.constant 250 : i32
      %lt3A_365 = arith.cmpi slt, %add3A_363, %lt3A_364 : i32
      %convert_element_type3A_366 = arith.extui %lt3A_365 : i1 to i32
      %cond3A_367 = arith.constant 0 : i32
      %cond3A_368 = arith.cmpi ne, %convert_element_type3A_366, %cond3A_367 : i32
      scf.if %cond3A_368 {
        %dma_wait3A_675 = arith.constant 2 : i32
        %dma_wait3A_676 = arith.constant 2 : i32
        %dma_wait3A_677 = arith.constant 0 : i32
        %dma_wait3A_678 = tpu.memref_slice %arg7[%dma_wait3A_675, %dma_wait3A_677] : memref<5x40xi32, #tpu.memory_space<vmem>> -> memref<1x40xi32, #tpu.memory_space<vmem>>
        %dma_wait3A_679 = tpu.memref_squeeze %dma_wait3A_678 : memref<1x40xi32, #tpu.memory_space<vmem>> -> memref<40xi32, #tpu.memory_space<vmem>>
        %dma_wait3A_680 = arith.constant 0 : i32
        %dma_wait3A_681 = tpu.memref_slice %arg3[%dma_wait3A_680] : memref<640000xi32, #tpu.memory_space<hbm>> -> memref<40xi32, #tpu.memory_space<hbm>>
        %dma_wait3A_682 = tpu.memref_slice %arg18[%dma_wait3A_676] : memref<5x!tpu.dma_semaphore, #tpu.memory_space<semaphore_mem>> -> memref<1x!tpu.dma_semaphore, #tpu.memory_space<semaphore_mem>>
        %dma_wait3A_683 = tpu.memref_squeeze %dma_wait3A_682 : memref<1x!tpu.dma_semaphore, #tpu.memory_space<semaphore_mem>> -> memref<!tpu.dma_semaphore, #tpu.memory_space<semaphore_mem>>
        %dma_wait3A_684 = arith.constant 0 : i32
        %dma_wait3A_685 = tpu.memref_slice %arg7[%dma_wait3A_675, %dma_wait3A_684] : memref<5x40xi32, #tpu.memory_space<vmem>> -> memref<1x40xi32, #tpu.memory_space<vmem>>
        %dma_wait3A_686 = tpu.memref_squeeze %dma_wait3A_685 : memref<1x40xi32, #tpu.memory_space<vmem>> -> memref<40xi32, #tpu.memory_space<vmem>>
        %dma_wait3A_687 = arith.constant 0 : i32
        %dma_wait3A_688 = tpu.memref_slice %arg3[%dma_wait3A_687] : memref<640000xi32, #tpu.memory_space<hbm>> -> memref<40xi32, #tpu.memory_space<hbm>>
        tpu.wait_dma2 semaphore(%dma_wait3A_683 : memref<!tpu.dma_semaphore, #tpu.memory_space<semaphore_mem>>) src(%dma_wait3A_688 : memref<40xi32, #tpu.memory_space<hbm>>) dst(%dma_wait3A_686 : memref<40xi32, #tpu.memory_space<vmem>>)
        %dma_wait3A_689 = arith.constant 2 : i32
        %dma_wait3A_690 = arith.constant 2 : i32
        %dma_wait3A_691 = arith.constant 0 : i32
        %dma_wait3A_692 = tpu.memref_slice %arg8[%dma_wait3A_689, %dma_wait3A_691] : memref<5x40xi32, #tpu.memory_space<vmem>> -> memref<1x40xi32, #tpu.memory_space<vmem>>
        %dma_wait3A_693 = tpu.memref_squeeze %dma_wait3A_692 : memref<1x40xi32, #tpu.memory_space<vmem>> -> memref<40xi32, #tpu.memory_space<vmem>>
        %dma_wait3A_694 = arith.constant 0 : i32
        %dma_wait3A_695 = tpu.memref_slice %arg3[%dma_wait3A_694] : memref<640000xi32, #tpu.memory_space<hbm>> -> memref<40xi32, #tpu.memory_space<hbm>>
        %dma_wait3A_696 = tpu.memref_slice %arg19[%dma_wait3A_690] : memref<5x!tpu.dma_semaphore, #tpu.memory_space<semaphore_mem>> -> memref<1x!tpu.dma_semaphore, #tpu.memory_space<semaphore_mem>>
        %dma_wait3A_697 = tpu.memref_squeeze %dma_wait3A_696 : memref<1x!tpu.dma_semaphore, #tpu.memory_space<semaphore_mem>> -> memref<!tpu.dma_semaphore, #tpu.memory_space<semaphore_mem>>
        %dma_wait3A_698 = arith.constant 0 : i32
        %dma_wait3A_699 = tpu.memref_slice %arg8[%dma_wait3A_689, %dma_wait3A_698] : memref<5x40xi32, #tpu.memory_space<vmem>> -> memref<1x40xi32, #tpu.memory_space<vmem>>
        %dma_wait3A_700 = tpu.memref_squeeze %dma_wait3A_699 : memref<1x40xi32, #tpu.memory_space<vmem>> -> memref<40xi32, #tpu.memory_space<vmem>>
        %dma_wait3A_701 = arith.constant 0 : i32
        %dma_wait3A_702 = tpu.memref_slice %arg3[%dma_wait3A_701] : memref<640000xi32, #tpu.memory_space<hbm>> -> memref<40xi32, #tpu.memory_space<hbm>>
        tpu.wait_dma2 semaphore(%dma_wait3A_697 : memref<!tpu.dma_semaphore, #tpu.memory_space<semaphore_mem>>) src(%dma_wait3A_702 : memref<40xi32, #tpu.memory_space<hbm>>) dst(%dma_wait3A_700 : memref<40xi32, #tpu.memory_space<vmem>>)
        %dma_wait3A_703 = arith.constant 2 : i32
        %dma_wait3A_704 = arith.constant 2 : i32
        %dma_wait3A_705 = arith.constant 0 : i32
        %dma_wait3A_706 = tpu.memref_slice %arg9[%dma_wait3A_703, %dma_wait3A_705] : memref<5x40xf32, #tpu.memory_space<vmem>> -> memref<1x40xf32, #tpu.memory_space<vmem>>
        %dma_wait3A_707 = tpu.memref_squeeze %dma_wait3A_706 : memref<1x40xf32, #tpu.memory_space<vmem>> -> memref<40xf32, #tpu.memory_space<vmem>>
        %dma_wait3A_708 = arith.constant 0 : i32
        %dma_wait3A_709 = tpu.memref_slice %arg4[%dma_wait3A_708] : memref<320000xf32, #tpu.memory_space<hbm>> -> memref<40xf32, #tpu.memory_space<hbm>>
        %dma_wait3A_710 = tpu.memref_slice %arg20[%dma_wait3A_704] : memref<5x!tpu.dma_semaphore, #tpu.memory_space<semaphore_mem>> -> memref<1x!tpu.dma_semaphore, #tpu.memory_space<semaphore_mem>>
        %dma_wait3A_711 = tpu.memref_squeeze %dma_wait3A_710 : memref<1x!tpu.dma_semaphore, #tpu.memory_space<semaphore_mem>> -> memref<!tpu.dma_semaphore, #tpu.memory_space<semaphore_mem>>
        %dma_wait3A_712 = arith.constant 0 : i32
        %dma_wait3A_713 = tpu.memref_slice %arg9[%dma_wait3A_703, %dma_wait3A_712] : memref<5x40xf32, #tpu.memory_space<vmem>> -> memref<1x40xf32, #tpu.memory_space<vmem>>
        %dma_wait3A_714 = tpu.memref_squeeze %dma_wait3A_713 : memref<1x40xf32, #tpu.memory_space<vmem>> -> memref<40xf32, #tpu.memory_space<vmem>>
        %dma_wait3A_715 = arith.constant 0 : i32
        %dma_wait3A_716 = tpu.memref_slice %arg4[%dma_wait3A_715] : memref<320000xf32, #tpu.memory_space<hbm>> -> memref<40xf32, #tpu.memory_space<hbm>>
        tpu.wait_dma2 semaphore(%dma_wait3A_711 : memref<!tpu.dma_semaphore, #tpu.memory_space<semaphore_mem>>) src(%dma_wait3A_716 : memref<40xf32, #tpu.memory_space<hbm>>) dst(%dma_wait3A_714 : memref<40xf32, #tpu.memory_space<vmem>>)
        %add3A_717 = arith.constant 2 : i32
        %add3A_718 = arith.addi %add3A_353, %add3A_717 : i32
        %dma_start3A_719 = arith.constant 2 : i32
        %dma_start3A_720 = arith.constant 2 : i32
        %dma_start3A_721 = arith.constant 2 : i32
        %dma_start3A_722 = arith.constant 0 : i32
        %dma_start3A_723 = arith.constant 0 : i32
        %dma_start3A_724 = tpu.memref_slice %arg10[%dma_start3A_720, %dma_start3A_722, %dma_start3A_723] : memref<5x40x128xf32, #tpu.memory_space<vmem>> -> memref<1x40x128xf32, #tpu.memory_space<vmem>>
        %dma_start3A_725 = tpu.memref_squeeze %dma_start3A_724 : memref<1x40x128xf32, #tpu.memory_space<vmem>> -> memref<40x128xf32, #tpu.memory_space<vmem>>
        %dma_start3A_726 = arith.constant 0 : i32
        %dma_start3A_727 = tpu.memref_slice %arg7[%dma_start3A_719, %dma_start3A_726] : memref<5x40xi32, #tpu.memory_space<vmem>> -> memref<1x40xi32, #tpu.memory_space<vmem>>
        %dma_start3A_728 = tpu.memref_squeeze %dma_start3A_727 : memref<1x40xi32, #tpu.memory_space<vmem>> -> memref<40xi32, #tpu.memory_space<vmem>>
        %dma_start3A_729 = arith.constant 0 : i32
        %dma_start3A_730 = arith.constant 0 : i32
        %dma_start3A_731 = tpu.memref_slice %arg2[%dma_start3A_729, %dma_start3A_730] : memref<10000x128xf32, #tpu.memory_space<hbm>> -> memref<10000x128xf32, #tpu.memory_space<hbm>>
        %dma_start3A_732 = tpu.memref_slice %arg15[%dma_start3A_721] : memref<5x!tpu.dma_semaphore, #tpu.memory_space<semaphore_mem>> -> memref<1x!tpu.dma_semaphore, #tpu.memory_space<semaphore_mem>>
        %dma_start3A_733 = tpu.memref_squeeze %dma_start3A_732 : memref<1x!tpu.dma_semaphore, #tpu.memory_space<semaphore_mem>> -> memref<!tpu.dma_semaphore, #tpu.memory_space<semaphore_mem>>
        tpu.enqueue_indirect_dma source(%dma_start3A_731 : memref<10000x128xf32, #tpu.memory_space<hbm>>) target(%dma_start3A_725 : memref<40x128xf32, #tpu.memory_space<vmem>>) offsets(%dma_start3A_728 : memref<40xi32, #tpu.memory_space<vmem>>) semaphore(%dma_start3A_733 : memref<!tpu.dma_semaphore, #tpu.memory_space<semaphore_mem>>)
      } else {
      }
      %dma_wait3A_369 = arith.constant 0 : i32
      %dma_wait3A_370 = arith.constant 0 : i32
      %dma_wait3A_371 = arith.constant 0 : i32
      %dma_wait3A_372 = arith.constant 0 : i32
      %dma_wait3A_373 = arith.constant 0 : i32
      %dma_wait3A_374 = tpu.memref_slice %arg10[%dma_wait3A_370, %dma_wait3A_372, %dma_wait3A_373] : memref<5x40x128xf32, #tpu.memory_space<vmem>> -> memref<1x40x128xf32, #tpu.memory_space<vmem>>
      %dma_wait3A_375 = tpu.memref_squeeze %dma_wait3A_374 : memref<1x40x128xf32, #tpu.memory_space<vmem>> -> memref<40x128xf32, #tpu.memory_space<vmem>>
      %dma_wait3A_376 = arith.constant 0 : i32
      %dma_wait3A_377 = tpu.memref_slice %arg7[%dma_wait3A_369, %dma_wait3A_376] : memref<5x40xi32, #tpu.memory_space<vmem>> -> memref<1x40xi32, #tpu.memory_space<vmem>>
      %dma_wait3A_378 = tpu.memref_squeeze %dma_wait3A_377 : memref<1x40xi32, #tpu.memory_space<vmem>> -> memref<40xi32, #tpu.memory_space<vmem>>
      %dma_wait3A_379 = arith.constant 0 : i32
      %dma_wait3A_380 = arith.constant 0 : i32
      %dma_wait3A_381 = tpu.memref_slice %arg2[%dma_wait3A_379, %dma_wait3A_380] : memref<10000x128xf32, #tpu.memory_space<hbm>> -> memref<10000x128xf32, #tpu.memory_space<hbm>>
      %dma_wait3A_382 = tpu.memref_slice %arg15[%dma_wait3A_371] : memref<5x!tpu.dma_semaphore, #tpu.memory_space<semaphore_mem>> -> memref<1x!tpu.dma_semaphore, #tpu.memory_space<semaphore_mem>>
      %dma_wait3A_383 = tpu.memref_squeeze %dma_wait3A_382 : memref<1x!tpu.dma_semaphore, #tpu.memory_space<semaphore_mem>> -> memref<!tpu.dma_semaphore, #tpu.memory_space<semaphore_mem>>
      tpu.wait_indirect_dma semaphore(%dma_wait3A_383 : memref<!tpu.dma_semaphore, #tpu.memory_space<semaphore_mem>>) src(%dma_wait3A_381 : memref<10000x128xf32, #tpu.memory_space<hbm>>) dst(%dma_wait3A_375 : memref<40x128xf32, #tpu.memory_space<vmem>>)
      %parallel_loop3A = arith.constant 0 : i32
      %parallel_loop3A_384 = arith.constant 40 : i32
      %parallel_loop3A_385 = arith.constant 1 : i32
      %parallel_loop3A_386 = arith.constant 0 : i32
      scf.for %parallel_loop3A_675 = %parallel_loop3A to %parallel_loop3A_384 step %parallel_loop3A_385  : i32 {
        %parallel_loop3A_676 = arith.constant 0 : i32
        %parallel_loop3A_677 = vector.broadcast %parallel_loop3A_676 : i32 to vector<16xi32>
        %parallel_loop3A_678 = vector.broadcast %parallel_loop3A_675 : i32 to vector<16xi32>
        %parallel_loop3A_679 = arith.addi %parallel_loop3A_677, %parallel_loop3A_678 : vector<16xi32>
        %parallel_loop3A_680 = arith.constant 0 : i32
        %parallel_loop3A_681 = tpu.memref_slice %arg9[%parallel_loop3A_386, %parallel_loop3A_680] : memref<5x40xf32, #tpu.memory_space<vmem>> -> memref<1x40xf32, #tpu.memory_space<vmem>>
        %parallel_loop3A_682 = tpu.memref_squeeze %parallel_loop3A_681 : memref<1x40xf32, #tpu.memory_space<vmem>> -> memref<40xf32, #tpu.memory_space<vmem>>
        %parallel_loop3A_683 = tpu.vector_load_idx %parallel_loop3A_682[%parallel_loop3A_679] : memref<40xf32, #tpu.memory_space<vmem>>[vector<16xi32>], vector<16xf32>,
        %parallel_loop3A_684 = arith.constant 0 : i32
        %parallel_loop3A_685 = arith.index_cast %parallel_loop3A_684 : i32 to index
        %parallel_loop3A_686 = arith.index_cast %parallel_loop3A_675 : i32 to index
        %parallel_loop3A_687 = arith.constant 0 : index
        %parallel_loop3A_688 = tpu.vector_load %arg10[%parallel_loop3A_685, %parallel_loop3A_686, %parallel_loop3A_687] {strides = array<i32>} : memref<5x40x128xf32, #tpu.memory_space<vmem>>, vector<16xf32>,
        %parallel_loop3A_689 = arith.mulf %parallel_loop3A_688, %parallel_loop3A_683 : vector<16xf32>
        %parallel_loop3A_690 = arith.constant 0 : i32
        %parallel_loop3A_691 = arith.index_cast %parallel_loop3A_690 : i32 to index
        %parallel_loop3A_692 = arith.index_cast %parallel_loop3A_675 : i32 to index
        %parallel_loop3A_693 = arith.constant 0 : index
        %parallel_loop3A_694 = tpu.vector_load %arg10[%parallel_loop3A_691, %parallel_loop3A_692, %parallel_loop3A_693] {strides = array<i32>} : memref<5x40x128xf32, #tpu.memory_space<vmem>>, vector<16xf32>,
        tpu.vector_store %arg10[%parallel_loop3A_691, %parallel_loop3A_692, %parallel_loop3A_693], %parallel_loop3A_689 {strides = array<i32>} : memref<5x40x128xf32, #tpu.memory_space<vmem>>, vector<16xf32>,
        %parallel_loop3A_695 = arith.constant 0 : i32
        %parallel_loop3A_696 = arith.index_cast %parallel_loop3A_695 : i32 to index
        %parallel_loop3A_697 = arith.index_cast %parallel_loop3A_675 : i32 to index
        %parallel_loop3A_698 = arith.constant 16 : index
        %parallel_loop3A_699 = tpu.vector_load %arg10[%parallel_loop3A_696, %parallel_loop3A_697, %parallel_loop3A_698] {strides = array<i32>} : memref<5x40x128xf32, #tpu.memory_space<vmem>>, vector<16xf32>,
        %parallel_loop3A_700 = arith.mulf %parallel_loop3A_699, %parallel_loop3A_683 : vector<16xf32>
        %parallel_loop3A_701 = arith.constant 0 : i32
        %parallel_loop3A_702 = arith.index_cast %parallel_loop3A_701 : i32 to index
        %parallel_loop3A_703 = arith.index_cast %parallel_loop3A_675 : i32 to index
        %parallel_loop3A_704 = arith.constant 16 : index
        %parallel_loop3A_705 = tpu.vector_load %arg10[%parallel_loop3A_702, %parallel_loop3A_703, %parallel_loop3A_704] {strides = array<i32>} : memref<5x40x128xf32, #tpu.memory_space<vmem>>, vector<16xf32>,
        tpu.vector_store %arg10[%parallel_loop3A_702, %parallel_loop3A_703, %parallel_loop3A_704], %parallel_loop3A_700 {strides = array<i32>} : memref<5x40x128xf32, #tpu.memory_space<vmem>>, vector<16xf32>,
        %parallel_loop3A_706 = arith.constant 0 : i32
        %parallel_loop3A_707 = arith.index_cast %parallel_loop3A_706 : i32 to index
        %parallel_loop3A_708 = arith.index_cast %parallel_loop3A_675 : i32 to index
        %parallel_loop3A_709 = arith.constant 32 : index
        %parallel_loop3A_710 = tpu.vector_load %arg10[%parallel_loop3A_707, %parallel_loop3A_708, %parallel_loop3A_709] {strides = array<i32>} : memref<5x40x128xf32, #tpu.memory_space<vmem>>, vector<16xf32>,
        %parallel_loop3A_711 = arith.mulf %parallel_loop3A_710, %parallel_loop3A_683 : vector<16xf32>
        %parallel_loop3A_712 = arith.constant 0 : i32
        %parallel_loop3A_713 = arith.index_cast %parallel_loop3A_712 : i32 to index
        %parallel_loop3A_714 = arith.index_cast %parallel_loop3A_675 : i32 to index
        %parallel_loop3A_715 = arith.constant 32 : index
        %parallel_loop3A_716 = tpu.vector_load %arg10[%parallel_loop3A_713, %parallel_loop3A_714, %parallel_loop3A_715] {strides = array<i32>} : memref<5x40x128xf32, #tpu.memory_space<vmem>>, vector<16xf32>,
        tpu.vector_store %arg10[%parallel_loop3A_713, %parallel_loop3A_714, %parallel_loop3A_715], %parallel_loop3A_711 {strides = array<i32>} : memref<5x40x128xf32, #tpu.memory_space<vmem>>, vector<16xf32>,
        %parallel_loop3A_717 = arith.constant 0 : i32
        %parallel_loop3A_718 = arith.index_cast %parallel_loop3A_717 : i32 to index
        %parallel_loop3A_719 = arith.index_cast %parallel_loop3A_675 : i32 to index
        %parallel_loop3A_720 = arith.constant 48 : index
        %parallel_loop3A_721 = tpu.vector_load %arg10[%parallel_loop3A_718, %parallel_loop3A_719, %parallel_loop3A_720] {strides = array<i32>} : memref<5x40x128xf32, #tpu.memory_space<vmem>>, vector<16xf32>,
        %parallel_loop3A_722 = arith.mulf %parallel_loop3A_721, %parallel_loop3A_683 : vector<16xf32>
        %parallel_loop3A_723 = arith.constant 0 : i32
        %parallel_loop3A_724 = arith.index_cast %parallel_loop3A_723 : i32 to index
        %parallel_loop3A_725 = arith.index_cast %parallel_loop3A_675 : i32 to index
        %parallel_loop3A_726 = arith.constant 48 : index
        %parallel_loop3A_727 = tpu.vector_load %arg10[%parallel_loop3A_724, %parallel_loop3A_725, %parallel_loop3A_726] {strides = array<i32>} : memref<5x40x128xf32, #tpu.memory_space<vmem>>, vector<16xf32>,
        tpu.vector_store %arg10[%parallel_loop3A_724, %parallel_loop3A_725, %parallel_loop3A_726], %parallel_loop3A_722 {strides = array<i32>} : memref<5x40x128xf32, #tpu.memory_space<vmem>>, vector<16xf32>,
        %parallel_loop3A_728 = arith.constant 0 : i32
        %parallel_loop3A_729 = arith.index_cast %parallel_loop3A_728 : i32 to index
        %parallel_loop3A_730 = arith.index_cast %parallel_loop3A_675 : i32 to index
        %parallel_loop3A_731 = arith.constant 64 : index
        %parallel_loop3A_732 = tpu.vector_load %arg10[%parallel_loop3A_729, %parallel_loop3A_730, %parallel_loop3A_731] {strides = array<i32>} : memref<5x40x128xf32, #tpu.memory_space<vmem>>, vector<16xf32>,
        %parallel_loop3A_733 = arith.mulf %parallel_loop3A_732, %parallel_loop3A_683 : vector<16xf32>
        %parallel_loop3A_734 = arith.constant 0 : i32
        %parallel_loop3A_735 = arith.index_cast %parallel_loop3A_734 : i32 to index
        %parallel_loop3A_736 = arith.index_cast %parallel_loop3A_675 : i32 to index
        %parallel_loop3A_737 = arith.constant 64 : index
        %parallel_loop3A_738 = tpu.vector_load %arg10[%parallel_loop3A_735, %parallel_loop3A_736, %parallel_loop3A_737] {strides = array<i32>} : memref<5x40x128xf32, #tpu.memory_space<vmem>>, vector<16xf32>,
        tpu.vector_store %arg10[%parallel_loop3A_735, %parallel_loop3A_736, %parallel_loop3A_737], %parallel_loop3A_733 {strides = array<i32>} : memref<5x40x128xf32, #tpu.memory_space<vmem>>, vector<16xf32>,
        %parallel_loop3A_739 = arith.constant 0 : i32
        %parallel_loop3A_740 = arith.index_cast %parallel_loop3A_739 : i32 to index
        %parallel_loop3A_741 = arith.index_cast %parallel_loop3A_675 : i32 to index
        %parallel_loop3A_742 = arith.constant 80 : index
        %parallel_loop3A_743 = tpu.vector_load %arg10[%parallel_loop3A_740, %parallel_loop3A_741, %parallel_loop3A_742] {strides = array<i32>} : memref<5x40x128xf32, #tpu.memory_space<vmem>>, vector<16xf32>,
        %parallel_loop3A_744 = arith.mulf %parallel_loop3A_743, %parallel_loop3A_683 : vector<16xf32>
        %parallel_loop3A_745 = arith.constant 0 : i32
        %parallel_loop3A_746 = arith.index_cast %parallel_loop3A_745 : i32 to index
        %parallel_loop3A_747 = arith.index_cast %parallel_loop3A_675 : i32 to index
        %parallel_loop3A_748 = arith.constant 80 : index
        %parallel_loop3A_749 = tpu.vector_load %arg10[%parallel_loop3A_746, %parallel_loop3A_747, %parallel_loop3A_748] {strides = array<i32>} : memref<5x40x128xf32, #tpu.memory_space<vmem>>, vector<16xf32>,
        tpu.vector_store %arg10[%parallel_loop3A_746, %parallel_loop3A_747, %parallel_loop3A_748], %parallel_loop3A_744 {strides = array<i32>} : memref<5x40x128xf32, #tpu.memory_space<vmem>>, vector<16xf32>,
        %parallel_loop3A_750 = arith.constant 0 : i32
        %parallel_loop3A_751 = arith.index_cast %parallel_loop3A_750 : i32 to index
        %parallel_loop3A_752 = arith.index_cast %parallel_loop3A_675 : i32 to index
        %parallel_loop3A_753 = arith.constant 96 : index
        %parallel_loop3A_754 = tpu.vector_load %arg10[%parallel_loop3A_751, %parallel_loop3A_752, %parallel_loop3A_753] {strides = array<i32>} : memref<5x40x128xf32, #tpu.memory_space<vmem>>, vector<16xf32>,
        %parallel_loop3A_755 = arith.mulf %parallel_loop3A_754, %parallel_loop3A_683 : vector<16xf32>
        %parallel_loop3A_756 = arith.constant 0 : i32
        %parallel_loop3A_757 = arith.index_cast %parallel_loop3A_756 : i32 to index
        %parallel_loop3A_758 = arith.index_cast %parallel_loop3A_675 : i32 to index
        %parallel_loop3A_759 = arith.constant 96 : index
        %parallel_loop3A_760 = tpu.vector_load %arg10[%parallel_loop3A_757, %parallel_loop3A_758, %parallel_loop3A_759] {strides = array<i32>} : memref<5x40x128xf32, #tpu.memory_space<vmem>>, vector<16xf32>,
        tpu.vector_store %arg10[%parallel_loop3A_757, %parallel_loop3A_758, %parallel_loop3A_759], %parallel_loop3A_755 {strides = array<i32>} : memref<5x40x128xf32, #tpu.memory_space<vmem>>, vector<16xf32>,
        %parallel_loop3A_761 = arith.constant 0 : i32
        %parallel_loop3A_762 = arith.index_cast %parallel_loop3A_761 : i32 to index
        %parallel_loop3A_763 = arith.index_cast %parallel_loop3A_675 : i32 to index
        %parallel_loop3A_764 = arith.constant 112 : index
        %parallel_loop3A_765 = tpu.vector_load %arg10[%parallel_loop3A_762, %parallel_loop3A_763, %parallel_loop3A_764] {strides = array<i32>} : memref<5x40x128xf32, #tpu.memory_space<vmem>>, vector<16xf32>,
        %parallel_loop3A_766 = arith.mulf %parallel_loop3A_765, %parallel_loop3A_683 : vector<16xf32>
        %parallel_loop3A_767 = arith.constant 0 : i32
        %parallel_loop3A_768 = arith.index_cast %parallel_loop3A_767 : i32 to index
        %parallel_loop3A_769 = arith.index_cast %parallel_loop3A_675 : i32 to index
        %parallel_loop3A_770 = arith.constant 112 : index
        %parallel_loop3A_771 = tpu.vector_load %arg10[%parallel_loop3A_768, %parallel_loop3A_769, %parallel_loop3A_770] {strides = array<i32>} : memref<5x40x128xf32, #tpu.memory_space<vmem>>, vector<16xf32>,
        tpu.vector_store %arg10[%parallel_loop3A_768, %parallel_loop3A_769, %parallel_loop3A_770], %parallel_loop3A_766 {strides = array<i32>} : memref<5x40x128xf32, #tpu.memory_space<vmem>>, vector<16xf32>,
      } {sc.loop_unroll_factor = 4 : i64, sc.parallel_access}
      %dma_start3A_387 = arith.constant 0 : i32
      %dma_start3A_388 = arith.constant 0 : i32
      %dma_start3A_389 = arith.constant 0 : i32
      %dma_start3A_390 = arith.constant 0 : i32
      %dma_start3A_391 = arith.constant 0 : i32
      %dma_start3A_392 = tpu.memref_slice %arg10[%dma_start3A_387, %dma_start3A_390, %dma_start3A_391] : memref<5x40x128xf32, #tpu.memory_space<vmem>> -> memref<1x40x128xf32, #tpu.memory_space<vmem>>
      %dma_start3A_393 = tpu.memref_squeeze %dma_start3A_392 : memref<1x40x128xf32, #tpu.memory_space<vmem>> -> memref<40x128xf32, #tpu.memory_space<vmem>>
      %dma_start3A_394 = arith.constant 0 : i32
      %dma_start3A_395 = tpu.memref_slice %arg8[%dma_start3A_388, %dma_start3A_394] : memref<5x40xi32, #tpu.memory_space<vmem>> -> memref<1x40xi32, #tpu.memory_space<vmem>>
      %dma_start3A_396 = tpu.memref_squeeze %dma_start3A_395 : memref<1x40xi32, #tpu.memory_space<vmem>> -> memref<40xi32, #tpu.memory_space<vmem>>
      %dma_start3A_397 = arith.constant 0 : i32
      %dma_start3A_398 = arith.constant 0 : i32
      %dma_start3A_399 = tpu.memref_slice %arg13[%dma_start3A_397, %dma_start3A_398] : memref<10000x128xf32, #tpu.memory_space<vmem_shared>> -> memref<10000x128xf32, #tpu.memory_space<vmem_shared>>
      %dma_start3A_400 = tpu.memref_slice %arg16[%dma_start3A_389] : memref<5x!tpu.dma_semaphore, #tpu.memory_space<semaphore_mem>> -> memref<1x!tpu.dma_semaphore, #tpu.memory_space<semaphore_mem>>
      %dma_start3A_401 = tpu.memref_squeeze %dma_start3A_400 : memref<1x!tpu.dma_semaphore, #tpu.memory_space<semaphore_mem>> -> memref<!tpu.dma_semaphore, #tpu.memory_space<semaphore_mem>>
      tpu.enqueue_indirect_dma source(%dma_start3A_393 : memref<40x128xf32, #tpu.memory_space<vmem>>) target(%dma_start3A_399 : memref<10000x128xf32, #tpu.memory_space<vmem_shared>>) offsets(%dma_start3A_396 : memref<40xi32, #tpu.memory_space<vmem>>) semaphore(%dma_start3A_401 : memref<!tpu.dma_semaphore, #tpu.memory_space<semaphore_mem>>) {add = true}
      %dma_start3A_402 = arith.constant 0 : i32
      %dma_start3A_403 = arith.constant 0 : i32
      %dma_start3A_404 = arith.constant 0 : i32
      %dma_start3A_405 = tpu.memref_slice %arg8[%dma_start3A_402, %dma_start3A_404] : memref<5x40xi32, #tpu.memory_space<vmem>> -> memref<1x40xi32, #tpu.memory_space<vmem>>
      %dma_start3A_406 = tpu.memref_squeeze %dma_start3A_405 : memref<1x40xi32, #tpu.memory_space<vmem>> -> memref<40xi32, #tpu.memory_space<vmem>>
      %dma_start3A_407 = arith.constant 0 : i32
      %dma_start3A_408 = tpu.memref_slice %arg14[%dma_start3A_407] : memref<10000xf32, #tpu.memory_space<vmem_shared>> -> memref<10000xf32, #tpu.memory_space<vmem_shared>>
      %dma_start3A_409 = tpu.memref_slice %arg17[%dma_start3A_403] : memref<5x!tpu.dma_semaphore, #tpu.memory_space<semaphore_mem>> -> memref<1x!tpu.dma_semaphore, #tpu.memory_space<semaphore_mem>>
      %dma_start3A_410 = tpu.memref_squeeze %dma_start3A_409 : memref<1x!tpu.dma_semaphore, #tpu.memory_space<semaphore_mem>> -> memref<!tpu.dma_semaphore, #tpu.memory_space<semaphore_mem>>
      tpu.enqueue_indirect_dma source(%arg11 : memref<40xf32, #tpu.memory_space<vmem>>) target(%dma_start3A_408 : memref<10000xf32, #tpu.memory_space<vmem_shared>>) offsets(%dma_start3A_406 : memref<40xi32, #tpu.memory_space<vmem>>) semaphore(%dma_start3A_410 : memref<!tpu.dma_semaphore, #tpu.memory_space<semaphore_mem>>) {add = true}
      %mul3A_411 = arith.constant 5 : i32
      %mul3A_412 = arith.muli %scan3A_349, %mul3A_411 : i32
      %add3A_413 = arith.constant 1 : i32
      %add3A_414 = arith.addi %mul3A_412, %add3A_413 : i32
      %ge3A_415 = arith.constant 2 : i32
      %ge3A_416 = arith.cmpi sge, %add3A_414, %ge3A_415 : i32
      %convert_element_type3A_417 = arith.extui %ge3A_416 : i1 to i32
      %cond3A_418 = arith.constant 0 : i32
      %cond3A_419 = arith.cmpi ne, %convert_element_type3A_417, %cond3A_418 : i32
      scf.if %cond3A_419 {
        %dma_wait3A_675 = arith.constant 4 : i32
        %dma_wait3A_676 = arith.constant 4 : i32
        %dma_wait3A_677 = arith.constant 4 : i32
        %dma_wait3A_678 = arith.constant 0 : i32
        %dma_wait3A_679 = arith.constant 0 : i32
        %dma_wait3A_680 = tpu.memref_slice %arg10[%dma_wait3A_675, %dma_wait3A_678, %dma_wait3A_679] : memref<5x40x128xf32, #tpu.memory_space<vmem>> -> memref<1x40x128xf32, #tpu.memory_space<vmem>>
        %dma_wait3A_681 = tpu.memref_squeeze %dma_wait3A_680 : memref<1x40x128xf32, #tpu.memory_space<vmem>> -> memref<40x128xf32, #tpu.memory_space<vmem>>
        %dma_wait3A_682 = arith.constant 0 : i32
        %dma_wait3A_683 = tpu.memref_slice %arg8[%dma_wait3A_676, %dma_wait3A_682] : memref<5x40xi32, #tpu.memory_space<vmem>> -> memref<1x40xi32, #tpu.memory_space<vmem>>
        %dma_wait3A_684 = tpu.memref_squeeze %dma_wait3A_683 : memref<1x40xi32, #tpu.memory_space<vmem>> -> memref<40xi32, #tpu.memory_space<vmem>>
        %dma_wait3A_685 = arith.constant 0 : i32
        %dma_wait3A_686 = arith.constant 0 : i32
        %dma_wait3A_687 = tpu.memref_slice %arg13[%dma_wait3A_685, %dma_wait3A_686] : memref<10000x128xf32, #tpu.memory_space<vmem_shared>> -> memref<10000x128xf32, #tpu.memory_space<vmem_shared>>
        %dma_wait3A_688 = tpu.memref_slice %arg16[%dma_wait3A_677] : memref<5x!tpu.dma_semaphore, #tpu.memory_space<semaphore_mem>> -> memref<1x!tpu.dma_semaphore, #tpu.memory_space<semaphore_mem>>
        %dma_wait3A_689 = tpu.memref_squeeze %dma_wait3A_688 : memref<1x!tpu.dma_semaphore, #tpu.memory_space<semaphore_mem>> -> memref<!tpu.dma_semaphore, #tpu.memory_space<semaphore_mem>>
        tpu.wait_indirect_dma semaphore(%dma_wait3A_689 : memref<!tpu.dma_semaphore, #tpu.memory_space<semaphore_mem>>) src(%dma_wait3A_681 : memref<40x128xf32, #tpu.memory_space<vmem>>) dst(%dma_wait3A_687 : memref<10000x128xf32, #tpu.memory_space<vmem_shared>>)
        %dma_wait3A_690 = arith.constant 4 : i32
        %dma_wait3A_691 = arith.constant 4 : i32
        %dma_wait3A_692 = arith.constant 0 : i32
        %dma_wait3A_693 = tpu.memref_slice %arg8[%dma_wait3A_690, %dma_wait3A_692] : memref<5x40xi32, #tpu.memory_space<vmem>> -> memref<1x40xi32, #tpu.memory_space<vmem>>
        %dma_wait3A_694 = tpu.memref_squeeze %dma_wait3A_693 : memref<1x40xi32, #tpu.memory_space<vmem>> -> memref<40xi32, #tpu.memory_space<vmem>>
        %dma_wait3A_695 = arith.constant 0 : i32
        %dma_wait3A_696 = tpu.memref_slice %arg14[%dma_wait3A_695] : memref<10000xf32, #tpu.memory_space<vmem_shared>> -> memref<10000xf32, #tpu.memory_space<vmem_shared>>
        %dma_wait3A_697 = tpu.memref_slice %arg17[%dma_wait3A_691] : memref<5x!tpu.dma_semaphore, #tpu.memory_space<semaphore_mem>> -> memref<1x!tpu.dma_semaphore, #tpu.memory_space<semaphore_mem>>
        %dma_wait3A_698 = tpu.memref_squeeze %dma_wait3A_697 : memref<1x!tpu.dma_semaphore, #tpu.memory_space<semaphore_mem>> -> memref<!tpu.dma_semaphore, #tpu.memory_space<semaphore_mem>>
        tpu.wait_indirect_dma semaphore(%dma_wait3A_698 : memref<!tpu.dma_semaphore, #tpu.memory_space<semaphore_mem>>) src(%arg11 : memref<40xf32, #tpu.memory_space<vmem>>) dst(%dma_wait3A_696 : memref<10000xf32, #tpu.memory_space<vmem_shared>>)
      } else {
      }
      %add3A_420 = arith.constant 3 : i32
      %add3A_421 = arith.addi %add3A_414, %add3A_420 : i32
      %lt3A_422 = arith.constant 250 : i32
      %lt3A_423 = arith.cmpi slt, %add3A_421, %lt3A_422 : i32
      %convert_element_type3A_424 = arith.extui %lt3A_423 : i1 to i32
      %cond3A_425 = arith.constant 0 : i32
      %cond3A_426 = arith.cmpi ne, %convert_element_type3A_424, %cond3A_425 : i32
      scf.if %cond3A_426 {
        %add3A_675 = arith.constant 3 : i32
        %add3A_676 = arith.addi %add3A_414, %add3A_675 : i32
        %mul3A_677 = arith.constant 40 : i32
        %mul3A_678 = arith.muli %add3A_676, %mul3A_677 : i32
        %add3A_679 = arith.addi %mul3A_2, %mul3A_678 : i32
        %add3A_680 = arith.constant 320000 : i32
        %add3A_681 = arith.addi %add3A_680, %add3A_679 : i32
        %dma_start3A_682 = arith.constant 4 : i32
        %dma_start3A_683 = arith.constant 4 : i32
        %dma_start3A_684 = arith.constant 0 : i32
        %dma_start3A_685 = tpu.memref_slice %arg7[%dma_start3A_682, %dma_start3A_684] : memref<5x40xi32, #tpu.memory_space<vmem>> -> memref<1x40xi32, #tpu.memory_space<vmem>>
        %dma_start3A_686 = tpu.memref_squeeze %dma_start3A_685 : memref<1x40xi32, #tpu.memory_space<vmem>> -> memref<40xi32, #tpu.memory_space<vmem>>
        %dma_start3A_687 = tpu.memref_slice %arg3[%add3A_681] : memref<640000xi32, #tpu.memory_space<hbm>> -> memref<40xi32, #tpu.memory_space<hbm>>
        %dma_start3A_688 = tpu.memref_slice %arg18[%dma_start3A_683] : memref<5x!tpu.dma_semaphore, #tpu.memory_space<semaphore_mem>> -> memref<1x!tpu.dma_semaphore, #tpu.memory_space<semaphore_mem>>
        %dma_start3A_689 = tpu.memref_squeeze %dma_start3A_688 : memref<1x!tpu.dma_semaphore, #tpu.memory_space<semaphore_mem>> -> memref<!tpu.dma_semaphore, #tpu.memory_space<semaphore_mem>>
        %dma_start3A_690 = arith.constant 0 : i32
        %dma_start3A_691 = tpu.memref_slice %arg7[%dma_start3A_682, %dma_start3A_690] : memref<5x40xi32, #tpu.memory_space<vmem>> -> memref<1x40xi32, #tpu.memory_space<vmem>>
        %dma_start3A_692 = tpu.memref_squeeze %dma_start3A_691 : memref<1x40xi32, #tpu.memory_space<vmem>> -> memref<40xi32, #tpu.memory_space<vmem>>
        %dma_start3A_693 = tpu.memref_slice %arg3[%add3A_681] : memref<640000xi32, #tpu.memory_space<hbm>> -> memref<40xi32, #tpu.memory_space<hbm>>
        tpu.enqueue_dma source(%dma_start3A_693 : memref<40xi32, #tpu.memory_space<hbm>>) target(%dma_start3A_692 : memref<40xi32, #tpu.memory_space<vmem>>) target_semaphore(%dma_start3A_689 : memref<!tpu.dma_semaphore, #tpu.memory_space<semaphore_mem>>)
        %dma_start3A_694 = arith.constant 4 : i32
        %dma_start3A_695 = arith.constant 4 : i32
        %dma_start3A_696 = arith.constant 0 : i32
        %dma_start3A_697 = tpu.memref_slice %arg8[%dma_start3A_694, %dma_start3A_696] : memref<5x40xi32, #tpu.memory_space<vmem>> -> memref<1x40xi32, #tpu.memory_space<vmem>>
        %dma_start3A_698 = tpu.memref_squeeze %dma_start3A_697 : memref<1x40xi32, #tpu.memory_space<vmem>> -> memref<40xi32, #tpu.memory_space<vmem>>
        %dma_start3A_699 = tpu.memref_slice %arg3[%add3A_679] : memref<640000xi32, #tpu.memory_space<hbm>> -> memref<40xi32, #tpu.memory_space<hbm>>
        %dma_start3A_700 = tpu.memref_slice %arg19[%dma_start3A_695] : memref<5x!tpu.dma_semaphore, #tpu.memory_space<semaphore_mem>> -> memref<1x!tpu.dma_semaphore, #tpu.memory_space<semaphore_mem>>
        %dma_start3A_701 = tpu.memref_squeeze %dma_start3A_700 : memref<1x!tpu.dma_semaphore, #tpu.memory_space<semaphore_mem>> -> memref<!tpu.dma_semaphore, #tpu.memory_space<semaphore_mem>>
        %dma_start3A_702 = arith.constant 0 : i32
        %dma_start3A_703 = tpu.memref_slice %arg8[%dma_start3A_694, %dma_start3A_702] : memref<5x40xi32, #tpu.memory_space<vmem>> -> memref<1x40xi32, #tpu.memory_space<vmem>>
        %dma_start3A_704 = tpu.memref_squeeze %dma_start3A_703 : memref<1x40xi32, #tpu.memory_space<vmem>> -> memref<40xi32, #tpu.memory_space<vmem>>
        %dma_start3A_705 = tpu.memref_slice %arg3[%add3A_679] : memref<640000xi32, #tpu.memory_space<hbm>> -> memref<40xi32, #tpu.memory_space<hbm>>
        tpu.enqueue_dma source(%dma_start3A_705 : memref<40xi32, #tpu.memory_space<hbm>>) target(%dma_start3A_704 : memref<40xi32, #tpu.memory_space<vmem>>) target_semaphore(%dma_start3A_701 : memref<!tpu.dma_semaphore, #tpu.memory_space<semaphore_mem>>)
        %dma_start3A_706 = arith.constant 4 : i32
        %dma_start3A_707 = arith.constant 4 : i32
        %dma_start3A_708 = arith.constant 0 : i32
        %dma_start3A_709 = tpu.memref_slice %arg9[%dma_start3A_706, %dma_start3A_708] : memref<5x40xf32, #tpu.memory_space<vmem>> -> memref<1x40xf32, #tpu.memory_space<vmem>>
        %dma_start3A_710 = tpu.memref_squeeze %dma_start3A_709 : memref<1x40xf32, #tpu.memory_space<vmem>> -> memref<40xf32, #tpu.memory_space<vmem>>
        %dma_start3A_711 = tpu.memref_slice %arg4[%add3A_679] : memref<320000xf32, #tpu.memory_space<hbm>> -> memref<40xf32, #tpu.memory_space<hbm>>
        %dma_start3A_712 = tpu.memref_slice %arg20[%dma_start3A_707] : memref<5x!tpu.dma_semaphore, #tpu.memory_space<semaphore_mem>> -> memref<1x!tpu.dma_semaphore, #tpu.memory_space<semaphore_mem>>
        %dma_start3A_713 = tpu.memref_squeeze %dma_start3A_712 : memref<1x!tpu.dma_semaphore, #tpu.memory_space<semaphore_mem>> -> memref<!tpu.dma_semaphore, #tpu.memory_space<semaphore_mem>>
        %dma_start3A_714 = arith.constant 0 : i32
        %dma_start3A_715 = tpu.memref_slice %arg9[%dma_start3A_706, %dma_start3A_714] : memref<5x40xf32, #tpu.memory_space<vmem>> -> memref<1x40xf32, #tpu.memory_space<vmem>>
        %dma_start3A_716 = tpu.memref_squeeze %dma_start3A_715 : memref<1x40xf32, #tpu.memory_space<vmem>> -> memref<40xf32, #tpu.memory_space<vmem>>
        %dma_start3A_717 = tpu.memref_slice %arg4[%add3A_679] : memref<320000xf32, #tpu.memory_space<hbm>> -> memref<40xf32, #tpu.memory_space<hbm>>
        tpu.enqueue_dma source(%dma_start3A_717 : memref<40xf32, #tpu.memory_space<hbm>>) target(%dma_start3A_716 : memref<40xf32, #tpu.memory_space<vmem>>) target_semaphore(%dma_start3A_713 : memref<!tpu.dma_semaphore, #tpu.memory_space<semaphore_mem>>)
      } else {
      }
      %add3A_427 = arith.constant 2 : i32
      %add3A_428 = arith.addi %add3A_414, %add3A_427 : i32
      %lt3A_429 = arith.constant 250 : i32
      %lt3A_430 = arith.cmpi slt, %add3A_428, %lt3A_429 : i32
      %convert_element_type3A_431 = arith.extui %lt3A_430 : i1 to i32
      %cond3A_432 = arith.constant 0 : i32
      %cond3A_433 = arith.cmpi ne, %convert_element_type3A_431, %cond3A_432 : i32
      scf.if %cond3A_433 {
        %dma_wait3A_675 = arith.constant 3 : i32
        %dma_wait3A_676 = arith.constant 3 : i32
        %dma_wait3A_677 = arith.constant 0 : i32
        %dma_wait3A_678 = tpu.memref_slice %arg7[%dma_wait3A_675, %dma_wait3A_677] : memref<5x40xi32, #tpu.memory_space<vmem>> -> memref<1x40xi32, #tpu.memory_space<vmem>>
        %dma_wait3A_679 = tpu.memref_squeeze %dma_wait3A_678 : memref<1x40xi32, #tpu.memory_space<vmem>> -> memref<40xi32, #tpu.memory_space<vmem>>
        %dma_wait3A_680 = arith.constant 0 : i32
        %dma_wait3A_681 = tpu.memref_slice %arg3[%dma_wait3A_680] : memref<640000xi32, #tpu.memory_space<hbm>> -> memref<40xi32, #tpu.memory_space<hbm>>
        %dma_wait3A_682 = tpu.memref_slice %arg18[%dma_wait3A_676] : memref<5x!tpu.dma_semaphore, #tpu.memory_space<semaphore_mem>> -> memref<1x!tpu.dma_semaphore, #tpu.memory_space<semaphore_mem>>
        %dma_wait3A_683 = tpu.memref_squeeze %dma_wait3A_682 : memref<1x!tpu.dma_semaphore, #tpu.memory_space<semaphore_mem>> -> memref<!tpu.dma_semaphore, #tpu.memory_space<semaphore_mem>>
        %dma_wait3A_684 = arith.constant 0 : i32
        %dma_wait3A_685 = tpu.memref_slice %arg7[%dma_wait3A_675, %dma_wait3A_684] : memref<5x40xi32, #tpu.memory_space<vmem>> -> memref<1x40xi32, #tpu.memory_space<vmem>>
        %dma_wait3A_686 = tpu.memref_squeeze %dma_wait3A_685 : memref<1x40xi32, #tpu.memory_space<vmem>> -> memref<40xi32, #tpu.memory_space<vmem>>
        %dma_wait3A_687 = arith.constant 0 : i32
        %dma_wait3A_688 = tpu.memref_slice %arg3[%dma_wait3A_687] : memref<640000xi32, #tpu.memory_space<hbm>> -> memref<40xi32, #tpu.memory_space<hbm>>
        tpu.wait_dma2 semaphore(%dma_wait3A_683 : memref<!tpu.dma_semaphore, #tpu.memory_space<semaphore_mem>>) src(%dma_wait3A_688 : memref<40xi32, #tpu.memory_space<hbm>>) dst(%dma_wait3A_686 : memref<40xi32, #tpu.memory_space<vmem>>)
        %dma_wait3A_689 = arith.constant 3 : i32
        %dma_wait3A_690 = arith.constant 3 : i32
        %dma_wait3A_691 = arith.constant 0 : i32
        %dma_wait3A_692 = tpu.memref_slice %arg8[%dma_wait3A_689, %dma_wait3A_691] : memref<5x40xi32, #tpu.memory_space<vmem>> -> memref<1x40xi32, #tpu.memory_space<vmem>>
        %dma_wait3A_693 = tpu.memref_squeeze %dma_wait3A_692 : memref<1x40xi32, #tpu.memory_space<vmem>> -> memref<40xi32, #tpu.memory_space<vmem>>
        %dma_wait3A_694 = arith.constant 0 : i32
        %dma_wait3A_695 = tpu.memref_slice %arg3[%dma_wait3A_694] : memref<640000xi32, #tpu.memory_space<hbm>> -> memref<40xi32, #tpu.memory_space<hbm>>
        %dma_wait3A_696 = tpu.memref_slice %arg19[%dma_wait3A_690] : memref<5x!tpu.dma_semaphore, #tpu.memory_space<semaphore_mem>> -> memref<1x!tpu.dma_semaphore, #tpu.memory_space<semaphore_mem>>
        %dma_wait3A_697 = tpu.memref_squeeze %dma_wait3A_696 : memref<1x!tpu.dma_semaphore, #tpu.memory_space<semaphore_mem>> -> memref<!tpu.dma_semaphore, #tpu.memory_space<semaphore_mem>>
        %dma_wait3A_698 = arith.constant 0 : i32
        %dma_wait3A_699 = tpu.memref_slice %arg8[%dma_wait3A_689, %dma_wait3A_698] : memref<5x40xi32, #tpu.memory_space<vmem>> -> memref<1x40xi32, #tpu.memory_space<vmem>>
        %dma_wait3A_700 = tpu.memref_squeeze %dma_wait3A_699 : memref<1x40xi32, #tpu.memory_space<vmem>> -> memref<40xi32, #tpu.memory_space<vmem>>
        %dma_wait3A_701 = arith.constant 0 : i32
        %dma_wait3A_702 = tpu.memref_slice %arg3[%dma_wait3A_701] : memref<640000xi32, #tpu.memory_space<hbm>> -> memref<40xi32, #tpu.memory_space<hbm>>
        tpu.wait_dma2 semaphore(%dma_wait3A_697 : memref<!tpu.dma_semaphore, #tpu.memory_space<semaphore_mem>>) src(%dma_wait3A_702 : memref<40xi32, #tpu.memory_space<hbm>>) dst(%dma_wait3A_700 : memref<40xi32, #tpu.memory_space<vmem>>)
        %dma_wait3A_703 = arith.constant 3 : i32
        %dma_wait3A_704 = arith.constant 3 : i32
        %dma_wait3A_705 = arith.constant 0 : i32
        %dma_wait3A_706 = tpu.memref_slice %arg9[%dma_wait3A_703, %dma_wait3A_705] : memref<5x40xf32, #tpu.memory_space<vmem>> -> memref<1x40xf32, #tpu.memory_space<vmem>>
        %dma_wait3A_707 = tpu.memref_squeeze %dma_wait3A_706 : memref<1x40xf32, #tpu.memory_space<vmem>> -> memref<40xf32, #tpu.memory_space<vmem>>
        %dma_wait3A_708 = arith.constant 0 : i32
        %dma_wait3A_709 = tpu.memref_slice %arg4[%dma_wait3A_708] : memref<320000xf32, #tpu.memory_space<hbm>> -> memref<40xf32, #tpu.memory_space<hbm>>
        %dma_wait3A_710 = tpu.memref_slice %arg20[%dma_wait3A_704] : memref<5x!tpu.dma_semaphore, #tpu.memory_space<semaphore_mem>> -> memref<1x!tpu.dma_semaphore, #tpu.memory_space<semaphore_mem>>
        %dma_wait3A_711 = tpu.memref_squeeze %dma_wait3A_710 : memref<1x!tpu.dma_semaphore, #tpu.memory_space<semaphore_mem>> -> memref<!tpu.dma_semaphore, #tpu.memory_space<semaphore_mem>>
        %dma_wait3A_712 = arith.constant 0 : i32
        %dma_wait3A_713 = tpu.memref_slice %arg9[%dma_wait3A_703, %dma_wait3A_712] : memref<5x40xf32, #tpu.memory_space<vmem>> -> memref<1x40xf32, #tpu.memory_space<vmem>>
        %dma_wait3A_714 = tpu.memref_squeeze %dma_wait3A_713 : memref<1x40xf32, #tpu.memory_space<vmem>> -> memref<40xf32, #tpu.memory_space<vmem>>
        %dma_wait3A_715 = arith.constant 0 : i32
        %dma_wait3A_716 = tpu.memref_slice %arg4[%dma_wait3A_715] : memref<320000xf32, #tpu.memory_space<hbm>> -> memref<40xf32, #tpu.memory_space<hbm>>
        tpu.wait_dma2 semaphore(%dma_wait3A_711 : memref<!tpu.dma_semaphore, #tpu.memory_space<semaphore_mem>>) src(%dma_wait3A_716 : memref<40xf32, #tpu.memory_space<hbm>>) dst(%dma_wait3A_714 : memref<40xf32, #tpu.memory_space<vmem>>)
        %add3A_717 = arith.constant 2 : i32
        %add3A_718 = arith.addi %add3A_414, %add3A_717 : i32
        %dma_start3A_719 = arith.constant 3 : i32
        %dma_start3A_720 = arith.constant 3 : i32
        %dma_start3A_721 = arith.constant 3 : i32
        %dma_start3A_722 = arith.constant 0 : i32
        %dma_start3A_723 = arith.constant 0 : i32
        %dma_start3A_724 = tpu.memref_slice %arg10[%dma_start3A_720, %dma_start3A_722, %dma_start3A_723] : memref<5x40x128xf32, #tpu.memory_space<vmem>> -> memref<1x40x128xf32, #tpu.memory_space<vmem>>
        %dma_start3A_725 = tpu.memref_squeeze %dma_start3A_724 : memref<1x40x128xf32, #tpu.memory_space<vmem>> -> memref<40x128xf32, #tpu.memory_space<vmem>>
        %dma_start3A_726 = arith.constant 0 : i32
        %dma_start3A_727 = tpu.memref_slice %arg7[%dma_start3A_719, %dma_start3A_726] : memref<5x40xi32, #tpu.memory_space<vmem>> -> memref<1x40xi32, #tpu.memory_space<vmem>>
        %dma_start3A_728 = tpu.memref_squeeze %dma_start3A_727 : memref<1x40xi32, #tpu.memory_space<vmem>> -> memref<40xi32, #tpu.memory_space<vmem>>
        %dma_start3A_729 = arith.constant 0 : i32
        %dma_start3A_730 = arith.constant 0 : i32
        %dma_start3A_731 = tpu.memref_slice %arg2[%dma_start3A_729, %dma_start3A_730] : memref<10000x128xf32, #tpu.memory_space<hbm>> -> memref<10000x128xf32, #tpu.memory_space<hbm>>
        %dma_start3A_732 = tpu.memref_slice %arg15[%dma_start3A_721] : memref<5x!tpu.dma_semaphore, #tpu.memory_space<semaphore_mem>> -> memref<1x!tpu.dma_semaphore, #tpu.memory_space<semaphore_mem>>
        %dma_start3A_733 = tpu.memref_squeeze %dma_start3A_732 : memref<1x!tpu.dma_semaphore, #tpu.memory_space<semaphore_mem>> -> memref<!tpu.dma_semaphore, #tpu.memory_space<semaphore_mem>>
        tpu.enqueue_indirect_dma source(%dma_start3A_731 : memref<10000x128xf32, #tpu.memory_space<hbm>>) target(%dma_start3A_725 : memref<40x128xf32, #tpu.memory_space<vmem>>) offsets(%dma_start3A_728 : memref<40xi32, #tpu.memory_space<vmem>>) semaphore(%dma_start3A_733 : memref<!tpu.dma_semaphore, #tpu.memory_space<semaphore_mem>>)
      } else {
      }
      %dma_wait3A_434 = arith.constant 1 : i32
      %dma_wait3A_435 = arith.constant 1 : i32
      %dma_wait3A_436 = arith.constant 1 : i32
      %dma_wait3A_437 = arith.constant 0 : i32
      %dma_wait3A_438 = arith.constant 0 : i32
      %dma_wait3A_439 = tpu.memref_slice %arg10[%dma_wait3A_435, %dma_wait3A_437, %dma_wait3A_438] : memref<5x40x128xf32, #tpu.memory_space<vmem>> -> memref<1x40x128xf32, #tpu.memory_space<vmem>>
      %dma_wait3A_440 = tpu.memref_squeeze %dma_wait3A_439 : memref<1x40x128xf32, #tpu.memory_space<vmem>> -> memref<40x128xf32, #tpu.memory_space<vmem>>
      %dma_wait3A_441 = arith.constant 0 : i32
      %dma_wait3A_442 = tpu.memref_slice %arg7[%dma_wait3A_434, %dma_wait3A_441] : memref<5x40xi32, #tpu.memory_space<vmem>> -> memref<1x40xi32, #tpu.memory_space<vmem>>
      %dma_wait3A_443 = tpu.memref_squeeze %dma_wait3A_442 : memref<1x40xi32, #tpu.memory_space<vmem>> -> memref<40xi32, #tpu.memory_space<vmem>>
      %dma_wait3A_444 = arith.constant 0 : i32
      %dma_wait3A_445 = arith.constant 0 : i32
      %dma_wait3A_446 = tpu.memref_slice %arg2[%dma_wait3A_444, %dma_wait3A_445] : memref<10000x128xf32, #tpu.memory_space<hbm>> -> memref<10000x128xf32, #tpu.memory_space<hbm>>
      %dma_wait3A_447 = tpu.memref_slice %arg15[%dma_wait3A_436] : memref<5x!tpu.dma_semaphore, #tpu.memory_space<semaphore_mem>> -> memref<1x!tpu.dma_semaphore, #tpu.memory_space<semaphore_mem>>
      %dma_wait3A_448 = tpu.memref_squeeze %dma_wait3A_447 : memref<1x!tpu.dma_semaphore, #tpu.memory_space<semaphore_mem>> -> memref<!tpu.dma_semaphore, #tpu.memory_space<semaphore_mem>>
      tpu.wait_indirect_dma semaphore(%dma_wait3A_448 : memref<!tpu.dma_semaphore, #tpu.memory_space<semaphore_mem>>) src(%dma_wait3A_446 : memref<10000x128xf32, #tpu.memory_space<hbm>>) dst(%dma_wait3A_440 : memref<40x128xf32, #tpu.memory_space<vmem>>)
      %parallel_loop3A_449 = arith.constant 0 : i32
      %parallel_loop3A_450 = arith.constant 40 : i32
      %parallel_loop3A_451 = arith.constant 1 : i32
      %parallel_loop3A_452 = arith.constant 1 : i32
      scf.for %parallel_loop3A_675 = %parallel_loop3A_449 to %parallel_loop3A_450 step %parallel_loop3A_451  : i32 {
        %parallel_loop3A_676 = arith.constant 0 : i32
        %parallel_loop3A_677 = vector.broadcast %parallel_loop3A_676 : i32 to vector<16xi32>
        %parallel_loop3A_678 = vector.broadcast %parallel_loop3A_675 : i32 to vector<16xi32>
        %parallel_loop3A_679 = arith.addi %parallel_loop3A_677, %parallel_loop3A_678 : vector<16xi32>
        %parallel_loop3A_680 = arith.constant 0 : i32
        %parallel_loop3A_681 = tpu.memref_slice %arg9[%parallel_loop3A_452, %parallel_loop3A_680] : memref<5x40xf32, #tpu.memory_space<vmem>> -> memref<1x40xf32, #tpu.memory_space<vmem>>
        %parallel_loop3A_682 = tpu.memref_squeeze %parallel_loop3A_681 : memref<1x40xf32, #tpu.memory_space<vmem>> -> memref<40xf32, #tpu.memory_space<vmem>>
        %parallel_loop3A_683 = tpu.vector_load_idx %parallel_loop3A_682[%parallel_loop3A_679] : memref<40xf32, #tpu.memory_space<vmem>>[vector<16xi32>], vector<16xf32>,
        %parallel_loop3A_684 = arith.constant 1 : i32
        %parallel_loop3A_685 = arith.index_cast %parallel_loop3A_684 : i32 to index
        %parallel_loop3A_686 = arith.index_cast %parallel_loop3A_675 : i32 to index
        %parallel_loop3A_687 = arith.constant 0 : index
        %parallel_loop3A_688 = tpu.vector_load %arg10[%parallel_loop3A_685, %parallel_loop3A_686, %parallel_loop3A_687] {strides = array<i32>} : memref<5x40x128xf32, #tpu.memory_space<vmem>>, vector<16xf32>,
        %parallel_loop3A_689 = arith.mulf %parallel_loop3A_688, %parallel_loop3A_683 : vector<16xf32>
        %parallel_loop3A_690 = arith.constant 1 : i32
        %parallel_loop3A_691 = arith.index_cast %parallel_loop3A_690 : i32 to index
        %parallel_loop3A_692 = arith.index_cast %parallel_loop3A_675 : i32 to index
        %parallel_loop3A_693 = arith.constant 0 : index
        %parallel_loop3A_694 = tpu.vector_load %arg10[%parallel_loop3A_691, %parallel_loop3A_692, %parallel_loop3A_693] {strides = array<i32>} : memref<5x40x128xf32, #tpu.memory_space<vmem>>, vector<16xf32>,
        tpu.vector_store %arg10[%parallel_loop3A_691, %parallel_loop3A_692, %parallel_loop3A_693], %parallel_loop3A_689 {strides = array<i32>} : memref<5x40x128xf32, #tpu.memory_space<vmem>>, vector<16xf32>,
        %parallel_loop3A_695 = arith.constant 1 : i32
        %parallel_loop3A_696 = arith.index_cast %parallel_loop3A_695 : i32 to index
        %parallel_loop3A_697 = arith.index_cast %parallel_loop3A_675 : i32 to index
        %parallel_loop3A_698 = arith.constant 16 : index
        %parallel_loop3A_699 = tpu.vector_load %arg10[%parallel_loop3A_696, %parallel_loop3A_697, %parallel_loop3A_698] {strides = array<i32>} : memref<5x40x128xf32, #tpu.memory_space<vmem>>, vector<16xf32>,
        %parallel_loop3A_700 = arith.mulf %parallel_loop3A_699, %parallel_loop3A_683 : vector<16xf32>
        %parallel_loop3A_701 = arith.constant 1 : i32
        %parallel_loop3A_702 = arith.index_cast %parallel_loop3A_701 : i32 to index
        %parallel_loop3A_703 = arith.index_cast %parallel_loop3A_675 : i32 to index
        %parallel_loop3A_704 = arith.constant 16 : index
        %parallel_loop3A_705 = tpu.vector_load %arg10[%parallel_loop3A_702, %parallel_loop3A_703, %parallel_loop3A_704] {strides = array<i32>} : memref<5x40x128xf32, #tpu.memory_space<vmem>>, vector<16xf32>,
        tpu.vector_store %arg10[%parallel_loop3A_702, %parallel_loop3A_703, %parallel_loop3A_704], %parallel_loop3A_700 {strides = array<i32>} : memref<5x40x128xf32, #tpu.memory_space<vmem>>, vector<16xf32>,
        %parallel_loop3A_706 = arith.constant 1 : i32
        %parallel_loop3A_707 = arith.index_cast %parallel_loop3A_706 : i32 to index
        %parallel_loop3A_708 = arith.index_cast %parallel_loop3A_675 : i32 to index
        %parallel_loop3A_709 = arith.constant 32 : index
        %parallel_loop3A_710 = tpu.vector_load %arg10[%parallel_loop3A_707, %parallel_loop3A_708, %parallel_loop3A_709] {strides = array<i32>} : memref<5x40x128xf32, #tpu.memory_space<vmem>>, vector<16xf32>,
        %parallel_loop3A_711 = arith.mulf %parallel_loop3A_710, %parallel_loop3A_683 : vector<16xf32>
        %parallel_loop3A_712 = arith.constant 1 : i32
        %parallel_loop3A_713 = arith.index_cast %parallel_loop3A_712 : i32 to index
        %parallel_loop3A_714 = arith.index_cast %parallel_loop3A_675 : i32 to index
        %parallel_loop3A_715 = arith.constant 32 : index
        %parallel_loop3A_716 = tpu.vector_load %arg10[%parallel_loop3A_713, %parallel_loop3A_714, %parallel_loop3A_715] {strides = array<i32>} : memref<5x40x128xf32, #tpu.memory_space<vmem>>, vector<16xf32>,
        tpu.vector_store %arg10[%parallel_loop3A_713, %parallel_loop3A_714, %parallel_loop3A_715], %parallel_loop3A_711 {strides = array<i32>} : memref<5x40x128xf32, #tpu.memory_space<vmem>>, vector<16xf32>,
        %parallel_loop3A_717 = arith.constant 1 : i32
        %parallel_loop3A_718 = arith.index_cast %parallel_loop3A_717 : i32 to index
        %parallel_loop3A_719 = arith.index_cast %parallel_loop3A_675 : i32 to index
        %parallel_loop3A_720 = arith.constant 48 : index
        %parallel_loop3A_721 = tpu.vector_load %arg10[%parallel_loop3A_718, %parallel_loop3A_719, %parallel_loop3A_720] {strides = array<i32>} : memref<5x40x128xf32, #tpu.memory_space<vmem>>, vector<16xf32>,
        %parallel_loop3A_722 = arith.mulf %parallel_loop3A_721, %parallel_loop3A_683 : vector<16xf32>
        %parallel_loop3A_723 = arith.constant 1 : i32
        %parallel_loop3A_724 = arith.index_cast %parallel_loop3A_723 : i32 to index
        %parallel_loop3A_725 = arith.index_cast %parallel_loop3A_675 : i32 to index
        %parallel_loop3A_726 = arith.constant 48 : index
        %parallel_loop3A_727 = tpu.vector_load %arg10[%parallel_loop3A_724, %parallel_loop3A_725, %parallel_loop3A_726] {strides = array<i32>} : memref<5x40x128xf32, #tpu.memory_space<vmem>>, vector<16xf32>,
        tpu.vector_store %arg10[%parallel_loop3A_724, %parallel_loop3A_725, %parallel_loop3A_726], %parallel_loop3A_722 {strides = array<i32>} : memref<5x40x128xf32, #tpu.memory_space<vmem>>, vector<16xf32>,
        %parallel_loop3A_728 = arith.constant 1 : i32
        %parallel_loop3A_729 = arith.index_cast %parallel_loop3A_728 : i32 to index
        %parallel_loop3A_730 = arith.index_cast %parallel_loop3A_675 : i32 to index
        %parallel_loop3A_731 = arith.constant 64 : index
        %parallel_loop3A_732 = tpu.vector_load %arg10[%parallel_loop3A_729, %parallel_loop3A_730, %parallel_loop3A_731] {strides = array<i32>} : memref<5x40x128xf32, #tpu.memory_space<vmem>>, vector<16xf32>,
        %parallel_loop3A_733 = arith.mulf %parallel_loop3A_732, %parallel_loop3A_683 : vector<16xf32>
        %parallel_loop3A_734 = arith.constant 1 : i32
        %parallel_loop3A_735 = arith.index_cast %parallel_loop3A_734 : i32 to index
        %parallel_loop3A_736 = arith.index_cast %parallel_loop3A_675 : i32 to index
        %parallel_loop3A_737 = arith.constant 64 : index
        %parallel_loop3A_738 = tpu.vector_load %arg10[%parallel_loop3A_735, %parallel_loop3A_736, %parallel_loop3A_737] {strides = array<i32>} : memref<5x40x128xf32, #tpu.memory_space<vmem>>, vector<16xf32>,
        tpu.vector_store %arg10[%parallel_loop3A_735, %parallel_loop3A_736, %parallel_loop3A_737], %parallel_loop3A_733 {strides = array<i32>} : memref<5x40x128xf32, #tpu.memory_space<vmem>>, vector<16xf32>,
        %parallel_loop3A_739 = arith.constant 1 : i32
        %parallel_loop3A_740 = arith.index_cast %parallel_loop3A_739 : i32 to index
        %parallel_loop3A_741 = arith.index_cast %parallel_loop3A_675 : i32 to index
        %parallel_loop3A_742 = arith.constant 80 : index
        %parallel_loop3A_743 = tpu.vector_load %arg10[%parallel_loop3A_740, %parallel_loop3A_741, %parallel_loop3A_742] {strides = array<i32>} : memref<5x40x128xf32, #tpu.memory_space<vmem>>, vector<16xf32>,
        %parallel_loop3A_744 = arith.mulf %parallel_loop3A_743, %parallel_loop3A_683 : vector<16xf32>
        %parallel_loop3A_745 = arith.constant 1 : i32
        %parallel_loop3A_746 = arith.index_cast %parallel_loop3A_745 : i32 to index
        %parallel_loop3A_747 = arith.index_cast %parallel_loop3A_675 : i32 to index
        %parallel_loop3A_748 = arith.constant 80 : index
        %parallel_loop3A_749 = tpu.vector_load %arg10[%parallel_loop3A_746, %parallel_loop3A_747, %parallel_loop3A_748] {strides = array<i32>} : memref<5x40x128xf32, #tpu.memory_space<vmem>>, vector<16xf32>,
        tpu.vector_store %arg10[%parallel_loop3A_746, %parallel_loop3A_747, %parallel_loop3A_748], %parallel_loop3A_744 {strides = array<i32>} : memref<5x40x128xf32, #tpu.memory_space<vmem>>, vector<16xf32>,
        %parallel_loop3A_750 = arith.constant 1 : i32
        %parallel_loop3A_751 = arith.index_cast %parallel_loop3A_750 : i32 to index
        %parallel_loop3A_752 = arith.index_cast %parallel_loop3A_675 : i32 to index
        %parallel_loop3A_753 = arith.constant 96 : index
        %parallel_loop3A_754 = tpu.vector_load %arg10[%parallel_loop3A_751, %parallel_loop3A_752, %parallel_loop3A_753] {strides = array<i32>} : memref<5x40x128xf32, #tpu.memory_space<vmem>>, vector<16xf32>,
        %parallel_loop3A_755 = arith.mulf %parallel_loop3A_754, %parallel_loop3A_683 : vector<16xf32>
        %parallel_loop3A_756 = arith.constant 1 : i32
        %parallel_loop3A_757 = arith.index_cast %parallel_loop3A_756 : i32 to index
        %parallel_loop3A_758 = arith.index_cast %parallel_loop3A_675 : i32 to index
        %parallel_loop3A_759 = arith.constant 96 : index
        %parallel_loop3A_760 = tpu.vector_load %arg10[%parallel_loop3A_757, %parallel_loop3A_758, %parallel_loop3A_759] {strides = array<i32>} : memref<5x40x128xf32, #tpu.memory_space<vmem>>, vector<16xf32>,
        tpu.vector_store %arg10[%parallel_loop3A_757, %parallel_loop3A_758, %parallel_loop3A_759], %parallel_loop3A_755 {strides = array<i32>} : memref<5x40x128xf32, #tpu.memory_space<vmem>>, vector<16xf32>,
        %parallel_loop3A_761 = arith.constant 1 : i32
        %parallel_loop3A_762 = arith.index_cast %parallel_loop3A_761 : i32 to index
        %parallel_loop3A_763 = arith.index_cast %parallel_loop3A_675 : i32 to index
        %parallel_loop3A_764 = arith.constant 112 : index
        %parallel_loop3A_765 = tpu.vector_load %arg10[%parallel_loop3A_762, %parallel_loop3A_763, %parallel_loop3A_764] {strides = array<i32>} : memref<5x40x128xf32, #tpu.memory_space<vmem>>, vector<16xf32>,
        %parallel_loop3A_766 = arith.mulf %parallel_loop3A_765, %parallel_loop3A_683 : vector<16xf32>
        %parallel_loop3A_767 = arith.constant 1 : i32
        %parallel_loop3A_768 = arith.index_cast %parallel_loop3A_767 : i32 to index
        %parallel_loop3A_769 = arith.index_cast %parallel_loop3A_675 : i32 to index
        %parallel_loop3A_770 = arith.constant 112 : index
        %parallel_loop3A_771 = tpu.vector_load %arg10[%parallel_loop3A_768, %parallel_loop3A_769, %parallel_loop3A_770] {strides = array<i32>} : memref<5x40x128xf32, #tpu.memory_space<vmem>>, vector<16xf32>,
        tpu.vector_store %arg10[%parallel_loop3A_768, %parallel_loop3A_769, %parallel_loop3A_770], %parallel_loop3A_766 {strides = array<i32>} : memref<5x40x128xf32, #tpu.memory_space<vmem>>, vector<16xf32>,
      } {sc.loop_unroll_factor = 4 : i64, sc.parallel_access}
      %dma_start3A_453 = arith.constant 1 : i32
      %dma_start3A_454 = arith.constant 1 : i32
      %dma_start3A_455 = arith.constant 1 : i32
      %dma_start3A_456 = arith.constant 0 : i32
      %dma_start3A_457 = arith.constant 0 : i32
      %dma_start3A_458 = tpu.memref_slice %arg10[%dma_start3A_453, %dma_start3A_456, %dma_start3A_457] : memref<5x40x128xf32, #tpu.memory_space<vmem>> -> memref<1x40x128xf32, #tpu.memory_space<vmem>>
      %dma_start3A_459 = tpu.memref_squeeze %dma_start3A_458 : memref<1x40x128xf32, #tpu.memory_space<vmem>> -> memref<40x128xf32, #tpu.memory_space<vmem>>
      %dma_start3A_460 = arith.constant 0 : i32
      %dma_start3A_461 = tpu.memref_slice %arg8[%dma_start3A_454, %dma_start3A_460] : memref<5x40xi32, #tpu.memory_space<vmem>> -> memref<1x40xi32, #tpu.memory_space<vmem>>
      %dma_start3A_462 = tpu.memref_squeeze %dma_start3A_461 : memref<1x40xi32, #tpu.memory_space<vmem>> -> memref<40xi32, #tpu.memory_space<vmem>>
      %dma_start3A_463 = arith.constant 0 : i32
      %dma_start3A_464 = arith.constant 0 : i32
      %dma_start3A_465 = tpu.memref_slice %arg13[%dma_start3A_463, %dma_start3A_464] : memref<10000x128xf32, #tpu.memory_space<vmem_shared>> -> memref<10000x128xf32, #tpu.memory_space<vmem_shared>>
      %dma_start3A_466 = tpu.memref_slice %arg16[%dma_start3A_455] : memref<5x!tpu.dma_semaphore, #tpu.memory_space<semaphore_mem>> -> memref<1x!tpu.dma_semaphore, #tpu.memory_space<semaphore_mem>>
      %dma_start3A_467 = tpu.memref_squeeze %dma_start3A_466 : memref<1x!tpu.dma_semaphore, #tpu.memory_space<semaphore_mem>> -> memref<!tpu.dma_semaphore, #tpu.memory_space<semaphore_mem>>
      tpu.enqueue_indirect_dma source(%dma_start3A_459 : memref<40x128xf32, #tpu.memory_space<vmem>>) target(%dma_start3A_465 : memref<10000x128xf32, #tpu.memory_space<vmem_shared>>) offsets(%dma_start3A_462 : memref<40xi32, #tpu.memory_space<vmem>>) semaphore(%dma_start3A_467 : memref<!tpu.dma_semaphore, #tpu.memory_space<semaphore_mem>>) {add = true}
      %dma_start3A_468 = arith.constant 1 : i32
      %dma_start3A_469 = arith.constant 1 : i32
      %dma_start3A_470 = arith.constant 0 : i32
      %dma_start3A_471 = tpu.memref_slice %arg8[%dma_start3A_468, %dma_start3A_470] : memref<5x40xi32, #tpu.memory_space<vmem>> -> memref<1x40xi32, #tpu.memory_space<vmem>>
      %dma_start3A_472 = tpu.memref_squeeze %dma_start3A_471 : memref<1x40xi32, #tpu.memory_space<vmem>> -> memref<40xi32, #tpu.memory_space<vmem>>
      %dma_start3A_473 = arith.constant 0 : i32
      %dma_start3A_474 = tpu.memref_slice %arg14[%dma_start3A_473] : memref<10000xf32, #tpu.memory_space<vmem_shared>> -> memref<10000xf32, #tpu.memory_space<vmem_shared>>
      %dma_start3A_475 = tpu.memref_slice %arg17[%dma_start3A_469] : memref<5x!tpu.dma_semaphore, #tpu.memory_space<semaphore_mem>> -> memref<1x!tpu.dma_semaphore, #tpu.memory_space<semaphore_mem>>
      %dma_start3A_476 = tpu.memref_squeeze %dma_start3A_475 : memref<1x!tpu.dma_semaphore, #tpu.memory_space<semaphore_mem>> -> memref<!tpu.dma_semaphore, #tpu.memory_space<semaphore_mem>>
      tpu.enqueue_indirect_dma source(%arg11 : memref<40xf32, #tpu.memory_space<vmem>>) target(%dma_start3A_474 : memref<10000xf32, #tpu.memory_space<vmem_shared>>) offsets(%dma_start3A_472 : memref<40xi32, #tpu.memory_space<vmem>>) semaphore(%dma_start3A_476 : memref<!tpu.dma_semaphore, #tpu.memory_space<semaphore_mem>>) {add = true}
      %mul3A_477 = arith.constant 5 : i32
      %mul3A_478 = arith.muli %scan3A_349, %mul3A_477 : i32
      %add3A_479 = arith.constant 2 : i32
      %add3A_480 = arith.addi %mul3A_478, %add3A_479 : i32
      %ge3A_481 = arith.constant 2 : i32
      %ge3A_482 = arith.cmpi sge, %add3A_480, %ge3A_481 : i32
      %convert_element_type3A_483 = arith.extui %ge3A_482 : i1 to i32
      %cond3A_484 = arith.constant 0 : i32
      %cond3A_485 = arith.cmpi ne, %convert_element_type3A_483, %cond3A_484 : i32
      scf.if %cond3A_485 {
        %dma_wait3A_675 = arith.constant 0 : i32
        %dma_wait3A_676 = arith.constant 0 : i32
        %dma_wait3A_677 = arith.constant 0 : i32
        %dma_wait3A_678 = arith.constant 0 : i32
        %dma_wait3A_679 = arith.constant 0 : i32
        %dma_wait3A_680 = tpu.memref_slice %arg10[%dma_wait3A_675, %dma_wait3A_678, %dma_wait3A_679] : memref<5x40x128xf32, #tpu.memory_space<vmem>> -> memref<1x40x128xf32, #tpu.memory_space<vmem>>
        %dma_wait3A_681 = tpu.memref_squeeze %dma_wait3A_680 : memref<1x40x128xf32, #tpu.memory_space<vmem>> -> memref<40x128xf32, #tpu.memory_space<vmem>>
        %dma_wait3A_682 = arith.constant 0 : i32
        %dma_wait3A_683 = tpu.memref_slice %arg8[%dma_wait3A_676, %dma_wait3A_682] : memref<5x40xi32, #tpu.memory_space<vmem>> -> memref<1x40xi32, #tpu.memory_space<vmem>>
        %dma_wait3A_684 = tpu.memref_squeeze %dma_wait3A_683 : memref<1x40xi32, #tpu.memory_space<vmem>> -> memref<40xi32, #tpu.memory_space<vmem>>
        %dma_wait3A_685 = arith.constant 0 : i32
        %dma_wait3A_686 = arith.constant 0 : i32
        %dma_wait3A_687 = tpu.memref_slice %arg13[%dma_wait3A_685, %dma_wait3A_686] : memref<10000x128xf32, #tpu.memory_space<vmem_shared>> -> memref<10000x128xf32, #tpu.memory_space<vmem_shared>>
        %dma_wait3A_688 = tpu.memref_slice %arg16[%dma_wait3A_677] : memref<5x!tpu.dma_semaphore, #tpu.memory_space<semaphore_mem>> -> memref<1x!tpu.dma_semaphore, #tpu.memory_space<semaphore_mem>>
        %dma_wait3A_689 = tpu.memref_squeeze %dma_wait3A_688 : memref<1x!tpu.dma_semaphore, #tpu.memory_space<semaphore_mem>> -> memref<!tpu.dma_semaphore, #tpu.memory_space<semaphore_mem>>
        tpu.wait_indirect_dma semaphore(%dma_wait3A_689 : memref<!tpu.dma_semaphore, #tpu.memory_space<semaphore_mem>>) src(%dma_wait3A_681 : memref<40x128xf32, #tpu.memory_space<vmem>>) dst(%dma_wait3A_687 : memref<10000x128xf32, #tpu.memory_space<vmem_shared>>)
        %dma_wait3A_690 = arith.constant 0 : i32
        %dma_wait3A_691 = arith.constant 0 : i32
        %dma_wait3A_692 = arith.constant 0 : i32
        %dma_wait3A_693 = tpu.memref_slice %arg8[%dma_wait3A_690, %dma_wait3A_692] : memref<5x40xi32, #tpu.memory_space<vmem>> -> memref<1x40xi32, #tpu.memory_space<vmem>>
        %dma_wait3A_694 = tpu.memref_squeeze %dma_wait3A_693 : memref<1x40xi32, #tpu.memory_space<vmem>> -> memref<40xi32, #tpu.memory_space<vmem>>
        %dma_wait3A_695 = arith.constant 0 : i32
        %dma_wait3A_696 = tpu.memref_slice %arg14[%dma_wait3A_695] : memref<10000xf32, #tpu.memory_space<vmem_shared>> -> memref<10000xf32, #tpu.memory_space<vmem_shared>>
        %dma_wait3A_697 = tpu.memref_slice %arg17[%dma_wait3A_691] : memref<5x!tpu.dma_semaphore, #tpu.memory_space<semaphore_mem>> -> memref<1x!tpu.dma_semaphore, #tpu.memory_space<semaphore_mem>>
        %dma_wait3A_698 = tpu.memref_squeeze %dma_wait3A_697 : memref<1x!tpu.dma_semaphore, #tpu.memory_space<semaphore_mem>> -> memref<!tpu.dma_semaphore, #tpu.memory_space<semaphore_mem>>
        tpu.wait_indirect_dma semaphore(%dma_wait3A_698 : memref<!tpu.dma_semaphore, #tpu.memory_space<semaphore_mem>>) src(%arg11 : memref<40xf32, #tpu.memory_space<vmem>>) dst(%dma_wait3A_696 : memref<10000xf32, #tpu.memory_space<vmem_shared>>)
      } else {
      }
      %add3A_486 = arith.constant 3 : i32
      %add3A_487 = arith.addi %add3A_480, %add3A_486 : i32
      %lt3A_488 = arith.constant 250 : i32
      %lt3A_489 = arith.cmpi slt, %add3A_487, %lt3A_488 : i32
      %convert_element_type3A_490 = arith.extui %lt3A_489 : i1 to i32
      %cond3A_491 = arith.constant 0 : i32
      %cond3A_492 = arith.cmpi ne, %convert_element_type3A_490, %cond3A_491 : i32
      scf.if %cond3A_492 {
        %add3A_675 = arith.constant 3 : i32
        %add3A_676 = arith.addi %add3A_480, %add3A_675 : i32
        %mul3A_677 = arith.constant 40 : i32
        %mul3A_678 = arith.muli %add3A_676, %mul3A_677 : i32
        %add3A_679 = arith.addi %mul3A_2, %mul3A_678 : i32
        %add3A_680 = arith.constant 320000 : i32
        %add3A_681 = arith.addi %add3A_680, %add3A_679 : i32
        %dma_start3A_682 = arith.constant 0 : i32
        %dma_start3A_683 = arith.constant 0 : i32
        %dma_start3A_684 = arith.constant 0 : i32
        %dma_start3A_685 = tpu.memref_slice %arg7[%dma_start3A_682, %dma_start3A_684] : memref<5x40xi32, #tpu.memory_space<vmem>> -> memref<1x40xi32, #tpu.memory_space<vmem>>
        %dma_start3A_686 = tpu.memref_squeeze %dma_start3A_685 : memref<1x40xi32, #tpu.memory_space<vmem>> -> memref<40xi32, #tpu.memory_space<vmem>>
        %dma_start3A_687 = tpu.memref_slice %arg3[%add3A_681] : memref<640000xi32, #tpu.memory_space<hbm>> -> memref<40xi32, #tpu.memory_space<hbm>>
        %dma_start3A_688 = tpu.memref_slice %arg18[%dma_start3A_683] : memref<5x!tpu.dma_semaphore, #tpu.memory_space<semaphore_mem>> -> memref<1x!tpu.dma_semaphore, #tpu.memory_space<semaphore_mem>>
        %dma_start3A_689 = tpu.memref_squeeze %dma_start3A_688 : memref<1x!tpu.dma_semaphore, #tpu.memory_space<semaphore_mem>> -> memref<!tpu.dma_semaphore, #tpu.memory_space<semaphore_mem>>
        %dma_start3A_690 = arith.constant 0 : i32
        %dma_start3A_691 = tpu.memref_slice %arg7[%dma_start3A_682, %dma_start3A_690] : memref<5x40xi32, #tpu.memory_space<vmem>> -> memref<1x40xi32, #tpu.memory_space<vmem>>
        %dma_start3A_692 = tpu.memref_squeeze %dma_start3A_691 : memref<1x40xi32, #tpu.memory_space<vmem>> -> memref<40xi32, #tpu.memory_space<vmem>>
        %dma_start3A_693 = tpu.memref_slice %arg3[%add3A_681] : memref<640000xi32, #tpu.memory_space<hbm>> -> memref<40xi32, #tpu.memory_space<hbm>>
        tpu.enqueue_dma source(%dma_start3A_693 : memref<40xi32, #tpu.memory_space<hbm>>) target(%dma_start3A_692 : memref<40xi32, #tpu.memory_space<vmem>>) target_semaphore(%dma_start3A_689 : memref<!tpu.dma_semaphore, #tpu.memory_space<semaphore_mem>>)
        %dma_start3A_694 = arith.constant 0 : i32
        %dma_start3A_695 = arith.constant 0 : i32
        %dma_start3A_696 = arith.constant 0 : i32
        %dma_start3A_697 = tpu.memref_slice %arg8[%dma_start3A_694, %dma_start3A_696] : memref<5x40xi32, #tpu.memory_space<vmem>> -> memref<1x40xi32, #tpu.memory_space<vmem>>
        %dma_start3A_698 = tpu.memref_squeeze %dma_start3A_697 : memref<1x40xi32, #tpu.memory_space<vmem>> -> memref<40xi32, #tpu.memory_space<vmem>>
        %dma_start3A_699 = tpu.memref_slice %arg3[%add3A_679] : memref<640000xi32, #tpu.memory_space<hbm>> -> memref<40xi32, #tpu.memory_space<hbm>>
        %dma_start3A_700 = tpu.memref_slice %arg19[%dma_start3A_695] : memref<5x!tpu.dma_semaphore, #tpu.memory_space<semaphore_mem>> -> memref<1x!tpu.dma_semaphore, #tpu.memory_space<semaphore_mem>>
        %dma_start3A_701 = tpu.memref_squeeze %dma_start3A_700 : memref<1x!tpu.dma_semaphore, #tpu.memory_space<semaphore_mem>> -> memref<!tpu.dma_semaphore, #tpu.memory_space<semaphore_mem>>
        %dma_start3A_702 = arith.constant 0 : i32
        %dma_start3A_703 = tpu.memref_slice %arg8[%dma_start3A_694, %dma_start3A_702] : memref<5x40xi32, #tpu.memory_space<vmem>> -> memref<1x40xi32, #tpu.memory_space<vmem>>
        %dma_start3A_704 = tpu.memref_squeeze %dma_start3A_703 : memref<1x40xi32, #tpu.memory_space<vmem>> -> memref<40xi32, #tpu.memory_space<vmem>>
        %dma_start3A_705 = tpu.memref_slice %arg3[%add3A_679] : memref<640000xi32, #tpu.memory_space<hbm>> -> memref<40xi32, #tpu.memory_space<hbm>>
        tpu.enqueue_dma source(%dma_start3A_705 : memref<40xi32, #tpu.memory_space<hbm>>) target(%dma_start3A_704 : memref<40xi32, #tpu.memory_space<vmem>>) target_semaphore(%dma_start3A_701 : memref<!tpu.dma_semaphore, #tpu.memory_space<semaphore_mem>>)
        %dma_start3A_706 = arith.constant 0 : i32
        %dma_start3A_707 = arith.constant 0 : i32
        %dma_start3A_708 = arith.constant 0 : i32
        %dma_start3A_709 = tpu.memref_slice %arg9[%dma_start3A_706, %dma_start3A_708] : memref<5x40xf32, #tpu.memory_space<vmem>> -> memref<1x40xf32, #tpu.memory_space<vmem>>
        %dma_start3A_710 = tpu.memref_squeeze %dma_start3A_709 : memref<1x40xf32, #tpu.memory_space<vmem>> -> memref<40xf32, #tpu.memory_space<vmem>>
        %dma_start3A_711 = tpu.memref_slice %arg4[%add3A_679] : memref<320000xf32, #tpu.memory_space<hbm>> -> memref<40xf32, #tpu.memory_space<hbm>>
        %dma_start3A_712 = tpu.memref_slice %arg20[%dma_start3A_707] : memref<5x!tpu.dma_semaphore, #tpu.memory_space<semaphore_mem>> -> memref<1x!tpu.dma_semaphore, #tpu.memory_space<semaphore_mem>>
        %dma_start3A_713 = tpu.memref_squeeze %dma_start3A_712 : memref<1x!tpu.dma_semaphore, #tpu.memory_space<semaphore_mem>> -> memref<!tpu.dma_semaphore, #tpu.memory_space<semaphore_mem>>
        %dma_start3A_714 = arith.constant 0 : i32
        %dma_start3A_715 = tpu.memref_slice %arg9[%dma_start3A_706, %dma_start3A_714] : memref<5x40xf32, #tpu.memory_space<vmem>> -> memref<1x40xf32, #tpu.memory_space<vmem>>
        %dma_start3A_716 = tpu.memref_squeeze %dma_start3A_715 : memref<1x40xf32, #tpu.memory_space<vmem>> -> memref<40xf32, #tpu.memory_space<vmem>>
        %dma_start3A_717 = tpu.memref_slice %arg4[%add3A_679] : memref<320000xf32, #tpu.memory_space<hbm>> -> memref<40xf32, #tpu.memory_space<hbm>>
        tpu.enqueue_dma source(%dma_start3A_717 : memref<40xf32, #tpu.memory_space<hbm>>) target(%dma_start3A_716 : memref<40xf32, #tpu.memory_space<vmem>>) target_semaphore(%dma_start3A_713 : memref<!tpu.dma_semaphore, #tpu.memory_space<semaphore_mem>>)
      } else {
      }
      %add3A_493 = arith.constant 2 : i32
      %add3A_494 = arith.addi %add3A_480, %add3A_493 : i32
      %lt3A_495 = arith.constant 250 : i32
      %lt3A_496 = arith.cmpi slt, %add3A_494, %lt3A_495 : i32
      %convert_element_type3A_497 = arith.extui %lt3A_496 : i1 to i32
      %cond3A_498 = arith.constant 0 : i32
      %cond3A_499 = arith.cmpi ne, %convert_element_type3A_497, %cond3A_498 : i32
      scf.if %cond3A_499 {
        %dma_wait3A_675 = arith.constant 4 : i32
        %dma_wait3A_676 = arith.constant 4 : i32
        %dma_wait3A_677 = arith.constant 0 : i32
        %dma_wait3A_678 = tpu.memref_slice %arg7[%dma_wait3A_675, %dma_wait3A_677] : memref<5x40xi32, #tpu.memory_space<vmem>> -> memref<1x40xi32, #tpu.memory_space<vmem>>
        %dma_wait3A_679 = tpu.memref_squeeze %dma_wait3A_678 : memref<1x40xi32, #tpu.memory_space<vmem>> -> memref<40xi32, #tpu.memory_space<vmem>>
        %dma_wait3A_680 = arith.constant 0 : i32
        %dma_wait3A_681 = tpu.memref_slice %arg3[%dma_wait3A_680] : memref<640000xi32, #tpu.memory_space<hbm>> -> memref<40xi32, #tpu.memory_space<hbm>>
        %dma_wait3A_682 = tpu.memref_slice %arg18[%dma_wait3A_676] : memref<5x!tpu.dma_semaphore, #tpu.memory_space<semaphore_mem>> -> memref<1x!tpu.dma_semaphore, #tpu.memory_space<semaphore_mem>>
        %dma_wait3A_683 = tpu.memref_squeeze %dma_wait3A_682 : memref<1x!tpu.dma_semaphore, #tpu.memory_space<semaphore_mem>> -> memref<!tpu.dma_semaphore, #tpu.memory_space<semaphore_mem>>
        %dma_wait3A_684 = arith.constant 0 : i32
        %dma_wait3A_685 = tpu.memref_slice %arg7[%dma_wait3A_675, %dma_wait3A_684] : memref<5x40xi32, #tpu.memory_space<vmem>> -> memref<1x40xi32, #tpu.memory_space<vmem>>
        %dma_wait3A_686 = tpu.memref_squeeze %dma_wait3A_685 : memref<1x40xi32, #tpu.memory_space<vmem>> -> memref<40xi32, #tpu.memory_space<vmem>>
        %dma_wait3A_687 = arith.constant 0 : i32
        %dma_wait3A_688 = tpu.memref_slice %arg3[%dma_wait3A_687] : memref<640000xi32, #tpu.memory_space<hbm>> -> memref<40xi32, #tpu.memory_space<hbm>>
        tpu.wait_dma2 semaphore(%dma_wait3A_683 : memref<!tpu.dma_semaphore, #tpu.memory_space<semaphore_mem>>) src(%dma_wait3A_688 : memref<40xi32, #tpu.memory_space<hbm>>) dst(%dma_wait3A_686 : memref<40xi32, #tpu.memory_space<vmem>>)
        %dma_wait3A_689 = arith.constant 4 : i32
        %dma_wait3A_690 = arith.constant 4 : i32
        %dma_wait3A_691 = arith.constant 0 : i32
        %dma_wait3A_692 = tpu.memref_slice %arg8[%dma_wait3A_689, %dma_wait3A_691] : memref<5x40xi32, #tpu.memory_space<vmem>> -> memref<1x40xi32, #tpu.memory_space<vmem>>
        %dma_wait3A_693 = tpu.memref_squeeze %dma_wait3A_692 : memref<1x40xi32, #tpu.memory_space<vmem>> -> memref<40xi32, #tpu.memory_space<vmem>>
        %dma_wait3A_694 = arith.constant 0 : i32
        %dma_wait3A_695 = tpu.memref_slice %arg3[%dma_wait3A_694] : memref<640000xi32, #tpu.memory_space<hbm>> -> memref<40xi32, #tpu.memory_space<hbm>>
        %dma_wait3A_696 = tpu.memref_slice %arg19[%dma_wait3A_690] : memref<5x!tpu.dma_semaphore, #tpu.memory_space<semaphore_mem>> -> memref<1x!tpu.dma_semaphore, #tpu.memory_space<semaphore_mem>>
        %dma_wait3A_697 = tpu.memref_squeeze %dma_wait3A_696 : memref<1x!tpu.dma_semaphore, #tpu.memory_space<semaphore_mem>> -> memref<!tpu.dma_semaphore, #tpu.memory_space<semaphore_mem>>
        %dma_wait3A_698 = arith.constant 0 : i32
        %dma_wait3A_699 = tpu.memref_slice %arg8[%dma_wait3A_689, %dma_wait3A_698] : memref<5x40xi32, #tpu.memory_space<vmem>> -> memref<1x40xi32, #tpu.memory_space<vmem>>
        %dma_wait3A_700 = tpu.memref_squeeze %dma_wait3A_699 : memref<1x40xi32, #tpu.memory_space<vmem>> -> memref<40xi32, #tpu.memory_space<vmem>>
        %dma_wait3A_701 = arith.constant 0 : i32
        %dma_wait3A_702 = tpu.memref_slice %arg3[%dma_wait3A_701] : memref<640000xi32, #tpu.memory_space<hbm>> -> memref<40xi32, #tpu.memory_space<hbm>>
        tpu.wait_dma2 semaphore(%dma_wait3A_697 : memref<!tpu.dma_semaphore, #tpu.memory_space<semaphore_mem>>) src(%dma_wait3A_702 : memref<40xi32, #tpu.memory_space<hbm>>) dst(%dma_wait3A_700 : memref<40xi32, #tpu.memory_space<vmem>>)
        %dma_wait3A_703 = arith.constant 4 : i32
        %dma_wait3A_704 = arith.constant 4 : i32
        %dma_wait3A_705 = arith.constant 0 : i32
        %dma_wait3A_706 = tpu.memref_slice %arg9[%dma_wait3A_703, %dma_wait3A_705] : memref<5x40xf32, #tpu.memory_space<vmem>> -> memref<1x40xf32, #tpu.memory_space<vmem>>
        %dma_wait3A_707 = tpu.memref_squeeze %dma_wait3A_706 : memref<1x40xf32, #tpu.memory_space<vmem>> -> memref<40xf32, #tpu.memory_space<vmem>>
        %dma_wait3A_708 = arith.constant 0 : i32
        %dma_wait3A_709 = tpu.memref_slice %arg4[%dma_wait3A_708] : memref<320000xf32, #tpu.memory_space<hbm>> -> memref<40xf32, #tpu.memory_space<hbm>>
        %dma_wait3A_710 = tpu.memref_slice %arg20[%dma_wait3A_704] : memref<5x!tpu.dma_semaphore, #tpu.memory_space<semaphore_mem>> -> memref<1x!tpu.dma_semaphore, #tpu.memory_space<semaphore_mem>>
        %dma_wait3A_711 = tpu.memref_squeeze %dma_wait3A_710 : memref<1x!tpu.dma_semaphore, #tpu.memory_space<semaphore_mem>> -> memref<!tpu.dma_semaphore, #tpu.memory_space<semaphore_mem>>
        %dma_wait3A_712 = arith.constant 0 : i32
        %dma_wait3A_713 = tpu.memref_slice %arg9[%dma_wait3A_703, %dma_wait3A_712] : memref<5x40xf32, #tpu.memory_space<vmem>> -> memref<1x40xf32, #tpu.memory_space<vmem>>
        %dma_wait3A_714 = tpu.memref_squeeze %dma_wait3A_713 : memref<1x40xf32, #tpu.memory_space<vmem>> -> memref<40xf32, #tpu.memory_space<vmem>>
        %dma_wait3A_715 = arith.constant 0 : i32
        %dma_wait3A_716 = tpu.memref_slice %arg4[%dma_wait3A_715] : memref<320000xf32, #tpu.memory_space<hbm>> -> memref<40xf32, #tpu.memory_space<hbm>>
        tpu.wait_dma2 semaphore(%dma_wait3A_711 : memref<!tpu.dma_semaphore, #tpu.memory_space<semaphore_mem>>) src(%dma_wait3A_716 : memref<40xf32, #tpu.memory_space<hbm>>) dst(%dma_wait3A_714 : memref<40xf32, #tpu.memory_space<vmem>>)
        %add3A_717 = arith.constant 2 : i32
        %add3A_718 = arith.addi %add3A_480, %add3A_717 : i32
        %dma_start3A_719 = arith.constant 4 : i32
        %dma_start3A_720 = arith.constant 4 : i32
        %dma_start3A_721 = arith.constant 4 : i32
        %dma_start3A_722 = arith.constant 0 : i32
        %dma_start3A_723 = arith.constant 0 : i32
        %dma_start3A_724 = tpu.memref_slice %arg10[%dma_start3A_720, %dma_start3A_722, %dma_start3A_723] : memref<5x40x128xf32, #tpu.memory_space<vmem>> -> memref<1x40x128xf32, #tpu.memory_space<vmem>>
        %dma_start3A_725 = tpu.memref_squeeze %dma_start3A_724 : memref<1x40x128xf32, #tpu.memory_space<vmem>> -> memref<40x128xf32, #tpu.memory_space<vmem>>
        %dma_start3A_726 = arith.constant 0 : i32
        %dma_start3A_727 = tpu.memref_slice %arg7[%dma_start3A_719, %dma_start3A_726] : memref<5x40xi32, #tpu.memory_space<vmem>> -> memref<1x40xi32, #tpu.memory_space<vmem>>
        %dma_start3A_728 = tpu.memref_squeeze %dma_start3A_727 : memref<1x40xi32, #tpu.memory_space<vmem>> -> memref<40xi32, #tpu.memory_space<vmem>>
        %dma_start3A_729 = arith.constant 0 : i32
        %dma_start3A_730 = arith.constant 0 : i32
        %dma_start3A_731 = tpu.memref_slice %arg2[%dma_start3A_729, %dma_start3A_730] : memref<10000x128xf32, #tpu.memory_space<hbm>> -> memref<10000x128xf32, #tpu.memory_space<hbm>>
        %dma_start3A_732 = tpu.memref_slice %arg15[%dma_start3A_721] : memref<5x!tpu.dma_semaphore, #tpu.memory_space<semaphore_mem>> -> memref<1x!tpu.dma_semaphore, #tpu.memory_space<semaphore_mem>>
        %dma_start3A_733 = tpu.memref_squeeze %dma_start3A_732 : memref<1x!tpu.dma_semaphore, #tpu.memory_space<semaphore_mem>> -> memref<!tpu.dma_semaphore, #tpu.memory_space<semaphore_mem>>
        tpu.enqueue_indirect_dma source(%dma_start3A_731 : memref<10000x128xf32, #tpu.memory_space<hbm>>) target(%dma_start3A_725 : memref<40x128xf32, #tpu.memory_space<vmem>>) offsets(%dma_start3A_728 : memref<40xi32, #tpu.memory_space<vmem>>) semaphore(%dma_start3A_733 : memref<!tpu.dma_semaphore, #tpu.memory_space<semaphore_mem>>)
      } else {
      }
      %dma_wait3A_500 = arith.constant 2 : i32
      %dma_wait3A_501 = arith.constant 2 : i32
      %dma_wait3A_502 = arith.constant 2 : i32
      %dma_wait3A_503 = arith.constant 0 : i32
      %dma_wait3A_504 = arith.constant 0 : i32
      %dma_wait3A_505 = tpu.memref_slice %arg10[%dma_wait3A_501, %dma_wait3A_503, %dma_wait3A_504] : memref<5x40x128xf32, #tpu.memory_space<vmem>> -> memref<1x40x128xf32, #tpu.memory_space<vmem>>
      %dma_wait3A_506 = tpu.memref_squeeze %dma_wait3A_505 : memref<1x40x128xf32, #tpu.memory_space<vmem>> -> memref<40x128xf32, #tpu.memory_space<vmem>>
      %dma_wait3A_507 = arith.constant 0 : i32
      %dma_wait3A_508 = tpu.memref_slice %arg7[%dma_wait3A_500, %dma_wait3A_507] : memref<5x40xi32, #tpu.memory_space<vmem>> -> memref<1x40xi32, #tpu.memory_space<vmem>>
      %dma_wait3A_509 = tpu.memref_squeeze %dma_wait3A_508 : memref<1x40xi32, #tpu.memory_space<vmem>> -> memref<40xi32, #tpu.memory_space<vmem>>
      %dma_wait3A_510 = arith.constant 0 : i32
      %dma_wait3A_511 = arith.constant 0 : i32
      %dma_wait3A_512 = tpu.memref_slice %arg2[%dma_wait3A_510, %dma_wait3A_511] : memref<10000x128xf32, #tpu.memory_space<hbm>> -> memref<10000x128xf32, #tpu.memory_space<hbm>>
      %dma_wait3A_513 = tpu.memref_slice %arg15[%dma_wait3A_502] : memref<5x!tpu.dma_semaphore, #tpu.memory_space<semaphore_mem>> -> memref<1x!tpu.dma_semaphore, #tpu.memory_space<semaphore_mem>>
      %dma_wait3A_514 = tpu.memref_squeeze %dma_wait3A_513 : memref<1x!tpu.dma_semaphore, #tpu.memory_space<semaphore_mem>> -> memref<!tpu.dma_semaphore, #tpu.memory_space<semaphore_mem>>
      tpu.wait_indirect_dma semaphore(%dma_wait3A_514 : memref<!tpu.dma_semaphore, #tpu.memory_space<semaphore_mem>>) src(%dma_wait3A_512 : memref<10000x128xf32, #tpu.memory_space<hbm>>) dst(%dma_wait3A_506 : memref<40x128xf32, #tpu.memory_space<vmem>>)
      %parallel_loop3A_515 = arith.constant 0 : i32
      %parallel_loop3A_516 = arith.constant 40 : i32
      %parallel_loop3A_517 = arith.constant 1 : i32
      %parallel_loop3A_518 = arith.constant 2 : i32
      scf.for %parallel_loop3A_675 = %parallel_loop3A_515 to %parallel_loop3A_516 step %parallel_loop3A_517  : i32 {
        %parallel_loop3A_676 = arith.constant 0 : i32
        %parallel_loop3A_677 = vector.broadcast %parallel_loop3A_676 : i32 to vector<16xi32>
        %parallel_loop3A_678 = vector.broadcast %parallel_loop3A_675 : i32 to vector<16xi32>
        %parallel_loop3A_679 = arith.addi %parallel_loop3A_677, %parallel_loop3A_678 : vector<16xi32>
        %parallel_loop3A_680 = arith.constant 0 : i32
        %parallel_loop3A_681 = tpu.memref_slice %arg9[%parallel_loop3A_518, %parallel_loop3A_680] : memref<5x40xf32, #tpu.memory_space<vmem>> -> memref<1x40xf32, #tpu.memory_space<vmem>>
        %parallel_loop3A_682 = tpu.memref_squeeze %parallel_loop3A_681 : memref<1x40xf32, #tpu.memory_space<vmem>> -> memref<40xf32, #tpu.memory_space<vmem>>
        %parallel_loop3A_683 = tpu.vector_load_idx %parallel_loop3A_682[%parallel_loop3A_679] : memref<40xf32, #tpu.memory_space<vmem>>[vector<16xi32>], vector<16xf32>,
        %parallel_loop3A_684 = arith.constant 2 : i32
        %parallel_loop3A_685 = arith.index_cast %parallel_loop3A_684 : i32 to index
        %parallel_loop3A_686 = arith.index_cast %parallel_loop3A_675 : i32 to index
        %parallel_loop3A_687 = arith.constant 0 : index
        %parallel_loop3A_688 = tpu.vector_load %arg10[%parallel_loop3A_685, %parallel_loop3A_686, %parallel_loop3A_687] {strides = array<i32>} : memref<5x40x128xf32, #tpu.memory_space<vmem>>, vector<16xf32>,
        %parallel_loop3A_689 = arith.mulf %parallel_loop3A_688, %parallel_loop3A_683 : vector<16xf32>
        %parallel_loop3A_690 = arith.constant 2 : i32
        %parallel_loop3A_691 = arith.index_cast %parallel_loop3A_690 : i32 to index
        %parallel_loop3A_692 = arith.index_cast %parallel_loop3A_675 : i32 to index
        %parallel_loop3A_693 = arith.constant 0 : index
        %parallel_loop3A_694 = tpu.vector_load %arg10[%parallel_loop3A_691, %parallel_loop3A_692, %parallel_loop3A_693] {strides = array<i32>} : memref<5x40x128xf32, #tpu.memory_space<vmem>>, vector<16xf32>,
        tpu.vector_store %arg10[%parallel_loop3A_691, %parallel_loop3A_692, %parallel_loop3A_693], %parallel_loop3A_689 {strides = array<i32>} : memref<5x40x128xf32, #tpu.memory_space<vmem>>, vector<16xf32>,
        %parallel_loop3A_695 = arith.constant 2 : i32
        %parallel_loop3A_696 = arith.index_cast %parallel_loop3A_695 : i32 to index
        %parallel_loop3A_697 = arith.index_cast %parallel_loop3A_675 : i32 to index
        %parallel_loop3A_698 = arith.constant 16 : index
        %parallel_loop3A_699 = tpu.vector_load %arg10[%parallel_loop3A_696, %parallel_loop3A_697, %parallel_loop3A_698] {strides = array<i32>} : memref<5x40x128xf32, #tpu.memory_space<vmem>>, vector<16xf32>,
        %parallel_loop3A_700 = arith.mulf %parallel_loop3A_699, %parallel_loop3A_683 : vector<16xf32>
        %parallel_loop3A_701 = arith.constant 2 : i32
        %parallel_loop3A_702 = arith.index_cast %parallel_loop3A_701 : i32 to index
        %parallel_loop3A_703 = arith.index_cast %parallel_loop3A_675 : i32 to index
        %parallel_loop3A_704 = arith.constant 16 : index
        %parallel_loop3A_705 = tpu.vector_load %arg10[%parallel_loop3A_702, %parallel_loop3A_703, %parallel_loop3A_704] {strides = array<i32>} : memref<5x40x128xf32, #tpu.memory_space<vmem>>, vector<16xf32>,
        tpu.vector_store %arg10[%parallel_loop3A_702, %parallel_loop3A_703, %parallel_loop3A_704], %parallel_loop3A_700 {strides = array<i32>} : memref<5x40x128xf32, #tpu.memory_space<vmem>>, vector<16xf32>,
        %parallel_loop3A_706 = arith.constant 2 : i32
        %parallel_loop3A_707 = arith.index_cast %parallel_loop3A_706 : i32 to index
        %parallel_loop3A_708 = arith.index_cast %parallel_loop3A_675 : i32 to index
        %parallel_loop3A_709 = arith.constant 32 : index
        %parallel_loop3A_710 = tpu.vector_load %arg10[%parallel_loop3A_707, %parallel_loop3A_708, %parallel_loop3A_709] {strides = array<i32>} : memref<5x40x128xf32, #tpu.memory_space<vmem>>, vector<16xf32>,
        %parallel_loop3A_711 = arith.mulf %parallel_loop3A_710, %parallel_loop3A_683 : vector<16xf32>
        %parallel_loop3A_712 = arith.constant 2 : i32
        %parallel_loop3A_713 = arith.index_cast %parallel_loop3A_712 : i32 to index
        %parallel_loop3A_714 = arith.index_cast %parallel_loop3A_675 : i32 to index
        %parallel_loop3A_715 = arith.constant 32 : index
        %parallel_loop3A_716 = tpu.vector_load %arg10[%parallel_loop3A_713, %parallel_loop3A_714, %parallel_loop3A_715] {strides = array<i32>} : memref<5x40x128xf32, #tpu.memory_space<vmem>>, vector<16xf32>,
        tpu.vector_store %arg10[%parallel_loop3A_713, %parallel_loop3A_714, %parallel_loop3A_715], %parallel_loop3A_711 {strides = array<i32>} : memref<5x40x128xf32, #tpu.memory_space<vmem>>, vector<16xf32>,
        %parallel_loop3A_717 = arith.constant 2 : i32
        %parallel_loop3A_718 = arith.index_cast %parallel_loop3A_717 : i32 to index
        %parallel_loop3A_719 = arith.index_cast %parallel_loop3A_675 : i32 to index
        %parallel_loop3A_720 = arith.constant 48 : index
        %parallel_loop3A_721 = tpu.vector_load %arg10[%parallel_loop3A_718, %parallel_loop3A_719, %parallel_loop3A_720] {strides = array<i32>} : memref<5x40x128xf32, #tpu.memory_space<vmem>>, vector<16xf32>,
        %parallel_loop3A_722 = arith.mulf %parallel_loop3A_721, %parallel_loop3A_683 : vector<16xf32>
        %parallel_loop3A_723 = arith.constant 2 : i32
        %parallel_loop3A_724 = arith.index_cast %parallel_loop3A_723 : i32 to index
        %parallel_loop3A_725 = arith.index_cast %parallel_loop3A_675 : i32 to index
        %parallel_loop3A_726 = arith.constant 48 : index
        %parallel_loop3A_727 = tpu.vector_load %arg10[%parallel_loop3A_724, %parallel_loop3A_725, %parallel_loop3A_726] {strides = array<i32>} : memref<5x40x128xf32, #tpu.memory_space<vmem>>, vector<16xf32>,
        tpu.vector_store %arg10[%parallel_loop3A_724, %parallel_loop3A_725, %parallel_loop3A_726], %parallel_loop3A_722 {strides = array<i32>} : memref<5x40x128xf32, #tpu.memory_space<vmem>>, vector<16xf32>,
        %parallel_loop3A_728 = arith.constant 2 : i32
        %parallel_loop3A_729 = arith.index_cast %parallel_loop3A_728 : i32 to index
        %parallel_loop3A_730 = arith.index_cast %parallel_loop3A_675 : i32 to index
        %parallel_loop3A_731 = arith.constant 64 : index
        %parallel_loop3A_732 = tpu.vector_load %arg10[%parallel_loop3A_729, %parallel_loop3A_730, %parallel_loop3A_731] {strides = array<i32>} : memref<5x40x128xf32, #tpu.memory_space<vmem>>, vector<16xf32>,
        %parallel_loop3A_733 = arith.mulf %parallel_loop3A_732, %parallel_loop3A_683 : vector<16xf32>
        %parallel_loop3A_734 = arith.constant 2 : i32
        %parallel_loop3A_735 = arith.index_cast %parallel_loop3A_734 : i32 to index
        %parallel_loop3A_736 = arith.index_cast %parallel_loop3A_675 : i32 to index
        %parallel_loop3A_737 = arith.constant 64 : index
        %parallel_loop3A_738 = tpu.vector_load %arg10[%parallel_loop3A_735, %parallel_loop3A_736, %parallel_loop3A_737] {strides = array<i32>} : memref<5x40x128xf32, #tpu.memory_space<vmem>>, vector<16xf32>,
        tpu.vector_store %arg10[%parallel_loop3A_735, %parallel_loop3A_736, %parallel_loop3A_737], %parallel_loop3A_733 {strides = array<i32>} : memref<5x40x128xf32, #tpu.memory_space<vmem>>, vector<16xf32>,
        %parallel_loop3A_739 = arith.constant 2 : i32
        %parallel_loop3A_740 = arith.index_cast %parallel_loop3A_739 : i32 to index
        %parallel_loop3A_741 = arith.index_cast %parallel_loop3A_675 : i32 to index
        %parallel_loop3A_742 = arith.constant 80 : index
        %parallel_loop3A_743 = tpu.vector_load %arg10[%parallel_loop3A_740, %parallel_loop3A_741, %parallel_loop3A_742] {strides = array<i32>} : memref<5x40x128xf32, #tpu.memory_space<vmem>>, vector<16xf32>,
        %parallel_loop3A_744 = arith.mulf %parallel_loop3A_743, %parallel_loop3A_683 : vector<16xf32>
        %parallel_loop3A_745 = arith.constant 2 : i32
        %parallel_loop3A_746 = arith.index_cast %parallel_loop3A_745 : i32 to index
        %parallel_loop3A_747 = arith.index_cast %parallel_loop3A_675 : i32 to index
        %parallel_loop3A_748 = arith.constant 80 : index
        %parallel_loop3A_749 = tpu.vector_load %arg10[%parallel_loop3A_746, %parallel_loop3A_747, %parallel_loop3A_748] {strides = array<i32>} : memref<5x40x128xf32, #tpu.memory_space<vmem>>, vector<16xf32>,
        tpu.vector_store %arg10[%parallel_loop3A_746, %parallel_loop3A_747, %parallel_loop3A_748], %parallel_loop3A_744 {strides = array<i32>} : memref<5x40x128xf32, #tpu.memory_space<vmem>>, vector<16xf32>,
        %parallel_loop3A_750 = arith.constant 2 : i32
        %parallel_loop3A_751 = arith.index_cast %parallel_loop3A_750 : i32 to index
        %parallel_loop3A_752 = arith.index_cast %parallel_loop3A_675 : i32 to index
        %parallel_loop3A_753 = arith.constant 96 : index
        %parallel_loop3A_754 = tpu.vector_load %arg10[%parallel_loop3A_751, %parallel_loop3A_752, %parallel_loop3A_753] {strides = array<i32>} : memref<5x40x128xf32, #tpu.memory_space<vmem>>, vector<16xf32>,
        %parallel_loop3A_755 = arith.mulf %parallel_loop3A_754, %parallel_loop3A_683 : vector<16xf32>
        %parallel_loop3A_756 = arith.constant 2 : i32
        %parallel_loop3A_757 = arith.index_cast %parallel_loop3A_756 : i32 to index
        %parallel_loop3A_758 = arith.index_cast %parallel_loop3A_675 : i32 to index
        %parallel_loop3A_759 = arith.constant 96 : index
        %parallel_loop3A_760 = tpu.vector_load %arg10[%parallel_loop3A_757, %parallel_loop3A_758, %parallel_loop3A_759] {strides = array<i32>} : memref<5x40x128xf32, #tpu.memory_space<vmem>>, vector<16xf32>,
        tpu.vector_store %arg10[%parallel_loop3A_757, %parallel_loop3A_758, %parallel_loop3A_759], %parallel_loop3A_755 {strides = array<i32>} : memref<5x40x128xf32, #tpu.memory_space<vmem>>, vector<16xf32>,
        %parallel_loop3A_761 = arith.constant 2 : i32
        %parallel_loop3A_762 = arith.index_cast %parallel_loop3A_761 : i32 to index
        %parallel_loop3A_763 = arith.index_cast %parallel_loop3A_675 : i32 to index
        %parallel_loop3A_764 = arith.constant 112 : index
        %parallel_loop3A_765 = tpu.vector_load %arg10[%parallel_loop3A_762, %parallel_loop3A_763, %parallel_loop3A_764] {strides = array<i32>} : memref<5x40x128xf32, #tpu.memory_space<vmem>>, vector<16xf32>,
        %parallel_loop3A_766 = arith.mulf %parallel_loop3A_765, %parallel_loop3A_683 : vector<16xf32>
        %parallel_loop3A_767 = arith.constant 2 : i32
        %parallel_loop3A_768 = arith.index_cast %parallel_loop3A_767 : i32 to index
        %parallel_loop3A_769 = arith.index_cast %parallel_loop3A_675 : i32 to index
        %parallel_loop3A_770 = arith.constant 112 : index
        %parallel_loop3A_771 = tpu.vector_load %arg10[%parallel_loop3A_768, %parallel_loop3A_769, %parallel_loop3A_770] {strides = array<i32>} : memref<5x40x128xf32, #tpu.memory_space<vmem>>, vector<16xf32>,
        tpu.vector_store %arg10[%parallel_loop3A_768, %parallel_loop3A_769, %parallel_loop3A_770], %parallel_loop3A_766 {strides = array<i32>} : memref<5x40x128xf32, #tpu.memory_space<vmem>>, vector<16xf32>,
      } {sc.loop_unroll_factor = 4 : i64, sc.parallel_access}
      %dma_start3A_519 = arith.constant 2 : i32
      %dma_start3A_520 = arith.constant 2 : i32
      %dma_start3A_521 = arith.constant 2 : i32
      %dma_start3A_522 = arith.constant 0 : i32
      %dma_start3A_523 = arith.constant 0 : i32
      %dma_start3A_524 = tpu.memref_slice %arg10[%dma_start3A_519, %dma_start3A_522, %dma_start3A_523] : memref<5x40x128xf32, #tpu.memory_space<vmem>> -> memref<1x40x128xf32, #tpu.memory_space<vmem>>
      %dma_start3A_525 = tpu.memref_squeeze %dma_start3A_524 : memref<1x40x128xf32, #tpu.memory_space<vmem>> -> memref<40x128xf32, #tpu.memory_space<vmem>>
      %dma_start3A_526 = arith.constant 0 : i32
      %dma_start3A_527 = tpu.memref_slice %arg8[%dma_start3A_520, %dma_start3A_526] : memref<5x40xi32, #tpu.memory_space<vmem>> -> memref<1x40xi32, #tpu.memory_space<vmem>>
      %dma_start3A_528 = tpu.memref_squeeze %dma_start3A_527 : memref<1x40xi32, #tpu.memory_space<vmem>> -> memref<40xi32, #tpu.memory_space<vmem>>
      %dma_start3A_529 = arith.constant 0 : i32
      %dma_start3A_530 = arith.constant 0 : i32
      %dma_start3A_531 = tpu.memref_slice %arg13[%dma_start3A_529, %dma_start3A_530] : memref<10000x128xf32, #tpu.memory_space<vmem_shared>> -> memref<10000x128xf32, #tpu.memory_space<vmem_shared>>
      %dma_start3A_532 = tpu.memref_slice %arg16[%dma_start3A_521] : memref<5x!tpu.dma_semaphore, #tpu.memory_space<semaphore_mem>> -> memref<1x!tpu.dma_semaphore, #tpu.memory_space<semaphore_mem>>
      %dma_start3A_533 = tpu.memref_squeeze %dma_start3A_532 : memref<1x!tpu.dma_semaphore, #tpu.memory_space<semaphore_mem>> -> memref<!tpu.dma_semaphore, #tpu.memory_space<semaphore_mem>>
      tpu.enqueue_indirect_dma source(%dma_start3A_525 : memref<40x128xf32, #tpu.memory_space<vmem>>) target(%dma_start3A_531 : memref<10000x128xf32, #tpu.memory_space<vmem_shared>>) offsets(%dma_start3A_528 : memref<40xi32, #tpu.memory_space<vmem>>) semaphore(%dma_start3A_533 : memref<!tpu.dma_semaphore, #tpu.memory_space<semaphore_mem>>) {add = true}
      %dma_start3A_534 = arith.constant 2 : i32
      %dma_start3A_535 = arith.constant 2 : i32
      %dma_start3A_536 = arith.constant 0 : i32
      %dma_start3A_537 = tpu.memref_slice %arg8[%dma_start3A_534, %dma_start3A_536] : memref<5x40xi32, #tpu.memory_space<vmem>> -> memref<1x40xi32, #tpu.memory_space<vmem>>
      %dma_start3A_538 = tpu.memref_squeeze %dma_start3A_537 : memref<1x40xi32, #tpu.memory_space<vmem>> -> memref<40xi32, #tpu.memory_space<vmem>>
      %dma_start3A_539 = arith.constant 0 : i32
      %dma_start3A_540 = tpu.memref_slice %arg14[%dma_start3A_539] : memref<10000xf32, #tpu.memory_space<vmem_shared>> -> memref<10000xf32, #tpu.memory_space<vmem_shared>>
      %dma_start3A_541 = tpu.memref_slice %arg17[%dma_start3A_535] : memref<5x!tpu.dma_semaphore, #tpu.memory_space<semaphore_mem>> -> memref<1x!tpu.dma_semaphore, #tpu.memory_space<semaphore_mem>>
      %dma_start3A_542 = tpu.memref_squeeze %dma_start3A_541 : memref<1x!tpu.dma_semaphore, #tpu.memory_space<semaphore_mem>> -> memref<!tpu.dma_semaphore, #tpu.memory_space<semaphore_mem>>
      tpu.enqueue_indirect_dma source(%arg11 : memref<40xf32, #tpu.memory_space<vmem>>) target(%dma_start3A_540 : memref<10000xf32, #tpu.memory_space<vmem_shared>>) offsets(%dma_start3A_538 : memref<40xi32, #tpu.memory_space<vmem>>) semaphore(%dma_start3A_542 : memref<!tpu.dma_semaphore, #tpu.memory_space<semaphore_mem>>) {add = true}
      %mul3A_543 = arith.constant 5 : i32
      %mul3A_544 = arith.muli %scan3A_349, %mul3A_543 : i32
      %add3A_545 = arith.constant 3 : i32
      %add3A_546 = arith.addi %mul3A_544, %add3A_545 : i32
      %ge3A_547 = arith.constant 2 : i32
      %ge3A_548 = arith.cmpi sge, %add3A_546, %ge3A_547 : i32
      %convert_element_type3A_549 = arith.extui %ge3A_548 : i1 to i32
      %cond3A_550 = arith.constant 0 : i32
      %cond3A_551 = arith.cmpi ne, %convert_element_type3A_549, %cond3A_550 : i32
      scf.if %cond3A_551 {
        %dma_wait3A_675 = arith.constant 1 : i32
        %dma_wait3A_676 = arith.constant 1 : i32
        %dma_wait3A_677 = arith.constant 1 : i32
        %dma_wait3A_678 = arith.constant 0 : i32
        %dma_wait3A_679 = arith.constant 0 : i32
        %dma_wait3A_680 = tpu.memref_slice %arg10[%dma_wait3A_675, %dma_wait3A_678, %dma_wait3A_679] : memref<5x40x128xf32, #tpu.memory_space<vmem>> -> memref<1x40x128xf32, #tpu.memory_space<vmem>>
        %dma_wait3A_681 = tpu.memref_squeeze %dma_wait3A_680 : memref<1x40x128xf32, #tpu.memory_space<vmem>> -> memref<40x128xf32, #tpu.memory_space<vmem>>
        %dma_wait3A_682 = arith.constant 0 : i32
        %dma_wait3A_683 = tpu.memref_slice %arg8[%dma_wait3A_676, %dma_wait3A_682] : memref<5x40xi32, #tpu.memory_space<vmem>> -> memref<1x40xi32, #tpu.memory_space<vmem>>
        %dma_wait3A_684 = tpu.memref_squeeze %dma_wait3A_683 : memref<1x40xi32, #tpu.memory_space<vmem>> -> memref<40xi32, #tpu.memory_space<vmem>>
        %dma_wait3A_685 = arith.constant 0 : i32
        %dma_wait3A_686 = arith.constant 0 : i32
        %dma_wait3A_687 = tpu.memref_slice %arg13[%dma_wait3A_685, %dma_wait3A_686] : memref<10000x128xf32, #tpu.memory_space<vmem_shared>> -> memref<10000x128xf32, #tpu.memory_space<vmem_shared>>
        %dma_wait3A_688 = tpu.memref_slice %arg16[%dma_wait3A_677] : memref<5x!tpu.dma_semaphore, #tpu.memory_space<semaphore_mem>> -> memref<1x!tpu.dma_semaphore, #tpu.memory_space<semaphore_mem>>
        %dma_wait3A_689 = tpu.memref_squeeze %dma_wait3A_688 : memref<1x!tpu.dma_semaphore, #tpu.memory_space<semaphore_mem>> -> memref<!tpu.dma_semaphore, #tpu.memory_space<semaphore_mem>>
        tpu.wait_indirect_dma semaphore(%dma_wait3A_689 : memref<!tpu.dma_semaphore, #tpu.memory_space<semaphore_mem>>) src(%dma_wait3A_681 : memref<40x128xf32, #tpu.memory_space<vmem>>) dst(%dma_wait3A_687 : memref<10000x128xf32, #tpu.memory_space<vmem_shared>>)
        %dma_wait3A_690 = arith.constant 1 : i32
        %dma_wait3A_691 = arith.constant 1 : i32
        %dma_wait3A_692 = arith.constant 0 : i32
        %dma_wait3A_693 = tpu.memref_slice %arg8[%dma_wait3A_690, %dma_wait3A_692] : memref<5x40xi32, #tpu.memory_space<vmem>> -> memref<1x40xi32, #tpu.memory_space<vmem>>
        %dma_wait3A_694 = tpu.memref_squeeze %dma_wait3A_693 : memref<1x40xi32, #tpu.memory_space<vmem>> -> memref<40xi32, #tpu.memory_space<vmem>>
        %dma_wait3A_695 = arith.constant 0 : i32
        %dma_wait3A_696 = tpu.memref_slice %arg14[%dma_wait3A_695] : memref<10000xf32, #tpu.memory_space<vmem_shared>> -> memref<10000xf32, #tpu.memory_space<vmem_shared>>
        %dma_wait3A_697 = tpu.memref_slice %arg17[%dma_wait3A_691] : memref<5x!tpu.dma_semaphore, #tpu.memory_space<semaphore_mem>> -> memref<1x!tpu.dma_semaphore, #tpu.memory_space<semaphore_mem>>
        %dma_wait3A_698 = tpu.memref_squeeze %dma_wait3A_697 : memref<1x!tpu.dma_semaphore, #tpu.memory_space<semaphore_mem>> -> memref<!tpu.dma_semaphore, #tpu.memory_space<semaphore_mem>>
        tpu.wait_indirect_dma semaphore(%dma_wait3A_698 : memref<!tpu.dma_semaphore, #tpu.memory_space<semaphore_mem>>) src(%arg11 : memref<40xf32, #tpu.memory_space<vmem>>) dst(%dma_wait3A_696 : memref<10000xf32, #tpu.memory_space<vmem_shared>>)
      } else {
      }
      %add3A_552 = arith.constant 3 : i32
      %add3A_553 = arith.addi %add3A_546, %add3A_552 : i32
      %lt3A_554 = arith.constant 250 : i32
      %lt3A_555 = arith.cmpi slt, %add3A_553, %lt3A_554 : i32
      %convert_element_type3A_556 = arith.extui %lt3A_555 : i1 to i32
      %cond3A_557 = arith.constant 0 : i32
      %cond3A_558 = arith.cmpi ne, %convert_element_type3A_556, %cond3A_557 : i32
      scf.if %cond3A_558 {
        %add3A_675 = arith.constant 3 : i32
        %add3A_676 = arith.addi %add3A_546, %add3A_675 : i32
        %mul3A_677 = arith.constant 40 : i32
        %mul3A_678 = arith.muli %add3A_676, %mul3A_677 : i32
        %add3A_679 = arith.addi %mul3A_2, %mul3A_678 : i32
        %add3A_680 = arith.constant 320000 : i32
        %add3A_681 = arith.addi %add3A_680, %add3A_679 : i32
        %dma_start3A_682 = arith.constant 1 : i32
        %dma_start3A_683 = arith.constant 1 : i32
        %dma_start3A_684 = arith.constant 0 : i32
        %dma_start3A_685 = tpu.memref_slice %arg7[%dma_start3A_682, %dma_start3A_684] : memref<5x40xi32, #tpu.memory_space<vmem>> -> memref<1x40xi32, #tpu.memory_space<vmem>>
        %dma_start3A_686 = tpu.memref_squeeze %dma_start3A_685 : memref<1x40xi32, #tpu.memory_space<vmem>> -> memref<40xi32, #tpu.memory_space<vmem>>
        %dma_start3A_687 = tpu.memref_slice %arg3[%add3A_681] : memref<640000xi32, #tpu.memory_space<hbm>> -> memref<40xi32, #tpu.memory_space<hbm>>
        %dma_start3A_688 = tpu.memref_slice %arg18[%dma_start3A_683] : memref<5x!tpu.dma_semaphore, #tpu.memory_space<semaphore_mem>> -> memref<1x!tpu.dma_semaphore, #tpu.memory_space<semaphore_mem>>
        %dma_start3A_689 = tpu.memref_squeeze %dma_start3A_688 : memref<1x!tpu.dma_semaphore, #tpu.memory_space<semaphore_mem>> -> memref<!tpu.dma_semaphore, #tpu.memory_space<semaphore_mem>>
        %dma_start3A_690 = arith.constant 0 : i32
        %dma_start3A_691 = tpu.memref_slice %arg7[%dma_start3A_682, %dma_start3A_690] : memref<5x40xi32, #tpu.memory_space<vmem>> -> memref<1x40xi32, #tpu.memory_space<vmem>>
        %dma_start3A_692 = tpu.memref_squeeze %dma_start3A_691 : memref<1x40xi32, #tpu.memory_space<vmem>> -> memref<40xi32, #tpu.memory_space<vmem>>
        %dma_start3A_693 = tpu.memref_slice %arg3[%add3A_681] : memref<640000xi32, #tpu.memory_space<hbm>> -> memref<40xi32, #tpu.memory_space<hbm>>
        tpu.enqueue_dma source(%dma_start3A_693 : memref<40xi32, #tpu.memory_space<hbm>>) target(%dma_start3A_692 : memref<40xi32, #tpu.memory_space<vmem>>) target_semaphore(%dma_start3A_689 : memref<!tpu.dma_semaphore, #tpu.memory_space<semaphore_mem>>)
        %dma_start3A_694 = arith.constant 1 : i32
        %dma_start3A_695 = arith.constant 1 : i32
        %dma_start3A_696 = arith.constant 0 : i32
        %dma_start3A_697 = tpu.memref_slice %arg8[%dma_start3A_694, %dma_start3A_696] : memref<5x40xi32, #tpu.memory_space<vmem>> -> memref<1x40xi32, #tpu.memory_space<vmem>>
        %dma_start3A_698 = tpu.memref_squeeze %dma_start3A_697 : memref<1x40xi32, #tpu.memory_space<vmem>> -> memref<40xi32, #tpu.memory_space<vmem>>
        %dma_start3A_699 = tpu.memref_slice %arg3[%add3A_679] : memref<640000xi32, #tpu.memory_space<hbm>> -> memref<40xi32, #tpu.memory_space<hbm>>
        %dma_start3A_700 = tpu.memref_slice %arg19[%dma_start3A_695] : memref<5x!tpu.dma_semaphore, #tpu.memory_space<semaphore_mem>> -> memref<1x!tpu.dma_semaphore, #tpu.memory_space<semaphore_mem>>
        %dma_start3A_701 = tpu.memref_squeeze %dma_start3A_700 : memref<1x!tpu.dma_semaphore, #tpu.memory_space<semaphore_mem>> -> memref<!tpu.dma_semaphore, #tpu.memory_space<semaphore_mem>>
        %dma_start3A_702 = arith.constant 0 : i32
        %dma_start3A_703 = tpu.memref_slice %arg8[%dma_start3A_694, %dma_start3A_702] : memref<5x40xi32, #tpu.memory_space<vmem>> -> memref<1x40xi32, #tpu.memory_space<vmem>>
        %dma_start3A_704 = tpu.memref_squeeze %dma_start3A_703 : memref<1x40xi32, #tpu.memory_space<vmem>> -> memref<40xi32, #tpu.memory_space<vmem>>
        %dma_start3A_705 = tpu.memref_slice %arg3[%add3A_679] : memref<640000xi32, #tpu.memory_space<hbm>> -> memref<40xi32, #tpu.memory_space<hbm>>
        tpu.enqueue_dma source(%dma_start3A_705 : memref<40xi32, #tpu.memory_space<hbm>>) target(%dma_start3A_704 : memref<40xi32, #tpu.memory_space<vmem>>) target_semaphore(%dma_start3A_701 : memref<!tpu.dma_semaphore, #tpu.memory_space<semaphore_mem>>)
        %dma_start3A_706 = arith.constant 1 : i32
        %dma_start3A_707 = arith.constant 1 : i32
        %dma_start3A_708 = arith.constant 0 : i32
        %dma_start3A_709 = tpu.memref_slice %arg9[%dma_start3A_706, %dma_start3A_708] : memref<5x40xf32, #tpu.memory_space<vmem>> -> memref<1x40xf32, #tpu.memory_space<vmem>>
        %dma_start3A_710 = tpu.memref_squeeze %dma_start3A_709 : memref<1x40xf32, #tpu.memory_space<vmem>> -> memref<40xf32, #tpu.memory_space<vmem>>
        %dma_start3A_711 = tpu.memref_slice %arg4[%add3A_679] : memref<320000xf32, #tpu.memory_space<hbm>> -> memref<40xf32, #tpu.memory_space<hbm>>
        %dma_start3A_712 = tpu.memref_slice %arg20[%dma_start3A_707] : memref<5x!tpu.dma_semaphore, #tpu.memory_space<semaphore_mem>> -> memref<1x!tpu.dma_semaphore, #tpu.memory_space<semaphore_mem>>
        %dma_start3A_713 = tpu.memref_squeeze %dma_start3A_712 : memref<1x!tpu.dma_semaphore, #tpu.memory_space<semaphore_mem>> -> memref<!tpu.dma_semaphore, #tpu.memory_space<semaphore_mem>>
        %dma_start3A_714 = arith.constant 0 : i32
        %dma_start3A_715 = tpu.memref_slice %arg9[%dma_start3A_706, %dma_start3A_714] : memref<5x40xf32, #tpu.memory_space<vmem>> -> memref<1x40xf32, #tpu.memory_space<vmem>>
        %dma_start3A_716 = tpu.memref_squeeze %dma_start3A_715 : memref<1x40xf32, #tpu.memory_space<vmem>> -> memref<40xf32, #tpu.memory_space<vmem>>
        %dma_start3A_717 = tpu.memref_slice %arg4[%add3A_679] : memref<320000xf32, #tpu.memory_space<hbm>> -> memref<40xf32, #tpu.memory_space<hbm>>
        tpu.enqueue_dma source(%dma_start3A_717 : memref<40xf32, #tpu.memory_space<hbm>>) target(%dma_start3A_716 : memref<40xf32, #tpu.memory_space<vmem>>) target_semaphore(%dma_start3A_713 : memref<!tpu.dma_semaphore, #tpu.memory_space<semaphore_mem>>)
      } else {
      }
      %add3A_559 = arith.constant 2 : i32
      %add3A_560 = arith.addi %add3A_546, %add3A_559 : i32
      %lt3A_561 = arith.constant 250 : i32
      %lt3A_562 = arith.cmpi slt, %add3A_560, %lt3A_561 : i32
      %convert_element_type3A_563 = arith.extui %lt3A_562 : i1 to i32
      %cond3A_564 = arith.constant 0 : i32
      %cond3A_565 = arith.cmpi ne, %convert_element_type3A_563, %cond3A_564 : i32
      scf.if %cond3A_565 {
        %dma_wait3A_675 = arith.constant 0 : i32
        %dma_wait3A_676 = arith.constant 0 : i32
        %dma_wait3A_677 = arith.constant 0 : i32
        %dma_wait3A_678 = tpu.memref_slice %arg7[%dma_wait3A_675, %dma_wait3A_677] : memref<5x40xi32, #tpu.memory_space<vmem>> -> memref<1x40xi32, #tpu.memory_space<vmem>>
        %dma_wait3A_679 = tpu.memref_squeeze %dma_wait3A_678 : memref<1x40xi32, #tpu.memory_space<vmem>> -> memref<40xi32, #tpu.memory_space<vmem>>
        %dma_wait3A_680 = arith.constant 0 : i32
        %dma_wait3A_681 = tpu.memref_slice %arg3[%dma_wait3A_680] : memref<640000xi32, #tpu.memory_space<hbm>> -> memref<40xi32, #tpu.memory_space<hbm>>
        %dma_wait3A_682 = tpu.memref_slice %arg18[%dma_wait3A_676] : memref<5x!tpu.dma_semaphore, #tpu.memory_space<semaphore_mem>> -> memref<1x!tpu.dma_semaphore, #tpu.memory_space<semaphore_mem>>
        %dma_wait3A_683 = tpu.memref_squeeze %dma_wait3A_682 : memref<1x!tpu.dma_semaphore, #tpu.memory_space<semaphore_mem>> -> memref<!tpu.dma_semaphore, #tpu.memory_space<semaphore_mem>>
        %dma_wait3A_684 = arith.constant 0 : i32
        %dma_wait3A_685 = tpu.memref_slice %arg7[%dma_wait3A_675, %dma_wait3A_684] : memref<5x40xi32, #tpu.memory_space<vmem>> -> memref<1x40xi32, #tpu.memory_space<vmem>>
        %dma_wait3A_686 = tpu.memref_squeeze %dma_wait3A_685 : memref<1x40xi32, #tpu.memory_space<vmem>> -> memref<40xi32, #tpu.memory_space<vmem>>
        %dma_wait3A_687 = arith.constant 0 : i32
        %dma_wait3A_688 = tpu.memref_slice %arg3[%dma_wait3A_687] : memref<640000xi32, #tpu.memory_space<hbm>> -> memref<40xi32, #tpu.memory_space<hbm>>
        tpu.wait_dma2 semaphore(%dma_wait3A_683 : memref<!tpu.dma_semaphore, #tpu.memory_space<semaphore_mem>>) src(%dma_wait3A_688 : memref<40xi32, #tpu.memory_space<hbm>>) dst(%dma_wait3A_686 : memref<40xi32, #tpu.memory_space<vmem>>)
        %dma_wait3A_689 = arith.constant 0 : i32
        %dma_wait3A_690 = arith.constant 0 : i32
        %dma_wait3A_691 = arith.constant 0 : i32
        %dma_wait3A_692 = tpu.memref_slice %arg8[%dma_wait3A_689, %dma_wait3A_691] : memref<5x40xi32, #tpu.memory_space<vmem>> -> memref<1x40xi32, #tpu.memory_space<vmem>>
        %dma_wait3A_693 = tpu.memref_squeeze %dma_wait3A_692 : memref<1x40xi32, #tpu.memory_space<vmem>> -> memref<40xi32, #tpu.memory_space<vmem>>
        %dma_wait3A_694 = arith.constant 0 : i32
        %dma_wait3A_695 = tpu.memref_slice %arg3[%dma_wait3A_694] : memref<640000xi32, #tpu.memory_space<hbm>> -> memref<40xi32, #tpu.memory_space<hbm>>
        %dma_wait3A_696 = tpu.memref_slice %arg19[%dma_wait3A_690] : memref<5x!tpu.dma_semaphore, #tpu.memory_space<semaphore_mem>> -> memref<1x!tpu.dma_semaphore, #tpu.memory_space<semaphore_mem>>
        %dma_wait3A_697 = tpu.memref_squeeze %dma_wait3A_696 : memref<1x!tpu.dma_semaphore, #tpu.memory_space<semaphore_mem>> -> memref<!tpu.dma_semaphore, #tpu.memory_space<semaphore_mem>>
        %dma_wait3A_698 = arith.constant 0 : i32
        %dma_wait3A_699 = tpu.memref_slice %arg8[%dma_wait3A_689, %dma_wait3A_698] : memref<5x40xi32, #tpu.memory_space<vmem>> -> memref<1x40xi32, #tpu.memory_space<vmem>>
        %dma_wait3A_700 = tpu.memref_squeeze %dma_wait3A_699 : memref<1x40xi32, #tpu.memory_space<vmem>> -> memref<40xi32, #tpu.memory_space<vmem>>
        %dma_wait3A_701 = arith.constant 0 : i32
        %dma_wait3A_702 = tpu.memref_slice %arg3[%dma_wait3A_701] : memref<640000xi32, #tpu.memory_space<hbm>> -> memref<40xi32, #tpu.memory_space<hbm>>
        tpu.wait_dma2 semaphore(%dma_wait3A_697 : memref<!tpu.dma_semaphore, #tpu.memory_space<semaphore_mem>>) src(%dma_wait3A_702 : memref<40xi32, #tpu.memory_space<hbm>>) dst(%dma_wait3A_700 : memref<40xi32, #tpu.memory_space<vmem>>)
        %dma_wait3A_703 = arith.constant 0 : i32
        %dma_wait3A_704 = arith.constant 0 : i32
        %dma_wait3A_705 = arith.constant 0 : i32
        %dma_wait3A_706 = tpu.memref_slice %arg9[%dma_wait3A_703, %dma_wait3A_705] : memref<5x40xf32, #tpu.memory_space<vmem>> -> memref<1x40xf32, #tpu.memory_space<vmem>>
        %dma_wait3A_707 = tpu.memref_squeeze %dma_wait3A_706 : memref<1x40xf32, #tpu.memory_space<vmem>> -> memref<40xf32, #tpu.memory_space<vmem>>
        %dma_wait3A_708 = arith.constant 0 : i32
        %dma_wait3A_709 = tpu.memref_slice %arg4[%dma_wait3A_708] : memref<320000xf32, #tpu.memory_space<hbm>> -> memref<40xf32, #tpu.memory_space<hbm>>
        %dma_wait3A_710 = tpu.memref_slice %arg20[%dma_wait3A_704] : memref<5x!tpu.dma_semaphore, #tpu.memory_space<semaphore_mem>> -> memref<1x!tpu.dma_semaphore, #tpu.memory_space<semaphore_mem>>
        %dma_wait3A_711 = tpu.memref_squeeze %dma_wait3A_710 : memref<1x!tpu.dma_semaphore, #tpu.memory_space<semaphore_mem>> -> memref<!tpu.dma_semaphore, #tpu.memory_space<semaphore_mem>>
        %dma_wait3A_712 = arith.constant 0 : i32
        %dma_wait3A_713 = tpu.memref_slice %arg9[%dma_wait3A_703, %dma_wait3A_712] : memref<5x40xf32, #tpu.memory_space<vmem>> -> memref<1x40xf32, #tpu.memory_space<vmem>>
        %dma_wait3A_714 = tpu.memref_squeeze %dma_wait3A_713 : memref<1x40xf32, #tpu.memory_space<vmem>> -> memref<40xf32, #tpu.memory_space<vmem>>
        %dma_wait3A_715 = arith.constant 0 : i32
        %dma_wait3A_716 = tpu.memref_slice %arg4[%dma_wait3A_715] : memref<320000xf32, #tpu.memory_space<hbm>> -> memref<40xf32, #tpu.memory_space<hbm>>
        tpu.wait_dma2 semaphore(%dma_wait3A_711 : memref<!tpu.dma_semaphore, #tpu.memory_space<semaphore_mem>>) src(%dma_wait3A_716 : memref<40xf32, #tpu.memory_space<hbm>>) dst(%dma_wait3A_714 : memref<40xf32, #tpu.memory_space<vmem>>)
        %add3A_717 = arith.constant 2 : i32
        %add3A_718 = arith.addi %add3A_546, %add3A_717 : i32
        %dma_start3A_719 = arith.constant 0 : i32
        %dma_start3A_720 = arith.constant 0 : i32
        %dma_start3A_721 = arith.constant 0 : i32
        %dma_start3A_722 = arith.constant 0 : i32
        %dma_start3A_723 = arith.constant 0 : i32
        %dma_start3A_724 = tpu.memref_slice %arg10[%dma_start3A_720, %dma_start3A_722, %dma_start3A_723] : memref<5x40x128xf32, #tpu.memory_space<vmem>> -> memref<1x40x128xf32, #tpu.memory_space<vmem>>
        %dma_start3A_725 = tpu.memref_squeeze %dma_start3A_724 : memref<1x40x128xf32, #tpu.memory_space<vmem>> -> memref<40x128xf32, #tpu.memory_space<vmem>>
        %dma_start3A_726 = arith.constant 0 : i32
        %dma_start3A_727 = tpu.memref_slice %arg7[%dma_start3A_719, %dma_start3A_726] : memref<5x40xi32, #tpu.memory_space<vmem>> -> memref<1x40xi32, #tpu.memory_space<vmem>>
        %dma_start3A_728 = tpu.memref_squeeze %dma_start3A_727 : memref<1x40xi32, #tpu.memory_space<vmem>> -> memref<40xi32, #tpu.memory_space<vmem>>
        %dma_start3A_729 = arith.constant 0 : i32
        %dma_start3A_730 = arith.constant 0 : i32
        %dma_start3A_731 = tpu.memref_slice %arg2[%dma_start3A_729, %dma_start3A_730] : memref<10000x128xf32, #tpu.memory_space<hbm>> -> memref<10000x128xf32, #tpu.memory_space<hbm>>
        %dma_start3A_732 = tpu.memref_slice %arg15[%dma_start3A_721] : memref<5x!tpu.dma_semaphore, #tpu.memory_space<semaphore_mem>> -> memref<1x!tpu.dma_semaphore, #tpu.memory_space<semaphore_mem>>
        %dma_start3A_733 = tpu.memref_squeeze %dma_start3A_732 : memref<1x!tpu.dma_semaphore, #tpu.memory_space<semaphore_mem>> -> memref<!tpu.dma_semaphore, #tpu.memory_space<semaphore_mem>>
        tpu.enqueue_indirect_dma source(%dma_start3A_731 : memref<10000x128xf32, #tpu.memory_space<hbm>>) target(%dma_start3A_725 : memref<40x128xf32, #tpu.memory_space<vmem>>) offsets(%dma_start3A_728 : memref<40xi32, #tpu.memory_space<vmem>>) semaphore(%dma_start3A_733 : memref<!tpu.dma_semaphore, #tpu.memory_space<semaphore_mem>>)
      } else {
      }
      %dma_wait3A_566 = arith.constant 3 : i32
      %dma_wait3A_567 = arith.constant 3 : i32
      %dma_wait3A_568 = arith.constant 3 : i32
      %dma_wait3A_569 = arith.constant 0 : i32
      %dma_wait3A_570 = arith.constant 0 : i32
      %dma_wait3A_571 = tpu.memref_slice %arg10[%dma_wait3A_567, %dma_wait3A_569, %dma_wait3A_570] : memref<5x40x128xf32, #tpu.memory_space<vmem>> -> memref<1x40x128xf32, #tpu.memory_space<vmem>>
      %dma_wait3A_572 = tpu.memref_squeeze %dma_wait3A_571 : memref<1x40x128xf32, #tpu.memory_space<vmem>> -> memref<40x128xf32, #tpu.memory_space<vmem>>
      %dma_wait3A_573 = arith.constant 0 : i32
      %dma_wait3A_574 = tpu.memref_slice %arg7[%dma_wait3A_566, %dma_wait3A_573] : memref<5x40xi32, #tpu.memory_space<vmem>> -> memref<1x40xi32, #tpu.memory_space<vmem>>
      %dma_wait3A_575 = tpu.memref_squeeze %dma_wait3A_574 : memref<1x40xi32, #tpu.memory_space<vmem>> -> memref<40xi32, #tpu.memory_space<vmem>>
      %dma_wait3A_576 = arith.constant 0 : i32
      %dma_wait3A_577 = arith.constant 0 : i32
      %dma_wait3A_578 = tpu.memref_slice %arg2[%dma_wait3A_576, %dma_wait3A_577] : memref<10000x128xf32, #tpu.memory_space<hbm>> -> memref<10000x128xf32, #tpu.memory_space<hbm>>
      %dma_wait3A_579 = tpu.memref_slice %arg15[%dma_wait3A_568] : memref<5x!tpu.dma_semaphore, #tpu.memory_space<semaphore_mem>> -> memref<1x!tpu.dma_semaphore, #tpu.memory_space<semaphore_mem>>
      %dma_wait3A_580 = tpu.memref_squeeze %dma_wait3A_579 : memref<1x!tpu.dma_semaphore, #tpu.memory_space<semaphore_mem>> -> memref<!tpu.dma_semaphore, #tpu.memory_space<semaphore_mem>>
      tpu.wait_indirect_dma semaphore(%dma_wait3A_580 : memref<!tpu.dma_semaphore, #tpu.memory_space<semaphore_mem>>) src(%dma_wait3A_578 : memref<10000x128xf32, #tpu.memory_space<hbm>>) dst(%dma_wait3A_572 : memref<40x128xf32, #tpu.memory_space<vmem>>)
      %parallel_loop3A_581 = arith.constant 0 : i32
      %parallel_loop3A_582 = arith.constant 40 : i32
      %parallel_loop3A_583 = arith.constant 1 : i32
      %parallel_loop3A_584 = arith.constant 3 : i32
      scf.for %parallel_loop3A_675 = %parallel_loop3A_581 to %parallel_loop3A_582 step %parallel_loop3A_583  : i32 {
        %parallel_loop3A_676 = arith.constant 0 : i32
        %parallel_loop3A_677 = vector.broadcast %parallel_loop3A_676 : i32 to vector<16xi32>
        %parallel_loop3A_678 = vector.broadcast %parallel_loop3A_675 : i32 to vector<16xi32>
        %parallel_loop3A_679 = arith.addi %parallel_loop3A_677, %parallel_loop3A_678 : vector<16xi32>
        %parallel_loop3A_680 = arith.constant 0 : i32
        %parallel_loop3A_681 = tpu.memref_slice %arg9[%parallel_loop3A_584, %parallel_loop3A_680] : memref<5x40xf32, #tpu.memory_space<vmem>> -> memref<1x40xf32, #tpu.memory_space<vmem>>
        %parallel_loop3A_682 = tpu.memref_squeeze %parallel_loop3A_681 : memref<1x40xf32, #tpu.memory_space<vmem>> -> memref<40xf32, #tpu.memory_space<vmem>>
        %parallel_loop3A_683 = tpu.vector_load_idx %parallel_loop3A_682[%parallel_loop3A_679] : memref<40xf32, #tpu.memory_space<vmem>>[vector<16xi32>], vector<16xf32>,
        %parallel_loop3A_684 = arith.constant 3 : i32
        %parallel_loop3A_685 = arith.index_cast %parallel_loop3A_684 : i32 to index
        %parallel_loop3A_686 = arith.index_cast %parallel_loop3A_675 : i32 to index
        %parallel_loop3A_687 = arith.constant 0 : index
        %parallel_loop3A_688 = tpu.vector_load %arg10[%parallel_loop3A_685, %parallel_loop3A_686, %parallel_loop3A_687] {strides = array<i32>} : memref<5x40x128xf32, #tpu.memory_space<vmem>>, vector<16xf32>,
        %parallel_loop3A_689 = arith.mulf %parallel_loop3A_688, %parallel_loop3A_683 : vector<16xf32>
        %parallel_loop3A_690 = arith.constant 3 : i32
        %parallel_loop3A_691 = arith.index_cast %parallel_loop3A_690 : i32 to index
        %parallel_loop3A_692 = arith.index_cast %parallel_loop3A_675 : i32 to index
        %parallel_loop3A_693 = arith.constant 0 : index
        %parallel_loop3A_694 = tpu.vector_load %arg10[%parallel_loop3A_691, %parallel_loop3A_692, %parallel_loop3A_693] {strides = array<i32>} : memref<5x40x128xf32, #tpu.memory_space<vmem>>, vector<16xf32>,
        tpu.vector_store %arg10[%parallel_loop3A_691, %parallel_loop3A_692, %parallel_loop3A_693], %parallel_loop3A_689 {strides = array<i32>} : memref<5x40x128xf32, #tpu.memory_space<vmem>>, vector<16xf32>,
        %parallel_loop3A_695 = arith.constant 3 : i32
        %parallel_loop3A_696 = arith.index_cast %parallel_loop3A_695 : i32 to index
        %parallel_loop3A_697 = arith.index_cast %parallel_loop3A_675 : i32 to index
        %parallel_loop3A_698 = arith.constant 16 : index
        %parallel_loop3A_699 = tpu.vector_load %arg10[%parallel_loop3A_696, %parallel_loop3A_697, %parallel_loop3A_698] {strides = array<i32>} : memref<5x40x128xf32, #tpu.memory_space<vmem>>, vector<16xf32>,
        %parallel_loop3A_700 = arith.mulf %parallel_loop3A_699, %parallel_loop3A_683 : vector<16xf32>
        %parallel_loop3A_701 = arith.constant 3 : i32
        %parallel_loop3A_702 = arith.index_cast %parallel_loop3A_701 : i32 to index
        %parallel_loop3A_703 = arith.index_cast %parallel_loop3A_675 : i32 to index
        %parallel_loop3A_704 = arith.constant 16 : index
        %parallel_loop3A_705 = tpu.vector_load %arg10[%parallel_loop3A_702, %parallel_loop3A_703, %parallel_loop3A_704] {strides = array<i32>} : memref<5x40x128xf32, #tpu.memory_space<vmem>>, vector<16xf32>,
        tpu.vector_store %arg10[%parallel_loop3A_702, %parallel_loop3A_703, %parallel_loop3A_704], %parallel_loop3A_700 {strides = array<i32>} : memref<5x40x128xf32, #tpu.memory_space<vmem>>, vector<16xf32>,
        %parallel_loop3A_706 = arith.constant 3 : i32
        %parallel_loop3A_707 = arith.index_cast %parallel_loop3A_706 : i32 to index
        %parallel_loop3A_708 = arith.index_cast %parallel_loop3A_675 : i32 to index
        %parallel_loop3A_709 = arith.constant 32 : index
        %parallel_loop3A_710 = tpu.vector_load %arg10[%parallel_loop3A_707, %parallel_loop3A_708, %parallel_loop3A_709] {strides = array<i32>} : memref<5x40x128xf32, #tpu.memory_space<vmem>>, vector<16xf32>,
        %parallel_loop3A_711 = arith.mulf %parallel_loop3A_710, %parallel_loop3A_683 : vector<16xf32>
        %parallel_loop3A_712 = arith.constant 3 : i32
        %parallel_loop3A_713 = arith.index_cast %parallel_loop3A_712 : i32 to index
        %parallel_loop3A_714 = arith.index_cast %parallel_loop3A_675 : i32 to index
        %parallel_loop3A_715 = arith.constant 32 : index
        %parallel_loop3A_716 = tpu.vector_load %arg10[%parallel_loop3A_713, %parallel_loop3A_714, %parallel_loop3A_715] {strides = array<i32>} : memref<5x40x128xf32, #tpu.memory_space<vmem>>, vector<16xf32>,
        tpu.vector_store %arg10[%parallel_loop3A_713, %parallel_loop3A_714, %parallel_loop3A_715], %parallel_loop3A_711 {strides = array<i32>} : memref<5x40x128xf32, #tpu.memory_space<vmem>>, vector<16xf32>,
        %parallel_loop3A_717 = arith.constant 3 : i32
        %parallel_loop3A_718 = arith.index_cast %parallel_loop3A_717 : i32 to index
        %parallel_loop3A_719 = arith.index_cast %parallel_loop3A_675 : i32 to index
        %parallel_loop3A_720 = arith.constant 48 : index
        %parallel_loop3A_721 = tpu.vector_load %arg10[%parallel_loop3A_718, %parallel_loop3A_719, %parallel_loop3A_720] {strides = array<i32>} : memref<5x40x128xf32, #tpu.memory_space<vmem>>, vector<16xf32>,
        %parallel_loop3A_722 = arith.mulf %parallel_loop3A_721, %parallel_loop3A_683 : vector<16xf32>
        %parallel_loop3A_723 = arith.constant 3 : i32
        %parallel_loop3A_724 = arith.index_cast %parallel_loop3A_723 : i32 to index
        %parallel_loop3A_725 = arith.index_cast %parallel_loop3A_675 : i32 to index
        %parallel_loop3A_726 = arith.constant 48 : index
        %parallel_loop3A_727 = tpu.vector_load %arg10[%parallel_loop3A_724, %parallel_loop3A_725, %parallel_loop3A_726] {strides = array<i32>} : memref<5x40x128xf32, #tpu.memory_space<vmem>>, vector<16xf32>,
        tpu.vector_store %arg10[%parallel_loop3A_724, %parallel_loop3A_725, %parallel_loop3A_726], %parallel_loop3A_722 {strides = array<i32>} : memref<5x40x128xf32, #tpu.memory_space<vmem>>, vector<16xf32>,
        %parallel_loop3A_728 = arith.constant 3 : i32
        %parallel_loop3A_729 = arith.index_cast %parallel_loop3A_728 : i32 to index
        %parallel_loop3A_730 = arith.index_cast %parallel_loop3A_675 : i32 to index
        %parallel_loop3A_731 = arith.constant 64 : index
        %parallel_loop3A_732 = tpu.vector_load %arg10[%parallel_loop3A_729, %parallel_loop3A_730, %parallel_loop3A_731] {strides = array<i32>} : memref<5x40x128xf32, #tpu.memory_space<vmem>>, vector<16xf32>,
        %parallel_loop3A_733 = arith.mulf %parallel_loop3A_732, %parallel_loop3A_683 : vector<16xf32>
        %parallel_loop3A_734 = arith.constant 3 : i32
        %parallel_loop3A_735 = arith.index_cast %parallel_loop3A_734 : i32 to index
        %parallel_loop3A_736 = arith.index_cast %parallel_loop3A_675 : i32 to index
        %parallel_loop3A_737 = arith.constant 64 : index
        %parallel_loop3A_738 = tpu.vector_load %arg10[%parallel_loop3A_735, %parallel_loop3A_736, %parallel_loop3A_737] {strides = array<i32>} : memref<5x40x128xf32, #tpu.memory_space<vmem>>, vector<16xf32>,
        tpu.vector_store %arg10[%parallel_loop3A_735, %parallel_loop3A_736, %parallel_loop3A_737], %parallel_loop3A_733 {strides = array<i32>} : memref<5x40x128xf32, #tpu.memory_space<vmem>>, vector<16xf32>,
        %parallel_loop3A_739 = arith.constant 3 : i32
        %parallel_loop3A_740 = arith.index_cast %parallel_loop3A_739 : i32 to index
        %parallel_loop3A_741 = arith.index_cast %parallel_loop3A_675 : i32 to index
        %parallel_loop3A_742 = arith.constant 80 : index
        %parallel_loop3A_743 = tpu.vector_load %arg10[%parallel_loop3A_740, %parallel_loop3A_741, %parallel_loop3A_742] {strides = array<i32>} : memref<5x40x128xf32, #tpu.memory_space<vmem>>, vector<16xf32>,
        %parallel_loop3A_744 = arith.mulf %parallel_loop3A_743, %parallel_loop3A_683 : vector<16xf32>
        %parallel_loop3A_745 = arith.constant 3 : i32
        %parallel_loop3A_746 = arith.index_cast %parallel_loop3A_745 : i32 to index
        %parallel_loop3A_747 = arith.index_cast %parallel_loop3A_675 : i32 to index
        %parallel_loop3A_748 = arith.constant 80 : index
        %parallel_loop3A_749 = tpu.vector_load %arg10[%parallel_loop3A_746, %parallel_loop3A_747, %parallel_loop3A_748] {strides = array<i32>} : memref<5x40x128xf32, #tpu.memory_space<vmem>>, vector<16xf32>,
        tpu.vector_store %arg10[%parallel_loop3A_746, %parallel_loop3A_747, %parallel_loop3A_748], %parallel_loop3A_744 {strides = array<i32>} : memref<5x40x128xf32, #tpu.memory_space<vmem>>, vector<16xf32>,
        %parallel_loop3A_750 = arith.constant 3 : i32
        %parallel_loop3A_751 = arith.index_cast %parallel_loop3A_750 : i32 to index
        %parallel_loop3A_752 = arith.index_cast %parallel_loop3A_675 : i32 to index
        %parallel_loop3A_753 = arith.constant 96 : index
        %parallel_loop3A_754 = tpu.vector_load %arg10[%parallel_loop3A_751, %parallel_loop3A_752, %parallel_loop3A_753] {strides = array<i32>} : memref<5x40x128xf32, #tpu.memory_space<vmem>>, vector<16xf32>,
        %parallel_loop3A_755 = arith.mulf %parallel_loop3A_754, %parallel_loop3A_683 : vector<16xf32>
        %parallel_loop3A_756 = arith.constant 3 : i32
        %parallel_loop3A_757 = arith.index_cast %parallel_loop3A_756 : i32 to index
        %parallel_loop3A_758 = arith.index_cast %parallel_loop3A_675 : i32 to index
        %parallel_loop3A_759 = arith.constant 96 : index
        %parallel_loop3A_760 = tpu.vector_load %arg10[%parallel_loop3A_757, %parallel_loop3A_758, %parallel_loop3A_759] {strides = array<i32>} : memref<5x40x128xf32, #tpu.memory_space<vmem>>, vector<16xf32>,
        tpu.vector_store %arg10[%parallel_loop3A_757, %parallel_loop3A_758, %parallel_loop3A_759], %parallel_loop3A_755 {strides = array<i32>} : memref<5x40x128xf32, #tpu.memory_space<vmem>>, vector<16xf32>,
        %parallel_loop3A_761 = arith.constant 3 : i32
        %parallel_loop3A_762 = arith.index_cast %parallel_loop3A_761 : i32 to index
        %parallel_loop3A_763 = arith.index_cast %parallel_loop3A_675 : i32 to index
        %parallel_loop3A_764 = arith.constant 112 : index
        %parallel_loop3A_765 = tpu.vector_load %arg10[%parallel_loop3A_762, %parallel_loop3A_763, %parallel_loop3A_764] {strides = array<i32>} : memref<5x40x128xf32, #tpu.memory_space<vmem>>, vector<16xf32>,
        %parallel_loop3A_766 = arith.mulf %parallel_loop3A_765, %parallel_loop3A_683 : vector<16xf32>
        %parallel_loop3A_767 = arith.constant 3 : i32
        %parallel_loop3A_768 = arith.index_cast %parallel_loop3A_767 : i32 to index
        %parallel_loop3A_769 = arith.index_cast %parallel_loop3A_675 : i32 to index
        %parallel_loop3A_770 = arith.constant 112 : index
        %parallel_loop3A_771 = tpu.vector_load %arg10[%parallel_loop3A_768, %parallel_loop3A_769, %parallel_loop3A_770] {strides = array<i32>} : memref<5x40x128xf32, #tpu.memory_space<vmem>>, vector<16xf32>,
        tpu.vector_store %arg10[%parallel_loop3A_768, %parallel_loop3A_769, %parallel_loop3A_770], %parallel_loop3A_766 {strides = array<i32>} : memref<5x40x128xf32, #tpu.memory_space<vmem>>, vector<16xf32>,
      } {sc.loop_unroll_factor = 4 : i64, sc.parallel_access}
      %dma_start3A_585 = arith.constant 3 : i32
      %dma_start3A_586 = arith.constant 3 : i32
      %dma_start3A_587 = arith.constant 3 : i32
      %dma_start3A_588 = arith.constant 0 : i32
      %dma_start3A_589 = arith.constant 0 : i32
      %dma_start3A_590 = tpu.memref_slice %arg10[%dma_start3A_585, %dma_start3A_588, %dma_start3A_589] : memref<5x40x128xf32, #tpu.memory_space<vmem>> -> memref<1x40x128xf32, #tpu.memory_space<vmem>>
      %dma_start3A_591 = tpu.memref_squeeze %dma_start3A_590 : memref<1x40x128xf32, #tpu.memory_space<vmem>> -> memref<40x128xf32, #tpu.memory_space<vmem>>
      %dma_start3A_592 = arith.constant 0 : i32
      %dma_start3A_593 = tpu.memref_slice %arg8[%dma_start3A_586, %dma_start3A_592] : memref<5x40xi32, #tpu.memory_space<vmem>> -> memref<1x40xi32, #tpu.memory_space<vmem>>
      %dma_start3A_594 = tpu.memref_squeeze %dma_start3A_593 : memref<1x40xi32, #tpu.memory_space<vmem>> -> memref<40xi32, #tpu.memory_space<vmem>>
      %dma_start3A_595 = arith.constant 0 : i32
      %dma_start3A_596 = arith.constant 0 : i32
      %dma_start3A_597 = tpu.memref_slice %arg13[%dma_start3A_595, %dma_start3A_596] : memref<10000x128xf32, #tpu.memory_space<vmem_shared>> -> memref<10000x128xf32, #tpu.memory_space<vmem_shared>>
      %dma_start3A_598 = tpu.memref_slice %arg16[%dma_start3A_587] : memref<5x!tpu.dma_semaphore, #tpu.memory_space<semaphore_mem>> -> memref<1x!tpu.dma_semaphore, #tpu.memory_space<semaphore_mem>>
      %dma_start3A_599 = tpu.memref_squeeze %dma_start3A_598 : memref<1x!tpu.dma_semaphore, #tpu.memory_space<semaphore_mem>> -> memref<!tpu.dma_semaphore, #tpu.memory_space<semaphore_mem>>
      tpu.enqueue_indirect_dma source(%dma_start3A_591 : memref<40x128xf32, #tpu.memory_space<vmem>>) target(%dma_start3A_597 : memref<10000x128xf32, #tpu.memory_space<vmem_shared>>) offsets(%dma_start3A_594 : memref<40xi32, #tpu.memory_space<vmem>>) semaphore(%dma_start3A_599 : memref<!tpu.dma_semaphore, #tpu.memory_space<semaphore_mem>>) {add = true}
      %dma_start3A_600 = arith.constant 3 : i32
      %dma_start3A_601 = arith.constant 3 : i32
      %dma_start3A_602 = arith.constant 0 : i32
      %dma_start3A_603 = tpu.memref_slice %arg8[%dma_start3A_600, %dma_start3A_602] : memref<5x40xi32, #tpu.memory_space<vmem>> -> memref<1x40xi32, #tpu.memory_space<vmem>>
      %dma_start3A_604 = tpu.memref_squeeze %dma_start3A_603 : memref<1x40xi32, #tpu.memory_space<vmem>> -> memref<40xi32, #tpu.memory_space<vmem>>
      %dma_start3A_605 = arith.constant 0 : i32
      %dma_start3A_606 = tpu.memref_slice %arg14[%dma_start3A_605] : memref<10000xf32, #tpu.memory_space<vmem_shared>> -> memref<10000xf32, #tpu.memory_space<vmem_shared>>
      %dma_start3A_607 = tpu.memref_slice %arg17[%dma_start3A_601] : memref<5x!tpu.dma_semaphore, #tpu.memory_space<semaphore_mem>> -> memref<1x!tpu.dma_semaphore, #tpu.memory_space<semaphore_mem>>
      %dma_start3A_608 = tpu.memref_squeeze %dma_start3A_607 : memref<1x!tpu.dma_semaphore, #tpu.memory_space<semaphore_mem>> -> memref<!tpu.dma_semaphore, #tpu.memory_space<semaphore_mem>>
      tpu.enqueue_indirect_dma source(%arg11 : memref<40xf32, #tpu.memory_space<vmem>>) target(%dma_start3A_606 : memref<10000xf32, #tpu.memory_space<vmem_shared>>) offsets(%dma_start3A_604 : memref<40xi32, #tpu.memory_space<vmem>>) semaphore(%dma_start3A_608 : memref<!tpu.dma_semaphore, #tpu.memory_space<semaphore_mem>>) {add = true}
      %mul3A_609 = arith.constant 5 : i32
      %mul3A_610 = arith.muli %scan3A_349, %mul3A_609 : i32
      %add3A_611 = arith.constant 4 : i32
      %add3A_612 = arith.addi %mul3A_610, %add3A_611 : i32
      %ge3A_613 = arith.constant 2 : i32
      %ge3A_614 = arith.cmpi sge, %add3A_612, %ge3A_613 : i32
      %convert_element_type3A_615 = arith.extui %ge3A_614 : i1 to i32
      %cond3A_616 = arith.constant 0 : i32
      %cond3A_617 = arith.cmpi ne, %convert_element_type3A_615, %cond3A_616 : i32
      scf.if %cond3A_617 {
        %dma_wait3A_675 = arith.constant 2 : i32
        %dma_wait3A_676 = arith.constant 2 : i32
        %dma_wait3A_677 = arith.constant 2 : i32
        %dma_wait3A_678 = arith.constant 0 : i32
        %dma_wait3A_679 = arith.constant 0 : i32
        %dma_wait3A_680 = tpu.memref_slice %arg10[%dma_wait3A_675, %dma_wait3A_678, %dma_wait3A_679] : memref<5x40x128xf32, #tpu.memory_space<vmem>> -> memref<1x40x128xf32, #tpu.memory_space<vmem>>
        %dma_wait3A_681 = tpu.memref_squeeze %dma_wait3A_680 : memref<1x40x128xf32, #tpu.memory_space<vmem>> -> memref<40x128xf32, #tpu.memory_space<vmem>>
        %dma_wait3A_682 = arith.constant 0 : i32
        %dma_wait3A_683 = tpu.memref_slice %arg8[%dma_wait3A_676, %dma_wait3A_682] : memref<5x40xi32, #tpu.memory_space<vmem>> -> memref<1x40xi32, #tpu.memory_space<vmem>>
        %dma_wait3A_684 = tpu.memref_squeeze %dma_wait3A_683 : memref<1x40xi32, #tpu.memory_space<vmem>> -> memref<40xi32, #tpu.memory_space<vmem>>
        %dma_wait3A_685 = arith.constant 0 : i32
        %dma_wait3A_686 = arith.constant 0 : i32
        %dma_wait3A_687 = tpu.memref_slice %arg13[%dma_wait3A_685, %dma_wait3A_686] : memref<10000x128xf32, #tpu.memory_space<vmem_shared>> -> memref<10000x128xf32, #tpu.memory_space<vmem_shared>>
        %dma_wait3A_688 = tpu.memref_slice %arg16[%dma_wait3A_677] : memref<5x!tpu.dma_semaphore, #tpu.memory_space<semaphore_mem>> -> memref<1x!tpu.dma_semaphore, #tpu.memory_space<semaphore_mem>>
        %dma_wait3A_689 = tpu.memref_squeeze %dma_wait3A_688 : memref<1x!tpu.dma_semaphore, #tpu.memory_space<semaphore_mem>> -> memref<!tpu.dma_semaphore, #tpu.memory_space<semaphore_mem>>
        tpu.wait_indirect_dma semaphore(%dma_wait3A_689 : memref<!tpu.dma_semaphore, #tpu.memory_space<semaphore_mem>>) src(%dma_wait3A_681 : memref<40x128xf32, #tpu.memory_space<vmem>>) dst(%dma_wait3A_687 : memref<10000x128xf32, #tpu.memory_space<vmem_shared>>)
        %dma_wait3A_690 = arith.constant 2 : i32
        %dma_wait3A_691 = arith.constant 2 : i32
        %dma_wait3A_692 = arith.constant 0 : i32
        %dma_wait3A_693 = tpu.memref_slice %arg8[%dma_wait3A_690, %dma_wait3A_692] : memref<5x40xi32, #tpu.memory_space<vmem>> -> memref<1x40xi32, #tpu.memory_space<vmem>>
        %dma_wait3A_694 = tpu.memref_squeeze %dma_wait3A_693 : memref<1x40xi32, #tpu.memory_space<vmem>> -> memref<40xi32, #tpu.memory_space<vmem>>
        %dma_wait3A_695 = arith.constant 0 : i32
        %dma_wait3A_696 = tpu.memref_slice %arg14[%dma_wait3A_695] : memref<10000xf32, #tpu.memory_space<vmem_shared>> -> memref<10000xf32, #tpu.memory_space<vmem_shared>>
        %dma_wait3A_697 = tpu.memref_slice %arg17[%dma_wait3A_691] : memref<5x!tpu.dma_semaphore, #tpu.memory_space<semaphore_mem>> -> memref<1x!tpu.dma_semaphore, #tpu.memory_space<semaphore_mem>>
        %dma_wait3A_698 = tpu.memref_squeeze %dma_wait3A_697 : memref<1x!tpu.dma_semaphore, #tpu.memory_space<semaphore_mem>> -> memref<!tpu.dma_semaphore, #tpu.memory_space<semaphore_mem>>
        tpu.wait_indirect_dma semaphore(%dma_wait3A_698 : memref<!tpu.dma_semaphore, #tpu.memory_space<semaphore_mem>>) src(%arg11 : memref<40xf32, #tpu.memory_space<vmem>>) dst(%dma_wait3A_696 : memref<10000xf32, #tpu.memory_space<vmem_shared>>)
      } else {
      }
      %add3A_618 = arith.constant 3 : i32
      %add3A_619 = arith.addi %add3A_612, %add3A_618 : i32
      %lt3A_620 = arith.constant 250 : i32
      %lt3A_621 = arith.cmpi slt, %add3A_619, %lt3A_620 : i32
      %convert_element_type3A_622 = arith.extui %lt3A_621 : i1 to i32
      %cond3A_623 = arith.constant 0 : i32
      %cond3A_624 = arith.cmpi ne, %convert_element_type3A_622, %cond3A_623 : i32
      scf.if %cond3A_624 {
        %add3A_675 = arith.constant 3 : i32
        %add3A_676 = arith.addi %add3A_612, %add3A_675 : i32
        %mul3A_677 = arith.constant 40 : i32
        %mul3A_678 = arith.muli %add3A_676, %mul3A_677 : i32
        %add3A_679 = arith.addi %mul3A_2, %mul3A_678 : i32
        %add3A_680 = arith.constant 320000 : i32
        %add3A_681 = arith.addi %add3A_680, %add3A_679 : i32
        %dma_start3A_682 = arith.constant 2 : i32
        %dma_start3A_683 = arith.constant 2 : i32
        %dma_start3A_684 = arith.constant 0 : i32
        %dma_start3A_685 = tpu.memref_slice %arg7[%dma_start3A_682, %dma_start3A_684] : memref<5x40xi32, #tpu.memory_space<vmem>> -> memref<1x40xi32, #tpu.memory_space<vmem>>
        %dma_start3A_686 = tpu.memref_squeeze %dma_start3A_685 : memref<1x40xi32, #tpu.memory_space<vmem>> -> memref<40xi32, #tpu.memory_space<vmem>>
        %dma_start3A_687 = tpu.memref_slice %arg3[%add3A_681] : memref<640000xi32, #tpu.memory_space<hbm>> -> memref<40xi32, #tpu.memory_space<hbm>>
        %dma_start3A_688 = tpu.memref_slice %arg18[%dma_start3A_683] : memref<5x!tpu.dma_semaphore, #tpu.memory_space<semaphore_mem>> -> memref<1x!tpu.dma_semaphore, #tpu.memory_space<semaphore_mem>>
        %dma_start3A_689 = tpu.memref_squeeze %dma_start3A_688 : memref<1x!tpu.dma_semaphore, #tpu.memory_space<semaphore_mem>> -> memref<!tpu.dma_semaphore, #tpu.memory_space<semaphore_mem>>
        %dma_start3A_690 = arith.constant 0 : i32
        %dma_start3A_691 = tpu.memref_slice %arg7[%dma_start3A_682, %dma_start3A_690] : memref<5x40xi32, #tpu.memory_space<vmem>> -> memref<1x40xi32, #tpu.memory_space<vmem>>
        %dma_start3A_692 = tpu.memref_squeeze %dma_start3A_691 : memref<1x40xi32, #tpu.memory_space<vmem>> -> memref<40xi32, #tpu.memory_space<vmem>>
        %dma_start3A_693 = tpu.memref_slice %arg3[%add3A_681] : memref<640000xi32, #tpu.memory_space<hbm>> -> memref<40xi32, #tpu.memory_space<hbm>>
        tpu.enqueue_dma source(%dma_start3A_693 : memref<40xi32, #tpu.memory_space<hbm>>) target(%dma_start3A_692 : memref<40xi32, #tpu.memory_space<vmem>>) target_semaphore(%dma_start3A_689 : memref<!tpu.dma_semaphore, #tpu.memory_space<semaphore_mem>>)
        %dma_start3A_694 = arith.constant 2 : i32
        %dma_start3A_695 = arith.constant 2 : i32
        %dma_start3A_696 = arith.constant 0 : i32
        %dma_start3A_697 = tpu.memref_slice %arg8[%dma_start3A_694, %dma_start3A_696] : memref<5x40xi32, #tpu.memory_space<vmem>> -> memref<1x40xi32, #tpu.memory_space<vmem>>
        %dma_start3A_698 = tpu.memref_squeeze %dma_start3A_697 : memref<1x40xi32, #tpu.memory_space<vmem>> -> memref<40xi32, #tpu.memory_space<vmem>>
        %dma_start3A_699 = tpu.memref_slice %arg3[%add3A_679] : memref<640000xi32, #tpu.memory_space<hbm>> -> memref<40xi32, #tpu.memory_space<hbm>>
        %dma_start3A_700 = tpu.memref_slice %arg19[%dma_start3A_695] : memref<5x!tpu.dma_semaphore, #tpu.memory_space<semaphore_mem>> -> memref<1x!tpu.dma_semaphore, #tpu.memory_space<semaphore_mem>>
        %dma_start3A_701 = tpu.memref_squeeze %dma_start3A_700 : memref<1x!tpu.dma_semaphore, #tpu.memory_space<semaphore_mem>> -> memref<!tpu.dma_semaphore, #tpu.memory_space<semaphore_mem>>
        %dma_start3A_702 = arith.constant 0 : i32
        %dma_start3A_703 = tpu.memref_slice %arg8[%dma_start3A_694, %dma_start3A_702] : memref<5x40xi32, #tpu.memory_space<vmem>> -> memref<1x40xi32, #tpu.memory_space<vmem>>
        %dma_start3A_704 = tpu.memref_squeeze %dma_start3A_703 : memref<1x40xi32, #tpu.memory_space<vmem>> -> memref<40xi32, #tpu.memory_space<vmem>>
        %dma_start3A_705 = tpu.memref_slice %arg3[%add3A_679] : memref<640000xi32, #tpu.memory_space<hbm>> -> memref<40xi32, #tpu.memory_space<hbm>>
        tpu.enqueue_dma source(%dma_start3A_705 : memref<40xi32, #tpu.memory_space<hbm>>) target(%dma_start3A_704 : memref<40xi32, #tpu.memory_space<vmem>>) target_semaphore(%dma_start3A_701 : memref<!tpu.dma_semaphore, #tpu.memory_space<semaphore_mem>>)
        %dma_start3A_706 = arith.constant 2 : i32
        %dma_start3A_707 = arith.constant 2 : i32
        %dma_start3A_708 = arith.constant 0 : i32
        %dma_start3A_709 = tpu.memref_slice %arg9[%dma_start3A_706, %dma_start3A_708] : memref<5x40xf32, #tpu.memory_space<vmem>> -> memref<1x40xf32, #tpu.memory_space<vmem>>
        %dma_start3A_710 = tpu.memref_squeeze %dma_start3A_709 : memref<1x40xf32, #tpu.memory_space<vmem>> -> memref<40xf32, #tpu.memory_space<vmem>>
        %dma_start3A_711 = tpu.memref_slice %arg4[%add3A_679] : memref<320000xf32, #tpu.memory_space<hbm>> -> memref<40xf32, #tpu.memory_space<hbm>>
        %dma_start3A_712 = tpu.memref_slice %arg20[%dma_start3A_707] : memref<5x!tpu.dma_semaphore, #tpu.memory_space<semaphore_mem>> -> memref<1x!tpu.dma_semaphore, #tpu.memory_space<semaphore_mem>>
        %dma_start3A_713 = tpu.memref_squeeze %dma_start3A_712 : memref<1x!tpu.dma_semaphore, #tpu.memory_space<semaphore_mem>> -> memref<!tpu.dma_semaphore, #tpu.memory_space<semaphore_mem>>
        %dma_start3A_714 = arith.constant 0 : i32
        %dma_start3A_715 = tpu.memref_slice %arg9[%dma_start3A_706, %dma_start3A_714] : memref<5x40xf32, #tpu.memory_space<vmem>> -> memref<1x40xf32, #tpu.memory_space<vmem>>
        %dma_start3A_716 = tpu.memref_squeeze %dma_start3A_715 : memref<1x40xf32, #tpu.memory_space<vmem>> -> memref<40xf32, #tpu.memory_space<vmem>>
        %dma_start3A_717 = tpu.memref_slice %arg4[%add3A_679] : memref<320000xf32, #tpu.memory_space<hbm>> -> memref<40xf32, #tpu.memory_space<hbm>>
        tpu.enqueue_dma source(%dma_start3A_717 : memref<40xf32, #tpu.memory_space<hbm>>) target(%dma_start3A_716 : memref<40xf32, #tpu.memory_space<vmem>>) target_semaphore(%dma_start3A_713 : memref<!tpu.dma_semaphore, #tpu.memory_space<semaphore_mem>>)
      } else {
      }
      %add3A_625 = arith.constant 2 : i32
      %add3A_626 = arith.addi %add3A_612, %add3A_625 : i32
      %lt3A_627 = arith.constant 250 : i32
      %lt3A_628 = arith.cmpi slt, %add3A_626, %lt3A_627 : i32
      %convert_element_type3A_629 = arith.extui %lt3A_628 : i1 to i32
      %cond3A_630 = arith.constant 0 : i32
      %cond3A_631 = arith.cmpi ne, %convert_element_type3A_629, %cond3A_630 : i32
      scf.if %cond3A_631 {
        %dma_wait3A_675 = arith.constant 1 : i32
        %dma_wait3A_676 = arith.constant 1 : i32
        %dma_wait3A_677 = arith.constant 0 : i32
        %dma_wait3A_678 = tpu.memref_slice %arg7[%dma_wait3A_675, %dma_wait3A_677] : memref<5x40xi32, #tpu.memory_space<vmem>> -> memref<1x40xi32, #tpu.memory_space<vmem>>
        %dma_wait3A_679 = tpu.memref_squeeze %dma_wait3A_678 : memref<1x40xi32, #tpu.memory_space<vmem>> -> memref<40xi32, #tpu.memory_space<vmem>>
        %dma_wait3A_680 = arith.constant 0 : i32
        %dma_wait3A_681 = tpu.memref_slice %arg3[%dma_wait3A_680] : memref<640000xi32, #tpu.memory_space<hbm>> -> memref<40xi32, #tpu.memory_space<hbm>>
        %dma_wait3A_682 = tpu.memref_slice %arg18[%dma_wait3A_676] : memref<5x!tpu.dma_semaphore, #tpu.memory_space<semaphore_mem>> -> memref<1x!tpu.dma_semaphore, #tpu.memory_space<semaphore_mem>>
        %dma_wait3A_683 = tpu.memref_squeeze %dma_wait3A_682 : memref<1x!tpu.dma_semaphore, #tpu.memory_space<semaphore_mem>> -> memref<!tpu.dma_semaphore, #tpu.memory_space<semaphore_mem>>
        %dma_wait3A_684 = arith.constant 0 : i32
        %dma_wait3A_685 = tpu.memref_slice %arg7[%dma_wait3A_675, %dma_wait3A_684] : memref<5x40xi32, #tpu.memory_space<vmem>> -> memref<1x40xi32, #tpu.memory_space<vmem>>
        %dma_wait3A_686 = tpu.memref_squeeze %dma_wait3A_685 : memref<1x40xi32, #tpu.memory_space<vmem>> -> memref<40xi32, #tpu.memory_space<vmem>>
        %dma_wait3A_687 = arith.constant 0 : i32
        %dma_wait3A_688 = tpu.memref_slice %arg3[%dma_wait3A_687] : memref<640000xi32, #tpu.memory_space<hbm>> -> memref<40xi32, #tpu.memory_space<hbm>>
        tpu.wait_dma2 semaphore(%dma_wait3A_683 : memref<!tpu.dma_semaphore, #tpu.memory_space<semaphore_mem>>) src(%dma_wait3A_688 : memref<40xi32, #tpu.memory_space<hbm>>) dst(%dma_wait3A_686 : memref<40xi32, #tpu.memory_space<vmem>>)
        %dma_wait3A_689 = arith.constant 1 : i32
        %dma_wait3A_690 = arith.constant 1 : i32
        %dma_wait3A_691 = arith.constant 0 : i32
        %dma_wait3A_692 = tpu.memref_slice %arg8[%dma_wait3A_689, %dma_wait3A_691] : memref<5x40xi32, #tpu.memory_space<vmem>> -> memref<1x40xi32, #tpu.memory_space<vmem>>
        %dma_wait3A_693 = tpu.memref_squeeze %dma_wait3A_692 : memref<1x40xi32, #tpu.memory_space<vmem>> -> memref<40xi32, #tpu.memory_space<vmem>>
        %dma_wait3A_694 = arith.constant 0 : i32
        %dma_wait3A_695 = tpu.memref_slice %arg3[%dma_wait3A_694] : memref<640000xi32, #tpu.memory_space<hbm>> -> memref<40xi32, #tpu.memory_space<hbm>>
        %dma_wait3A_696 = tpu.memref_slice %arg19[%dma_wait3A_690] : memref<5x!tpu.dma_semaphore, #tpu.memory_space<semaphore_mem>> -> memref<1x!tpu.dma_semaphore, #tpu.memory_space<semaphore_mem>>
        %dma_wait3A_697 = tpu.memref_squeeze %dma_wait3A_696 : memref<1x!tpu.dma_semaphore, #tpu.memory_space<semaphore_mem>> -> memref<!tpu.dma_semaphore, #tpu.memory_space<semaphore_mem>>
        %dma_wait3A_698 = arith.constant 0 : i32
        %dma_wait3A_699 = tpu.memref_slice %arg8[%dma_wait3A_689, %dma_wait3A_698] : memref<5x40xi32, #tpu.memory_space<vmem>> -> memref<1x40xi32, #tpu.memory_space<vmem>>
        %dma_wait3A_700 = tpu.memref_squeeze %dma_wait3A_699 : memref<1x40xi32, #tpu.memory_space<vmem>> -> memref<40xi32, #tpu.memory_space<vmem>>
        %dma_wait3A_701 = arith.constant 0 : i32
        %dma_wait3A_702 = tpu.memref_slice %arg3[%dma_wait3A_701] : memref<640000xi32, #tpu.memory_space<hbm>> -> memref<40xi32, #tpu.memory_space<hbm>>
        tpu.wait_dma2 semaphore(%dma_wait3A_697 : memref<!tpu.dma_semaphore, #tpu.memory_space<semaphore_mem>>) src(%dma_wait3A_702 : memref<40xi32, #tpu.memory_space<hbm>>) dst(%dma_wait3A_700 : memref<40xi32, #tpu.memory_space<vmem>>)
        %dma_wait3A_703 = arith.constant 1 : i32
        %dma_wait3A_704 = arith.constant 1 : i32
        %dma_wait3A_705 = arith.constant 0 : i32
        %dma_wait3A_706 = tpu.memref_slice %arg9[%dma_wait3A_703, %dma_wait3A_705] : memref<5x40xf32, #tpu.memory_space<vmem>> -> memref<1x40xf32, #tpu.memory_space<vmem>>
        %dma_wait3A_707 = tpu.memref_squeeze %dma_wait3A_706 : memref<1x40xf32, #tpu.memory_space<vmem>> -> memref<40xf32, #tpu.memory_space<vmem>>
        %dma_wait3A_708 = arith.constant 0 : i32
        %dma_wait3A_709 = tpu.memref_slice %arg4[%dma_wait3A_708] : memref<320000xf32, #tpu.memory_space<hbm>> -> memref<40xf32, #tpu.memory_space<hbm>>
        %dma_wait3A_710 = tpu.memref_slice %arg20[%dma_wait3A_704] : memref<5x!tpu.dma_semaphore, #tpu.memory_space<semaphore_mem>> -> memref<1x!tpu.dma_semaphore, #tpu.memory_space<semaphore_mem>>
        %dma_wait3A_711 = tpu.memref_squeeze %dma_wait3A_710 : memref<1x!tpu.dma_semaphore, #tpu.memory_space<semaphore_mem>> -> memref<!tpu.dma_semaphore, #tpu.memory_space<semaphore_mem>>
        %dma_wait3A_712 = arith.constant 0 : i32
        %dma_wait3A_713 = tpu.memref_slice %arg9[%dma_wait3A_703, %dma_wait3A_712] : memref<5x40xf32, #tpu.memory_space<vmem>> -> memref<1x40xf32, #tpu.memory_space<vmem>>
        %dma_wait3A_714 = tpu.memref_squeeze %dma_wait3A_713 : memref<1x40xf32, #tpu.memory_space<vmem>> -> memref<40xf32, #tpu.memory_space<vmem>>
        %dma_wait3A_715 = arith.constant 0 : i32
        %dma_wait3A_716 = tpu.memref_slice %arg4[%dma_wait3A_715] : memref<320000xf32, #tpu.memory_space<hbm>> -> memref<40xf32, #tpu.memory_space<hbm>>
        tpu.wait_dma2 semaphore(%dma_wait3A_711 : memref<!tpu.dma_semaphore, #tpu.memory_space<semaphore_mem>>) src(%dma_wait3A_716 : memref<40xf32, #tpu.memory_space<hbm>>) dst(%dma_wait3A_714 : memref<40xf32, #tpu.memory_space<vmem>>)
        %add3A_717 = arith.constant 2 : i32
        %add3A_718 = arith.addi %add3A_612, %add3A_717 : i32
        %dma_start3A_719 = arith.constant 1 : i32
        %dma_start3A_720 = arith.constant 1 : i32
        %dma_start3A_721 = arith.constant 1 : i32
        %dma_start3A_722 = arith.constant 0 : i32
        %dma_start3A_723 = arith.constant 0 : i32
        %dma_start3A_724 = tpu.memref_slice %arg10[%dma_start3A_720, %dma_start3A_722, %dma_start3A_723] : memref<5x40x128xf32, #tpu.memory_space<vmem>> -> memref<1x40x128xf32, #tpu.memory_space<vmem>>
        %dma_start3A_725 = tpu.memref_squeeze %dma_start3A_724 : memref<1x40x128xf32, #tpu.memory_space<vmem>> -> memref<40x128xf32, #tpu.memory_space<vmem>>
        %dma_start3A_726 = arith.constant 0 : i32
        %dma_start3A_727 = tpu.memref_slice %arg7[%dma_start3A_719, %dma_start3A_726] : memref<5x40xi32, #tpu.memory_space<vmem>> -> memref<1x40xi32, #tpu.memory_space<vmem>>
        %dma_start3A_728 = tpu.memref_squeeze %dma_start3A_727 : memref<1x40xi32, #tpu.memory_space<vmem>> -> memref<40xi32, #tpu.memory_space<vmem>>
        %dma_start3A_729 = arith.constant 0 : i32
        %dma_start3A_730 = arith.constant 0 : i32
        %dma_start3A_731 = tpu.memref_slice %arg2[%dma_start3A_729, %dma_start3A_730] : memref<10000x128xf32, #tpu.memory_space<hbm>> -> memref<10000x128xf32, #tpu.memory_space<hbm>>
        %dma_start3A_732 = tpu.memref_slice %arg15[%dma_start3A_721] : memref<5x!tpu.dma_semaphore, #tpu.memory_space<semaphore_mem>> -> memref<1x!tpu.dma_semaphore, #tpu.memory_space<semaphore_mem>>
        %dma_start3A_733 = tpu.memref_squeeze %dma_start3A_732 : memref<1x!tpu.dma_semaphore, #tpu.memory_space<semaphore_mem>> -> memref<!tpu.dma_semaphore, #tpu.memory_space<semaphore_mem>>
        tpu.enqueue_indirect_dma source(%dma_start3A_731 : memref<10000x128xf32, #tpu.memory_space<hbm>>) target(%dma_start3A_725 : memref<40x128xf32, #tpu.memory_space<vmem>>) offsets(%dma_start3A_728 : memref<40xi32, #tpu.memory_space<vmem>>) semaphore(%dma_start3A_733 : memref<!tpu.dma_semaphore, #tpu.memory_space<semaphore_mem>>)
      } else {
      }
      %dma_wait3A_632 = arith.constant 4 : i32
      %dma_wait3A_633 = arith.constant 4 : i32
      %dma_wait3A_634 = arith.constant 4 : i32
      %dma_wait3A_635 = arith.constant 0 : i32
      %dma_wait3A_636 = arith.constant 0 : i32
      %dma_wait3A_637 = tpu.memref_slice %arg10[%dma_wait3A_633, %dma_wait3A_635, %dma_wait3A_636] : memref<5x40x128xf32, #tpu.memory_space<vmem>> -> memref<1x40x128xf32, #tpu.memory_space<vmem>>
      %dma_wait3A_638 = tpu.memref_squeeze %dma_wait3A_637 : memref<1x40x128xf32, #tpu.memory_space<vmem>> -> memref<40x128xf32, #tpu.memory_space<vmem>>
      %dma_wait3A_639 = arith.constant 0 : i32
      %dma_wait3A_640 = tpu.memref_slice %arg7[%dma_wait3A_632, %dma_wait3A_639] : memref<5x40xi32, #tpu.memory_space<vmem>> -> memref<1x40xi32, #tpu.memory_space<vmem>>
      %dma_wait3A_641 = tpu.memref_squeeze %dma_wait3A_640 : memref<1x40xi32, #tpu.memory_space<vmem>> -> memref<40xi32, #tpu.memory_space<vmem>>
      %dma_wait3A_642 = arith.constant 0 : i32
      %dma_wait3A_643 = arith.constant 0 : i32
      %dma_wait3A_644 = tpu.memref_slice %arg2[%dma_wait3A_642, %dma_wait3A_643] : memref<10000x128xf32, #tpu.memory_space<hbm>> -> memref<10000x128xf32, #tpu.memory_space<hbm>>
      %dma_wait3A_645 = tpu.memref_slice %arg15[%dma_wait3A_634] : memref<5x!tpu.dma_semaphore, #tpu.memory_space<semaphore_mem>> -> memref<1x!tpu.dma_semaphore, #tpu.memory_space<semaphore_mem>>
      %dma_wait3A_646 = tpu.memref_squeeze %dma_wait3A_645 : memref<1x!tpu.dma_semaphore, #tpu.memory_space<semaphore_mem>> -> memref<!tpu.dma_semaphore, #tpu.memory_space<semaphore_mem>>
      tpu.wait_indirect_dma semaphore(%dma_wait3A_646 : memref<!tpu.dma_semaphore, #tpu.memory_space<semaphore_mem>>) src(%dma_wait3A_644 : memref<10000x128xf32, #tpu.memory_space<hbm>>) dst(%dma_wait3A_638 : memref<40x128xf32, #tpu.memory_space<vmem>>)
      %parallel_loop3A_647 = arith.constant 0 : i32
      %parallel_loop3A_648 = arith.constant 40 : i32
      %parallel_loop3A_649 = arith.constant 1 : i32
      %parallel_loop3A_650 = arith.constant 4 : i32
      scf.for %parallel_loop3A_675 = %parallel_loop3A_647 to %parallel_loop3A_648 step %parallel_loop3A_649  : i32 {
        %parallel_loop3A_676 = arith.constant 0 : i32
        %parallel_loop3A_677 = vector.broadcast %parallel_loop3A_676 : i32 to vector<16xi32>
        %parallel_loop3A_678 = vector.broadcast %parallel_loop3A_675 : i32 to vector<16xi32>
        %parallel_loop3A_679 = arith.addi %parallel_loop3A_677, %parallel_loop3A_678 : vector<16xi32>
        %parallel_loop3A_680 = arith.constant 0 : i32
        %parallel_loop3A_681 = tpu.memref_slice %arg9[%parallel_loop3A_650, %parallel_loop3A_680] : memref<5x40xf32, #tpu.memory_space<vmem>> -> memref<1x40xf32, #tpu.memory_space<vmem>>
        %parallel_loop3A_682 = tpu.memref_squeeze %parallel_loop3A_681 : memref<1x40xf32, #tpu.memory_space<vmem>> -> memref<40xf32, #tpu.memory_space<vmem>>
        %parallel_loop3A_683 = tpu.vector_load_idx %parallel_loop3A_682[%parallel_loop3A_679] : memref<40xf32, #tpu.memory_space<vmem>>[vector<16xi32>], vector<16xf32>,
        %parallel_loop3A_684 = arith.constant 4 : i32
        %parallel_loop3A_685 = arith.index_cast %parallel_loop3A_684 : i32 to index
        %parallel_loop3A_686 = arith.index_cast %parallel_loop3A_675 : i32 to index
        %parallel_loop3A_687 = arith.constant 0 : index
        %parallel_loop3A_688 = tpu.vector_load %arg10[%parallel_loop3A_685, %parallel_loop3A_686, %parallel_loop3A_687] {strides = array<i32>} : memref<5x40x128xf32, #tpu.memory_space<vmem>>, vector<16xf32>,
        %parallel_loop3A_689 = arith.mulf %parallel_loop3A_688, %parallel_loop3A_683 : vector<16xf32>
        %parallel_loop3A_690 = arith.constant 4 : i32
        %parallel_loop3A_691 = arith.index_cast %parallel_loop3A_690 : i32 to index
        %parallel_loop3A_692 = arith.index_cast %parallel_loop3A_675 : i32 to index
        %parallel_loop3A_693 = arith.constant 0 : index
        %parallel_loop3A_694 = tpu.vector_load %arg10[%parallel_loop3A_691, %parallel_loop3A_692, %parallel_loop3A_693] {strides = array<i32>} : memref<5x40x128xf32, #tpu.memory_space<vmem>>, vector<16xf32>,
        tpu.vector_store %arg10[%parallel_loop3A_691, %parallel_loop3A_692, %parallel_loop3A_693], %parallel_loop3A_689 {strides = array<i32>} : memref<5x40x128xf32, #tpu.memory_space<vmem>>, vector<16xf32>,
        %parallel_loop3A_695 = arith.constant 4 : i32
        %parallel_loop3A_696 = arith.index_cast %parallel_loop3A_695 : i32 to index
        %parallel_loop3A_697 = arith.index_cast %parallel_loop3A_675 : i32 to index
        %parallel_loop3A_698 = arith.constant 16 : index
        %parallel_loop3A_699 = tpu.vector_load %arg10[%parallel_loop3A_696, %parallel_loop3A_697, %parallel_loop3A_698] {strides = array<i32>} : memref<5x40x128xf32, #tpu.memory_space<vmem>>, vector<16xf32>,
        %parallel_loop3A_700 = arith.mulf %parallel_loop3A_699, %parallel_loop3A_683 : vector<16xf32>
        %parallel_loop3A_701 = arith.constant 4 : i32
        %parallel_loop3A_702 = arith.index_cast %parallel_loop3A_701 : i32 to index
        %parallel_loop3A_703 = arith.index_cast %parallel_loop3A_675 : i32 to index
        %parallel_loop3A_704 = arith.constant 16 : index
        %parallel_loop3A_705 = tpu.vector_load %arg10[%parallel_loop3A_702, %parallel_loop3A_703, %parallel_loop3A_704] {strides = array<i32>} : memref<5x40x128xf32, #tpu.memory_space<vmem>>, vector<16xf32>,
        tpu.vector_store %arg10[%parallel_loop3A_702, %parallel_loop3A_703, %parallel_loop3A_704], %parallel_loop3A_700 {strides = array<i32>} : memref<5x40x128xf32, #tpu.memory_space<vmem>>, vector<16xf32>,
        %parallel_loop3A_706 = arith.constant 4 : i32
        %parallel_loop3A_707 = arith.index_cast %parallel_loop3A_706 : i32 to index
        %parallel_loop3A_708 = arith.index_cast %parallel_loop3A_675 : i32 to index
        %parallel_loop3A_709 = arith.constant 32 : index
        %parallel_loop3A_710 = tpu.vector_load %arg10[%parallel_loop3A_707, %parallel_loop3A_708, %parallel_loop3A_709] {strides = array<i32>} : memref<5x40x128xf32, #tpu.memory_space<vmem>>, vector<16xf32>,
        %parallel_loop3A_711 = arith.mulf %parallel_loop3A_710, %parallel_loop3A_683 : vector<16xf32>
        %parallel_loop3A_712 = arith.constant 4 : i32
        %parallel_loop3A_713 = arith.index_cast %parallel_loop3A_712 : i32 to index
        %parallel_loop3A_714 = arith.index_cast %parallel_loop3A_675 : i32 to index
        %parallel_loop3A_715 = arith.constant 32 : index
        %parallel_loop3A_716 = tpu.vector_load %arg10[%parallel_loop3A_713, %parallel_loop3A_714, %parallel_loop3A_715] {strides = array<i32>} : memref<5x40x128xf32, #tpu.memory_space<vmem>>, vector<16xf32>,
        tpu.vector_store %arg10[%parallel_loop3A_713, %parallel_loop3A_714, %parallel_loop3A_715], %parallel_loop3A_711 {strides = array<i32>} : memref<5x40x128xf32, #tpu.memory_space<vmem>>, vector<16xf32>,
        %parallel_loop3A_717 = arith.constant 4 : i32
        %parallel_loop3A_718 = arith.index_cast %parallel_loop3A_717 : i32 to index
        %parallel_loop3A_719 = arith.index_cast %parallel_loop3A_675 : i32 to index
        %parallel_loop3A_720 = arith.constant 48 : index
        %parallel_loop3A_721 = tpu.vector_load %arg10[%parallel_loop3A_718, %parallel_loop3A_719, %parallel_loop3A_720] {strides = array<i32>} : memref<5x40x128xf32, #tpu.memory_space<vmem>>, vector<16xf32>,
        %parallel_loop3A_722 = arith.mulf %parallel_loop3A_721, %parallel_loop3A_683 : vector<16xf32>
        %parallel_loop3A_723 = arith.constant 4 : i32
        %parallel_loop3A_724 = arith.index_cast %parallel_loop3A_723 : i32 to index
        %parallel_loop3A_725 = arith.index_cast %parallel_loop3A_675 : i32 to index
        %parallel_loop3A_726 = arith.constant 48 : index
        %parallel_loop3A_727 = tpu.vector_load %arg10[%parallel_loop3A_724, %parallel_loop3A_725, %parallel_loop3A_726] {strides = array<i32>} : memref<5x40x128xf32, #tpu.memory_space<vmem>>, vector<16xf32>,
        tpu.vector_store %arg10[%parallel_loop3A_724, %parallel_loop3A_725, %parallel_loop3A_726], %parallel_loop3A_722 {strides = array<i32>} : memref<5x40x128xf32, #tpu.memory_space<vmem>>, vector<16xf32>,
        %parallel_loop3A_728 = arith.constant 4 : i32
        %parallel_loop3A_729 = arith.index_cast %parallel_loop3A_728 : i32 to index
        %parallel_loop3A_730 = arith.index_cast %parallel_loop3A_675 : i32 to index
        %parallel_loop3A_731 = arith.constant 64 : index
        %parallel_loop3A_732 = tpu.vector_load %arg10[%parallel_loop3A_729, %parallel_loop3A_730, %parallel_loop3A_731] {strides = array<i32>} : memref<5x40x128xf32, #tpu.memory_space<vmem>>, vector<16xf32>,
        %parallel_loop3A_733 = arith.mulf %parallel_loop3A_732, %parallel_loop3A_683 : vector<16xf32>
        %parallel_loop3A_734 = arith.constant 4 : i32
        %parallel_loop3A_735 = arith.index_cast %parallel_loop3A_734 : i32 to index
        %parallel_loop3A_736 = arith.index_cast %parallel_loop3A_675 : i32 to index
        %parallel_loop3A_737 = arith.constant 64 : index
        %parallel_loop3A_738 = tpu.vector_load %arg10[%parallel_loop3A_735, %parallel_loop3A_736, %parallel_loop3A_737] {strides = array<i32>} : memref<5x40x128xf32, #tpu.memory_space<vmem>>, vector<16xf32>,
        tpu.vector_store %arg10[%parallel_loop3A_735, %parallel_loop3A_736, %parallel_loop3A_737], %parallel_loop3A_733 {strides = array<i32>} : memref<5x40x128xf32, #tpu.memory_space<vmem>>, vector<16xf32>,
        %parallel_loop3A_739 = arith.constant 4 : i32
        %parallel_loop3A_740 = arith.index_cast %parallel_loop3A_739 : i32 to index
        %parallel_loop3A_741 = arith.index_cast %parallel_loop3A_675 : i32 to index
        %parallel_loop3A_742 = arith.constant 80 : index
        %parallel_loop3A_743 = tpu.vector_load %arg10[%parallel_loop3A_740, %parallel_loop3A_741, %parallel_loop3A_742] {strides = array<i32>} : memref<5x40x128xf32, #tpu.memory_space<vmem>>, vector<16xf32>,
        %parallel_loop3A_744 = arith.mulf %parallel_loop3A_743, %parallel_loop3A_683 : vector<16xf32>
        %parallel_loop3A_745 = arith.constant 4 : i32
        %parallel_loop3A_746 = arith.index_cast %parallel_loop3A_745 : i32 to index
        %parallel_loop3A_747 = arith.index_cast %parallel_loop3A_675 : i32 to index
        %parallel_loop3A_748 = arith.constant 80 : index
        %parallel_loop3A_749 = tpu.vector_load %arg10[%parallel_loop3A_746, %parallel_loop3A_747, %parallel_loop3A_748] {strides = array<i32>} : memref<5x40x128xf32, #tpu.memory_space<vmem>>, vector<16xf32>,
        tpu.vector_store %arg10[%parallel_loop3A_746, %parallel_loop3A_747, %parallel_loop3A_748], %parallel_loop3A_744 {strides = array<i32>} : memref<5x40x128xf32, #tpu.memory_space<vmem>>, vector<16xf32>,
        %parallel_loop3A_750 = arith.constant 4 : i32
        %parallel_loop3A_751 = arith.index_cast %parallel_loop3A_750 : i32 to index
        %parallel_loop3A_752 = arith.index_cast %parallel_loop3A_675 : i32 to index
        %parallel_loop3A_753 = arith.constant 96 : index
        %parallel_loop3A_754 = tpu.vector_load %arg10[%parallel_loop3A_751, %parallel_loop3A_752, %parallel_loop3A_753] {strides = array<i32>} : memref<5x40x128xf32, #tpu.memory_space<vmem>>, vector<16xf32>,
        %parallel_loop3A_755 = arith.mulf %parallel_loop3A_754, %parallel_loop3A_683 : vector<16xf32>
        %parallel_loop3A_756 = arith.constant 4 : i32
        %parallel_loop3A_757 = arith.index_cast %parallel_loop3A_756 : i32 to index
        %parallel_loop3A_758 = arith.index_cast %parallel_loop3A_675 : i32 to index
        %parallel_loop3A_759 = arith.constant 96 : index
        %parallel_loop3A_760 = tpu.vector_load %arg10[%parallel_loop3A_757, %parallel_loop3A_758, %parallel_loop3A_759] {strides = array<i32>} : memref<5x40x128xf32, #tpu.memory_space<vmem>>, vector<16xf32>,
        tpu.vector_store %arg10[%parallel_loop3A_757, %parallel_loop3A_758, %parallel_loop3A_759], %parallel_loop3A_755 {strides = array<i32>} : memref<5x40x128xf32, #tpu.memory_space<vmem>>, vector<16xf32>,
        %parallel_loop3A_761 = arith.constant 4 : i32
        %parallel_loop3A_762 = arith.index_cast %parallel_loop3A_761 : i32 to index
        %parallel_loop3A_763 = arith.index_cast %parallel_loop3A_675 : i32 to index
        %parallel_loop3A_764 = arith.constant 112 : index
        %parallel_loop3A_765 = tpu.vector_load %arg10[%parallel_loop3A_762, %parallel_loop3A_763, %parallel_loop3A_764] {strides = array<i32>} : memref<5x40x128xf32, #tpu.memory_space<vmem>>, vector<16xf32>,
        %parallel_loop3A_766 = arith.mulf %parallel_loop3A_765, %parallel_loop3A_683 : vector<16xf32>
        %parallel_loop3A_767 = arith.constant 4 : i32
        %parallel_loop3A_768 = arith.index_cast %parallel_loop3A_767 : i32 to index
        %parallel_loop3A_769 = arith.index_cast %parallel_loop3A_675 : i32 to index
        %parallel_loop3A_770 = arith.constant 112 : index
        %parallel_loop3A_771 = tpu.vector_load %arg10[%parallel_loop3A_768, %parallel_loop3A_769, %parallel_loop3A_770] {strides = array<i32>} : memref<5x40x128xf32, #tpu.memory_space<vmem>>, vector<16xf32>,
        tpu.vector_store %arg10[%parallel_loop3A_768, %parallel_loop3A_769, %parallel_loop3A_770], %parallel_loop3A_766 {strides = array<i32>} : memref<5x40x128xf32, #tpu.memory_space<vmem>>, vector<16xf32>,
      } {sc.loop_unroll_factor = 4 : i64, sc.parallel_access}
      %dma_start3A_651 = arith.constant 4 : i32
      %dma_start3A_652 = arith.constant 4 : i32
      %dma_start3A_653 = arith.constant 4 : i32
      %dma_start3A_654 = arith.constant 0 : i32
      %dma_start3A_655 = arith.constant 0 : i32
      %dma_start3A_656 = tpu.memref_slice %arg10[%dma_start3A_651, %dma_start3A_654, %dma_start3A_655] : memref<5x40x128xf32, #tpu.memory_space<vmem>> -> memref<1x40x128xf32, #tpu.memory_space<vmem>>
      %dma_start3A_657 = tpu.memref_squeeze %dma_start3A_656 : memref<1x40x128xf32, #tpu.memory_space<vmem>> -> memref<40x128xf32, #tpu.memory_space<vmem>>
      %dma_start3A_658 = arith.constant 0 : i32
      %dma_start3A_659 = tpu.memref_slice %arg8[%dma_start3A_652, %dma_start3A_658] : memref<5x40xi32, #tpu.memory_space<vmem>> -> memref<1x40xi32, #tpu.memory_space<vmem>>
      %dma_start3A_660 = tpu.memref_squeeze %dma_start3A_659 : memref<1x40xi32, #tpu.memory_space<vmem>> -> memref<40xi32, #tpu.memory_space<vmem>>
      %dma_start3A_661 = arith.constant 0 : i32
      %dma_start3A_662 = arith.constant 0 : i32
      %dma_start3A_663 = tpu.memref_slice %arg13[%dma_start3A_661, %dma_start3A_662] : memref<10000x128xf32, #tpu.memory_space<vmem_shared>> -> memref<10000x128xf32, #tpu.memory_space<vmem_shared>>
      %dma_start3A_664 = tpu.memref_slice %arg16[%dma_start3A_653] : memref<5x!tpu.dma_semaphore, #tpu.memory_space<semaphore_mem>> -> memref<1x!tpu.dma_semaphore, #tpu.memory_space<semaphore_mem>>
      %dma_start3A_665 = tpu.memref_squeeze %dma_start3A_664 : memref<1x!tpu.dma_semaphore, #tpu.memory_space<semaphore_mem>> -> memref<!tpu.dma_semaphore, #tpu.memory_space<semaphore_mem>>
      tpu.enqueue_indirect_dma source(%dma_start3A_657 : memref<40x128xf32, #tpu.memory_space<vmem>>) target(%dma_start3A_663 : memref<10000x128xf32, #tpu.memory_space<vmem_shared>>) offsets(%dma_start3A_660 : memref<40xi32, #tpu.memory_space<vmem>>) semaphore(%dma_start3A_665 : memref<!tpu.dma_semaphore, #tpu.memory_space<semaphore_mem>>) {add = true}
      %dma_start3A_666 = arith.constant 4 : i32
      %dma_start3A_667 = arith.constant 4 : i32
      %dma_start3A_668 = arith.constant 0 : i32
      %dma_start3A_669 = tpu.memref_slice %arg8[%dma_start3A_666, %dma_start3A_668] : memref<5x40xi32, #tpu.memory_space<vmem>> -> memref<1x40xi32, #tpu.memory_space<vmem>>
      %dma_start3A_670 = tpu.memref_squeeze %dma_start3A_669 : memref<1x40xi32, #tpu.memory_space<vmem>> -> memref<40xi32, #tpu.memory_space<vmem>>
      %dma_start3A_671 = arith.constant 0 : i32
      %dma_start3A_672 = tpu.memref_slice %arg14[%dma_start3A_671] : memref<10000xf32, #tpu.memory_space<vmem_shared>> -> memref<10000xf32, #tpu.memory_space<vmem_shared>>
      %dma_start3A_673 = tpu.memref_slice %arg17[%dma_start3A_667] : memref<5x!tpu.dma_semaphore, #tpu.memory_space<semaphore_mem>> -> memref<1x!tpu.dma_semaphore, #tpu.memory_space<semaphore_mem>>
      %dma_start3A_674 = tpu.memref_squeeze %dma_start3A_673 : memref<1x!tpu.dma_semaphore, #tpu.memory_space<semaphore_mem>> -> memref<!tpu.dma_semaphore, #tpu.memory_space<semaphore_mem>>
      tpu.enqueue_indirect_dma source(%arg11 : memref<40xf32, #tpu.memory_space<vmem>>) target(%dma_start3A_672 : memref<10000xf32, #tpu.memory_space<vmem_shared>>) offsets(%dma_start3A_670 : memref<40xi32, #tpu.memory_space<vmem>>) semaphore(%dma_start3A_674 : memref<!tpu.dma_semaphore, #tpu.memory_space<semaphore_mem>>) {add = true}
    }
    %scan3A_289 = arith.constant 50 : i32
    %dma_wait3A_290 = arith.constant 3 : i32
    %dma_wait3A_291 = arith.constant 3 : i32
    %dma_wait3A_292 = arith.constant 3 : i32
    %dma_wait3A_293 = arith.constant 0 : i32
    %dma_wait3A_294 = arith.constant 0 : i32
    %dma_wait3A_295 = tpu.memref_slice %arg10[%dma_wait3A_290, %dma_wait3A_293, %dma_wait3A_294] : memref<5x40x128xf32, #tpu.memory_space<vmem>> -> memref<1x40x128xf32, #tpu.memory_space<vmem>>
    %dma_wait3A_296 = tpu.memref_squeeze %dma_wait3A_295 : memref<1x40x128xf32, #tpu.memory_space<vmem>> -> memref<40x128xf32, #tpu.memory_space<vmem>>
    %dma_wait3A_297 = arith.constant 0 : i32
    %dma_wait3A_298 = tpu.memref_slice %arg8[%dma_wait3A_291, %dma_wait3A_297] : memref<5x40xi32, #tpu.memory_space<vmem>> -> memref<1x40xi32, #tpu.memory_space<vmem>>
    %dma_wait3A_299 = tpu.memref_squeeze %dma_wait3A_298 : memref<1x40xi32, #tpu.memory_space<vmem>> -> memref<40xi32, #tpu.memory_space<vmem>>
    %dma_wait3A_300 = arith.constant 0 : i32
    %dma_wait3A_301 = arith.constant 0 : i32
    %dma_wait3A_302 = tpu.memref_slice %arg13[%dma_wait3A_300, %dma_wait3A_301] : memref<10000x128xf32, #tpu.memory_space<vmem_shared>> -> memref<10000x128xf32, #tpu.memory_space<vmem_shared>>
    %dma_wait3A_303 = tpu.memref_slice %arg16[%dma_wait3A_292] : memref<5x!tpu.dma_semaphore, #tpu.memory_space<semaphore_mem>> -> memref<1x!tpu.dma_semaphore, #tpu.memory_space<semaphore_mem>>
    %dma_wait3A_304 = tpu.memref_squeeze %dma_wait3A_303 : memref<1x!tpu.dma_semaphore, #tpu.memory_space<semaphore_mem>> -> memref<!tpu.dma_semaphore, #tpu.memory_space<semaphore_mem>>
    tpu.wait_indirect_dma semaphore(%dma_wait3A_304 : memref<!tpu.dma_semaphore, #tpu.memory_space<semaphore_mem>>) src(%dma_wait3A_296 : memref<40x128xf32, #tpu.memory_space<vmem>>) dst(%dma_wait3A_302 : memref<10000x128xf32, #tpu.memory_space<vmem_shared>>)
    %dma_wait3A_305 = arith.constant 3 : i32
    %dma_wait3A_306 = arith.constant 3 : i32
    %dma_wait3A_307 = arith.constant 0 : i32
    %dma_wait3A_308 = tpu.memref_slice %arg8[%dma_wait3A_305, %dma_wait3A_307] : memref<5x40xi32, #tpu.memory_space<vmem>> -> memref<1x40xi32, #tpu.memory_space<vmem>>
    %dma_wait3A_309 = tpu.memref_squeeze %dma_wait3A_308 : memref<1x40xi32, #tpu.memory_space<vmem>> -> memref<40xi32, #tpu.memory_space<vmem>>
    %dma_wait3A_310 = arith.constant 0 : i32
    %dma_wait3A_311 = tpu.memref_slice %arg14[%dma_wait3A_310] : memref<10000xf32, #tpu.memory_space<vmem_shared>> -> memref<10000xf32, #tpu.memory_space<vmem_shared>>
    %dma_wait3A_312 = tpu.memref_slice %arg17[%dma_wait3A_306] : memref<5x!tpu.dma_semaphore, #tpu.memory_space<semaphore_mem>> -> memref<1x!tpu.dma_semaphore, #tpu.memory_space<semaphore_mem>>
    %dma_wait3A_313 = tpu.memref_squeeze %dma_wait3A_312 : memref<1x!tpu.dma_semaphore, #tpu.memory_space<semaphore_mem>> -> memref<!tpu.dma_semaphore, #tpu.memory_space<semaphore_mem>>
    tpu.wait_indirect_dma semaphore(%dma_wait3A_313 : memref<!tpu.dma_semaphore, #tpu.memory_space<semaphore_mem>>) src(%arg11 : memref<40xf32, #tpu.memory_space<vmem>>) dst(%dma_wait3A_311 : memref<10000xf32, #tpu.memory_space<vmem_shared>>)
    %dma_wait3A_314 = arith.constant 4 : i32
    %dma_wait3A_315 = arith.constant 4 : i32
    %dma_wait3A_316 = arith.constant 4 : i32
    %dma_wait3A_317 = arith.constant 0 : i32
    %dma_wait3A_318 = arith.constant 0 : i32
    %dma_wait3A_319 = tpu.memref_slice %arg10[%dma_wait3A_314, %dma_wait3A_317, %dma_wait3A_318] : memref<5x40x128xf32, #tpu.memory_space<vmem>> -> memref<1x40x128xf32, #tpu.memory_space<vmem>>
    %dma_wait3A_320 = tpu.memref_squeeze %dma_wait3A_319 : memref<1x40x128xf32, #tpu.memory_space<vmem>> -> memref<40x128xf32, #tpu.memory_space<vmem>>
    %dma_wait3A_321 = arith.constant 0 : i32
    %dma_wait3A_322 = tpu.memref_slice %arg8[%dma_wait3A_315, %dma_wait3A_321] : memref<5x40xi32, #tpu.memory_space<vmem>> -> memref<1x40xi32, #tpu.memory_space<vmem>>
    %dma_wait3A_323 = tpu.memref_squeeze %dma_wait3A_322 : memref<1x40xi32, #tpu.memory_space<vmem>> -> memref<40xi32, #tpu.memory_space<vmem>>
    %dma_wait3A_324 = arith.constant 0 : i32
    %dma_wait3A_325 = arith.constant 0 : i32
    %dma_wait3A_326 = tpu.memref_slice %arg13[%dma_wait3A_324, %dma_wait3A_325] : memref<10000x128xf32, #tpu.memory_space<vmem_shared>> -> memref<10000x128xf32, #tpu.memory_space<vmem_shared>>
    %dma_wait3A_327 = tpu.memref_slice %arg16[%dma_wait3A_316] : memref<5x!tpu.dma_semaphore, #tpu.memory_space<semaphore_mem>> -> memref<1x!tpu.dma_semaphore, #tpu.memory_space<semaphore_mem>>
    %dma_wait3A_328 = tpu.memref_squeeze %dma_wait3A_327 : memref<1x!tpu.dma_semaphore, #tpu.memory_space<semaphore_mem>> -> memref<!tpu.dma_semaphore, #tpu.memory_space<semaphore_mem>>
    tpu.wait_indirect_dma semaphore(%dma_wait3A_328 : memref<!tpu.dma_semaphore, #tpu.memory_space<semaphore_mem>>) src(%dma_wait3A_320 : memref<40x128xf32, #tpu.memory_space<vmem>>) dst(%dma_wait3A_326 : memref<10000x128xf32, #tpu.memory_space<vmem_shared>>)
    %dma_wait3A_329 = arith.constant 4 : i32
    %dma_wait3A_330 = arith.constant 4 : i32
    %dma_wait3A_331 = arith.constant 0 : i32
    %dma_wait3A_332 = tpu.memref_slice %arg8[%dma_wait3A_329, %dma_wait3A_331] : memref<5x40xi32, #tpu.memory_space<vmem>> -> memref<1x40xi32, #tpu.memory_space<vmem>>
    %dma_wait3A_333 = tpu.memref_squeeze %dma_wait3A_332 : memref<1x40xi32, #tpu.memory_space<vmem>> -> memref<40xi32, #tpu.memory_space<vmem>>
    %dma_wait3A_334 = arith.constant 0 : i32
    %dma_wait3A_335 = tpu.memref_slice %arg14[%dma_wait3A_334] : memref<10000xf32, #tpu.memory_space<vmem_shared>> -> memref<10000xf32, #tpu.memory_space<vmem_shared>>
    %dma_wait3A_336 = tpu.memref_slice %arg17[%dma_wait3A_330] : memref<5x!tpu.dma_semaphore, #tpu.memory_space<semaphore_mem>> -> memref<1x!tpu.dma_semaphore, #tpu.memory_space<semaphore_mem>>
    %dma_wait3A_337 = tpu.memref_squeeze %dma_wait3A_336 : memref<1x!tpu.dma_semaphore, #tpu.memory_space<semaphore_mem>> -> memref<!tpu.dma_semaphore, #tpu.memory_space<semaphore_mem>>
    tpu.wait_indirect_dma semaphore(%dma_wait3A_337 : memref<!tpu.dma_semaphore, #tpu.memory_space<semaphore_mem>>) src(%arg11 : memref<40xf32, #tpu.memory_space<vmem>>) dst(%dma_wait3A_335 : memref<10000xf32, #tpu.memory_space<vmem_shared>>)
    %barrier3A_338 = arith.constant 0 : index
    tpu.barrier barrier_id(%barrier3A_338)
    %while3A_339 = arith.constant 0 : i32
    %while3A_340 = arith.constant 0 : i32
    %while3A_341 = arith.subi %select_n3A_273, %while3A_340 : i32
    %while3A_342 = arith.addi %while3A_340, %while3A_341 : i32
    %while3A_343 = arith.constant 1 : i32
    %while3A_344 = arith.divsi %while3A_341, %while3A_343 : i32
    %while3A_345 = arith.muli %while3A_344, %while3A_343 : i32
    %while3A_346 = arith.addi %while3A_340, %while3A_345 : i32
    %while3A_347 = arith.constant 1 : i32
    scf.for %while3A_349 = %while3A_340 to %while3A_346 step %while3A_347  : i32 {
      %mul3A_350 = arith.constant 80 : i32
      %mul3A_351 = arith.muli %while3A_349, %mul3A_350 : i32
      %add3A_352 = arith.addi %mul3A_257, %mul3A_351 : i32
      "tpu.region"() ({
        %run_scoped3A = tpu.sem_alloc : memref<!tpu.dma_semaphore, #tpu.memory_space<semaphore_mem>>
        %dma_start3A_356 = arith.constant 0 : i32
        %dma_start3A_357 = tpu.memref_slice %arg5[%arg0, %add3A_352, %dma_start3A_356] : memref<2x10000x128xf32, #tpu.memory_space<hbm>> -> memref<1x80x128xf32, #tpu.memory_space<hbm>>
        %dma_start3A_358 = tpu.memref_squeeze %dma_start3A_357 : memref<1x80x128xf32, #tpu.memory_space<hbm>> -> memref<80x128xf32, #tpu.memory_space<hbm>>
        %dma_start3A_359 = arith.constant 0 : i32
        %dma_start3A_360 = tpu.memref_slice %arg13[%add3A_352, %dma_start3A_359] : memref<10000x128xf32, #tpu.memory_space<vmem_shared>> -> memref<80x128xf32, #tpu.memory_space<vmem_shared>>
        tpu.enqueue_dma source(%dma_start3A_360 : memref<80x128xf32, #tpu.memory_space<vmem_shared>>) target(%dma_start3A_358 : memref<80x128xf32, #tpu.memory_space<hbm>>) target_semaphore(%run_scoped3A : memref<!tpu.dma_semaphore, #tpu.memory_space<semaphore_mem>>)
        %dma_wait3A_361 = arith.constant 0 : i32
        %dma_wait3A_362 = tpu.memref_slice %arg5[%arg0, %add3A_352, %dma_wait3A_361] : memref<2x10000x128xf32, #tpu.memory_space<hbm>> -> memref<1x80x128xf32, #tpu.memory_space<hbm>>
        %dma_wait3A_363 = tpu.memref_squeeze %dma_wait3A_362 : memref<1x80x128xf32, #tpu.memory_space<hbm>> -> memref<80x128xf32, #tpu.memory_space<hbm>>
        %dma_wait3A_364 = arith.constant 0 : i32
        %dma_wait3A_365 = tpu.memref_slice %arg13[%add3A_352, %dma_wait3A_364] : memref<10000x128xf32, #tpu.memory_space<vmem_shared>> -> memref<80x128xf32, #tpu.memory_space<vmem_shared>>
        tpu.wait_dma2 semaphore(%run_scoped3A : memref<!tpu.dma_semaphore, #tpu.memory_space<semaphore_mem>>) src(%dma_wait3A_365 : memref<80x128xf32, #tpu.memory_space<vmem_shared>>) dst(%dma_wait3A_363 : memref<80x128xf32, #tpu.memory_space<hbm>>)
        tpu.yield
      }) : () -> ()
      "tpu.region"() ({
        %run_scoped3A = tpu.sem_alloc : memref<!tpu.dma_semaphore, #tpu.memory_space<semaphore_mem>>
        %dma_start3A_356 = tpu.memref_slice %arg14[%add3A_352] : memref<10000xf32, #tpu.memory_space<vmem_shared>> -> memref<80xf32, #tpu.memory_space<vmem_shared>>
        %dma_start3A_357 = tpu.memref_slice %arg14[%add3A_352] : memref<10000xf32, #tpu.memory_space<vmem_shared>> -> memref<80xf32, #tpu.memory_space<vmem_shared>>
        tpu.enqueue_dma source(%dma_start3A_357 : memref<80xf32, #tpu.memory_space<vmem_shared>>) target(%arg12 : memref<80xf32, #tpu.memory_space<vmem>>) target_semaphore(%run_scoped3A : memref<!tpu.dma_semaphore, #tpu.memory_space<semaphore_mem>>)
        %dma_wait3A_358 = tpu.memref_slice %arg14[%add3A_352] : memref<10000xf32, #tpu.memory_space<vmem_shared>> -> memref<80xf32, #tpu.memory_space<vmem_shared>>
        %dma_wait3A_359 = tpu.memref_slice %arg14[%add3A_352] : memref<10000xf32, #tpu.memory_space<vmem_shared>> -> memref<80xf32, #tpu.memory_space<vmem_shared>>
        tpu.wait_dma2 semaphore(%run_scoped3A : memref<!tpu.dma_semaphore, #tpu.memory_space<semaphore_mem>>) src(%dma_wait3A_359 : memref<80xf32, #tpu.memory_space<vmem_shared>>) dst(%arg12 : memref<80xf32, #tpu.memory_space<vmem>>)
        tpu.yield
      }) : () -> ()
      %mul3A_353 = arith.constant 10000 : i32
      %mul3A_354 = arith.muli %arg0, %mul3A_353 : i32
      %add3A_355 = arith.addi %mul3A_354, %add3A_352 : i32
      "tpu.region"() ({
        %run_scoped3A = tpu.sem_alloc : memref<!tpu.dma_semaphore, #tpu.memory_space<semaphore_mem>>
        %dma_start3A_356 = tpu.memref_slice %arg6[%add3A_355] : memref<20000xf32, #tpu.memory_space<hbm>> -> memref<80xf32, #tpu.memory_space<hbm>>
        %dma_start3A_357 = tpu.memref_slice %arg6[%add3A_355] : memref<20000xf32, #tpu.memory_space<hbm>> -> memref<80xf32, #tpu.memory_space<hbm>>
        tpu.enqueue_dma source(%arg12 : memref<80xf32, #tpu.memory_space<vmem>>) target(%dma_start3A_357 : memref<80xf32, #tpu.memory_space<hbm>>) target_semaphore(%run_scoped3A : memref<!tpu.dma_semaphore, #tpu.memory_space<semaphore_mem>>)
        %dma_wait3A_358 = tpu.memref_slice %arg6[%add3A_355] : memref<20000xf32, #tpu.memory_space<hbm>> -> memref<80xf32, #tpu.memory_space<hbm>>
        %dma_wait3A_359 = tpu.memref_slice %arg6[%add3A_355] : memref<20000xf32, #tpu.memory_space<hbm>> -> memref<80xf32, #tpu.memory_space<hbm>>
        tpu.wait_dma2 semaphore(%run_scoped3A : memref<!tpu.dma_semaphore, #tpu.memory_space<semaphore_mem>>) src(%arg12 : memref<80xf32, #tpu.memory_space<vmem>>) dst(%dma_wait3A_359 : memref<80xf32, #tpu.memory_space<hbm>>)
        tpu.yield
      }) : () -> ()
    }
    %while3A_348 = arith.constant 1 : i32
    scf.for %while3A_349 = %while3A_346 to %while3A_342 step %while3A_348  : i32 {
      %mul3A_350 = arith.constant 80 : i32
      %mul3A_351 = arith.muli %while3A_349, %mul3A_350 : i32
      %add3A_352 = arith.addi %mul3A_257, %mul3A_351 : i32
      "tpu.region"() ({
        %run_scoped3A = tpu.sem_alloc : memref<!tpu.dma_semaphore, #tpu.memory_space<semaphore_mem>>
        %dma_start3A_356 = arith.constant 0 : i32
        %dma_start3A_357 = tpu.memref_slice %arg5[%arg0, %add3A_352, %dma_start3A_356] : memref<2x10000x128xf32, #tpu.memory_space<hbm>> -> memref<1x80x128xf32, #tpu.memory_space<hbm>>
        %dma_start3A_358 = tpu.memref_squeeze %dma_start3A_357 : memref<1x80x128xf32, #tpu.memory_space<hbm>> -> memref<80x128xf32, #tpu.memory_space<hbm>>
        %dma_start3A_359 = arith.constant 0 : i32
        %dma_start3A_360 = tpu.memref_slice %arg13[%add3A_352, %dma_start3A_359] : memref<10000x128xf32, #tpu.memory_space<vmem_shared>> -> memref<80x128xf32, #tpu.memory_space<vmem_shared>>
        tpu.enqueue_dma source(%dma_start3A_360 : memref<80x128xf32, #tpu.memory_space<vmem_shared>>) target(%dma_start3A_358 : memref<80x128xf32, #tpu.memory_space<hbm>>) target_semaphore(%run_scoped3A : memref<!tpu.dma_semaphore, #tpu.memory_space<semaphore_mem>>)
        %dma_wait3A_361 = arith.constant 0 : i32
        %dma_wait3A_362 = tpu.memref_slice %arg5[%arg0, %add3A_352, %dma_wait3A_361] : memref<2x10000x128xf32, #tpu.memory_space<hbm>> -> memref<1x80x128xf32, #tpu.memory_space<hbm>>
        %dma_wait3A_363 = tpu.memref_squeeze %dma_wait3A_362 : memref<1x80x128xf32, #tpu.memory_space<hbm>> -> memref<80x128xf32, #tpu.memory_space<hbm>>
        %dma_wait3A_364 = arith.constant 0 : i32
        %dma_wait3A_365 = tpu.memref_slice %arg13[%add3A_352, %dma_wait3A_364] : memref<10000x128xf32, #tpu.memory_space<vmem_shared>> -> memref<80x128xf32, #tpu.memory_space<vmem_shared>>
        tpu.wait_dma2 semaphore(%run_scoped3A : memref<!tpu.dma_semaphore, #tpu.memory_space<semaphore_mem>>) src(%dma_wait3A_365 : memref<80x128xf32, #tpu.memory_space<vmem_shared>>) dst(%dma_wait3A_363 : memref<80x128xf32, #tpu.memory_space<hbm>>)
        tpu.yield
      }) : () -> ()
      "tpu.region"() ({
        %run_scoped3A = tpu.sem_alloc : memref<!tpu.dma_semaphore, #tpu.memory_space<semaphore_mem>>
        %dma_start3A_356 = tpu.memref_slice %arg14[%add3A_352] : memref<10000xf32, #tpu.memory_space<vmem_shared>> -> memref<80xf32, #tpu.memory_space<vmem_shared>>
        %dma_start3A_357 = tpu.memref_slice %arg14[%add3A_352] : memref<10000xf32, #tpu.memory_space<vmem_shared>> -> memref<80xf32, #tpu.memory_space<vmem_shared>>
        tpu.enqueue_dma source(%dma_start3A_357 : memref<80xf32, #tpu.memory_space<vmem_shared>>) target(%arg12 : memref<80xf32, #tpu.memory_space<vmem>>) target_semaphore(%run_scoped3A : memref<!tpu.dma_semaphore, #tpu.memory_space<semaphore_mem>>)
        %dma_wait3A_358 = tpu.memref_slice %arg14[%add3A_352] : memref<10000xf32, #tpu.memory_space<vmem_shared>> -> memref<80xf32, #tpu.memory_space<vmem_shared>>
        %dma_wait3A_359 = tpu.memref_slice %arg14[%add3A_352] : memref<10000xf32, #tpu.memory_space<vmem_shared>> -> memref<80xf32, #tpu.memory_space<vmem_shared>>
        tpu.wait_dma2 semaphore(%run_scoped3A : memref<!tpu.dma_semaphore, #tpu.memory_space<semaphore_mem>>) src(%dma_wait3A_359 : memref<80xf32, #tpu.memory_space<vmem_shared>>) dst(%arg12 : memref<80xf32, #tpu.memory_space<vmem>>)
        tpu.yield
      }) : () -> ()
      %mul3A_353 = arith.constant 10000 : i32
      %mul3A_354 = arith.muli %arg0, %mul3A_353 : i32
      %add3A_355 = arith.addi %mul3A_354, %add3A_352 : i32
      "tpu.region"() ({
        %run_scoped3A = tpu.sem_alloc : memref<!tpu.dma_semaphore, #tpu.memory_space<semaphore_mem>>
        %dma_start3A_356 = tpu.memref_slice %arg6[%add3A_355] : memref<20000xf32, #tpu.memory_space<hbm>> -> memref<80xf32, #tpu.memory_space<hbm>>
        %dma_start3A_357 = tpu.memref_slice %arg6[%add3A_355] : memref<20000xf32, #tpu.memory_space<hbm>> -> memref<80xf32, #tpu.memory_space<hbm>>
        tpu.enqueue_dma source(%arg12 : memref<80xf32, #tpu.memory_space<vmem>>) target(%dma_start3A_357 : memref<80xf32, #tpu.memory_space<hbm>>) target_semaphore(%run_scoped3A : memref<!tpu.dma_semaphore, #tpu.memory_space<semaphore_mem>>)
        %dma_wait3A_358 = tpu.memref_slice %arg6[%add3A_355] : memref<20000xf32, #tpu.memory_space<hbm>> -> memref<80xf32, #tpu.memory_space<hbm>>
        %dma_wait3A_359 = tpu.memref_slice %arg6[%add3A_355] : memref<20000xf32, #tpu.memory_space<hbm>> -> memref<80xf32, #tpu.memory_space<hbm>>
        tpu.wait_dma2 semaphore(%run_scoped3A : memref<!tpu.dma_semaphore, #tpu.memory_space<semaphore_mem>>) src(%arg12 : memref<80xf32, #tpu.memory_space<vmem>>) dst(%dma_wait3A_359 : memref<80xf32, #tpu.memory_space<hbm>>)
        tpu.yield
      }) : () -> ()
    }
    return
  }
}

module attributes {stable_mosaic.version = 14 : i64} {
  func.func @_mm_body(%arg0: i32, %arg1: memref<2x2000x128xf32, #tpu.memory_space<vmem>>, %arg2: memref<2x2000x1xf32, #tpu.memory_space<vmem>>, %arg3: memref<128x128xf32, #tpu.memory_space<vmem>>, %arg4: memref<1x128xf32, #tpu.memory_space<vmem>>, %arg5: memref<2000x128xf32, #tpu.memory_space<vmem>>) attributes {dimension_semantics = [#tpu.dimension_semantics<arbitrary>], iteration_bounds = array<i64: 5>, scalar_prefetch = 0 : i64, scratch_operands = 0 : i64, tpu.core_type = #tpu.core_type<tc>, window_params = [{transform_indices = @transform_0, window_bounds = array<i64: 2, 2000, 128>}, {transform_indices = @transform_1, window_bounds = array<i64: 2, 2000, 1>}, {pipeline_mode = #tpu.pipeline_mode<synchronous>, transform_indices = @transform_2, window_bounds = array<i64: 128, 128>}, {pipeline_mode = #tpu.pipeline_mode<synchronous>, transform_indices = @transform_3, window_bounds = array<i64: 1, 128>}, {transform_indices = @transform_4, window_bounds = array<i64: 2000, 128>}]} {
    %get3A = arith.constant 0 : index
    %get3A_0 = arith.constant 0 : index
    %get3A_1 = arith.constant 0 : index
    %get3A_2 = vector.load %arg1[%get3A, %get3A_0, %get3A_1] : memref<2x2000x128xf32, #tpu.memory_space<vmem>>, vector<1x2000x128xf32>
    %get3A_3 = vector.shape_cast %get3A_2 : vector<1x2000x128xf32> to vector<2000x128xf32>
    %get3A_4 = arith.constant 1 : index
    %get3A_5 = arith.constant 0 : index
    %get3A_6 = arith.constant 0 : index
    %get3A_7 = vector.load %arg1[%get3A_4, %get3A_5, %get3A_6] : memref<2x2000x128xf32, #tpu.memory_space<vmem>>, vector<1x2000x128xf32>
    %get3A_8 = vector.shape_cast %get3A_7 : vector<1x2000x128xf32> to vector<2000x128xf32>
    %add3A = arith.addf %get3A_3, %get3A_8 : vector<2000x128xf32>
    %get3A_9 = arith.constant 0 : index
    %get3A_10 = arith.constant 0 : index
    %get3A_11 = arith.constant 0 : index
    %get3A_12 = vector.load %arg2[%get3A_9, %get3A_10, %get3A_11] : memref<2x2000x1xf32, #tpu.memory_space<vmem>>, vector<1x2000x1xf32>
    %get3A_13 = vector.shape_cast %get3A_12 : vector<1x2000x1xf32> to vector<2000x1xf32>
    %get3A_14 = arith.constant 1 : index
    %get3A_15 = arith.constant 0 : index
    %get3A_16 = arith.constant 0 : index
    %get3A_17 = vector.load %arg2[%get3A_14, %get3A_15, %get3A_16] : memref<2x2000x1xf32, #tpu.memory_space<vmem>>, vector<1x2000x1xf32>
    %get3A_18 = vector.shape_cast %get3A_17 : vector<1x2000x1xf32> to vector<2000x1xf32>
    %add3A_19 = arith.addf %get3A_13, %get3A_18 : vector<2000x1xf32>
    %gt3A = arith.constant 0.000000e+00 : f32
    %gt3A_20 = vector.broadcast %gt3A : f32 to vector<2000x1xf32>
    %gt3A_21 = arith.cmpf ogt, %add3A_19, %gt3A_20 : vector<2000x1xf32>
    %max3A = arith.constant 1.000000e+00 : f32
    %max3A_22 = vector.broadcast %max3A : f32 to vector<2000x1xf32>
    %max3A_23 = arith.maximumf %add3A_19, %max3A_22 : vector<2000x1xf32>
    %div3A = vector.broadcast %max3A_23 : vector<2000x1xf32> to vector<2000x128xf32>
    %div3A_24 = arith.divf %add3A, %div3A : vector<2000x128xf32>
    %jit3A = arith.constant 0.000000e+00 : f32
    %broadcast_in_dim3A = vector.shape_cast %gt3A_21 : vector<2000x1xi1> to vector<2000x1xi1>
    %broadcast_in_dim3A_25 = vector.broadcast %broadcast_in_dim3A : vector<2000x1xi1> to vector<2000x128xi1>
    %broadcast_in_dim3A_26 = vector.broadcast %jit3A : f32 to vector<2000x128xf32>
    %select_n3A = arith.select %broadcast_in_dim3A_25, %div3A_24, %broadcast_in_dim3A_26 : vector<2000x128xi1>, vector<2000x128xf32>
    %get3A_27 = arith.constant 0 : index
    %get3A_28 = arith.constant 0 : index
    %get3A_29 = vector.load %arg3[%get3A_27, %get3A_28] : memref<128x128xf32, #tpu.memory_space<vmem>>, vector<128x128xf32>
    %dot_general3A = arith.constant dense<0.000000e+00> : vector<2000x128xf32>
    %dot_general3A_30 = tpu.matmul %select_n3A, %get3A_29, %dot_general3A {dimension_numbers = #tpu.dot_dimension_numbers<[1], [0], [0], [1], [0, 0, 1, 1], [], []>, transpose_lhs_hint = false} : vector<2000x128xf32>, vector<128x128xf32>, vector<2000x128xf32> -> vector<2000x128xf32>
    %get3A_31 = arith.constant 0 : index
    %get3A_32 = arith.constant 0 : index
    %get3A_33 = vector.load %arg4[%get3A_31, %get3A_32] : memref<1x128xf32, #tpu.memory_space<vmem>>, vector<1x128xf32>
    %add3A_34 = vector.broadcast %get3A_33 : vector<1x128xf32> to vector<2000x128xf32>
    %add3A_35 = arith.addf %dot_general3A_30, %add3A_34 : vector<2000x128xf32>
    %max3A_36 = arith.constant 0.000000e+00 : f32
    %max3A_37 = vector.broadcast %max3A_36 : f32 to vector<2000x128xf32>
    %max3A_38 = arith.maximumf %add3A_35, %max3A_37 : vector<2000x128xf32>
    %swap3A = arith.constant 0 : index
    %swap3A_39 = arith.constant 0 : index
    %swap3A_40 = vector.load %arg5[%swap3A, %swap3A_39] : memref<2000x128xf32, #tpu.memory_space<vmem>>, vector<2000x128xf32>
    tpu.vector_store %arg5[%swap3A, %swap3A_39], %max3A_38 {strides = array<i32>} : memref<2000x128xf32, #tpu.memory_space<vmem>>, vector<2000x128xf32>,
    return
  }
  func.func @transform_0(%arg0: i32) -> (i32, i32, i32) {
    %c0_i32 = arith.constant 0 : i32
    %c0_i32_0 = arith.constant 0 : i32
    %c0_i32_1 = arith.constant 0 : i32
    return %c0_i32, %arg0, %c0_i32_0 : i32, i32, i32
  }
  func.func @transform_1(%arg0: i32) -> (i32, i32, i32) {
    %c0_i32 = arith.constant 0 : i32
    %c0_i32_0 = arith.constant 0 : i32
    %c0_i32_1 = arith.constant 0 : i32
    return %c0_i32, %arg0, %c0_i32_0 : i32, i32, i32
  }
  func.func @transform_2(%arg0: i32) -> (i32, i32) {
    %c0_i32 = arith.constant 0 : i32
    %c0_i32_0 = arith.constant 0 : i32
    %c0_i32_1 = arith.constant 0 : i32
    return %c0_i32, %c0_i32_0 : i32, i32
  }
  func.func @transform_3(%arg0: i32) -> (i32, i32) {
    %c0_i32 = arith.constant 0 : i32
    %c0_i32_0 = arith.constant 0 : i32
    %c0_i32_1 = arith.constant 0 : i32
    return %c0_i32, %c0_i32_0 : i32, i32
  }
  func.func @transform_4(%arg0: i32) -> (i32, i32) {
    %c0_i32 = arith.constant 0 : i32
    %c0_i32_0 = arith.constant 0 : i32
    return %arg0, %c0_i32 : i32, i32
  }
}

</mosaic_0001>

<sc_bundles>
// kernel: kernel.4.cloned.1.call-start
scs
__scs_entry_jumppad:
0x0: {  	(pc) =	sbr.rel $0x88, $3  }
0x1: {  	(tag) =	ssettag $0x0;
	lr =	simm.s32 $0x1  }
0x2: {  	[smem:$0x3F98] =	sst lr;
	_ =	strace $0xD0000000  }
0x3: {  	_ = 	snop  }
0x4: {  	_ = 	snop  }
0x5: {  	_ = 	snop  }
0x6: {  	_ = 	snop  }
0x7: {  	_ = 	snop  }
__scs_overlays_trampoline_lowered:
0x8: {  	[smem:$0x3FA7] =	sst s0  }
0x9: {  	[smem:$0x3FA8] =	sst s1  }
0xa: {  	[smem:$0x3FA9] =	sst s2  }
0xb: {  	[smem:$0x3FAA] =	sst s3  }
0xc: {  	[smem:$0x3FAB] =	sst s4  }
0xd: {  	[smem:$0x3FAC] =	sst s5  }
0xe: {  	[smem:$0x3FAD] =	sst s6  }
0xf: {  	[smem:$0x3FAE] =	sst s7  }
0x10: {  	[smem:$0x3FAF] =	sst s8  }
0x11: {  	[smem:$0x3FB0] =	sst s9;
	s0 =	simm.s32 @!p0 $0x0  }
0x12: {  	s1 =	sld [smem:$0x3F96];
	s0 =	simm.s32 @p0 $0x1  }
0x13: {  	[smem:$0x3FB1] =	sst s0;
	s0 =	simm.s32 @!p1 $0x0  }
0x14: {  	s2 =	sld [smem:$0x3F95];
	s0 =	simm.s32 @p1 $0x1  }
0x15: {  	[smem:$0x3FB2] =	sst s0;
	s0 =	simm.s32 @!p2 $0x0  }
0x16: {  	s3 =	sld [smem:$0x3FDB];
	s0 =	simm.s32 @p2 $0x1  }
0x17: {  	s4 =	simm.s32 $0x1BF5;
	[smem:$0x3FB4] =	sst s0  }
0x18: {  	s0 =	sld [smem:$0x3F97];
	_ =	swait.ge [sflag:s4], $0x0  }
0x19: {  	s7 =	sld [smem:$0x3F98]  }
0x1a: {  	s8 =	sadd.s32 $0xFFFFE003, lr  }
0x1b: {  	s9 =	sadd.s32 $0xFFFFFEF7, lr;
	s5 =	simm.s32 $0xFFFFFFFF;
	p2 =	slt.u32 s8, $0xFFFFF086  }
0x1c: {  	p1 =	slt.u32 s9, $0xF7A;
	s5 =	simm.s32 @!p2 $0x0  }
0x1d: {  	s5 =	simm.s32 @p1 $0x1;
	p0 =	seq.s32 s7, s2  }
0x1e: {  	s7 =	smul.u32 @!p0 $0xF7A, s2;
	p2 =	seq.s32 @!p0 s5, $0x0  }
0x1f: {  	s9 =	smul.u32 $0xF7A, s1;
	s8 =	simm.s32 @!p0 $0x1BF5;
	p2 =	por !p2, p0  }
0x20: {  	[sflag:s8] =	ssyncset.s32 @!p0 $0xFFFFF086;
	s6 =	sadd.s32 @!p0 s3, s7;
	s7 =	simm.s32 @!p0 $0x108  }
0x21: {  	s3 =	sadd.s32 s3, s9;
	s6 =	sadd.s32 @!p0 $0x88, s6;
	s7 =	simm.s32 @p2 $0x1082  }
0x22: {  	[simem:s7], [sflag:s8] =	dma.local @!p0 [hbm:s6], $0xF7A  }
0x23: {  	s9 =	sor.u32 $0xD0000000, s2;
	s6 =	simm.s32 $0x108;
	_ =	swait.ge @!p0 [sflag:s8], $0x0  }
0x24: {  	s3 =	sadd.s32 $0x88, s3;
	s6 =	simm.s32 @!p1 $0x1082;
	[sflag:s4] =	ssyncset.s32 $0xFFFFF086  }
0x25: {  	[simem:s6], [sflag:s4] =	dma.local [hbm:s3], $0xF7A  }
0x26: {  	[smem:$0x3F98] =	sst s1;
	(tag) =	ssettag s2;
	_ =	strace s9  }
0x27: {  	s1 =	sld [smem:$0x3FA8]  }
0x28: {  	s2 =	sld [smem:$0x3FA9]  }
0x29: {  	s4 =	sld [smem:$0x3FAB]  }
0x2a: {  	p0 =	seq.s32 s5, $0x0;
	s5 =	sld [smem:$0x3FAC]  }
0x2b: {  	s6 =	sld [smem:$0x3FAD]  }
0x2c: {  	s7 =	sld [smem:$0x3FAE]  }
0x2d: {  	s3 =	simm.s32 $0x108;
	s8 =	sld [smem:$0x3FAF]  }
0x2e: {  	s3 =	simm.s32 @!p0 $0x1082;
	s9 =	sld [smem:$0x3FB0]  }
0x2f: {  	lr =	sadd.s32 s0, s3;
	s0 =	sld [smem:$0x3FA7]  }
0x30: {  	s3 =	sld [smem:$0x3FAA]  }
0x31: {  	[smem:$0x3FB3] =	sst s10  }
0x32: {  	s10 =	sld [smem:$0x3FB1];
	_ =	sdelay $0x3  }
0x33: {  	p0 =	seq.s32 s10, $0x1;
	s10 =	sld [smem:$0x3FB3];
	_ =	sdelay $0x3  }
0x34: {  	[smem:$0x3FB3] =	sst s10  }
0x35: {  	s10 =	sld [smem:$0x3FB2];
	_ =	sdelay $0x3  }
0x36: {  	p1 =	seq.s32 s10, $0x1;
	s10 =	sld [smem:$0x3FB3];
	_ =	sdelay $0x3  }
0x37: {  	[smem:$0x3FB3] =	sst s10  }
0x38: {  	s10 =	sld [smem:$0x3FB4]  }
0x39: {  	_ = 	snop;
	(pc) =	sbr.ind lr, $3  }
0x3a: {  	_ = 	snop  }
0x3b: {  	_ = 	snop  }
0x3c: {  	p2 =	seq.s32 s10, $0x1;
	s10 =	sld [smem:$0x3FB3]  }
0x3d: {  	_ =	shalt  }
0x3e: {  	_ =	shalt  }
0x3f: {  	_ =	shalt  }
0x40: {  	_ =	shalt  }
0x41: {  	_ =	shalt  }
0x42: {  	_ =	shalt  }
0x43: {  	_ =	shalt  }
0x44: {  	_ =	shalt  }
0x45: {  	_ =	shalt  }
0x46: {  	_ =	shalt  }
0x47: {  	_ =	shalt  }
0x48: {  	_ =	shalt  }
0x49: {  	_ =	shalt  }
0x4a: {  	_ =	shalt  }
0x4b: {  	_ =	shalt  }
0x4c: {  	_ =	shalt  }
0x4d: {  	_ =	shalt  }
0x4e: {  	_ =	shalt  }
0x4f: {  	_ =	shalt  }
0x50: {  	_ =	shalt  }
0x51: {  	_ =	shalt  }
0x52: {  	_ =	shalt  }
0x53: {  	_ =	shalt  }
0x54: {  	_ =	shalt  }
0x55: {  	_ =	shalt  }
0x56: {  	_ =	shalt  }
0x57: {  	_ =	shalt  }
0x58: {  	_ =	shalt  }
0x59: {  	_ =	shalt  }
0x5a: {  	_ =	shalt  }
0x5b: {  	_ =	shalt  }
0x5c: {  	_ =	shalt  }
0x5d: {  	_ =	shalt  }
0x5e: {  	_ =	shalt  }
0x5f: {  	_ =	shalt  }
0x60: {  	_ =	shalt  }
0x61: {  	_ =	shalt  }
0x62: {  	_ =	shalt  }
0x63: {  	_ =	shalt  }
0x64: {  	_ =	shalt  }
0x65: {  	_ =	shalt  }
0x66: {  	_ =	shalt  }
0x67: {  	_ =	shalt  }
0x68: {  	_ =	shalt  }
0x69: {  	_ =	shalt  }
0x6a: {  	_ =	shalt  }
0x6b: {  	_ =	shalt  }
0x6c: {  	_ =	shalt  }
0x6d: {  	_ =	shalt  }
0x6e: {  	_ =	shalt  }
0x6f: {  	_ =	shalt  }
0x70: {  	_ =	shalt  }
0x71: {  	_ =	shalt  }
0x72: {  	_ =	shalt  }
0x73: {  	_ =	shalt  }
0x74: {  	_ =	shalt  }
0x75: {  	_ =	shalt  }
0x76: {  	_ =	shalt  }
0x77: {  	_ =	shalt  }
0x78: {  	_ =	shalt  }
0x79: {  	_ =	shalt  }
0x7a: {  	_ =	shalt  }
0x7b: {  	_ =	shalt  }
0x7c: {  	_ =	shalt  }
0x7d: {  	_ =	shalt  }
0x7e: {  	_ =	shalt  }
0x7f: {  	_ =	shalt  }
0x80: {  	_ =	shalt  }
0x81: {  	_ =	shalt  }
0x82: {  	_ =	shalt  }
0x83: {  	_ =	shalt  }
0x84: {  	_ =	shalt  }
0x85: {  	_ =	shalt  }
0x86: {  	_ =	shalt  }
0x87: {  	_ =	shalt  }
.Lfunc_end0:
.L_simem_size_0:
called_computation_lowered:
.L_overlay_start_0:
0x88: {  	s2 =	sld [smem:$0x3FD9]  }
0x89: {  	s3 =	sld [smem:$0x3FFE];
	_ =	sdelay $0x1  }
0x8a: {  	s1 =	srdreg.scid  }
0x8b: {  	s0 =	sand.u32 $0x1, s1  }
0x8c: {  	s17 =	sshll.u32 s0, $0xA;
	s2 =	sadd.s32 s3, s2  }
0x8d: {  	s2 =	sadd.s32 s2, s17  }
0x8e: {  	[smem:$0x3FBF] =	sst s2  }
0x8f: {  	_ = 	snop  }
0x90: {  	s2 =	sld [smem:$0x3FC9]  }
0x91: {  	s18 =	sld [smem:$0x3FC7]  }
0x92: {  	s4 =	sld [smem:$0x3FD0];
	(tm) =	ssettm $0x1  }
0x93: {  	s5 =	sld [smem:$0x3FFB];
	_ =	sdelay $0x3  }
0x94: {  	_ =	strace s5  }
0x95: {  	s5 =	sld [smem:$0x3FFC];
	_ =	sdelay $0x3  }
0x96: {  	_ =	strace s5  }
0x97: {  	s5 =	sld [smem:$0x3FFD];
	_ =	sdelay $0x3  }
0x98: {  	_ =	strace s5  }
0x99: {  	_ =	strace $0x8FFFFFFF  }
0x9a: {  	s19 =	sld [smem:$0x3FDB];
	_ =	sdelay $0x1  }
0x9b: {  	s6 =	simm.s32 $_scs_section_size  }
0x9c: {  	s7 =	simm.s32 $_size__tile_overlayer_lowered;
	s8 =	simm.s32 $_tile_overlayer_lowered  }
0x9d: {  	s22 =	simm.s32 $0x1BFF;
	s21 =	sshll.u32 s8, $0x1;
	s5 =	sadd.s32 s6, s19  }
0x9e: {  	s9 =	simm.s32 $0x0;
	s20 =	sshll.u32 s7, $0x1;
	s7 =	sadd.s32 s21, s5  }
0x9f: {  	[timem:s9], [sflag:s22] =	dma.local [hbm:s7], s20  }
0xa0: {  	_ =	swait.ge [sflag:s22], s20  }
0xa1: {  	s6 =	ssub.s32 $0x0, s20;
	[sflag:s22] =	ssyncset.done $0x0  }
0xa2: {  	[sflag:s22] =	ssyncadd.s32 s6;
	_ =	sdelay $0x1  }
0xa3: {  	s23 =	simm.s32 $0x1B8B  }
0xa4: {  	_ =	swait.ge [sflag:s23], $0x1  }
0xa5: {  	[sflag:s23] =	ssyncset.done $0x0  }
0xa6: {  	s25 =	simm.s32 $0x1B8E;
	s24 =	sld [smem:$0x3FFE];
	[sflag:s23] =	ssyncadd.s32 $0xFFFFFFFF  }
0xa7: {  	s26 =	simm.s32 $execute0_lowered;
	[smem:$0x3FD2] =	sst s25  }
0xa8: {  	s7 =	sshll.u32 s26, $0x1;
	_ =	strace $0x80000046;
	[dreg:$0x1] =	wrdreg $0xFFFFFFFF  }
0xa9: {  	s28 =	simm.s32 $_size_execute0_lowered;
	s5 =	sadd.s32 s5, s7;
	[dreg:$0x0] =	wrdreg $0x0  }
0xaa: {  	s7 =	sshll.u32 s28, $0x1;
	[dreg:$0x2] =	wrdreg s5  }
0xab: {  	[dreg:$0x3] =	wrdreg s7  }
0xac: {  	[dreg:$0x4] =	wrdreg $0xC0  }
0xad: {  	_ =	task [dreg:s9], $0x5FFFF  }
0xae: {  	[dreg:$0x1] =	wrdreg $0xFFFFFFFF  }
0xaf: {  	[dreg:$0x0] =	wrdreg $0x60  }
0xb0: {  	[dreg:$0x2] =	wrdreg s2  }
0xb1: {  	[dreg:$0x3] =	wrdreg s4  }
0xb2: {  	[dreg:$0x4] =	wrdreg s18  }
0xb3: {  	[dreg:$0x5] =	wrdreg s24  }
0xb4: {  	[dreg:$0x6] =	wrdreg $0x71000  }
0xb5: {  	[dreg:$0x7] =	wrdreg $0x1A9800  }
0xb6: {  	[dreg:$0x8] =	wrdreg $0x9  }
0xb7: {  	_ =	task.clear_ibuf [dreg:s9], $0x9FFFF;
	_ =	strace $0x90000046  }
0xb8: {  	s29 =	simm.s32 $0x9;
	_ =	strace $0x80000048  }
0xb9: {  	_ =	swait.ge [sflag:s29], $0x1  }
0xba: {  	[sflag:s29] =	ssyncadd.s32 $0xFFFFFFFF  }
0xbb: {  	_ =	strace $0x90000048  }
0xbc: {  	_ =	sfence  }
0xbd: {  	s30 =	sld [smem:$0x0];
	_ =	sdelay $0x2  }
0xbe: {  	s31 =	sshll.u32 s1, $0xD;
	s1 =	sshrl.u32 s1, $0x2  }
0xbf: {  	s3 =	sand.u32 $0x4000, s31;
	s1 =	sadd.s32 s1, s30  }
0xc0: {  	s0 =	sor.u32 s3, s0;
	s1 =	sshll.u32 s1, $0x11  }
0xc1: {  	s0 =	sor.u32 s1, s0  }
0xc2: {  	s0 =	sadd.s32 $0x8F2B, s0  }
0xc3: {  	[sflag:s0] =	ssyncadd.remote.s32 $0x1  }
0xc4: {  	_ =	sfence.sel $0xFFFF  }
0xc5: {  	[dreg:$0x0] =	wrdreg $0xFFFFFFFF;
	(pc) =	sbr.abs _section_cstart, $3  }
0xc6: {  	[dreg:$0x1] =	wrdreg $0xFFFFFFFF  }
0xc7: {  	_ =	task.clear_ibuf [dreg:s9], $0x2FFFF;
	_ =	strace $0x9FFFFFFF  }
0xc8: {  	(tm) =	ssettm $0x7FFFFFFF  }
0xc9: {  	_ =	shalt  }
tec
execute0_lowered:
.L_overlay_start_1:
0x0: {  	(tag) =	ssettag $0x1  }
0x1: {  	s0 =	rddreg [dreg:$0x0]  }
0x2: {  	s2 =	rddreg [dreg:$0x1]  }
0x3: {  	s3 =	rddreg [dreg:$0x2]  }
0x4: {  	s1 =	rddreg [dreg:$0x3]  }
0x5: {  	s4 =	rddreg [dreg:$0x4]  }
0x6: {  	s5 =	rddreg [dreg:$0x5];
	s6 =	srdreg.scid  }
0x7: {  	s7 =	simm.s32 $0x0;
	s14 =	stileid.u32;
	s18 =	simm.s32 $0x5  }
0x8: {  	s28 =	simm.s32 $0x900;
	s31 =	simm.s32 $0x5C00;
	s24 =	smul.u32 $0x280, s14  }
0x9: {  	s6 =	sand.u32 $0x1, s6;
	[smem:$0x7FF] =	sst s7;
	s29 =	smul.u32 $0x14000, s14  }
0xa: {  	s9 =	sadd.s32 $0x1600, s1;
	p0 =	seq.s32 s14, $0xF;
	s20 =	smul.u32 $0x50000, s14  }
0xb: {  	s8 =	sshll.u32 s6, $0x4;
	s10 =	ssub.s32 $0x2, s6;
	s26 =	smul.u32 $0x138800, s6  }
0xc: {  	_ =	strace $0x80000047;
	s6 =	smul.u32 $0x2710, s6;
	s18 =	simm.s32 @!p0 $0x8  }
0xd: {  	s8 =	sor.u32 s14, s8;
	s11 =	sshrl.u32 s10, $0x1;
	s17 =	sadd.s32 s24, s5  }
0xe: {  	s14 =	simm.s32 $0x880;
	[dreg:$0x1a] =	wrdreg s18;
	s12 =	smul.u32 $0x2710, s8  }
0xf: {  	s8 =	sadd.s32 $0x2000, s1;
	[dreg:$0xf] =	wrdreg s17;
	s6 =	sadd.s32 s24, s6  }
0x10: {  	s1 =	ssub.s32 s10, s11;
	s29 =	sadd.s32 s29, s26;
	[dreg:$0x10] =	wrdreg s6  }
0x11: {  	s24 =	sshrl.u32 s20, $0x2;
	s1 =	smax.u32 s1, $0x1;
	[dreg:$0x1b] =	wrdreg s29  }
0x12: {  	s20 =	simm.s32 $0x1F;
	s19 =	sadd.s32 $0x78, s12;
	[dreg:$0x14] =	wrdreg s1  }
0x13: {  	s21 =	sshrl.u32 s12, $0x3;
	s1 =	sadd.s32 s24, s4;
	[dreg:$0x19] =	wrdreg s19  }
0x14: {  	s22 =	sadd.s32 $0x28, s12;
	s30 =	sadd.s32 $0xC8, s12;
	[dreg:$0x15] =	wrdreg s1  }
0x15: {  	s13 =	sadd.s32 $0x4E228, s12;
	s16 =	sadd.s32 s3, s21;
	[dreg:$0x18] =	wrdreg s30  }
0x16: {  	s11 =	sshrl.u32 s22, $0x3;
	s22 =	sadd.s32 $0xF0, s12;
	[dreg:$0x8] =	wrdreg s16  }
0x17: {  	s15 =	sadd.s32 s2, s21;
	s13 =	sshrl.u32 s13, $0x3;
	[dreg:$0x12] =	wrdreg s22  }
0x18: {  	s10 =	sadd.s32 $0xA, s21;
	s21 =	sadd.s32 $0xA0, s12;
	[dreg:$0x7] =	wrdreg s15  }
0x19: {  	s17 =	simm.s32 $0x600;
	s13 =	sadd.s32 s2, s13;
	[dreg:$0x11] =	wrdreg s21  }
0x1a: {  	s24 =	simm.s32 $0x0;
	s23 =	sadd.s32 s2, s11;
	[dreg:$0x9] =	wrdreg s13  }
0x1b: {  	s1 =	simm.s32 $0x28;
	s11 =	sadd.s32 s3, s11;
	[dreg:$0xa] =	wrdreg s23  }
0x1c: {  	s19 =	simm.s32 $0x980;
	s25 =	sadd.s32 s2, s10;
	[dreg:$0xb] =	wrdreg s11  }
0x1d: {  	s10 =	sadd.s32 s3, s10;
	s16 =	simm.s32 $0xA;
	[dreg:$0xc] =	wrdreg s25  }
0x1e: {  	s26 =	sadd.s32 $0x9C4A, s15;
	s22 =	simm.s32 $0x7080;
	[dreg:$0xd] =	wrdreg s10  }
0x1f: {  	s16 =	simm.s32 @!p0 $0x10;
	s23 =	sadd.s32 $0x118, s12;
	[dreg:$0x17] =	wrdreg s26  }
0x20: {  	s25 =	sadd.s32 $0x9C40, s15;
	s12 =	simm.s32 $0x800;
	[dreg:$0xe] =	wrdreg s16  }
0x21: {  	s10 =	simm.s32 $0x500;
	s26 =	simm.s32 $0xA00;
	[dreg:$0x13] =	wrdreg s23  }
0x22: {  	v0 =	vimm.f32 $0.0e+00;
	v1 =	vimm.f32 $1.000000000e+00;
	[dreg:$0x16] =	wrdreg s25;
	s25 =	simm.s32 $0x580;
	s23 =	simm.s32 $0x7000  }
.LBB2_1:
0x23: {  	[dreg:$0x1c] =	wrdreg s24  }
0x24: {  	s6 =	rddreg [dreg:$0x16]  }
0x25: {  	[tilespmem:s7], [sflag:$0x10] =	stream.linear.gather [hbm4b:s6+s7], $0x28, $0x38;
	[tilespmem:$0x1ABF8] =	vst v63  }
0x26: {  	s15 =	rddreg [dreg:$0x7];
	s11 =	simm.s32 $0x400  }
0x27: {  	[tilespmem:s11], [sflag:$0x15] =	stream.linear.gather [hbm4b:s15+s7], $0x28, $0x38;
	[tilespmem:$0x1ABF8] =	vst v63  }
0x28: {  	s16 =	rddreg [dreg:$0x8]  }
0x29: {  	[tilespmem:s12], [sflag:$0x1A] =	stream.linear.gather [hbm4b:s16+s7], $0x28, $0x38;
	[tilespmem:$0x1ABF8] =	vst v63  }
0x2a: {  	s24 =	rddreg [dreg:$0x9];
	s11 =	simm.s32 $0x80  }
0x2b: {  	[tilespmem:s11], [sflag:$0x11] =	stream.linear.gather [hbm4b:s24+s7], $0x28, $0x38;
	[tilespmem:$0x1ABF8] =	vst v63  }
0x2c: {  	s29 =	rddreg [dreg:$0xa];
	s13 =	simm.s32 $0x480  }
0x2d: {  	[tilespmem:s13], [sflag:$0x16] =	stream.linear.gather [hbm4b:s29+s7], $0x28, $0x38;
	[tilespmem:$0x1ABF8] =	vst v63  }
0x2e: {  	s15 =	rddreg [dreg:$0xb]  }
0x2f: {  	[tilespmem:s14], [sflag:$0x1B] =	stream.linear.gather [hbm4b:s15+s7], $0x28, $0x38;
	[tilespmem:$0x1ABF8] =	vst v63  }
0x30: {  	s16 =	rddreg [dreg:$0x17];
	s24 =	simm.s32 $0x100  }
0x31: {  	[tilespmem:s24], [sflag:$0x12] =	stream.linear.gather [hbm4b:s16+s7], $0x28, $0x38;
	[tilespmem:$0x1ABF8] =	vst v63  }
0x32: {  	s29 =	rddreg [dreg:$0xc]  }
0x33: {  	[tilespmem:s10], [sflag:$0x17] =	stream.linear.gather [hbm4b:s29+s7], $0x28, $0x38;
	[tilespmem:$0x1ABF8] =	vst v63  }
0x34: {  	s13 =	simm.s32 $0x10;
	s10 =	rddreg [dreg:$0xd]  }
0x35: {  	[tilespmem:s28], [sflag:$0x1C] =	stream.linear.gather [hbm4b:s10+s7], $0x28, $0x38;
	[tilespmem:$0x1ABF8] =	vst v63  }
0x36: {  	_ =	swait.ge [sflag:s13], $0x28  }
0x37: {  	[sflag:s13] =	ssyncset.done $0x0  }
0x38: {  	s15 =	simm.s32 $0x15;
	[sflag:s13] =	ssyncadd.s32 $0xFFFFFFD8  }
0x39: {  	_ =	swait.ge [sflag:s15], $0x28  }
0x3a: {  	[sflag:s15] =	ssyncset.done $0x0  }
0x3b: {  	s16 =	simm.s32 $0x1A;
	[sflag:s15] =	ssyncadd.s32 $0xFFFFFFD8  }
0x3c: {  	_ =	swait.ge [sflag:s16], $0x28  }
0x3d: {  	[sflag:s16] =	ssyncset.done $0x0  }
0x3e: {  	s24 =	simm.s32 $0xC00;
	s29 =	simm.s32 $0x11;
	[sflag:s16] =	ssyncadd.s32 $0xFFFFFFD8  }
0x3f: {  	[tilespmem:s24], [sflag:$0x1] =	stream.indirect.gather [hbm4b:s0+s1], $0x80, s7, s1, $0xb8;
	[tilespmem:$0x1ABF8] =	vst v63  }
0x40: {  	_ =	swait.ge [sflag:s29], $0x28  }
0x41: {  	[sflag:s29] =	ssyncset.done $0x0  }
0x42: {  	s10 =	simm.s32 $0x16;
	[sflag:s29] =	ssyncadd.s32 $0xFFFFFFD8  }
0x43: {  	_ =	swait.ge [sflag:s10], $0x28  }
0x44: {  	[sflag:s10] =	ssyncset.done $0x0  }
0x45: {  	s13 =	simm.s32 $0x1B;
	[sflag:s10] =	ssyncadd.s32 $0xFFFFFFD8  }
0x46: {  	_ =	swait.ge [sflag:s13], $0x28  }
0x47: {  	s15 =	simm.s32 $0x2000;
	s16 =	sand.u32 $0x7E00, s7;
	[sflag:s13] =	ssyncset.done $0x0  }
0x48: {  	s24 =	sand.u32 $0x70, s7;
	s29 =	sshrl.u32 s16, $0x2;
	[sflag:s13] =	ssyncadd.s32 $0xFFFFFFD8  }
0x49: {  	[tilespmem:s15], [sflag:$0x2] =	stream.indirect.gather [hbm4b:s0+s1], $0x80, s11, s1, $0xb8;
	[tilespmem:$0x1ABF8] =	vst v63  }
0x4a: {  	s6 =	simm.s32 $0x40;
	s13 =	sor.u32 s24, s29;
	s11 =	simm.s32 $0x0  }
.LBB2_2:
0x4b: {  	p0 =	sne.s32 s6, $0x4FC0  }
0x4c: {  	[tilespmem:s13+$0x5C00] =	vst v0;
	s11 =	sadd.s32 $0x10, s11;
	s13 =	smov.u32 s6;
	s6 =	sadd.s32 $0x40, s6  }
.Ltmp0:
0x4d: {  	(pc) =	sbr.rel @p0 .LBB2_2-.Ltmp0, $4  }
0x4e: {  	_ = 	snop  }
0x4f: {  	s13 =	sand.u32 $0x7E00, s13  }
0x50: {  	s15 =	sand.u32 $0x70, s11;
	s13 =	sshrl.u32 s13, $0x2  }
0x51: {  	s13 =	sor.u32 s15, s13  }
0x52: {  	[tilespmem:s13+$0x5C00] =	vst v0  }
0x53: {  	[tilespmem:$0x7080] =	vst v0  }
0x54: {  	[tilespmem:$0x7090] =	vst v0  }
0x55: {  	[tilespmem:$0x70A0] =	vst v0  }
0x56: {  	[tilespmem:$0x70B0] =	vst v0  }
0x57: {  	s6 =	rddreg [dreg:$0xe];
	[tilespmem:$0x70C0] =	vst v0  }
0x58: {  	[tilespmem:$0x7000] =	vst v1;
	p0 =	sne.s32 s6, $0x1  }
.Ltmp1:
0x59: {  	[tilespmem:$0x7010] =	vst v1;
	(pc) =	sbr.rel @!p0 .LBB2_5-.Ltmp1, $4  }
0x5a: {  	s11 =	rddreg [dreg:$0x15];
	[tilespmem:$0x7018] =	vst v1  }
0x5b: {  	[spmem:s11] =	stream.linear.scatter [tilespmem:s31], [sflag:$0x1F], $0x1400, $0x38;
	[tilespmem:$0x1ABF8] =	vst v63  }
0x5c: {  	_ =	swait.ge [sflag:s20], $0x1400  }
0x5d: {  	s6 =	sadd.s32 $0xFFFFFFFF, s6;
	[sflag:s20] =	ssyncset.done $0x0  }
.LBB2_4:
0x5e: {  	p0 =	sne.s32 s6, $0x1;
	[sflag:s20] =	ssyncadd.s32 $0xFFFFEC00;
	s11 =	sadd.s32 $0x1400, s11  }
.Ltmp2:
0x5f: {  	s6 =	sadd.s32 $0xFFFFFFFF, s6;
	(pc) =	sbr.rel @p0 .LBB2_4-.Ltmp2, $4  }
0x60: {  	_ = 	snop  }
0x61: {  	[spmem:s11] =	stream.linear.scatter [tilespmem:s31], [sflag:$0x1F], $0x1400, $0x38;
	[tilespmem:$0x1ABF8] =	vst v63  }
0x62: {  	_ =	swait.ge [sflag:s20], $0x1400  }
0x63: {  	[sflag:s20] =	ssyncset.done $0x0  }
.LBB2_5:
0x64: {  	p0 =	sne.s32 s18, $0x1  }
.Ltmp3:
0x65: {  	_ = 	snop;
	(pc) =	sbr.rel @!p0 .LBB2_7-.Ltmp3, $4  }
0x66: {  	[sflag:s20] =	ssyncadd.s32 $0xFFFFEC00;
	s11 =	rddreg [dreg:$0xf]  }
0x67: {  	[spmem:s11] =	stream.linear.scatter [tilespmem:s22], [sflag:$0x1F], $0x50, $0x38;
	[tilespmem:$0x1ABF8] =	vst v63  }
0x68: {  	_ =	swait.ge [sflag:s20], $0x50  }
0x69: {  	s6 =	sadd.s32 $0xFFFFFFFF, s18;
	[sflag:s20] =	ssyncset.done $0x0  }
.LBB2_6:
0x6a: {  	p1 =	sne.s32 s6, $0x1;
	[sflag:s20] =	ssyncadd.s32 $0xFFFFFFB0;
	s11 =	sadd.s32 $0x50, s11  }
.Ltmp4:
0x6b: {  	s6 =	sadd.s32 $0xFFFFFFFF, s6;
	(pc) =	sbr.rel @p1 .LBB2_6-.Ltmp4, $4  }
0x6c: {  	_ = 	snop  }
0x6d: {  	[spmem:s11] =	stream.linear.scatter [tilespmem:s22], [sflag:$0x1F], $0x50, $0x38;
	[tilespmem:$0x1ABF8] =	vst v63  }
0x6e: {  	_ =	swait.ge [sflag:s20], $0x50  }
0x6f: {  	[sflag:s20] =	ssyncset.done $0x0  }
.LBB2_7:
0x70: {  	[sflag:s20] =	ssyncadd.s32 $0xFFFFFFB0  }
0x71: {  	s24 =	simm.s32 $0x0;
	s11 =	simm.s32 $0x0;
	[bflag:$0x0] =	sbarrier.arrive $0xFFFF  }
.LBB2_8:
0x72: {  	p1 =	seq.s32 s11, $0x0  }
0x73: {  	s6 =	simm.s32 @!p1 $0x9  }
0x74: {  	s13 =	smul.u32 $0xC8, s11;
	_ =	swait.ge @!p1 [sflag:s6], $0x1400  }
0x75: {  	[sflag:s6] =	ssyncset.done @!p1 $0x0;
	s10 =	rddreg [dreg:$0x19]  }
0x76: {  	[sflag:s6] =	ssyncadd.s32 @!p1 $0xFFFFEC00;
	s6 =	simm.s32 @!p1 $0xE;
	s15 =	sadd.s32 s13, s10  }
0x77: {  	_ =	swait.ge @!p1 [sflag:s6], $0x28;
	s15 =	sshrl.u32 s15, $0x3  }
0x78: {  	[sflag:s6] =	ssyncset.done @!p1 $0x0;
	s16 =	sadd.s32 s2, s15  }
0x79: {  	s18 =	simm.s32 $0x180;
	[sflag:s6] =	ssyncadd.s32 @!p1 $0xFFFFFFD8;
	s10 =	sadd.s32 $0x9C40, s16  }
0x7a: {  	[tilespmem:s18], [sflag:$0x13] =	stream.linear.gather [hbm4b:s10+s24], $0x28, $0x38;
	[tilespmem:$0x1ABF8] =	vst v63  }
0x7b: {  	_ = 	snop  }
0x7c: {  	[tilespmem:s25], [sflag:$0x18] =	stream.linear.gather [hbm4b:s16+s24], $0x28, $0x38;
	[tilespmem:$0x1ABF8] =	vst v63  }
0x7d: {  	s29 =	simm.s32 $0x12;
	s25 =	sadd.s32 s3, s15  }
0x7e: {  	[tilespmem:s19], [sflag:$0x1D] =	stream.linear.gather [hbm4b:s25+s24], $0x28, $0x38;
	[tilespmem:$0x1ABF8] =	vst v63  }
0x7f: {  	_ =	swait.ge [sflag:s29], $0x28  }
0x80: {  	[sflag:s29] =	ssyncset.done $0x0  }
0x81: {  	s10 =	simm.s32 $0x17;
	[sflag:s29] =	ssyncadd.s32 $0xFFFFFFD8  }
0x82: {  	_ =	swait.ge [sflag:s10], $0x28  }
0x83: {  	[sflag:s10] =	ssyncset.done $0x0  }
0x84: {  	v2 =	vmov s24;
	s15 =	simm.s32 $0x2;
	s16 =	simm.s32 $0x1C;
	[sflag:s10] =	ssyncadd.s32 $0xFFFFFFD8  }
0x85: {  	v2 =	vand.u32 $0xFFFFFFFC, v2;
	v3 =	vmov s15;
	_ =	swait.ge [sflag:s16], $0x28  }
0x86: {  	v2 =	vbroadcast v2, $0x0;
	s18 =	simm.s32 $0x100;
	v3 =	vand.u32 $0xFFFFFFFE, v3;
	[sflag:s16] =	ssyncset.done $0x0  }
0x87: {  	s25 =	simm.s32 $0x3400;
	v3 =	vbroadcast v3, $0x0;
	s29 =	simm.s32 $0x1;
	[sflag:s16] =	ssyncadd.s32 $0xFFFFFFD8  }
0x88: {  	[tilespmem:s25], [sflag:$0x3] =	stream.indirect.gather [hbm4b:s0+s1], $0x80, s18, s1, $0xb8;
	[tilespmem:$0x1ABF8] =	vst v63  }
0x89: {  	_ =	swait.ge [sflag:s29], $0x1400  }
0x8a: {  	[sflag:s29] =	ssyncset.done $0x0  }
0x8b: {  	[sflag:s29] =	ssyncadd.s32 $0xFFFFEC00  }
0x8c: {  	v2 =	vld.idx.msk [tilespmem:v2+s12+$0x0], $0xffff  }
0x8d: {  	s16 =	simm.s32 $0xD00;
	v3 =	vld.idx.msk [tilespmem:v3+s12+$0x0], $0xffff  }
0x8e: {  	s10 =	simm.s32 $0x1;
	v5 =	vld [tilespmem:s16+$0x70]  }
0x8f: {  	v4 =	vmov s10;
	v6 =	vld [tilespmem:s16+$0xFFFFFF00]  }
0x90: {  	v4 =	vand.u32 $0xFFFFFFFD, v4;
	v7 =	vld [tilespmem:s16+$0xFFFFFF10]  }
0x91: {  	v4 =	vbroadcast v4, $0x0;
	v8 =	vld [tilespmem:s16+$0xFFFFFF20]  }
0x92: {  	v9 =	vld [tilespmem:s16+$0xFFFFFF30]  }
0x93: {  	v10 =	vld [tilespmem:s16+$0xFFFFFF40]  }
0x94: {  	v11 =	vld [tilespmem:s16+$0xFFFFFF50]  }
0x95: {  	v12 =	vld [tilespmem:s16+$0xFFFFFF60];
	v6 =	vmul.f32 v6, v2  }
0x96: {  	v14 =	vld [tilespmem:s16+$0x40];
	v5 =	vmul.f32 v5, v3  }
0x97: {  	v4 =	vld.idx.msk [tilespmem:v4+s12+$0x0], $0xffff;
	[tilespmem:s16+$0xFFFFFF00] =	vst v6;
	v6 =	vmul.f32 v7, v2  }
0x98: {  	v7 =	vld [tilespmem:s16+$0xFFFFFF70];
	[tilespmem:s16+$0x70] =	vst v5;
	v5 =	vmul.f32 v8, v2  }
0x99: {  	v8 =	vld [tilespmem:s16+$0xFFFFFF80];
	[tilespmem:s16+$0xFFFFFF10] =	vst v6;
	v6 =	vmul.f32 v9, v2  }
0x9a: {  	v9 =	vld [tilespmem:s16+$0xFFFFFF90];
	[tilespmem:s16+$0xFFFFFF20] =	vst v5;
	v5 =	vmul.f32 v10, v2  }
0x9b: {  	v10 =	vld [tilespmem:s16+$0xFFFFFFA0];
	[tilespmem:s16+$0xFFFFFF30] =	vst v6;
	v6 =	vmul.f32 v11, v2  }
0x9c: {  	v11 =	vld [tilespmem:s16+$0xFFFFFFB0];
	[tilespmem:s16+$0xFFFFFF40] =	vst v5;
	v5 =	vmul.f32 v12, v2  }
0x9d: {  	v12 =	vld [tilespmem:s16+$0xFFFFFFC0];
	v7 =	vmul.f32 v7, v2;
	[tilespmem:s16+$0xFFFFFF50] =	vst v6  }
0x9e: {  	v6 =	vmul.f32 v8, v4;
	v8 =	vld [tilespmem:s16+$0xFFFFFFD0];
	[tilespmem:s16+$0xFFFFFF60] =	vst v5  }
0x9f: {  	s15 =	simm.s32 $0x3;
	v5 =	vld [tilespmem:s16+$0xFFFFFFE0];
	v9 =	vmul.f32 v9, v4;
	[tilespmem:s16+$0xFFFFFF70] =	vst v7  }
0xa0: {  	v13 =	vmov s15;
	v7 =	vld [tilespmem:s16+$0xFFFFFFF0];
	[tilespmem:s16+$0xFFFFFF80] =	vst v6;
	v6 =	vmul.f32 v10, v4  }
0xa1: {  	v10 =	vld [tilespmem:s16+$0x0];
	[tilespmem:s16+$0xFFFFFF90] =	vst v9;
	v9 =	vmul.f32 v11, v4  }
0xa2: {  	v11 =	vld [tilespmem:s16+$0x10];
	[tilespmem:s16+$0xFFFFFFA0] =	vst v6;
	v6 =	vmul.f32 v12, v4  }
0xa3: {  	[tilespmem:s16+$0xFFFFFFB0] =	vst v9;
	v8 =	vmul.f32 v8, v4;
	v9 =	vld [tilespmem:s16+$0x20]  }
0xa4: {  	v12 =	vld [tilespmem:s16+$0x30];
	v5 =	vmul.f32 v5, v4;
	[tilespmem:s16+$0xFFFFFFC0] =	vst v6  }
0xa5: {  	v2 =	vld.idx.msk [tilespmem:v13+s12+$0x0], $0xffff;
	v4 =	vmul.f32 v7, v4;
	[tilespmem:s16+$0xFFFFFFD0] =	vst v8  }
0xa6: {  	[tilespmem:s16+$0xFFFFFFE0] =	vst v5;
	v6 =	vmul.f32 v10, v3;
	v5 =	vld [tilespmem:s16+$0x50]  }
0xa7: {  	s18 =	simm.s32 $0x4;
	[tilespmem:s16+$0xFFFFFFF0] =	vst v4;
	v7 =	vmul.f32 v11, v3;
	v4 =	vld [tilespmem:s16+$0x60]  }
0xa8: {  	s25 =	simm.s32 $0x7;
	v8 =	vmov s18;
	[tilespmem:s16+$0x0] =	vst v6;
	v10 =	vmul.f32 v9, v3;
	v9 =	vld [tilespmem:s16+$0x80]  }
0xa9: {  	s29 =	simm.s32 $0x5;
	v13 =	vand.u32 $0xFFFFFFFC, v8;
	v8 =	vld [tilespmem:s16+$0x90];
	v6 =	vmov s25;
	v11 =	vmul.f32 v12, v3;
	[tilespmem:s16+$0x10] =	vst v7  }
0xaa: {  	s6 =	simm.s32 $0xD00;
	s15 =	simm.s32 $0x6;
	s18 =	simm.s32 $0x8;
	v12 =	vmul.f32 v14, v3;
	v7 =	vbroadcast v13, $0x0;
	v13 =	vmov s29;
	[tilespmem:s16+$0x20] =	vst v10;
	v10 =	vld [tilespmem:s16+$0xA0]  }
.LBB2_9:
0xab: {  	p2 =	slt.u32 s18, $0x24;
	v13 =	vand.u32 $0xFFFFFFFD, v13;
	v14 =	vmov s15;
	[tilespmem:s16+$0x30] =	vst v11;
	v5 =	vmul.f32 v5, v3;
	v11 =	vld [tilespmem:s16+$0xB0]  }
0xac: {  	v13 =	vbroadcast v13, $0x0;
	v14 =	vand.u32 $0xFFFFFFFE, v14;
	[tilespmem:s16+$0x40] =	vst v12;
	v3 =	vmul.f32 v4, v3;
	v4 =	vld [tilespmem:s16+$0xC0]  }
0xad: {  	v12 =	vbroadcast v14, $0x0;
	[tilespmem:s16+$0x50] =	vst v5;
	v5 =	vmul.f32 v9, v2;
	v9 =	vld [tilespmem:s16+$0xD0]  }
0xae: {  	[tilespmem:s16+$0x60] =	vst v3;
	v3 =	vmul.f32 v8, v2;
	v8 =	vld [tilespmem:s16+$0xE0]  }
0xaf: {  	[tilespmem:s16+$0x80] =	vst v5;
	v5 =	vmul.f32 v10, v2;
	v10 =	vld [tilespmem:s16+$0xF0]  }
0xb0: {  	v6 =	vld.idx.msk [tilespmem:v6+s12+$0x0], $0xffff;
	[tilespmem:s16+$0x90] =	vst v3;
	v3 =	vmul.f32 v11, v2  }
0xb1: {  	v7 =	vld.idx.msk [tilespmem:v7+s12+$0x0], $0xffff;
	[tilespmem:s16+$0xA0] =	vst v5;
	v4 =	vmul.f32 v4, v2  }
0xb2: {  	v5 =	vld.idx.msk [tilespmem:v13+s12+$0x0], $0xffff;
	[tilespmem:s16+$0xB0] =	vst v3;
	v9 =	vmul.f32 v9, v2  }
0xb3: {  	s16 =	sadd.s32 $0x200, s16;
	v3 =	vld.idx.msk [tilespmem:v12+s12+$0x0], $0xffff;
	[tilespmem:s6+$0xC0] =	vst v4;
	v4 =	vmul.f32 v8, v2  }
0xb4: {  	v8 =	vld [tilespmem:s16+$0x70];
	[tilespmem:s6+$0xD0] =	vst v9;
	v10 =	vmul.f32 v10, v2  }
0xb5: {  	v9 =	vld [tilespmem:s16+$0xFFFFFF00];
	[tilespmem:s6+$0xE0] =	vst v4  }
0xb6: {  	v2 =	vmov v6;
	v4 =	vld [tilespmem:s16+$0xFFFFFF10];
	[tilespmem:s6+$0xF0] =	vst v10;
	s6 =	smov.u32 s16  }
0xb7: {  	v6 =	vld [tilespmem:s16+$0xFFFFFF20]  }
0xb8: {  	v10 =	vld [tilespmem:s16+$0xFFFFFF30]  }
0xb9: {  	v11 =	vld [tilespmem:s16+$0xFFFFFF40];
	v8 =	vmul.f32 v8, v3  }
0xba: {  	v9 =	vmul.f32 v9, v7;
	v12 =	vld [tilespmem:s16+$0xFFFFFF50]  }
0xbb: {  	v4 =	vmul.f32 v4, v7;
	v13 =	vld [tilespmem:s16+$0xFFFFFF60];
	[tilespmem:s16+$0x70] =	vst v8  }
0xbc: {  	[tilespmem:s16+$0xFFFFFF00] =	vst v9;
	v6 =	vmul.f32 v6, v7;
	v8 =	vld [tilespmem:s16+$0xFFFFFF70]  }
0xbd: {  	[tilespmem:s16+$0xFFFFFF10] =	vst v4;
	v4 =	vmul.f32 v10, v7;
	v9 =	vld [tilespmem:s16+$0xFFFFFF80]  }
0xbe: {  	[tilespmem:s16+$0xFFFFFF20] =	vst v6;
	v6 =	vmul.f32 v11, v7;
	v10 =	vld [tilespmem:s16+$0xFFFFFF90]  }
0xbf: {  	[tilespmem:s16+$0xFFFFFF30] =	vst v4;
	v4 =	vmul.f32 v12, v7;
	v11 =	vld [tilespmem:s16+$0xFFFFFFA0]  }
0xc0: {  	[tilespmem:s16+$0xFFFFFF40] =	vst v6;
	v6 =	vmul.f32 v13, v7;
	v12 =	vld [tilespmem:s16+$0xFFFFFFB0]  }
0xc1: {  	[tilespmem:s16+$0xFFFFFF50] =	vst v4;
	v4 =	vmul.f32 v8, v7;
	v7 =	vld [tilespmem:s16+$0xFFFFFFC0]  }
0xc2: {  	[tilespmem:s16+$0xFFFFFF60] =	vst v6;
	v6 =	vmul.f32 v9, v5;
	v8 =	vld [tilespmem:s16+$0xFFFFFFD0]  }
0xc3: {  	[tilespmem:s16+$0xFFFFFF70] =	vst v4;
	v4 =	vmul.f32 v10, v5;
	v9 =	vld [tilespmem:s16+$0xFFFFFFE0]  }
0xc4: {  	[tilespmem:s16+$0xFFFFFF80] =	vst v6;
	v6 =	vmul.f32 v11, v5;
	v10 =	vld [tilespmem:s16+$0xFFFFFFF0]  }
0xc5: {  	[tilespmem:s16+$0xFFFFFF90] =	vst v4;
	v4 =	vmul.f32 v12, v5;
	v11 =	vld [tilespmem:s16+$0x0]  }
0xc6: {  	[tilespmem:s16+$0xFFFFFFA0] =	vst v6;
	v6 =	vmul.f32 v7, v5;
	v7 =	vld [tilespmem:s16+$0x10]  }
0xc7: {  	[tilespmem:s16+$0xFFFFFFB0] =	vst v4;
	v4 =	vmul.f32 v8, v5;
	v8 =	vld [tilespmem:s16+$0x20]  }
0xc8: {  	[tilespmem:s16+$0xFFFFFFC0] =	vst v6;
	v6 =	vmul.f32 v9, v5;
	v12 =	vld [tilespmem:s16+$0x30]  }
0xc9: {  	[tilespmem:s16+$0xFFFFFFD0] =	vst v4;
	v4 =	vmul.f32 v10, v5;
	v10 =	vld [tilespmem:s16+$0x40]  }
.Ltmp5:
0xca: {  	[tilespmem:s16+$0xFFFFFFE0] =	vst v6;
	v6 =	vmul.f32 v11, v3;
	v5 =	vld [tilespmem:s16+$0x50];
	(pc) =	sbr.rel @p2 .LBB2_9-.Ltmp5, $4  }
0xcb: {  	[tilespmem:s16+$0xFFFFFFF0] =	vst v4;
	v7 =	vmul.f32 v7, v3;
	v4 =	vld [tilespmem:s16+$0x60]  }
0xcc: {  	s15 =	sadd.s32 $0x3, s18;
	v11 =	vmov s18;
	[tilespmem:s16+$0x0] =	vst v6;
	v14 =	vmul.f32 v8, v3;
	v9 =	vld [tilespmem:s16+$0x80]  }
0xcd: {  	s29 =	sadd.s32 $0x1, s18;
	v13 =	vand.u32 $0xFFFFFFFC, v11;
	v6 =	vmov s15;
	[tilespmem:s16+$0x10] =	vst v7;
	v11 =	vmul.f32 v12, v3;
	v8 =	vld [tilespmem:s16+$0x90]  }
0xce: {  	s15 =	sadd.s32 $0x2, s18;
	s18 =	sadd.s32 $0x4, s18;
	v7 =	vbroadcast v13, $0x0;
	v13 =	vmov s29;
	[tilespmem:s16+$0x20] =	vst v14;
	v12 =	vmul.f32 v10, v3;
	v10 =	vld [tilespmem:s16+$0xA0]  }
0xcf: {  	v14 =	vld [tilespmem:s16+$0xB0]  }
0xd0: {  	v16 =	vld [tilespmem:s16+$0xC0]  }
0xd1: {  	v15 =	vmov s15;
	v17 =	vld [tilespmem:s16+$0xD0]  }
0xd2: {  	v18 =	vld [tilespmem:s16+$0xE0];
	[tilespmem:s16+$0x30] =	vst v11;
	v5 =	vmul.f32 v5, v3;
	v15 =	vand.u32 $0xFFFFFFFE, v15  }
0xd3: {  	v13 =	vand.u32 $0xFFFFFFFD, v13;
	v6 =	vld.idx.msk [tilespmem:v6+s12+$0x0], $0xffff;
	[tilespmem:s16+$0x40] =	vst v12;
	v3 =	vmul.f32 v4, v3;
	v15 =	vbroadcast v15, $0x0  }
0xd4: {  	s18 =	sadd.s32 $0x200, s16;
	v13 =	vbroadcast v13, $0x0;
	v4 =	vld.idx.msk [tilespmem:v7+s12+$0x0], $0xffff;
	v9 =	vmul.f32 v9, v2;
	[tilespmem:s16+$0x50] =	vst v5  }
0xd5: {  	v11 =	vld [tilespmem:s18+$0xFFFFFF00];
	v5 =	vmul.f32 v8, v2;
	[tilespmem:s16+$0x60] =	vst v3  }
0xd6: {  	[tilespmem:s16+$0x80] =	vst v9;
	v9 =	vld [tilespmem:s16+$0xF0];
	v3 =	vmul.f32 v10, v2  }
0xd7: {  	v12 =	vld [tilespmem:s18+$0xFFFFFF10];
	[tilespmem:s16+$0x90] =	vst v5;
	v5 =	vmul.f32 v14, v2  }
0xd8: {  	v10 =	vld [tilespmem:s18+$0x70];
	[tilespmem:s16+$0xA0] =	vst v3;
	v3 =	vmul.f32 v16, v2  }
0xd9: {  	[tilespmem:s16+$0xB0] =	vst v5;
	v5 =	vmul.f32 v17, v2;
	v8 =	vld.idx.msk [tilespmem:v15+s12+$0x0], $0xffff  }
0xda: {  	v7 =	vld.idx.msk [tilespmem:v13+s12+$0x0], $0xffff;
	[tilespmem:s6+$0xC0] =	vst v3;
	v3 =	vmul.f32 v18, v2  }
0xdb: {  	v13 =	vld [tilespmem:s18+$0xFFFFFF20];
	[tilespmem:s6+$0xD0] =	vst v5;
	v2 =	vmul.f32 v9, v2  }
0xdc: {  	v5 =	vld [tilespmem:s18+$0xFFFFFF30];
	[tilespmem:s6+$0xE0] =	vst v3  }
0xdd: {  	v3 =	vld [tilespmem:s18+$0xFFFFFF40];
	[tilespmem:s6+$0xF0] =	vst v2;
	v2 =	vmul.f32 v11, v4  }
0xde: {  	v9 =	vmul.f32 v10, v8;
	v10 =	vld [tilespmem:s18+$0xFFFFFF50]  }
0xdf: {  	v11 =	vmul.f32 v12, v4;
	v12 =	vld [tilespmem:s18+$0xFFFFFF60];
	[tilespmem:s18+$0xFFFFFF00] =	vst v2  }
0xe0: {  	v2 =	vmul.f32 v13, v4;
	[tilespmem:s18+$0x70] =	vst v9;
	v9 =	vld [tilespmem:s18+$0xFFFFFF70]  }
0xe1: {  	[tilespmem:s18+$0xFFFFFF10] =	vst v11;
	v11 =	vld [tilespmem:s18+$0xFFFFFF80];
	v5 =	vmul.f32 v5, v4  }
0xe2: {  	[tilespmem:s18+$0xFFFFFF20] =	vst v2;
	v2 =	vmul.f32 v3, v4;
	v3 =	vld [tilespmem:s18+$0xFFFFFF90]  }
0xe3: {  	[tilespmem:s18+$0xFFFFFF30] =	vst v5;
	v5 =	vmul.f32 v10, v4;
	v10 =	vld [tilespmem:s18+$0xFFFFFFA0]  }
0xe4: {  	[tilespmem:s18+$0xFFFFFF40] =	vst v2;
	v2 =	vmul.f32 v12, v4;
	v12 =	vld [tilespmem:s18+$0xFFFFFFB0]  }
0xe5: {  	[tilespmem:s18+$0xFFFFFF50] =	vst v5;
	v4 =	vmul.f32 v9, v4;
	v5 =	vld [tilespmem:s18+$0xFFFFFFC0]  }
0xe6: {  	[tilespmem:s18+$0xFFFFFF60] =	vst v2;
	v2 =	vmul.f32 v11, v7;
	v9 =	vld [tilespmem:s18+$0xFFFFFFD0]  }
0xe7: {  	v3 =	vmul.f32 v3, v7;
	[tilespmem:s18+$0xFFFFFF70] =	vst v4;
	v4 =	vld [tilespmem:s18+$0xFFFFFFE0]  }
0xe8: {  	[tilespmem:s18+$0xFFFFFF80] =	vst v2;
	v2 =	vmul.f32 v10, v7;
	v10 =	vld [tilespmem:s18+$0xFFFFFFF0]  }
0xe9: {  	v11 =	vld [tilespmem:s18+$0x0];
	[tilespmem:s18+$0xFFFFFF90] =	vst v3;
	v3 =	vmul.f32 v12, v7  }
0xea: {  	[tilespmem:s18+$0xFFFFFFA0] =	vst v2;
	v2 =	vmul.f32 v5, v7;
	v5 =	vld [tilespmem:s18+$0x10]  }
0xeb: {  	[tilespmem:s18+$0xFFFFFFB0] =	vst v3;
	v3 =	vmul.f32 v9, v7;
	v9 =	vld [tilespmem:s18+$0x20]  }
0xec: {  	[tilespmem:s18+$0xFFFFFFC0] =	vst v2;
	v2 =	vmul.f32 v4, v7;
	v4 =	vld [tilespmem:s18+$0x30]  }
0xed: {  	[tilespmem:s18+$0xFFFFFFD0] =	vst v3;
	v3 =	vmul.f32 v10, v7;
	v7 =	vld [tilespmem:s18+$0x40]  }
0xee: {  	v10 =	vld [tilespmem:s18+$0x50];
	[tilespmem:s18+$0xFFFFFFE0] =	vst v2;
	v2 =	vmul.f32 v11, v8  }
0xef: {  	[tilespmem:s18+$0xFFFFFFF0] =	vst v3;
	v3 =	vmul.f32 v5, v8;
	v5 =	vld [tilespmem:s18+$0x60]  }
0xf0: {  	[tilespmem:s18+$0x0] =	vst v2;
	v2 =	vmul.f32 v9, v8;
	v9 =	vld [tilespmem:s18+$0x80]  }
0xf1: {  	[tilespmem:s18+$0x10] =	vst v3;
	v3 =	vmul.f32 v4, v8;
	v4 =	vld [tilespmem:s18+$0x90]  }
0xf2: {  	[tilespmem:s18+$0x20] =	vst v2;
	v2 =	vmul.f32 v7, v8;
	v7 =	vld [tilespmem:s18+$0xA0]  }
0xf3: {  	[tilespmem:s18+$0x30] =	vst v3;
	v3 =	vmul.f32 v10, v8;
	v10 =	vld [tilespmem:s18+$0xB0]  }
0xf4: {  	[tilespmem:s18+$0x40] =	vst v2;
	v2 =	vmul.f32 v5, v8;
	v5 =	vld [tilespmem:s18+$0xC0]  }
0xf5: {  	v8 =	vld [tilespmem:s18+$0xD0];
	[tilespmem:s18+$0x50] =	vst v3;
	v3 =	vmul.f32 v9, v6  }
0xf6: {  	[tilespmem:s18+$0x60] =	vst v2;
	v2 =	vmul.f32 v4, v6;
	v4 =	vld [tilespmem:s18+$0xE0]  }
0xf7: {  	[tilespmem:s18+$0x80] =	vst v3;
	v3 =	vmul.f32 v7, v6;
	v7 =	vld [tilespmem:s18+$0xF0]  }
0xf8: {  	[tilespmem:s18+$0x90] =	vst v2;
	v2 =	vmul.f32 v10, v6  }
0xf9: {  	[tilespmem:s18+$0xA0] =	vst v3;
	v3 =	vmul.f32 v5, v6  }
0xfa: {  	[tilespmem:s18+$0xB0] =	vst v2;
	v2 =	vmul.f32 v8, v6  }
0xfb: {  	[tilespmem:s18+$0xC0] =	vst v3;
	v3 =	vmul.f32 v4, v6  }
0xfc: {  	[tilespmem:s18+$0xD0] =	vst v2;
	v2 =	vmul.f32 v7, v6  }
0xfd: {  	[tilespmem:s18+$0xE0] =	vst v3  }
0xfe: {  	s15 =	simm.s32 $0x400;
	s10 =	simm.s32 $0xC00;
	[tilespmem:s18+$0xF0] =	vst v2  }
0xff: {  	[spmem:s4] =	stream.indirect.scatter.add.f32 [tilespmem:s10], [sflag:$0x6], $0x80, s15, s1, $0xb8;
	[tilespmem:$0x1ABF8] =	vst v63  }
0x100: {  	s6 =	simm.s32 @!p1 $0xA  }
0x101: {  	[spmem:s5] =	stream.indirect.scatter.add.f32 [tilespmem:s23], [sflag:$0xB], $0x1, s15, s1, $0xb8;
	[tilespmem:$0x1ABF8] =	vst v63  }
0x102: {  	_ =	swait.ge @!p1 [sflag:s6], $0x1400  }
0x103: {  	[sflag:s6] =	ssyncset.done @!p1 $0x0  }
0x104: {  	s16 =	sadd.s32 s13, s21;
	[sflag:s6] =	ssyncadd.s32 @!p1 $0xFFFFEC00;
	s6 =	simm.s32 @!p1 $0xF  }
0x105: {  	s15 =	sshrl.u32 s16, $0x3;
	_ =	swait.ge @!p1 [sflag:s6], $0x28  }
0x106: {  	s25 =	simm.s32 $0x0;
	s16 =	sadd.s32 s2, s15;
	[sflag:s6] =	ssyncset.done @!p1 $0x0  }
0x107: {  	s29 =	simm.s32 $0x200;
	s18 =	sadd.s32 $0x9C40, s16;
	[sflag:s6] =	ssyncadd.s32 @!p1 $0xFFFFFFD8  }
0x108: {  	[tilespmem:s29], [sflag:$0x14] =	stream.linear.gather [hbm4b:s18+s25], $0x28, $0x38;
	[tilespmem:$0x1ABF8] =	vst v63  }
0x109: {  	_ = 	snop  }
0x10a: {  	[tilespmem:s17], [sflag:$0x19] =	stream.linear.gather [hbm4b:s16+s25], $0x28, $0x38;
	[tilespmem:$0x1ABF8] =	vst v63  }
0x10b: {  	s10 =	sadd.s32 s3, s15;
	s15 =	simm.s32 $0x13  }
0x10c: {  	[tilespmem:s26], [sflag:$0x1E] =	stream.linear.gather [hbm4b:s10+s25], $0x28, $0x38;
	[tilespmem:$0x1ABF8] =	vst v63  }
0x10d: {  	_ =	swait.ge [sflag:s15], $0x28  }
0x10e: {  	[sflag:s15] =	ssyncset.done $0x0  }
0x10f: {  	s16 =	simm.s32 $0x18;
	[sflag:s15] =	ssyncadd.s32 $0xFFFFFFD8  }
0x110: {  	_ =	swait.ge [sflag:s16], $0x28  }
0x111: {  	[sflag:s16] =	ssyncset.done $0x0  }
0x112: {  	v2 =	vmov s25;
	s18 =	simm.s32 $0x1D;
	s17 =	simm.s32 $0x2;
	[sflag:s16] =	ssyncadd.s32 $0xFFFFFFD8  }
0x113: {  	v2 =	vand.u32 $0xFFFFFFFC, v2;
	v3 =	vmov s17;
	_ =	swait.ge [sflag:s18], $0x28  }
0x114: {  	v2 =	vbroadcast v2, $0x0;
	s29 =	simm.s32 $0x4800;
	v3 =	vand.u32 $0xFFFFFFFE, v3;
	[sflag:s18] =	ssyncset.done $0x0  }
0x115: {  	s25 =	simm.s32 $0x180;
	s10 =	simm.s32 $0x2;
	v3 =	vbroadcast v3, $0x0;
	[sflag:s18] =	ssyncadd.s32 $0xFFFFFFD8  }
0x116: {  	[tilespmem:s29], [sflag:$0x4] =	stream.indirect.gather [hbm4b:s0+s1], $0x80, s25, s1, $0xb8;
	[tilespmem:$0x1ABF8] =	vst v63  }
0x117: {  	_ =	swait.ge [sflag:s10], $0x1400  }
0x118: {  	[sflag:s10] =	ssyncset.done $0x0  }
0x119: {  	[sflag:s10] =	ssyncadd.s32 $0xFFFFEC00  }
0x11a: {  	v2 =	vld.idx.msk [tilespmem:v2+s14+$0x0], $0xffff  }
0x11b: {  	s15 =	simm.s32 $0x1;
	s16 =	simm.s32 $0x21F0;
	v3 =	vld.idx.msk [tilespmem:v3+s14+$0x0], $0xffff  }
0x11c: {  	v4 =	vmov s15;
	v5 =	vld [tilespmem:s16+$0xFFFFFF80]  }
0x11d: {  	v4 =	vand.u32 $0xFFFFFFFD, v4;
	v6 =	vld [tilespmem:s16+$0xFFFFFE10]  }
0x11e: {  	v4 =	vbroadcast v4, $0x0;
	v7 =	vld [tilespmem:s16+$0xFFFFFE20]  }
0x11f: {  	v8 =	vld [tilespmem:s16+$0xFFFFFE30]  }
0x120: {  	v9 =	vld [tilespmem:s16+$0xFFFFFE40]  }
0x121: {  	v10 =	vld [tilespmem:s16+$0xFFFFFE50]  }
0x122: {  	v11 =	vld [tilespmem:s16+$0xFFFFFE60]  }
0x123: {  	v12 =	vld [tilespmem:s16+$0xFFFFFE70];
	v6 =	vmul.f32 v6, v2  }
0x124: {  	v4 =	vld.idx.msk [tilespmem:v4+s14+$0x0], $0xffff;
	v5 =	vmul.f32 v5, v3  }
0x125: {  	v14 =	vld [tilespmem:s16+$0xFFFFFF50];
	[tilespmem:s16+$0xFFFFFE10] =	vst v6;
	v6 =	vmul.f32 v7, v2  }
0x126: {  	v7 =	vld [tilespmem:s16+$0xFFFFFE80];
	[tilespmem:s16+$0xFFFFFF80] =	vst v5;
	v5 =	vmul.f32 v8, v2  }
0x127: {  	v8 =	vld [tilespmem:s16+$0xFFFFFE90];
	[tilespmem:s16+$0xFFFFFE20] =	vst v6;
	v6 =	vmul.f32 v9, v2  }
0x128: {  	v9 =	vld [tilespmem:s16+$0xFFFFFEA0];
	[tilespmem:s16+$0xFFFFFE30] =	vst v5;
	v5 =	vmul.f32 v10, v2  }
0x129: {  	v10 =	vld [tilespmem:s16+$0xFFFFFEB0];
	[tilespmem:s16+$0xFFFFFE40] =	vst v6;
	v6 =	vmul.f32 v11, v2  }
0x12a: {  	v11 =	vld [tilespmem:s16+$0xFFFFFEC0];
	[tilespmem:s16+$0xFFFFFE50] =	vst v5;
	v5 =	vmul.f32 v12, v2  }
0x12b: {  	v12 =	vld [tilespmem:s16+$0xFFFFFED0];
	v7 =	vmul.f32 v7, v2;
	[tilespmem:s16+$0xFFFFFE60] =	vst v6  }
0x12c: {  	v6 =	vmul.f32 v8, v4;
	v8 =	vld [tilespmem:s16+$0xFFFFFEE0];
	[tilespmem:s16+$0xFFFFFE70] =	vst v5  }
0x12d: {  	s17 =	simm.s32 $0x3;
	v5 =	vld [tilespmem:s16+$0xFFFFFEF0];
	v9 =	vmul.f32 v9, v4;
	[tilespmem:s16+$0xFFFFFE80] =	vst v7  }
0x12e: {  	v13 =	vmov s17;
	v7 =	vld [tilespmem:s16+$0xFFFFFF00];
	[tilespmem:s16+$0xFFFFFE90] =	vst v6;
	v6 =	vmul.f32 v10, v4  }
0x12f: {  	v10 =	vld [tilespmem:s16+$0xFFFFFF10];
	[tilespmem:s16+$0xFFFFFEA0] =	vst v9;
	v9 =	vmul.f32 v11, v4  }
0x130: {  	v11 =	vld [tilespmem:s16+$0xFFFFFF20];
	[tilespmem:s16+$0xFFFFFEB0] =	vst v6;
	v6 =	vmul.f32 v12, v4  }
0x131: {  	[tilespmem:s16+$0xFFFFFEC0] =	vst v9;
	v8 =	vmul.f32 v8, v4;
	v9 =	vld [tilespmem:s16+$0xFFFFFF30]  }
0x132: {  	v12 =	vld [tilespmem:s16+$0xFFFFFF40];
	v5 =	vmul.f32 v5, v4;
	[tilespmem:s16+$0xFFFFFED0] =	vst v6  }
0x133: {  	v2 =	vld.idx.msk [tilespmem:v13+s14+$0x0], $0xffff;
	v4 =	vmul.f32 v7, v4;
	[tilespmem:s16+$0xFFFFFEE0] =	vst v8  }
0x134: {  	[tilespmem:s16+$0xFFFFFEF0] =	vst v5;
	v6 =	vmul.f32 v10, v3;
	v5 =	vld [tilespmem:s16+$0xFFFFFF60]  }
0x135: {  	s18 =	simm.s32 $0x4;
	[tilespmem:s16+$0xFFFFFF00] =	vst v4;
	v7 =	vmul.f32 v11, v3;
	v4 =	vld [tilespmem:s16+$0xFFFFFF70]  }
0x136: {  	s25 =	simm.s32 $0x7;
	v8 =	vmov s18;
	[tilespmem:s16+$0xFFFFFF10] =	vst v6;
	v10 =	vmul.f32 v9, v3;
	v9 =	vld [tilespmem:s16+$0xFFFFFF90]  }
0x137: {  	s29 =	simm.s32 $0x5;
	v13 =	vand.u32 $0xFFFFFFFC, v8;
	v8 =	vld [tilespmem:s16+$0xFFFFFFA0];
	v6 =	vmov s25;
	v11 =	vmul.f32 v12, v3;
	[tilespmem:s16+$0xFFFFFF20] =	vst v7  }
0x138: {  	s6 =	simm.s32 $0x21F0;
	s15 =	simm.s32 $0x6;
	s18 =	simm.s32 $0x8;
	v12 =	vmul.f32 v14, v3;
	v7 =	vbroadcast v13, $0x0;
	v13 =	vmov s29;
	[tilespmem:s16+$0xFFFFFF30] =	vst v10;
	v10 =	vld [tilespmem:s16+$0xFFFFFFB0]  }
.LBB2_11:
0x139: {  	p1 =	slt.u32 s18, $0x24;
	v13 =	vand.u32 $0xFFFFFFFD, v13;
	v14 =	vmov s15;
	[tilespmem:s16+$0xFFFFFF40] =	vst v11;
	v5 =	vmul.f32 v5, v3;
	v11 =	vld [tilespmem:s16+$0xFFFFFFC0]  }
0x13a: {  	v13 =	vbroadcast v13, $0x0;
	v14 =	vand.u32 $0xFFFFFFFE, v14;
	[tilespmem:s16+$0xFFFFFF50] =	vst v12;
	v3 =	vmul.f32 v4, v3;
	v4 =	vld [tilespmem:s16+$0xFFFFFFD0]  }
0x13b: {  	v12 =	vbroadcast v14, $0x0;
	[tilespmem:s16+$0xFFFFFF60] =	vst v5;
	v5 =	vmul.f32 v9, v2;
	v9 =	vld [tilespmem:s16+$0xFFFFFFE0]  }
0x13c: {  	[tilespmem:s16+$0xFFFFFF70] =	vst v3;
	v3 =	vmul.f32 v8, v2;
	v8 =	vld [tilespmem:s16+$0xFFFFFFF0]  }
0x13d: {  	[tilespmem:s16+$0xFFFFFF90] =	vst v5;
	v5 =	vmul.f32 v10, v2;
	v10 =	vld [tilespmem:s16+$0x0]  }
0x13e: {  	v6 =	vld.idx.msk [tilespmem:v6+s14+$0x0], $0xffff;
	[tilespmem:s16+$0xFFFFFFA0] =	vst v3;
	v3 =	vmul.f32 v11, v2  }
0x13f: {  	v7 =	vld.idx.msk [tilespmem:v7+s14+$0x0], $0xffff;
	[tilespmem:s16+$0xFFFFFFB0] =	vst v5;
	v4 =	vmul.f32 v4, v2  }
0x140: {  	v5 =	vld.idx.msk [tilespmem:v13+s14+$0x0], $0xffff;
	[tilespmem:s16+$0xFFFFFFC0] =	vst v3;
	v9 =	vmul.f32 v9, v2  }
0x141: {  	s16 =	sadd.s32 $0x200, s16;
	v3 =	vld.idx.msk [tilespmem:v12+s14+$0x0], $0xffff;
	[tilespmem:s6+$0xFFFFFFD0] =	vst v4;
	v4 =	vmul.f32 v8, v2  }
0x142: {  	v8 =	vld [tilespmem:s16+$0xFFFFFF80];
	[tilespmem:s6+$0xFFFFFFE0] =	vst v9;
	v10 =	vmul.f32 v10, v2  }
0x143: {  	v9 =	vld [tilespmem:s16+$0xFFFFFE10];
	[tilespmem:s6+$0xFFFFFFF0] =	vst v4  }
0x144: {  	v2 =	vmov v6;
	v4 =	vld [tilespmem:s16+$0xFFFFFE20];
	[tilespmem:s6+$0x0] =	vst v10;
	s6 =	smov.u32 s16  }
0x145: {  	v6 =	vld [tilespmem:s16+$0xFFFFFE30]  }
0x146: {  	v10 =	vld [tilespmem:s16+$0xFFFFFE40]  }
0x147: {  	v11 =	vld [tilespmem:s16+$0xFFFFFE50];
	v8 =	vmul.f32 v8, v3  }
0x148: {  	v9 =	vmul.f32 v9, v7;
	v12 =	vld [tilespmem:s16+$0xFFFFFE60]  }
0x149: {  	v4 =	vmul.f32 v4, v7;
	v13 =	vld [tilespmem:s16+$0xFFFFFE70];
	[tilespmem:s16+$0xFFFFFF80] =	vst v8  }
0x14a: {  	[tilespmem:s16+$0xFFFFFE10] =	vst v9;
	v6 =	vmul.f32 v6, v7;
	v8 =	vld [tilespmem:s16+$0xFFFFFE80]  }
0x14b: {  	[tilespmem:s16+$0xFFFFFE20] =	vst v4;
	v4 =	vmul.f32 v10, v7;
	v9 =	vld [tilespmem:s16+$0xFFFFFE90]  }
0x14c: {  	[tilespmem:s16+$0xFFFFFE30] =	vst v6;
	v6 =	vmul.f32 v11, v7;
	v10 =	vld [tilespmem:s16+$0xFFFFFEA0]  }
0x14d: {  	[tilespmem:s16+$0xFFFFFE40] =	vst v4;
	v4 =	vmul.f32 v12, v7;
	v11 =	vld [tilespmem:s16+$0xFFFFFEB0]  }
0x14e: {  	[tilespmem:s16+$0xFFFFFE50] =	vst v6;
	v6 =	vmul.f32 v13, v7;
	v12 =	vld [tilespmem:s16+$0xFFFFFEC0]  }
0x14f: {  	[tilespmem:s16+$0xFFFFFE60] =	vst v4;
	v4 =	vmul.f32 v8, v7;
	v7 =	vld [tilespmem:s16+$0xFFFFFED0]  }
0x150: {  	[tilespmem:s16+$0xFFFFFE70] =	vst v6;
	v6 =	vmul.f32 v9, v5;
	v8 =	vld [tilespmem:s16+$0xFFFFFEE0]  }
0x151: {  	[tilespmem:s16+$0xFFFFFE80] =	vst v4;
	v4 =	vmul.f32 v10, v5;
	v9 =	vld [tilespmem:s16+$0xFFFFFEF0]  }
0x152: {  	[tilespmem:s16+$0xFFFFFE90] =	vst v6;
	v6 =	vmul.f32 v11, v5;
	v10 =	vld [tilespmem:s16+$0xFFFFFF00]  }
0x153: {  	[tilespmem:s16+$0xFFFFFEA0] =	vst v4;
	v4 =	vmul.f32 v12, v5;
	v11 =	vld [tilespmem:s16+$0xFFFFFF10]  }
0x154: {  	[tilespmem:s16+$0xFFFFFEB0] =	vst v6;
	v6 =	vmul.f32 v7, v5;
	v7 =	vld [tilespmem:s16+$0xFFFFFF20]  }
0x155: {  	[tilespmem:s16+$0xFFFFFEC0] =	vst v4;
	v4 =	vmul.f32 v8, v5;
	v8 =	vld [tilespmem:s16+$0xFFFFFF30]  }
0x156: {  	[tilespmem:s16+$0xFFFFFED0] =	vst v6;
	v6 =	vmul.f32 v9, v5;
	v12 =	vld [tilespmem:s16+$0xFFFFFF40]  }
0x157: {  	[tilespmem:s16+$0xFFFFFEE0] =	vst v4;
	v4 =	vmul.f32 v10, v5;
	v10 =	vld [tilespmem:s16+$0xFFFFFF50]  }
.Ltmp6:
0x158: {  	[tilespmem:s16+$0xFFFFFEF0] =	vst v6;
	v6 =	vmul.f32 v11, v3;
	v5 =	vld [tilespmem:s16+$0xFFFFFF60];
	(pc) =	sbr.rel @p1 .LBB2_11-.Ltmp6, $4  }
0x159: {  	[tilespmem:s16+$0xFFFFFF00] =	vst v4;
	v7 =	vmul.f32 v7, v3;
	v4 =	vld [tilespmem:s16+$0xFFFFFF70]  }
0x15a: {  	s15 =	sadd.s32 $0x3, s18;
	v11 =	vmov s18;
	[tilespmem:s16+$0xFFFFFF10] =	vst v6;
	v14 =	vmul.f32 v8, v3;
	v9 =	vld [tilespmem:s16+$0xFFFFFF90]  }
0x15b: {  	s29 =	sadd.s32 $0x1, s18;
	v13 =	vand.u32 $0xFFFFFFFC, v11;
	v6 =	vmov s15;
	[tilespmem:s16+$0xFFFFFF20] =	vst v7;
	v11 =	vmul.f32 v12, v3;
	v8 =	vld [tilespmem:s16+$0xFFFFFFA0]  }
0x15c: {  	s15 =	sadd.s32 $0x2, s18;
	s18 =	sadd.s32 $0x4, s18;
	v7 =	vbroadcast v13, $0x0;
	v13 =	vmov s29;
	[tilespmem:s16+$0xFFFFFF30] =	vst v14;
	v12 =	vmul.f32 v10, v3;
	v10 =	vld [tilespmem:s16+$0xFFFFFFB0]  }
0x15d: {  	v14 =	vld [tilespmem:s16+$0xFFFFFFC0]  }
0x15e: {  	v16 =	vld [tilespmem:s16+$0xFFFFFFD0]  }
0x15f: {  	v15 =	vmov s15;
	v17 =	vld [tilespmem:s16+$0xFFFFFFE0]  }
0x160: {  	v18 =	vld [tilespmem:s16+$0xFFFFFFF0];
	[tilespmem:s16+$0xFFFFFF40] =	vst v11;
	v5 =	vmul.f32 v5, v3;
	v15 =	vand.u32 $0xFFFFFFFE, v15  }
0x161: {  	v13 =	vand.u32 $0xFFFFFFFD, v13;
	v6 =	vld.idx.msk [tilespmem:v6+s14+$0x0], $0xffff;
	[tilespmem:s16+$0xFFFFFF50] =	vst v12;
	v3 =	vmul.f32 v4, v3;
	v15 =	vbroadcast v15, $0x0  }
0x162: {  	s18 =	sadd.s32 $0x200, s16;
	v13 =	vbroadcast v13, $0x0;
	v4 =	vld.idx.msk [tilespmem:v7+s14+$0x0], $0xffff;
	v9 =	vmul.f32 v9, v2;
	[tilespmem:s16+$0xFFFFFF60] =	vst v5  }
0x163: {  	v11 =	vld [tilespmem:s18+$0xFFFFFE10];
	v5 =	vmul.f32 v8, v2;
	[tilespmem:s16+$0xFFFFFF70] =	vst v3  }
0x164: {  	[tilespmem:s16+$0xFFFFFF90] =	vst v9;
	v9 =	vld [tilespmem:s16+$0x0];
	v3 =	vmul.f32 v10, v2  }
0x165: {  	v12 =	vld [tilespmem:s18+$0xFFFFFE20];
	[tilespmem:s16+$0xFFFFFFA0] =	vst v5;
	v5 =	vmul.f32 v14, v2  }
0x166: {  	v10 =	vld [tilespmem:s18+$0xFFFFFF80];
	[tilespmem:s16+$0xFFFFFFB0] =	vst v3;
	v3 =	vmul.f32 v16, v2  }
0x167: {  	[tilespmem:s16+$0xFFFFFFC0] =	vst v5;
	v5 =	vmul.f32 v17, v2;
	v8 =	vld.idx.msk [tilespmem:v15+s14+$0x0], $0xffff  }
0x168: {  	v7 =	vld.idx.msk [tilespmem:v13+s14+$0x0], $0xffff;
	[tilespmem:s6+$0xFFFFFFD0] =	vst v3;
	v3 =	vmul.f32 v18, v2  }
0x169: {  	v13 =	vld [tilespmem:s18+$0xFFFFFE30];
	[tilespmem:s6+$0xFFFFFFE0] =	vst v5;
	v2 =	vmul.f32 v9, v2  }
0x16a: {  	v5 =	vld [tilespmem:s18+$0xFFFFFE40];
	[tilespmem:s6+$0xFFFFFFF0] =	vst v3  }
0x16b: {  	v3 =	vld [tilespmem:s18+$0xFFFFFE50];
	[tilespmem:s6+$0x0] =	vst v2;
	v2 =	vmul.f32 v11, v4  }
0x16c: {  	v9 =	vmul.f32 v10, v8;
	v10 =	vld [tilespmem:s18+$0xFFFFFE60]  }
0x16d: {  	v11 =	vmul.f32 v12, v4;
	v12 =	vld [tilespmem:s18+$0xFFFFFE70];
	[tilespmem:s18+$0xFFFFFE10] =	vst v2  }
0x16e: {  	v2 =	vmul.f32 v13, v4;
	[tilespmem:s18+$0xFFFFFF80] =	vst v9;
	v9 =	vld [tilespmem:s18+$0xFFFFFE80]  }
0x16f: {  	[tilespmem:s18+$0xFFFFFE20] =	vst v11;
	v11 =	vld [tilespmem:s18+$0xFFFFFE90];
	v5 =	vmul.f32 v5, v4  }
0x170: {  	[tilespmem:s18+$0xFFFFFE30] =	vst v2;
	v2 =	vmul.f32 v3, v4;
	v3 =	vld [tilespmem:s18+$0xFFFFFEA0]  }
0x171: {  	[tilespmem:s18+$0xFFFFFE40] =	vst v5;
	v5 =	vmul.f32 v10, v4;
	v10 =	vld [tilespmem:s18+$0xFFFFFEB0]  }
0x172: {  	[tilespmem:s18+$0xFFFFFE50] =	vst v2;
	v2 =	vmul.f32 v12, v4;
	v12 =	vld [tilespmem:s18+$0xFFFFFEC0]  }
0x173: {  	[tilespmem:s18+$0xFFFFFE60] =	vst v5;
	v4 =	vmul.f32 v9, v4;
	v5 =	vld [tilespmem:s18+$0xFFFFFED0]  }
0x174: {  	[tilespmem:s18+$0xFFFFFE70] =	vst v2;
	v2 =	vmul.f32 v11, v7;
	v9 =	vld [tilespmem:s18+$0xFFFFFEE0]  }
0x175: {  	v3 =	vmul.f32 v3, v7;
	[tilespmem:s18+$0xFFFFFE80] =	vst v4;
	v4 =	vld [tilespmem:s18+$0xFFFFFEF0]  }
0x176: {  	[tilespmem:s18+$0xFFFFFE90] =	vst v2;
	v2 =	vmul.f32 v10, v7;
	v10 =	vld [tilespmem:s18+$0xFFFFFF00]  }
0x177: {  	v11 =	vld [tilespmem:s18+$0xFFFFFF10];
	[tilespmem:s18+$0xFFFFFEA0] =	vst v3;
	v3 =	vmul.f32 v12, v7  }
0x178: {  	[tilespmem:s18+$0xFFFFFEB0] =	vst v2;
	v2 =	vmul.f32 v5, v7;
	v5 =	vld [tilespmem:s18+$0xFFFFFF20]  }
0x179: {  	[tilespmem:s18+$0xFFFFFEC0] =	vst v3;
	v3 =	vmul.f32 v9, v7;
	v9 =	vld [tilespmem:s18+$0xFFFFFF30]  }
0x17a: {  	[tilespmem:s18+$0xFFFFFED0] =	vst v2;
	v2 =	vmul.f32 v4, v7;
	v4 =	vld [tilespmem:s18+$0xFFFFFF40]  }
0x17b: {  	[tilespmem:s18+$0xFFFFFEE0] =	vst v3;
	v3 =	vmul.f32 v10, v7;
	v7 =	vld [tilespmem:s18+$0xFFFFFF50]  }
0x17c: {  	v10 =	vld [tilespmem:s18+$0xFFFFFF60];
	[tilespmem:s18+$0xFFFFFEF0] =	vst v2;
	v2 =	vmul.f32 v11, v8  }
0x17d: {  	[tilespmem:s18+$0xFFFFFF00] =	vst v3;
	v3 =	vmul.f32 v5, v8;
	v5 =	vld [tilespmem:s18+$0xFFFFFF70]  }
0x17e: {  	[tilespmem:s18+$0xFFFFFF10] =	vst v2;
	v2 =	vmul.f32 v9, v8;
	v9 =	vld [tilespmem:s18+$0xFFFFFF90]  }
0x17f: {  	[tilespmem:s18+$0xFFFFFF20] =	vst v3;
	v3 =	vmul.f32 v4, v8;
	v4 =	vld [tilespmem:s18+$0xFFFFFFA0]  }
0x180: {  	[tilespmem:s18+$0xFFFFFF30] =	vst v2;
	v2 =	vmul.f32 v7, v8;
	v7 =	vld [tilespmem:s18+$0xFFFFFFB0]  }
0x181: {  	[tilespmem:s18+$0xFFFFFF40] =	vst v3;
	v3 =	vmul.f32 v10, v8;
	v10 =	vld [tilespmem:s18+$0xFFFFFFC0]  }
0x182: {  	[tilespmem:s18+$0xFFFFFF50] =	vst v2;
	v2 =	vmul.f32 v5, v8;
	v5 =	vld [tilespmem:s18+$0xFFFFFFD0]  }
0x183: {  	v8 =	vld [tilespmem:s18+$0xFFFFFFE0];
	[tilespmem:s18+$0xFFFFFF60] =	vst v3;
	v3 =	vmul.f32 v9, v6  }
0x184: {  	[tilespmem:s18+$0xFFFFFF70] =	vst v2;
	v2 =	vmul.f32 v4, v6;
	v4 =	vld [tilespmem:s18+$0xFFFFFFF0]  }
0x185: {  	[tilespmem:s18+$0xFFFFFF90] =	vst v3;
	v3 =	vmul.f32 v7, v6;
	v7 =	vld [tilespmem:s18+$0x0]  }
0x186: {  	[tilespmem:s18+$0xFFFFFFA0] =	vst v2;
	v2 =	vmul.f32 v10, v6  }
0x187: {  	[tilespmem:s18+$0xFFFFFFB0] =	vst v3;
	v3 =	vmul.f32 v5, v6  }
0x188: {  	[tilespmem:s18+$0xFFFFFFC0] =	vst v2;
	v2 =	vmul.f32 v8, v6  }
0x189: {  	[tilespmem:s18+$0xFFFFFFD0] =	vst v3;
	v3 =	vmul.f32 v4, v6  }
0x18a: {  	[tilespmem:s18+$0xFFFFFFE0] =	vst v2;
	v2 =	vmul.f32 v7, v6  }
0x18b: {  	[tilespmem:s18+$0xFFFFFFF0] =	vst v3  }
0x18c: {  	s10 =	simm.s32 $0x2000;
	[tilespmem:s18+$0x0] =	vst v2;
	s18 =	simm.s32 $0x480  }
0x18d: {  	[spmem:s4] =	stream.indirect.scatter.add.f32 [tilespmem:s10], [sflag:$0x7], $0x80, s18, s1, $0xb8;
	[tilespmem:$0x1ABF8] =	vst v63  }
0x18e: {  	s25 =	simm.s32 $0x6  }
0x18f: {  	[spmem:s5] =	stream.indirect.scatter.add.f32 [tilespmem:s23], [sflag:$0xC], $0x1, s18, s1, $0xb8;
	[tilespmem:$0x1ABF8] =	vst v63  }
0x190: {  	_ =	swait.ge [sflag:s25], $0x1400  }
0x191: {  	p1 =	seq.s32 s11, $0x31;
	[sflag:s25] =	ssyncset.done $0x0  }
0x192: {  	s29 =	simm.s32 $0xB;
	s6 =	sadd.s32 @!p1 s13, s30;
	[sflag:s25] =	ssyncadd.s32 $0xFFFFEC00  }
0x193: {  	s6 =	sshrl.u32 @!p1 s6, $0x3;
	_ =	swait.ge [sflag:s29], $0x28  }
0x194: {  	s15 =	sadd.s32 @!p1 s2, s6;
	[sflag:s29] =	ssyncset.done $0x0  }
0x195: {  	s16 =	sadd.s32 @!p1 $0x9C40, s15;
	s18 =	simm.s32 @!p1 $0x0;
	[sflag:s29] =	ssyncadd.s32 $0xFFFFFFD8  }
0x196: {  	[tilespmem:s18], [sflag:$0x10] =	stream.linear.gather @!p1 [hbm4b:s16+s18], $0x28, $0x38;
	[tilespmem:$0x1ABF8] =	vst v63  }
0x197: {  	s16 =	simm.s32 @!p1 $0x400  }
0x198: {  	[tilespmem:s16], [sflag:$0x15] =	stream.linear.gather @!p1 [hbm4b:s15+s18], $0x28, $0x38;
	[tilespmem:$0x1ABF8] =	vst v63  }
0x199: {  	s6 =	sadd.s32 @!p1 s3, s6;
	s15 =	simm.s32 @!p1 $0x800  }
0x19a: {  	[tilespmem:s15], [sflag:$0x1A] =	stream.linear.gather @!p1 [hbm4b:s6+s18], $0x28, $0x38;
	[tilespmem:$0x1ABF8] =	vst v63  }
0x19b: {  	s15 =	simm.s32 $0x14  }
0x19c: {  	_ =	swait.ge [sflag:s15], $0x28  }
0x19d: {  	[sflag:s15] =	ssyncset.done $0x0  }
0x19e: {  	s16 =	simm.s32 $0x19;
	[sflag:s15] =	ssyncadd.s32 $0xFFFFFFD8  }
0x19f: {  	_ =	swait.ge [sflag:s16], $0x28  }
0x1a0: {  	s17 =	simm.s32 $0x0;
	[sflag:s16] =	ssyncset.done $0x0  }
0x1a1: {  	v2 =	vmov s17;
	s25 =	simm.s32 $0x1E;
	s18 =	simm.s32 $0x2;
	[sflag:s16] =	ssyncadd.s32 $0xFFFFFFD8  }
0x1a2: {  	v2 =	vand.u32 $0xFFFFFFFC, v2;
	v3 =	vmov s18;
	_ =	swait.ge [sflag:s25], $0x28  }
0x1a3: {  	v2 =	vbroadcast v2, $0x0;
	v3 =	vand.u32 $0xFFFFFFFE, v3;
	[sflag:s25] =	ssyncset.done $0x0  }
0x1a4: {  	s10 =	simm.s32 $0x3;
	s29 =	simm.s32 $0x200;
	v3 =	vbroadcast v3, $0x0;
	[sflag:s25] =	ssyncadd.s32 $0xFFFFFFD8  }
0x1a5: {  	[tilespmem:s31], [sflag:$0x5] =	stream.indirect.gather [hbm4b:s0+s1], $0x80, s29, s1, $0xb8;
	[tilespmem:$0x1ABF8] =	vst v63  }
0x1a6: {  	_ =	swait.ge [sflag:s10], $0x1400  }
0x1a7: {  	[sflag:s10] =	ssyncset.done $0x0  }
0x1a8: {  	[sflag:s10] =	ssyncadd.s32 $0xFFFFEC00  }
0x1a9: {  	v2 =	vld.idx.msk [tilespmem:v2+s28+$0x0], $0xffff  }
0x1aa: {  	s15 =	simm.s32 $0x1;
	s16 =	simm.s32 $0x35F0;
	v3 =	vld.idx.msk [tilespmem:v3+s28+$0x0], $0xffff  }
0x1ab: {  	v4 =	vmov s15;
	v5 =	vld [tilespmem:s16+$0xFFFFFF80]  }
0x1ac: {  	v4 =	vand.u32 $0xFFFFFFFD, v4;
	v6 =	vld [tilespmem:s16+$0xFFFFFE10]  }
0x1ad: {  	v4 =	vbroadcast v4, $0x0;
	v7 =	vld [tilespmem:s16+$0xFFFFFE20]  }
0x1ae: {  	v8 =	vld [tilespmem:s16+$0xFFFFFE30]  }
0x1af: {  	v9 =	vld [tilespmem:s16+$0xFFFFFE40]  }
0x1b0: {  	v10 =	vld [tilespmem:s16+$0xFFFFFE50]  }
0x1b1: {  	v11 =	vld [tilespmem:s16+$0xFFFFFE60]  }
0x1b2: {  	v12 =	vld [tilespmem:s16+$0xFFFFFE70];
	v6 =	vmul.f32 v6, v2  }
0x1b3: {  	v4 =	vld.idx.msk [tilespmem:v4+s28+$0x0], $0xffff;
	v5 =	vmul.f32 v5, v3  }
0x1b4: {  	v14 =	vld [tilespmem:s16+$0xFFFFFF50];
	[tilespmem:s16+$0xFFFFFE10] =	vst v6;
	v6 =	vmul.f32 v7, v2  }
0x1b5: {  	v7 =	vld [tilespmem:s16+$0xFFFFFE80];
	[tilespmem:s16+$0xFFFFFF80] =	vst v5;
	v5 =	vmul.f32 v8, v2  }
0x1b6: {  	v8 =	vld [tilespmem:s16+$0xFFFFFE90];
	[tilespmem:s16+$0xFFFFFE20] =	vst v6;
	v6 =	vmul.f32 v9, v2  }
0x1b7: {  	v9 =	vld [tilespmem:s16+$0xFFFFFEA0];
	[tilespmem:s16+$0xFFFFFE30] =	vst v5;
	v5 =	vmul.f32 v10, v2  }
0x1b8: {  	v10 =	vld [tilespmem:s16+$0xFFFFFEB0];
	[tilespmem:s16+$0xFFFFFE40] =	vst v6;
	v6 =	vmul.f32 v11, v2  }
0x1b9: {  	v11 =	vld [tilespmem:s16+$0xFFFFFEC0];
	[tilespmem:s16+$0xFFFFFE50] =	vst v5;
	v5 =	vmul.f32 v12, v2  }
0x1ba: {  	v12 =	vld [tilespmem:s16+$0xFFFFFED0];
	v7 =	vmul.f32 v7, v2;
	[tilespmem:s16+$0xFFFFFE60] =	vst v6  }
0x1bb: {  	v6 =	vmul.f32 v8, v4;
	v8 =	vld [tilespmem:s16+$0xFFFFFEE0];
	[tilespmem:s16+$0xFFFFFE70] =	vst v5  }
0x1bc: {  	s17 =	simm.s32 $0x3;
	v5 =	vld [tilespmem:s16+$0xFFFFFEF0];
	v9 =	vmul.f32 v9, v4;
	[tilespmem:s16+$0xFFFFFE80] =	vst v7  }
0x1bd: {  	v13 =	vmov s17;
	v7 =	vld [tilespmem:s16+$0xFFFFFF00];
	[tilespmem:s16+$0xFFFFFE90] =	vst v6;
	v6 =	vmul.f32 v10, v4  }
0x1be: {  	v10 =	vld [tilespmem:s16+$0xFFFFFF10];
	[tilespmem:s16+$0xFFFFFEA0] =	vst v9;
	v9 =	vmul.f32 v11, v4  }
0x1bf: {  	v11 =	vld [tilespmem:s16+$0xFFFFFF20];
	[tilespmem:s16+$0xFFFFFEB0] =	vst v6;
	v6 =	vmul.f32 v12, v4  }
0x1c0: {  	[tilespmem:s16+$0xFFFFFEC0] =	vst v9;
	v8 =	vmul.f32 v8, v4;
	v9 =	vld [tilespmem:s16+$0xFFFFFF30]  }
0x1c1: {  	v12 =	vld [tilespmem:s16+$0xFFFFFF40];
	v5 =	vmul.f32 v5, v4;
	[tilespmem:s16+$0xFFFFFED0] =	vst v6  }
0x1c2: {  	v2 =	vld.idx.msk [tilespmem:v13+s28+$0x0], $0xffff;
	v4 =	vmul.f32 v7, v4;
	[tilespmem:s16+$0xFFFFFEE0] =	vst v8  }
0x1c3: {  	[tilespmem:s16+$0xFFFFFEF0] =	vst v5;
	v6 =	vmul.f32 v10, v3;
	v5 =	vld [tilespmem:s16+$0xFFFFFF60]  }
0x1c4: {  	s18 =	simm.s32 $0x4;
	[tilespmem:s16+$0xFFFFFF00] =	vst v4;
	v7 =	vmul.f32 v11, v3;
	v4 =	vld [tilespmem:s16+$0xFFFFFF70]  }
0x1c5: {  	s25 =	simm.s32 $0x7;
	v8 =	vmov s18;
	[tilespmem:s16+$0xFFFFFF10] =	vst v6;
	v10 =	vmul.f32 v9, v3;
	v9 =	vld [tilespmem:s16+$0xFFFFFF90]  }
0x1c6: {  	s29 =	simm.s32 $0x5;
	v13 =	vand.u32 $0xFFFFFFFC, v8;
	v8 =	vld [tilespmem:s16+$0xFFFFFFA0];
	v6 =	vmov s25;
	v11 =	vmul.f32 v12, v3;
	[tilespmem:s16+$0xFFFFFF20] =	vst v7  }
0x1c7: {  	s6 =	simm.s32 $0x35F0;
	s15 =	simm.s32 $0x6;
	s18 =	simm.s32 $0x8;
	v12 =	vmul.f32 v14, v3;
	v7 =	vbroadcast v13, $0x0;
	v13 =	vmov s29;
	[tilespmem:s16+$0xFFFFFF30] =	vst v10;
	v10 =	vld [tilespmem:s16+$0xFFFFFFB0]  }
.LBB2_13:
0x1c8: {  	p2 =	slt.u32 s18, $0x24;
	v13 =	vand.u32 $0xFFFFFFFD, v13;
	v14 =	vmov s15;
	[tilespmem:s16+$0xFFFFFF40] =	vst v11;
	v5 =	vmul.f32 v5, v3;
	v11 =	vld [tilespmem:s16+$0xFFFFFFC0]  }
0x1c9: {  	v13 =	vbroadcast v13, $0x0;
	v14 =	vand.u32 $0xFFFFFFFE, v14;
	[tilespmem:s16+$0xFFFFFF50] =	vst v12;
	v3 =	vmul.f32 v4, v3;
	v4 =	vld [tilespmem:s16+$0xFFFFFFD0]  }
0x1ca: {  	v12 =	vbroadcast v14, $0x0;
	[tilespmem:s16+$0xFFFFFF60] =	vst v5;
	v5 =	vmul.f32 v9, v2;
	v9 =	vld [tilespmem:s16+$0xFFFFFFE0]  }
0x1cb: {  	[tilespmem:s16+$0xFFFFFF70] =	vst v3;
	v3 =	vmul.f32 v8, v2;
	v8 =	vld [tilespmem:s16+$0xFFFFFFF0]  }
0x1cc: {  	[tilespmem:s16+$0xFFFFFF90] =	vst v5;
	v5 =	vmul.f32 v10, v2;
	v10 =	vld [tilespmem:s16+$0x0]  }
0x1cd: {  	v6 =	vld.idx.msk [tilespmem:v6+s28+$0x0], $0xffff;
	[tilespmem:s16+$0xFFFFFFA0] =	vst v3;
	v3 =	vmul.f32 v11, v2  }
0x1ce: {  	v7 =	vld.idx.msk [tilespmem:v7+s28+$0x0], $0xffff;
	[tilespmem:s16+$0xFFFFFFB0] =	vst v5;
	v4 =	vmul.f32 v4, v2  }
0x1cf: {  	v5 =	vld.idx.msk [tilespmem:v13+s28+$0x0], $0xffff;
	[tilespmem:s16+$0xFFFFFFC0] =	vst v3;
	v9 =	vmul.f32 v9, v2  }
0x1d0: {  	s16 =	sadd.s32 $0x200, s16;
	v3 =	vld.idx.msk [tilespmem:v12+s28+$0x0], $0xffff;
	[tilespmem:s6+$0xFFFFFFD0] =	vst v4;
	v4 =	vmul.f32 v8, v2  }
0x1d1: {  	v8 =	vld [tilespmem:s16+$0xFFFFFF80];
	[tilespmem:s6+$0xFFFFFFE0] =	vst v9;
	v10 =	vmul.f32 v10, v2  }
0x1d2: {  	v9 =	vld [tilespmem:s16+$0xFFFFFE10];
	[tilespmem:s6+$0xFFFFFFF0] =	vst v4  }
0x1d3: {  	v2 =	vmov v6;
	v4 =	vld [tilespmem:s16+$0xFFFFFE20];
	[tilespmem:s6+$0x0] =	vst v10;
	s6 =	smov.u32 s16  }
0x1d4: {  	v6 =	vld [tilespmem:s16+$0xFFFFFE30]  }
0x1d5: {  	v10 =	vld [tilespmem:s16+$0xFFFFFE40]  }
0x1d6: {  	v11 =	vld [tilespmem:s16+$0xFFFFFE50];
	v8 =	vmul.f32 v8, v3  }
0x1d7: {  	v9 =	vmul.f32 v9, v7;
	v12 =	vld [tilespmem:s16+$0xFFFFFE60]  }
0x1d8: {  	v4 =	vmul.f32 v4, v7;
	v13 =	vld [tilespmem:s16+$0xFFFFFE70];
	[tilespmem:s16+$0xFFFFFF80] =	vst v8  }
0x1d9: {  	[tilespmem:s16+$0xFFFFFE10] =	vst v9;
	v6 =	vmul.f32 v6, v7;
	v8 =	vld [tilespmem:s16+$0xFFFFFE80]  }
0x1da: {  	[tilespmem:s16+$0xFFFFFE20] =	vst v4;
	v4 =	vmul.f32 v10, v7;
	v9 =	vld [tilespmem:s16+$0xFFFFFE90]  }
0x1db: {  	[tilespmem:s16+$0xFFFFFE30] =	vst v6;
	v6 =	vmul.f32 v11, v7;
	v10 =	vld [tilespmem:s16+$0xFFFFFEA0]  }
0x1dc: {  	[tilespmem:s16+$0xFFFFFE40] =	vst v4;
	v4 =	vmul.f32 v12, v7;
	v11 =	vld [tilespmem:s16+$0xFFFFFEB0]  }
0x1dd: {  	[tilespmem:s16+$0xFFFFFE50] =	vst v6;
	v6 =	vmul.f32 v13, v7;
	v12 =	vld [tilespmem:s16+$0xFFFFFEC0]  }
0x1de: {  	[tilespmem:s16+$0xFFFFFE60] =	vst v4;
	v4 =	vmul.f32 v8, v7;
	v7 =	vld [tilespmem:s16+$0xFFFFFED0]  }
0x1df: {  	[tilespmem:s16+$0xFFFFFE70] =	vst v6;
	v6 =	vmul.f32 v9, v5;
	v8 =	vld [tilespmem:s16+$0xFFFFFEE0]  }
0x1e0: {  	[tilespmem:s16+$0xFFFFFE80] =	vst v4;
	v4 =	vmul.f32 v10, v5;
	v9 =	vld [tilespmem:s16+$0xFFFFFEF0]  }
0x1e1: {  	[tilespmem:s16+$0xFFFFFE90] =	vst v6;
	v6 =	vmul.f32 v11, v5;
	v10 =	vld [tilespmem:s16+$0xFFFFFF00]  }
0x1e2: {  	[tilespmem:s16+$0xFFFFFEA0] =	vst v4;
	v4 =	vmul.f32 v12, v5;
	v11 =	vld [tilespmem:s16+$0xFFFFFF10]  }
0x1e3: {  	[tilespmem:s16+$0xFFFFFEB0] =	vst v6;
	v6 =	vmul.f32 v7, v5;
	v7 =	vld [tilespmem:s16+$0xFFFFFF20]  }
0x1e4: {  	[tilespmem:s16+$0xFFFFFEC0] =	vst v4;
	v4 =	vmul.f32 v8, v5;
	v8 =	vld [tilespmem:s16+$0xFFFFFF30]  }
0x1e5: {  	[tilespmem:s16+$0xFFFFFED0] =	vst v6;
	v6 =	vmul.f32 v9, v5;
	v12 =	vld [tilespmem:s16+$0xFFFFFF40]  }
0x1e6: {  	[tilespmem:s16+$0xFFFFFEE0] =	vst v4;
	v4 =	vmul.f32 v10, v5;
	v10 =	vld [tilespmem:s16+$0xFFFFFF50]  }
.Ltmp7:
0x1e7: {  	[tilespmem:s16+$0xFFFFFEF0] =	vst v6;
	v6 =	vmul.f32 v11, v3;
	v5 =	vld [tilespmem:s16+$0xFFFFFF60];
	(pc) =	sbr.rel @p2 .LBB2_13-.Ltmp7, $4  }
0x1e8: {  	[tilespmem:s16+$0xFFFFFF00] =	vst v4;
	v7 =	vmul.f32 v7, v3;
	v4 =	vld [tilespmem:s16+$0xFFFFFF70]  }
0x1e9: {  	s15 =	sadd.s32 $0x3, s18;
	v11 =	vmov s18;
	[tilespmem:s16+$0xFFFFFF10] =	vst v6;
	v14 =	vmul.f32 v8, v3;
	v9 =	vld [tilespmem:s16+$0xFFFFFF90]  }
0x1ea: {  	s29 =	sadd.s32 $0x1, s18;
	v13 =	vand.u32 $0xFFFFFFFC, v11;
	v6 =	vmov s15;
	[tilespmem:s16+$0xFFFFFF20] =	vst v7;
	v11 =	vmul.f32 v12, v3;
	v8 =	vld [tilespmem:s16+$0xFFFFFFA0]  }
0x1eb: {  	s15 =	sadd.s32 $0x2, s18;
	s18 =	sadd.s32 $0x4, s18;
	v7 =	vbroadcast v13, $0x0;
	v13 =	vmov s29;
	[tilespmem:s16+$0xFFFFFF30] =	vst v14;
	v12 =	vmul.f32 v10, v3;
	v10 =	vld [tilespmem:s16+$0xFFFFFFB0]  }
0x1ec: {  	v14 =	vld [tilespmem:s16+$0xFFFFFFC0]  }
0x1ed: {  	v16 =	vld [tilespmem:s16+$0xFFFFFFD0]  }
0x1ee: {  	v15 =	vmov s15;
	v17 =	vld [tilespmem:s16+$0xFFFFFFE0]  }
0x1ef: {  	v18 =	vld [tilespmem:s16+$0xFFFFFFF0];
	[tilespmem:s16+$0xFFFFFF40] =	vst v11;
	v5 =	vmul.f32 v5, v3;
	v15 =	vand.u32 $0xFFFFFFFE, v15  }
0x1f0: {  	v13 =	vand.u32 $0xFFFFFFFD, v13;
	v6 =	vld.idx.msk [tilespmem:v6+s28+$0x0], $0xffff;
	[tilespmem:s16+$0xFFFFFF50] =	vst v12;
	v3 =	vmul.f32 v4, v3;
	v15 =	vbroadcast v15, $0x0  }
0x1f1: {  	s18 =	sadd.s32 $0x200, s16;
	v13 =	vbroadcast v13, $0x0;
	v4 =	vld.idx.msk [tilespmem:v7+s28+$0x0], $0xffff;
	v9 =	vmul.f32 v9, v2;
	[tilespmem:s16+$0xFFFFFF60] =	vst v5  }
0x1f2: {  	v11 =	vld [tilespmem:s18+$0xFFFFFE10];
	v5 =	vmul.f32 v8, v2;
	[tilespmem:s16+$0xFFFFFF70] =	vst v3  }
0x1f3: {  	[tilespmem:s16+$0xFFFFFF90] =	vst v9;
	v9 =	vld [tilespmem:s16+$0x0];
	v3 =	vmul.f32 v10, v2  }
0x1f4: {  	v12 =	vld [tilespmem:s18+$0xFFFFFE20];
	[tilespmem:s16+$0xFFFFFFA0] =	vst v5;
	v5 =	vmul.f32 v14, v2  }
0x1f5: {  	v10 =	vld [tilespmem:s18+$0xFFFFFF80];
	[tilespmem:s16+$0xFFFFFFB0] =	vst v3;
	v3 =	vmul.f32 v16, v2  }
0x1f6: {  	[tilespmem:s16+$0xFFFFFFC0] =	vst v5;
	v5 =	vmul.f32 v17, v2;
	v8 =	vld.idx.msk [tilespmem:v15+s28+$0x0], $0xffff  }
0x1f7: {  	v7 =	vld.idx.msk [tilespmem:v13+s28+$0x0], $0xffff;
	[tilespmem:s6+$0xFFFFFFD0] =	vst v3;
	v3 =	vmul.f32 v18, v2  }
0x1f8: {  	v13 =	vld [tilespmem:s18+$0xFFFFFE30];
	[tilespmem:s6+$0xFFFFFFE0] =	vst v5;
	v2 =	vmul.f32 v9, v2  }
0x1f9: {  	v5 =	vld [tilespmem:s18+$0xFFFFFE40];
	[tilespmem:s6+$0xFFFFFFF0] =	vst v3  }
0x1fa: {  	v3 =	vld [tilespmem:s18+$0xFFFFFE50];
	[tilespmem:s6+$0x0] =	vst v2;
	v2 =	vmul.f32 v11, v4  }
0x1fb: {  	v9 =	vmul.f32 v10, v8;
	v10 =	vld [tilespmem:s18+$0xFFFFFE60]  }
0x1fc: {  	v11 =	vmul.f32 v12, v4;
	v12 =	vld [tilespmem:s18+$0xFFFFFE70];
	[tilespmem:s18+$0xFFFFFE10] =	vst v2  }
0x1fd: {  	v2 =	vmul.f32 v13, v4;
	[tilespmem:s18+$0xFFFFFF80] =	vst v9;
	v9 =	vld [tilespmem:s18+$0xFFFFFE80]  }
0x1fe: {  	[tilespmem:s18+$0xFFFFFE20] =	vst v11;
	v11 =	vld [tilespmem:s18+$0xFFFFFE90];
	v5 =	vmul.f32 v5, v4  }
0x1ff: {  	[tilespmem:s18+$0xFFFFFE30] =	vst v2;
	v2 =	vmul.f32 v3, v4;
	v3 =	vld [tilespmem:s18+$0xFFFFFEA0]  }
0x200: {  	[tilespmem:s18+$0xFFFFFE40] =	vst v5;
	v5 =	vmul.f32 v10, v4;
	v10 =	vld [tilespmem:s18+$0xFFFFFEB0]  }
0x201: {  	[tilespmem:s18+$0xFFFFFE50] =	vst v2;
	v2 =	vmul.f32 v12, v4;
	v12 =	vld [tilespmem:s18+$0xFFFFFEC0]  }
0x202: {  	[tilespmem:s18+$0xFFFFFE60] =	vst v5;
	v4 =	vmul.f32 v9, v4;
	v5 =	vld [tilespmem:s18+$0xFFFFFED0]  }
0x203: {  	[tilespmem:s18+$0xFFFFFE70] =	vst v2;
	v2 =	vmul.f32 v11, v7;
	v9 =	vld [tilespmem:s18+$0xFFFFFEE0]  }
0x204: {  	v3 =	vmul.f32 v3, v7;
	[tilespmem:s18+$0xFFFFFE80] =	vst v4;
	v4 =	vld [tilespmem:s18+$0xFFFFFEF0]  }
0x205: {  	[tilespmem:s18+$0xFFFFFE90] =	vst v2;
	v2 =	vmul.f32 v10, v7;
	v10 =	vld [tilespmem:s18+$0xFFFFFF00]  }
0x206: {  	v11 =	vld [tilespmem:s18+$0xFFFFFF10];
	[tilespmem:s18+$0xFFFFFEA0] =	vst v3;
	v3 =	vmul.f32 v12, v7  }
0x207: {  	[tilespmem:s18+$0xFFFFFEB0] =	vst v2;
	v2 =	vmul.f32 v5, v7;
	v5 =	vld [tilespmem:s18+$0xFFFFFF20]  }
0x208: {  	[tilespmem:s18+$0xFFFFFEC0] =	vst v3;
	v3 =	vmul.f32 v9, v7;
	v9 =	vld [tilespmem:s18+$0xFFFFFF30]  }
0x209: {  	[tilespmem:s18+$0xFFFFFED0] =	vst v2;
	v2 =	vmul.f32 v4, v7;
	v4 =	vld [tilespmem:s18+$0xFFFFFF40]  }
0x20a: {  	[tilespmem:s18+$0xFFFFFEE0] =	vst v3;
	v3 =	vmul.f32 v10, v7;
	v7 =	vld [tilespmem:s18+$0xFFFFFF50]  }
0x20b: {  	v10 =	vld [tilespmem:s18+$0xFFFFFF60];
	[tilespmem:s18+$0xFFFFFEF0] =	vst v2;
	v2 =	vmul.f32 v11, v8  }
0x20c: {  	[tilespmem:s18+$0xFFFFFF00] =	vst v3;
	v3 =	vmul.f32 v5, v8;
	v5 =	vld [tilespmem:s18+$0xFFFFFF70]  }
0x20d: {  	[tilespmem:s18+$0xFFFFFF10] =	vst v2;
	v2 =	vmul.f32 v9, v8;
	v9 =	vld [tilespmem:s18+$0xFFFFFF90]  }
0x20e: {  	[tilespmem:s18+$0xFFFFFF20] =	vst v3;
	v3 =	vmul.f32 v4, v8;
	v4 =	vld [tilespmem:s18+$0xFFFFFFA0]  }
0x20f: {  	[tilespmem:s18+$0xFFFFFF30] =	vst v2;
	v2 =	vmul.f32 v7, v8;
	v7 =	vld [tilespmem:s18+$0xFFFFFFB0]  }
0x210: {  	[tilespmem:s18+$0xFFFFFF40] =	vst v3;
	v3 =	vmul.f32 v10, v8;
	v10 =	vld [tilespmem:s18+$0xFFFFFFC0]  }
0x211: {  	[tilespmem:s18+$0xFFFFFF50] =	vst v2;
	v2 =	vmul.f32 v5, v8;
	v5 =	vld [tilespmem:s18+$0xFFFFFFD0]  }
0x212: {  	v8 =	vld [tilespmem:s18+$0xFFFFFFE0];
	[tilespmem:s18+$0xFFFFFF60] =	vst v3;
	v3 =	vmul.f32 v9, v6  }
0x213: {  	[tilespmem:s18+$0xFFFFFF70] =	vst v2;
	v2 =	vmul.f32 v4, v6;
	v4 =	vld [tilespmem:s18+$0xFFFFFFF0]  }
0x214: {  	[tilespmem:s18+$0xFFFFFF90] =	vst v3;
	v3 =	vmul.f32 v7, v6;
	v7 =	vld [tilespmem:s18+$0x0]  }
0x215: {  	[tilespmem:s18+$0xFFFFFFA0] =	vst v2;
	v2 =	vmul.f32 v10, v6  }
0x216: {  	[tilespmem:s18+$0xFFFFFFB0] =	vst v3;
	v3 =	vmul.f32 v5, v6  }
0x217: {  	[tilespmem:s18+$0xFFFFFFC0] =	vst v2;
	v2 =	vmul.f32 v8, v6  }
0x218: {  	[tilespmem:s18+$0xFFFFFFD0] =	vst v3;
	v3 =	vmul.f32 v4, v6  }
0x219: {  	[tilespmem:s18+$0xFFFFFFE0] =	vst v2;
	v2 =	vmul.f32 v7, v6  }
0x21a: {  	[tilespmem:s18+$0xFFFFFFF0] =	vst v3  }
0x21b: {  	s29 =	simm.s32 $0x500;
	s10 =	simm.s32 $0x3400;
	[tilespmem:s18+$0x0] =	vst v2  }
0x21c: {  	[spmem:s4] =	stream.indirect.scatter.add.f32 [tilespmem:s10], [sflag:$0x8], $0x80, s29, s1, $0xb8;
	[tilespmem:$0x1ABF8] =	vst v63  }
0x21d: {  	s15 =	simm.s32 $0x7  }
0x21e: {  	[spmem:s5] =	stream.indirect.scatter.add.f32 [tilespmem:s23], [sflag:$0xD], $0x1, s29, s1, $0xb8;
	[tilespmem:$0x1ABF8] =	vst v63  }
0x21f: {  	_ =	swait.ge [sflag:s15], $0x1400  }
0x220: {  	[sflag:s15] =	ssyncset.done $0x0  }
0x221: {  	s16 =	simm.s32 $0xC;
	[sflag:s15] =	ssyncadd.s32 $0xFFFFEC00  }
0x222: {  	_ =	swait.ge [sflag:s16], $0x28  }
0x223: {  	s6 =	rddreg [dreg:$0x12]  }
0x224: {  	s6 =	sadd.s32 @!p1 s13, s6  }
0x225: {  	s6 =	sshrl.u32 @!p1 s6, $0x3  }
0x226: {  	s18 =	simm.s32 @!p1 $0x0;
	[sflag:s16] =	ssyncset.done $0x0;
	s15 =	sadd.s32 @!p1 s2, s6  }
0x227: {  	s29 =	simm.s32 @!p1 $0x80;
	[sflag:s16] =	ssyncadd.s32 $0xFFFFFFD8;
	s16 =	sadd.s32 @!p1 $0x9C40, s15  }
0x228: {  	[tilespmem:s29], [sflag:$0x11] =	stream.linear.gather @!p1 [hbm4b:s16+s18], $0x28, $0x38;
	[tilespmem:$0x1ABF8] =	vst v63  }
0x229: {  	s16 =	simm.s32 @!p1 $0x480  }
0x22a: {  	[tilespmem:s16], [sflag:$0x16] =	stream.linear.gather @!p1 [hbm4b:s15+s18], $0x28, $0x38;
	[tilespmem:$0x1ABF8] =	vst v63  }
0x22b: {  	s6 =	sadd.s32 @!p1 s3, s6;
	s15 =	simm.s32 @!p1 $0x880  }
0x22c: {  	[tilespmem:s15], [sflag:$0x1B] =	stream.linear.gather @!p1 [hbm4b:s6+s18], $0x28, $0x38;
	[tilespmem:$0x1ABF8] =	vst v63  }
0x22d: {  	s6 =	simm.s32 @!p1 $0x10  }
0x22e: {  	_ =	swait.ge @!p1 [sflag:s6], $0x28  }
0x22f: {  	[sflag:s6] =	ssyncset.done @!p1 $0x0  }
0x230: {  	[sflag:s6] =	ssyncadd.s32 @!p1 $0xFFFFFFD8;
	s6 =	simm.s32 @!p1 $0x15  }
0x231: {  	_ =	swait.ge @!p1 [sflag:s6], $0x28  }
0x232: {  	s17 =	simm.s32 $0x0;
	[sflag:s6] =	ssyncset.done @!p1 $0x0  }
0x233: {  	s25 =	simm.s32 $0x2;
	v2 =	vmov s17;
	[sflag:s6] =	ssyncadd.s32 @!p1 $0xFFFFFFD8;
	s6 =	simm.s32 @!p1 $0x1A  }
0x234: {  	v3 =	vmov s25;
	v2 =	vand.u32 $0xFFFFFFFC, v2;
	_ =	swait.ge @!p1 [sflag:s6], $0x28  }
0x235: {  	v3 =	vand.u32 $0xFFFFFFFE, v3;
	v2 =	vbroadcast v2, $0x0;
	s29 =	simm.s32 $0x4;
	[sflag:s6] =	ssyncset.done @!p1 $0x0  }
0x236: {  	v3 =	vbroadcast v3, $0x0;
	s15 =	simm.s32 @!p1 $0xC00;
	[sflag:s6] =	ssyncadd.s32 @!p1 $0xFFFFFFD8;
	s6 =	simm.s32 @!p1 $0x28  }
0x237: {  	[tilespmem:s15], [sflag:$0x1] =	stream.indirect.gather @!p1 [hbm4b:s0+s6], $0x80, s18, s6, $0xb8;
	[tilespmem:$0x1ABF8] =	vst v63  }
0x238: {  	_ =	swait.ge [sflag:s29], $0x1400  }
0x239: {  	[sflag:s29] =	ssyncset.done $0x0  }
0x23a: {  	[sflag:s29] =	ssyncadd.s32 $0xFFFFEC00  }
0x23b: {  	v2 =	vld.idx.msk [tilespmem:v2+s19+$0x0], $0xffff  }
0x23c: {  	s16 =	simm.s32 $0x49F0;
	v3 =	vld.idx.msk [tilespmem:v3+s19+$0x0], $0xffff  }
0x23d: {  	s15 =	simm.s32 $0x1;
	v5 =	vld [tilespmem:s16+$0xFFFFFF80]  }
0x23e: {  	v4 =	vmov s15;
	v6 =	vld [tilespmem:s16+$0xFFFFFE10]  }
0x23f: {  	v4 =	vand.u32 $0xFFFFFFFD, v4;
	v7 =	vld [tilespmem:s16+$0xFFFFFE20]  }
0x240: {  	v4 =	vbroadcast v4, $0x0;
	v8 =	vld [tilespmem:s16+$0xFFFFFE30]  }
0x241: {  	v9 =	vld [tilespmem:s16+$0xFFFFFE40]  }
0x242: {  	v10 =	vld [tilespmem:s16+$0xFFFFFE50]  }
0x243: {  	v11 =	vld [tilespmem:s16+$0xFFFFFE60]  }
0x244: {  	v12 =	vld [tilespmem:s16+$0xFFFFFE70];
	v6 =	vmul.f32 v6, v2  }
0x245: {  	v14 =	vld [tilespmem:s16+$0xFFFFFF50];
	v5 =	vmul.f32 v5, v3  }
0x246: {  	v4 =	vld.idx.msk [tilespmem:v4+s19+$0x0], $0xffff;
	[tilespmem:s16+$0xFFFFFE10] =	vst v6;
	v6 =	vmul.f32 v7, v2  }
0x247: {  	v7 =	vld [tilespmem:s16+$0xFFFFFE80];
	[tilespmem:s16+$0xFFFFFF80] =	vst v5;
	v5 =	vmul.f32 v8, v2  }
0x248: {  	v8 =	vld [tilespmem:s16+$0xFFFFFE90];
	[tilespmem:s16+$0xFFFFFE20] =	vst v6;
	v6 =	vmul.f32 v9, v2  }
0x249: {  	v9 =	vld [tilespmem:s16+$0xFFFFFEA0];
	[tilespmem:s16+$0xFFFFFE30] =	vst v5;
	v5 =	vmul.f32 v10, v2  }
0x24a: {  	v10 =	vld [tilespmem:s16+$0xFFFFFEB0];
	[tilespmem:s16+$0xFFFFFE40] =	vst v6;
	v6 =	vmul.f32 v11, v2  }
0x24b: {  	v11 =	vld [tilespmem:s16+$0xFFFFFEC0];
	[tilespmem:s16+$0xFFFFFE50] =	vst v5;
	v5 =	vmul.f32 v12, v2  }
0x24c: {  	v12 =	vld [tilespmem:s16+$0xFFFFFED0];
	v7 =	vmul.f32 v7, v2;
	[tilespmem:s16+$0xFFFFFE60] =	vst v6  }
0x24d: {  	v6 =	vmul.f32 v8, v4;
	v8 =	vld [tilespmem:s16+$0xFFFFFEE0];
	[tilespmem:s16+$0xFFFFFE70] =	vst v5  }
0x24e: {  	s17 =	simm.s32 $0x3;
	v5 =	vld [tilespmem:s16+$0xFFFFFEF0];
	v9 =	vmul.f32 v9, v4;
	[tilespmem:s16+$0xFFFFFE80] =	vst v7  }
0x24f: {  	v13 =	vmov s17;
	v7 =	vld [tilespmem:s16+$0xFFFFFF00];
	[tilespmem:s16+$0xFFFFFE90] =	vst v6;
	v6 =	vmul.f32 v10, v4  }
0x250: {  	v10 =	vld [tilespmem:s16+$0xFFFFFF10];
	[tilespmem:s16+$0xFFFFFEA0] =	vst v9;
	v9 =	vmul.f32 v11, v4  }
0x251: {  	v11 =	vld [tilespmem:s16+$0xFFFFFF20];
	[tilespmem:s16+$0xFFFFFEB0] =	vst v6;
	v6 =	vmul.f32 v12, v4  }
0x252: {  	[tilespmem:s16+$0xFFFFFEC0] =	vst v9;
	v8 =	vmul.f32 v8, v4;
	v9 =	vld [tilespmem:s16+$0xFFFFFF30]  }
0x253: {  	v12 =	vld [tilespmem:s16+$0xFFFFFF40];
	v5 =	vmul.f32 v5, v4;
	[tilespmem:s16+$0xFFFFFED0] =	vst v6  }
0x254: {  	v2 =	vld.idx.msk [tilespmem:v13+s19+$0x0], $0xffff;
	v4 =	vmul.f32 v7, v4;
	[tilespmem:s16+$0xFFFFFEE0] =	vst v8  }
0x255: {  	[tilespmem:s16+$0xFFFFFEF0] =	vst v5;
	v6 =	vmul.f32 v10, v3;
	v5 =	vld [tilespmem:s16+$0xFFFFFF60]  }
0x256: {  	s18 =	simm.s32 $0x4;
	[tilespmem:s16+$0xFFFFFF00] =	vst v4;
	v7 =	vmul.f32 v11, v3;
	v4 =	vld [tilespmem:s16+$0xFFFFFF70]  }
0x257: {  	s25 =	simm.s32 $0x7;
	v8 =	vmov s18;
	[tilespmem:s16+$0xFFFFFF10] =	vst v6;
	v10 =	vmul.f32 v9, v3;
	v9 =	vld [tilespmem:s16+$0xFFFFFF90]  }
0x258: {  	s10 =	simm.s32 $0x500;
	s29 =	simm.s32 $0x5;
	v13 =	vand.u32 $0xFFFFFFFC, v8;
	v8 =	vld [tilespmem:s16+$0xFFFFFFA0];
	v6 =	vmov s25;
	v11 =	vmul.f32 v12, v3;
	[tilespmem:s16+$0xFFFFFF20] =	vst v7  }
0x259: {  	s6 =	simm.s32 $0x49F0;
	s15 =	simm.s32 $0x6;
	s18 =	simm.s32 $0x8;
	v12 =	vmul.f32 v14, v3;
	v7 =	vbroadcast v13, $0x0;
	v13 =	vmov s29;
	[tilespmem:s16+$0xFFFFFF30] =	vst v10;
	v10 =	vld [tilespmem:s16+$0xFFFFFFB0]  }
.LBB2_15:
0x25a: {  	p2 =	slt.u32 s18, $0x24;
	v13 =	vand.u32 $0xFFFFFFFD, v13;
	v14 =	vmov s15;
	[tilespmem:s16+$0xFFFFFF40] =	vst v11;
	v5 =	vmul.f32 v5, v3;
	v11 =	vld [tilespmem:s16+$0xFFFFFFC0]  }
0x25b: {  	v13 =	vbroadcast v13, $0x0;
	v14 =	vand.u32 $0xFFFFFFFE, v14;
	[tilespmem:s16+$0xFFFFFF50] =	vst v12;
	v3 =	vmul.f32 v4, v3;
	v4 =	vld [tilespmem:s16+$0xFFFFFFD0]  }
0x25c: {  	v12 =	vbroadcast v14, $0x0;
	[tilespmem:s16+$0xFFFFFF60] =	vst v5;
	v5 =	vmul.f32 v9, v2;
	v9 =	vld [tilespmem:s16+$0xFFFFFFE0]  }
0x25d: {  	[tilespmem:s16+$0xFFFFFF70] =	vst v3;
	v3 =	vmul.f32 v8, v2;
	v8 =	vld [tilespmem:s16+$0xFFFFFFF0]  }
0x25e: {  	[tilespmem:s16+$0xFFFFFF90] =	vst v5;
	v5 =	vmul.f32 v10, v2;
	v10 =	vld [tilespmem:s16+$0x0]  }
0x25f: {  	v6 =	vld.idx.msk [tilespmem:v6+s19+$0x0], $0xffff;
	[tilespmem:s16+$0xFFFFFFA0] =	vst v3;
	v3 =	vmul.f32 v11, v2  }
0x260: {  	v7 =	vld.idx.msk [tilespmem:v7+s19+$0x0], $0xffff;
	[tilespmem:s16+$0xFFFFFFB0] =	vst v5;
	v4 =	vmul.f32 v4, v2  }
0x261: {  	v5 =	vld.idx.msk [tilespmem:v13+s19+$0x0], $0xffff;
	[tilespmem:s16+$0xFFFFFFC0] =	vst v3;
	v9 =	vmul.f32 v9, v2  }
0x262: {  	s16 =	sadd.s32 $0x200, s16;
	v3 =	vld.idx.msk [tilespmem:v12+s19+$0x0], $0xffff;
	[tilespmem:s6+$0xFFFFFFD0] =	vst v4;
	v4 =	vmul.f32 v8, v2  }
0x263: {  	v8 =	vld [tilespmem:s16+$0xFFFFFF80];
	[tilespmem:s6+$0xFFFFFFE0] =	vst v9;
	v10 =	vmul.f32 v10, v2  }
0x264: {  	v9 =	vld [tilespmem:s16+$0xFFFFFE10];
	[tilespmem:s6+$0xFFFFFFF0] =	vst v4  }
0x265: {  	v2 =	vmov v6;
	v4 =	vld [tilespmem:s16+$0xFFFFFE20];
	[tilespmem:s6+$0x0] =	vst v10;
	s6 =	smov.u32 s16  }
0x266: {  	v6 =	vld [tilespmem:s16+$0xFFFFFE30]  }
0x267: {  	v10 =	vld [tilespmem:s16+$0xFFFFFE40]  }
0x268: {  	v11 =	vld [tilespmem:s16+$0xFFFFFE50];
	v8 =	vmul.f32 v8, v3  }
0x269: {  	v9 =	vmul.f32 v9, v7;
	v12 =	vld [tilespmem:s16+$0xFFFFFE60]  }
0x26a: {  	v4 =	vmul.f32 v4, v7;
	v13 =	vld [tilespmem:s16+$0xFFFFFE70];
	[tilespmem:s16+$0xFFFFFF80] =	vst v8  }
0x26b: {  	[tilespmem:s16+$0xFFFFFE10] =	vst v9;
	v6 =	vmul.f32 v6, v7;
	v8 =	vld [tilespmem:s16+$0xFFFFFE80]  }
0x26c: {  	[tilespmem:s16+$0xFFFFFE20] =	vst v4;
	v4 =	vmul.f32 v10, v7;
	v9 =	vld [tilespmem:s16+$0xFFFFFE90]  }
0x26d: {  	[tilespmem:s16+$0xFFFFFE30] =	vst v6;
	v6 =	vmul.f32 v11, v7;
	v10 =	vld [tilespmem:s16+$0xFFFFFEA0]  }
0x26e: {  	[tilespmem:s16+$0xFFFFFE40] =	vst v4;
	v4 =	vmul.f32 v12, v7;
	v11 =	vld [tilespmem:s16+$0xFFFFFEB0]  }
0x26f: {  	[tilespmem:s16+$0xFFFFFE50] =	vst v6;
	v6 =	vmul.f32 v13, v7;
	v12 =	vld [tilespmem:s16+$0xFFFFFEC0]  }
0x270: {  	[tilespmem:s16+$0xFFFFFE60] =	vst v4;
	v4 =	vmul.f32 v8, v7;
	v7 =	vld [tilespmem:s16+$0xFFFFFED0]  }
0x271: {  	[tilespmem:s16+$0xFFFFFE70] =	vst v6;
	v6 =	vmul.f32 v9, v5;
	v8 =	vld [tilespmem:s16+$0xFFFFFEE0]  }
0x272: {  	[tilespmem:s16+$0xFFFFFE80] =	vst v4;
	v4 =	vmul.f32 v10, v5;
	v9 =	vld [tilespmem:s16+$0xFFFFFEF0]  }
0x273: {  	[tilespmem:s16+$0xFFFFFE90] =	vst v6;
	v6 =	vmul.f32 v11, v5;
	v10 =	vld [tilespmem:s16+$0xFFFFFF00]  }
0x274: {  	[tilespmem:s16+$0xFFFFFEA0] =	vst v4;
	v4 =	vmul.f32 v12, v5;
	v11 =	vld [tilespmem:s16+$0xFFFFFF10]  }
0x275: {  	[tilespmem:s16+$0xFFFFFEB0] =	vst v6;
	v6 =	vmul.f32 v7, v5;
	v7 =	vld [tilespmem:s16+$0xFFFFFF20]  }
0x276: {  	[tilespmem:s16+$0xFFFFFEC0] =	vst v4;
	v4 =	vmul.f32 v8, v5;
	v8 =	vld [tilespmem:s16+$0xFFFFFF30]  }
0x277: {  	[tilespmem:s16+$0xFFFFFED0] =	vst v6;
	v6 =	vmul.f32 v9, v5;
	v12 =	vld [tilespmem:s16+$0xFFFFFF40]  }
0x278: {  	[tilespmem:s16+$0xFFFFFEE0] =	vst v4;
	v4 =	vmul.f32 v10, v5;
	v10 =	vld [tilespmem:s16+$0xFFFFFF50]  }
.Ltmp8:
0x279: {  	[tilespmem:s16+$0xFFFFFEF0] =	vst v6;
	v6 =	vmul.f32 v11, v3;
	v5 =	vld [tilespmem:s16+$0xFFFFFF60];
	(pc) =	sbr.rel @p2 .LBB2_15-.Ltmp8, $4  }
0x27a: {  	[tilespmem:s16+$0xFFFFFF00] =	vst v4;
	v7 =	vmul.f32 v7, v3;
	v4 =	vld [tilespmem:s16+$0xFFFFFF70]  }
0x27b: {  	s15 =	sadd.s32 $0x3, s18;
	v11 =	vmov s18;
	[tilespmem:s16+$0xFFFFFF10] =	vst v6;
	v14 =	vmul.f32 v8, v3;
	v9 =	vld [tilespmem:s16+$0xFFFFFF90]  }
0x27c: {  	s29 =	sadd.s32 $0x1, s18;
	v13 =	vand.u32 $0xFFFFFFFC, v11;
	v6 =	vmov s15;
	[tilespmem:s16+$0xFFFFFF20] =	vst v7;
	v11 =	vmul.f32 v12, v3;
	v8 =	vld [tilespmem:s16+$0xFFFFFFA0]  }
0x27d: {  	s15 =	sadd.s32 $0x2, s18;
	s18 =	sadd.s32 $0x4, s18;
	v7 =	vbroadcast v13, $0x0;
	v13 =	vmov s29;
	[tilespmem:s16+$0xFFFFFF30] =	vst v14;
	v12 =	vmul.f32 v10, v3;
	v10 =	vld [tilespmem:s16+$0xFFFFFFB0]  }
0x27e: {  	v14 =	vld [tilespmem:s16+$0xFFFFFFC0]  }
0x27f: {  	v16 =	vld [tilespmem:s16+$0xFFFFFFD0]  }
0x280: {  	v15 =	vmov s15;
	v17 =	vld [tilespmem:s16+$0xFFFFFFE0]  }
0x281: {  	v18 =	vld [tilespmem:s16+$0xFFFFFFF0];
	[tilespmem:s16+$0xFFFFFF40] =	vst v11;
	v5 =	vmul.f32 v5, v3;
	v15 =	vand.u32 $0xFFFFFFFE, v15  }
0x282: {  	v13 =	vand.u32 $0xFFFFFFFD, v13;
	v6 =	vld.idx.msk [tilespmem:v6+s19+$0x0], $0xffff;
	[tilespmem:s16+$0xFFFFFF50] =	vst v12;
	v3 =	vmul.f32 v4, v3;
	v15 =	vbroadcast v15, $0x0  }
0x283: {  	s18 =	sadd.s32 $0x200, s16;
	v13 =	vbroadcast v13, $0x0;
	v4 =	vld.idx.msk [tilespmem:v7+s19+$0x0], $0xffff;
	v9 =	vmul.f32 v9, v2;
	[tilespmem:s16+$0xFFFFFF60] =	vst v5  }
0x284: {  	v11 =	vld [tilespmem:s18+$0xFFFFFE10];
	v5 =	vmul.f32 v8, v2;
	[tilespmem:s16+$0xFFFFFF70] =	vst v3  }
0x285: {  	[tilespmem:s16+$0xFFFFFF90] =	vst v9;
	v9 =	vld [tilespmem:s16+$0x0];
	v3 =	vmul.f32 v10, v2  }
0x286: {  	v12 =	vld [tilespmem:s18+$0xFFFFFE20];
	[tilespmem:s16+$0xFFFFFFA0] =	vst v5;
	v5 =	vmul.f32 v14, v2  }
0x287: {  	v10 =	vld [tilespmem:s18+$0xFFFFFF80];
	[tilespmem:s16+$0xFFFFFFB0] =	vst v3;
	v3 =	vmul.f32 v16, v2  }
0x288: {  	[tilespmem:s16+$0xFFFFFFC0] =	vst v5;
	v5 =	vmul.f32 v17, v2;
	v8 =	vld.idx.msk [tilespmem:v15+s19+$0x0], $0xffff  }
0x289: {  	v7 =	vld.idx.msk [tilespmem:v13+s19+$0x0], $0xffff;
	[tilespmem:s6+$0xFFFFFFD0] =	vst v3;
	v3 =	vmul.f32 v18, v2  }
0x28a: {  	v13 =	vld [tilespmem:s18+$0xFFFFFE30];
	[tilespmem:s6+$0xFFFFFFE0] =	vst v5;
	v2 =	vmul.f32 v9, v2  }
0x28b: {  	v5 =	vld [tilespmem:s18+$0xFFFFFE40];
	[tilespmem:s6+$0xFFFFFFF0] =	vst v3  }
0x28c: {  	v3 =	vld [tilespmem:s18+$0xFFFFFE50];
	[tilespmem:s6+$0x0] =	vst v2;
	v2 =	vmul.f32 v11, v4  }
0x28d: {  	v9 =	vmul.f32 v10, v8;
	v10 =	vld [tilespmem:s18+$0xFFFFFE60]  }
0x28e: {  	v11 =	vmul.f32 v12, v4;
	v12 =	vld [tilespmem:s18+$0xFFFFFE70];
	[tilespmem:s18+$0xFFFFFE10] =	vst v2  }
0x28f: {  	v2 =	vmul.f32 v13, v4;
	[tilespmem:s18+$0xFFFFFF80] =	vst v9;
	v9 =	vld [tilespmem:s18+$0xFFFFFE80]  }
0x290: {  	[tilespmem:s18+$0xFFFFFE20] =	vst v11;
	v11 =	vld [tilespmem:s18+$0xFFFFFE90];
	v5 =	vmul.f32 v5, v4  }
0x291: {  	[tilespmem:s18+$0xFFFFFE30] =	vst v2;
	v2 =	vmul.f32 v3, v4;
	v3 =	vld [tilespmem:s18+$0xFFFFFEA0]  }
0x292: {  	[tilespmem:s18+$0xFFFFFE40] =	vst v5;
	v5 =	vmul.f32 v10, v4;
	v10 =	vld [tilespmem:s18+$0xFFFFFEB0]  }
0x293: {  	[tilespmem:s18+$0xFFFFFE50] =	vst v2;
	v2 =	vmul.f32 v12, v4;
	v12 =	vld [tilespmem:s18+$0xFFFFFEC0]  }
0x294: {  	[tilespmem:s18+$0xFFFFFE60] =	vst v5;
	v4 =	vmul.f32 v9, v4;
	v5 =	vld [tilespmem:s18+$0xFFFFFED0]  }
0x295: {  	[tilespmem:s18+$0xFFFFFE70] =	vst v2;
	v2 =	vmul.f32 v11, v7;
	v9 =	vld [tilespmem:s18+$0xFFFFFEE0]  }
0x296: {  	v3 =	vmul.f32 v3, v7;
	[tilespmem:s18+$0xFFFFFE80] =	vst v4;
	v4 =	vld [tilespmem:s18+$0xFFFFFEF0]  }
0x297: {  	[tilespmem:s18+$0xFFFFFE90] =	vst v2;
	v2 =	vmul.f32 v10, v7;
	v10 =	vld [tilespmem:s18+$0xFFFFFF00]  }
0x298: {  	v11 =	vld [tilespmem:s18+$0xFFFFFF10];
	[tilespmem:s18+$0xFFFFFEA0] =	vst v3;
	v3 =	vmul.f32 v12, v7  }
0x299: {  	[tilespmem:s18+$0xFFFFFEB0] =	vst v2;
	v2 =	vmul.f32 v5, v7;
	v5 =	vld [tilespmem:s18+$0xFFFFFF20]  }
0x29a: {  	[tilespmem:s18+$0xFFFFFEC0] =	vst v3;
	v3 =	vmul.f32 v9, v7;
	v9 =	vld [tilespmem:s18+$0xFFFFFF30]  }
0x29b: {  	[tilespmem:s18+$0xFFFFFED0] =	vst v2;
	v2 =	vmul.f32 v4, v7;
	v4 =	vld [tilespmem:s18+$0xFFFFFF40]  }
0x29c: {  	[tilespmem:s18+$0xFFFFFEE0] =	vst v3;
	v3 =	vmul.f32 v10, v7;
	v7 =	vld [tilespmem:s18+$0xFFFFFF50]  }
0x29d: {  	v10 =	vld [tilespmem:s18+$0xFFFFFF60];
	[tilespmem:s18+$0xFFFFFEF0] =	vst v2;
	v2 =	vmul.f32 v11, v8  }
0x29e: {  	[tilespmem:s18+$0xFFFFFF00] =	vst v3;
	v3 =	vmul.f32 v5, v8;
	v5 =	vld [tilespmem:s18+$0xFFFFFF70]  }
0x29f: {  	[tilespmem:s18+$0xFFFFFF10] =	vst v2;
	v2 =	vmul.f32 v9, v8;
	v9 =	vld [tilespmem:s18+$0xFFFFFF90]  }
0x2a0: {  	[tilespmem:s18+$0xFFFFFF20] =	vst v3;
	v3 =	vmul.f32 v4, v8;
	v4 =	vld [tilespmem:s18+$0xFFFFFFA0]  }
0x2a1: {  	[tilespmem:s18+$0xFFFFFF30] =	vst v2;
	v2 =	vmul.f32 v7, v8;
	v7 =	vld [tilespmem:s18+$0xFFFFFFB0]  }
0x2a2: {  	[tilespmem:s18+$0xFFFFFF40] =	vst v3;
	v3 =	vmul.f32 v10, v8;
	v10 =	vld [tilespmem:s18+$0xFFFFFFC0]  }
0x2a3: {  	[tilespmem:s18+$0xFFFFFF50] =	vst v2;
	v2 =	vmul.f32 v5, v8;
	v5 =	vld [tilespmem:s18+$0xFFFFFFD0]  }
0x2a4: {  	v8 =	vld [tilespmem:s18+$0xFFFFFFE0];
	[tilespmem:s18+$0xFFFFFF60] =	vst v3;
	v3 =	vmul.f32 v9, v6  }
0x2a5: {  	[tilespmem:s18+$0xFFFFFF70] =	vst v2;
	v2 =	vmul.f32 v4, v6;
	v4 =	vld [tilespmem:s18+$0xFFFFFFF0]  }
0x2a6: {  	[tilespmem:s18+$0xFFFFFF90] =	vst v3;
	v3 =	vmul.f32 v7, v6;
	v7 =	vld [tilespmem:s18+$0x0]  }
0x2a7: {  	[tilespmem:s18+$0xFFFFFFA0] =	vst v2;
	v2 =	vmul.f32 v10, v6  }
0x2a8: {  	[tilespmem:s18+$0xFFFFFFB0] =	vst v3;
	v3 =	vmul.f32 v5, v6  }
0x2a9: {  	[tilespmem:s18+$0xFFFFFFC0] =	vst v2;
	v2 =	vmul.f32 v8, v6  }
0x2aa: {  	[tilespmem:s18+$0xFFFFFFD0] =	vst v3;
	v3 =	vmul.f32 v4, v6  }
0x2ab: {  	[tilespmem:s18+$0xFFFFFFE0] =	vst v2;
	v2 =	vmul.f32 v7, v6  }
0x2ac: {  	[tilespmem:s18+$0xFFFFFFF0] =	vst v3  }
0x2ad: {  	s29 =	simm.s32 $0x4800;
	[tilespmem:s18+$0x0] =	vst v2;
	s18 =	simm.s32 $0x580  }
0x2ae: {  	[spmem:s4] =	stream.indirect.scatter.add.f32 [tilespmem:s29], [sflag:$0x9], $0x80, s18, s1, $0xb8;
	[tilespmem:$0x1ABF8] =	vst v63  }
0x2af: {  	s16 =	simm.s32 $0x8  }
0x2b0: {  	[spmem:s5] =	stream.indirect.scatter.add.f32 [tilespmem:s23], [sflag:$0xE], $0x1, s18, s1, $0xb8;
	[tilespmem:$0x1ABF8] =	vst v63  }
0x2b1: {  	_ =	swait.ge [sflag:s16], $0x1400  }
0x2b2: {  	[sflag:s16] =	ssyncset.done $0x0  }
0x2b3: {  	s17 =	simm.s32 $0xD;
	[sflag:s16] =	ssyncadd.s32 $0xFFFFEC00  }
0x2b4: {  	_ =	swait.ge [sflag:s17], $0x28  }
0x2b5: {  	s6 =	rddreg [dreg:$0x13]  }
0x2b6: {  	s6 =	sadd.s32 @!p1 s13, s6  }
0x2b7: {  	s6 =	sshrl.u32 @!p1 s6, $0x3  }
0x2b8: {  	s18 =	simm.s32 @!p1 $0x100;
	[sflag:s17] =	ssyncset.done $0x0;
	s13 =	sadd.s32 @!p1 s2, s6  }
0x2b9: {  	s16 =	simm.s32 @!p1 $0x0;
	[sflag:s17] =	ssyncadd.s32 $0xFFFFFFD8;
	s15 =	sadd.s32 @!p1 $0x9C40, s13  }
0x2ba: {  	[tilespmem:s18], [sflag:$0x12] =	stream.linear.gather @!p1 [hbm4b:s15+s16], $0x28, $0x38;
	[tilespmem:$0x1ABF8] =	vst v63  }
0x2bb: {  	s15 =	simm.s32 @!p1 $0x500  }
0x2bc: {  	[tilespmem:s15], [sflag:$0x17] =	stream.linear.gather @!p1 [hbm4b:s13+s16], $0x28, $0x38;
	[tilespmem:$0x1ABF8] =	vst v63  }
0x2bd: {  	s6 =	sadd.s32 @!p1 s3, s6;
	s13 =	simm.s32 @!p1 $0x900  }
0x2be: {  	[tilespmem:s13], [sflag:$0x1C] =	stream.linear.gather @!p1 [hbm4b:s6+s16], $0x28, $0x38;
	[tilespmem:$0x1ABF8] =	vst v63  }
0x2bf: {  	s6 =	simm.s32 @!p1 $0x11  }
0x2c0: {  	_ =	swait.ge @!p1 [sflag:s6], $0x28  }
0x2c1: {  	[sflag:s6] =	ssyncset.done @!p1 $0x0  }
0x2c2: {  	[sflag:s6] =	ssyncadd.s32 @!p1 $0xFFFFFFD8;
	s6 =	simm.s32 @!p1 $0x16  }
0x2c3: {  	_ =	swait.ge @!p1 [sflag:s6], $0x28  }
0x2c4: {  	[sflag:s6] =	ssyncset.done @!p1 $0x0  }
0x2c5: {  	s18 =	simm.s32 $0x0;
	[sflag:s6] =	ssyncadd.s32 @!p1 $0xFFFFFFD8;
	s6 =	simm.s32 @!p1 $0x1B  }
0x2c6: {  	s29 =	simm.s32 $0x2;
	v2 =	vmov s18;
	_ =	swait.ge @!p1 [sflag:s6], $0x28  }
0x2c7: {  	v3 =	vmov s29;
	v2 =	vand.u32 $0xFFFFFFFC, v2;
	s15 =	simm.s32 @!p1 $0x2000;
	[sflag:s6] =	ssyncset.done @!p1 $0x0  }
0x2c8: {  	v3 =	vand.u32 $0xFFFFFFFE, v3;
	v2 =	vbroadcast v2, $0x0;
	s13 =	simm.s32 @!p1 $0x80;
	[sflag:s6] =	ssyncadd.s32 @!p1 $0xFFFFFFD8;
	s6 =	simm.s32 @!p1 $0x28  }
0x2c9: {  	v3 =	vbroadcast v3, $0x0;
	[tilespmem:s15], [sflag:$0x2] =	stream.indirect.gather @!p1 [hbm4b:s0+s6], $0x80, s13, s6, $0xb8;
	[tilespmem:$0x1ABF8] =	vst v63  }
0x2ca: {  	s13 =	simm.s32 $0x5  }
0x2cb: {  	_ =	swait.ge [sflag:s13], $0x1400  }
0x2cc: {  	[sflag:s13] =	ssyncset.done $0x0  }
0x2cd: {  	[sflag:s13] =	ssyncadd.s32 $0xFFFFEC00  }
0x2ce: {  	v2 =	vld.idx.msk [tilespmem:v2+s26+$0x0], $0xffff  }
0x2cf: {  	s13 =	simm.s32 $0x5DF0;
	v3 =	vld.idx.msk [tilespmem:v3+s26+$0x0], $0xffff  }
0x2d0: {  	s15 =	simm.s32 $0x1;
	v5 =	vld [tilespmem:s13+$0xFFFFFF80]  }
0x2d1: {  	v4 =	vmov s15;
	v6 =	vld [tilespmem:s13+$0xFFFFFE10]  }
0x2d2: {  	v4 =	vand.u32 $0xFFFFFFFD, v4;
	v7 =	vld [tilespmem:s13+$0xFFFFFE20]  }
0x2d3: {  	v4 =	vbroadcast v4, $0x0;
	v8 =	vld [tilespmem:s13+$0xFFFFFE30]  }
0x2d4: {  	v9 =	vld [tilespmem:s13+$0xFFFFFE40]  }
0x2d5: {  	v10 =	vld [tilespmem:s13+$0xFFFFFE50]  }
0x2d6: {  	v11 =	vld [tilespmem:s13+$0xFFFFFE60]  }
0x2d7: {  	v12 =	vld [tilespmem:s13+$0xFFFFFE70];
	v6 =	vmul.f32 v6, v2  }
0x2d8: {  	v14 =	vld [tilespmem:s13+$0xFFFFFF50];
	v5 =	vmul.f32 v5, v3  }
0x2d9: {  	v4 =	vld.idx.msk [tilespmem:v4+s26+$0x0], $0xffff;
	[tilespmem:s13+$0xFFFFFE10] =	vst v6;
	v6 =	vmul.f32 v7, v2  }
0x2da: {  	v7 =	vld [tilespmem:s13+$0xFFFFFE80];
	[tilespmem:s13+$0xFFFFFF80] =	vst v5;
	v5 =	vmul.f32 v8, v2  }
0x2db: {  	v8 =	vld [tilespmem:s13+$0xFFFFFE90];
	[tilespmem:s13+$0xFFFFFE20] =	vst v6;
	v6 =	vmul.f32 v9, v2  }
0x2dc: {  	v9 =	vld [tilespmem:s13+$0xFFFFFEA0];
	[tilespmem:s13+$0xFFFFFE30] =	vst v5;
	v5 =	vmul.f32 v10, v2  }
0x2dd: {  	v10 =	vld [tilespmem:s13+$0xFFFFFEB0];
	[tilespmem:s13+$0xFFFFFE40] =	vst v6;
	v6 =	vmul.f32 v11, v2  }
0x2de: {  	v11 =	vld [tilespmem:s13+$0xFFFFFEC0];
	[tilespmem:s13+$0xFFFFFE50] =	vst v5;
	v5 =	vmul.f32 v12, v2  }
0x2df: {  	v12 =	vld [tilespmem:s13+$0xFFFFFED0];
	v7 =	vmul.f32 v7, v2;
	[tilespmem:s13+$0xFFFFFE60] =	vst v6  }
0x2e0: {  	v6 =	vmul.f32 v8, v4;
	v8 =	vld [tilespmem:s13+$0xFFFFFEE0];
	[tilespmem:s13+$0xFFFFFE70] =	vst v5  }
0x2e1: {  	s16 =	simm.s32 $0x3;
	v5 =	vld [tilespmem:s13+$0xFFFFFEF0];
	v9 =	vmul.f32 v9, v4;
	[tilespmem:s13+$0xFFFFFE80] =	vst v7  }
0x2e2: {  	v13 =	vmov s16;
	v7 =	vld [tilespmem:s13+$0xFFFFFF00];
	[tilespmem:s13+$0xFFFFFE90] =	vst v6;
	v6 =	vmul.f32 v10, v4  }
0x2e3: {  	v10 =	vld [tilespmem:s13+$0xFFFFFF10];
	[tilespmem:s13+$0xFFFFFEA0] =	vst v9;
	v9 =	vmul.f32 v11, v4  }
0x2e4: {  	v11 =	vld [tilespmem:s13+$0xFFFFFF20];
	[tilespmem:s13+$0xFFFFFEB0] =	vst v6;
	v6 =	vmul.f32 v12, v4  }
0x2e5: {  	[tilespmem:s13+$0xFFFFFEC0] =	vst v9;
	v8 =	vmul.f32 v8, v4;
	v9 =	vld [tilespmem:s13+$0xFFFFFF30]  }
0x2e6: {  	v12 =	vld [tilespmem:s13+$0xFFFFFF40];
	v5 =	vmul.f32 v5, v4;
	[tilespmem:s13+$0xFFFFFED0] =	vst v6  }
0x2e7: {  	v2 =	vld.idx.msk [tilespmem:v13+s26+$0x0], $0xffff;
	v4 =	vmul.f32 v7, v4;
	[tilespmem:s13+$0xFFFFFEE0] =	vst v8  }
0x2e8: {  	[tilespmem:s13+$0xFFFFFEF0] =	vst v5;
	v6 =	vmul.f32 v10, v3;
	v5 =	vld [tilespmem:s13+$0xFFFFFF60]  }
0x2e9: {  	s17 =	simm.s32 $0x4;
	[tilespmem:s13+$0xFFFFFF00] =	vst v4;
	v7 =	vmul.f32 v11, v3;
	v4 =	vld [tilespmem:s13+$0xFFFFFF70]  }
0x2ea: {  	s18 =	simm.s32 $0x7;
	v8 =	vmov s17;
	[tilespmem:s13+$0xFFFFFF10] =	vst v6;
	v10 =	vmul.f32 v9, v3;
	v9 =	vld [tilespmem:s13+$0xFFFFFF90]  }
0x2eb: {  	s25 =	simm.s32 $0x580;
	s29 =	simm.s32 $0x5;
	v13 =	vand.u32 $0xFFFFFFFC, v8;
	v8 =	vld [tilespmem:s13+$0xFFFFFFA0];
	v6 =	vmov s18;
	v11 =	vmul.f32 v12, v3;
	[tilespmem:s13+$0xFFFFFF20] =	vst v7  }
0x2ec: {  	s16 =	simm.s32 $0x8;
	s6 =	simm.s32 $0x5DF0;
	s15 =	simm.s32 $0x6;
	v12 =	vmul.f32 v14, v3;
	v7 =	vbroadcast v13, $0x0;
	v13 =	vmov s29;
	[tilespmem:s13+$0xFFFFFF30] =	vst v10;
	v10 =	vld [tilespmem:s13+$0xFFFFFFB0]  }
.LBB2_17:
0x2ed: {  	p1 =	slt.u32 s16, $0x24;
	v13 =	vand.u32 $0xFFFFFFFD, v13;
	v14 =	vmov s15;
	[tilespmem:s13+$0xFFFFFF40] =	vst v11;
	v5 =	vmul.f32 v5, v3;
	v11 =	vld [tilespmem:s13+$0xFFFFFFC0]  }
0x2ee: {  	v13 =	vbroadcast v13, $0x0;
	v14 =	vand.u32 $0xFFFFFFFE, v14;
	[tilespmem:s13+$0xFFFFFF50] =	vst v12;
	v3 =	vmul.f32 v4, v3;
	v4 =	vld [tilespmem:s13+$0xFFFFFFD0]  }
0x2ef: {  	v12 =	vbroadcast v14, $0x0;
	[tilespmem:s13+$0xFFFFFF60] =	vst v5;
	v5 =	vmul.f32 v9, v2;
	v9 =	vld [tilespmem:s13+$0xFFFFFFE0]  }
0x2f0: {  	[tilespmem:s13+$0xFFFFFF70] =	vst v3;
	v3 =	vmul.f32 v8, v2;
	v8 =	vld [tilespmem:s13+$0xFFFFFFF0]  }
0x2f1: {  	[tilespmem:s13+$0xFFFFFF90] =	vst v5;
	v5 =	vmul.f32 v10, v2;
	v10 =	vld [tilespmem:s13+$0x0]  }
0x2f2: {  	v6 =	vld.idx.msk [tilespmem:v6+s26+$0x0], $0xffff;
	[tilespmem:s13+$0xFFFFFFA0] =	vst v3;
	v3 =	vmul.f32 v11, v2  }
0x2f3: {  	v7 =	vld.idx.msk [tilespmem:v7+s26+$0x0], $0xffff;
	[tilespmem:s13+$0xFFFFFFB0] =	vst v5;
	v4 =	vmul.f32 v4, v2  }
0x2f4: {  	v5 =	vld.idx.msk [tilespmem:v13+s26+$0x0], $0xffff;
	[tilespmem:s13+$0xFFFFFFC0] =	vst v3;
	v9 =	vmul.f32 v9, v2  }
0x2f5: {  	s13 =	sadd.s32 $0x200, s13;
	v3 =	vld.idx.msk [tilespmem:v12+s26+$0x0], $0xffff;
	[tilespmem:s6+$0xFFFFFFD0] =	vst v4;
	v4 =	vmul.f32 v8, v2  }
0x2f6: {  	v8 =	vld [tilespmem:s13+$0xFFFFFF80];
	[tilespmem:s6+$0xFFFFFFE0] =	vst v9;
	v10 =	vmul.f32 v10, v2  }
0x2f7: {  	v9 =	vld [tilespmem:s13+$0xFFFFFE10];
	[tilespmem:s6+$0xFFFFFFF0] =	vst v4  }
0x2f8: {  	v2 =	vmov v6;
	v4 =	vld [tilespmem:s13+$0xFFFFFE20];
	[tilespmem:s6+$0x0] =	vst v10;
	s6 =	smov.u32 s13  }
0x2f9: {  	v6 =	vld [tilespmem:s13+$0xFFFFFE30]  }
0x2fa: {  	v10 =	vld [tilespmem:s13+$0xFFFFFE40]  }
0x2fb: {  	v11 =	vld [tilespmem:s13+$0xFFFFFE50];
	v8 =	vmul.f32 v8, v3  }
0x2fc: {  	v9 =	vmul.f32 v9, v7;
	v12 =	vld [tilespmem:s13+$0xFFFFFE60]  }
0x2fd: {  	v4 =	vmul.f32 v4, v7;
	v13 =	vld [tilespmem:s13+$0xFFFFFE70];
	[tilespmem:s13+$0xFFFFFF80] =	vst v8  }
0x2fe: {  	[tilespmem:s13+$0xFFFFFE10] =	vst v9;
	v6 =	vmul.f32 v6, v7;
	v8 =	vld [tilespmem:s13+$0xFFFFFE80]  }
0x2ff: {  	[tilespmem:s13+$0xFFFFFE20] =	vst v4;
	v4 =	vmul.f32 v10, v7;
	v9 =	vld [tilespmem:s13+$0xFFFFFE90]  }
0x300: {  	[tilespmem:s13+$0xFFFFFE30] =	vst v6;
	v6 =	vmul.f32 v11, v7;
	v10 =	vld [tilespmem:s13+$0xFFFFFEA0]  }
0x301: {  	[tilespmem:s13+$0xFFFFFE40] =	vst v4;
	v4 =	vmul.f32 v12, v7;
	v11 =	vld [tilespmem:s13+$0xFFFFFEB0]  }
0x302: {  	[tilespmem:s13+$0xFFFFFE50] =	vst v6;
	v6 =	vmul.f32 v13, v7;
	v12 =	vld [tilespmem:s13+$0xFFFFFEC0]  }
0x303: {  	[tilespmem:s13+$0xFFFFFE60] =	vst v4;
	v4 =	vmul.f32 v8, v7;
	v7 =	vld [tilespmem:s13+$0xFFFFFED0]  }
0x304: {  	[tilespmem:s13+$0xFFFFFE70] =	vst v6;
	v6 =	vmul.f32 v9, v5;
	v8 =	vld [tilespmem:s13+$0xFFFFFEE0]  }
0x305: {  	[tilespmem:s13+$0xFFFFFE80] =	vst v4;
	v4 =	vmul.f32 v10, v5;
	v9 =	vld [tilespmem:s13+$0xFFFFFEF0]  }
0x306: {  	[tilespmem:s13+$0xFFFFFE90] =	vst v6;
	v6 =	vmul.f32 v11, v5;
	v10 =	vld [tilespmem:s13+$0xFFFFFF00]  }
0x307: {  	[tilespmem:s13+$0xFFFFFEA0] =	vst v4;
	v4 =	vmul.f32 v12, v5;
	v11 =	vld [tilespmem:s13+$0xFFFFFF10]  }
0x308: {  	[tilespmem:s13+$0xFFFFFEB0] =	vst v6;
	v6 =	vmul.f32 v7, v5;
	v7 =	vld [tilespmem:s13+$0xFFFFFF20]  }
0x309: {  	[tilespmem:s13+$0xFFFFFEC0] =	vst v4;
	v4 =	vmul.f32 v8, v5;
	v8 =	vld [tilespmem:s13+$0xFFFFFF30]  }
0x30a: {  	[tilespmem:s13+$0xFFFFFED0] =	vst v6;
	v6 =	vmul.f32 v9, v5;
	v12 =	vld [tilespmem:s13+$0xFFFFFF40]  }
0x30b: {  	[tilespmem:s13+$0xFFFFFEE0] =	vst v4;
	v4 =	vmul.f32 v10, v5;
	v10 =	vld [tilespmem:s13+$0xFFFFFF50]  }
.Ltmp9:
0x30c: {  	[tilespmem:s13+$0xFFFFFEF0] =	vst v6;
	v6 =	vmul.f32 v11, v3;
	v5 =	vld [tilespmem:s13+$0xFFFFFF60];
	(pc) =	sbr.rel @p1 .LBB2_17-.Ltmp9, $4  }
0x30d: {  	[tilespmem:s13+$0xFFFFFF00] =	vst v4;
	v7 =	vmul.f32 v7, v3;
	v4 =	vld [tilespmem:s13+$0xFFFFFF70]  }
0x30e: {  	s15 =	sadd.s32 $0x3, s16;
	v11 =	vmov s16;
	[tilespmem:s13+$0xFFFFFF10] =	vst v6;
	v14 =	vmul.f32 v8, v3;
	v9 =	vld [tilespmem:s13+$0xFFFFFF90]  }
0x30f: {  	s18 =	sadd.s32 $0x1, s16;
	v13 =	vand.u32 $0xFFFFFFFC, v11;
	v6 =	vmov s15;
	[tilespmem:s13+$0xFFFFFF20] =	vst v7;
	v11 =	vmul.f32 v12, v3;
	v8 =	vld [tilespmem:s13+$0xFFFFFFA0]  }
0x310: {  	s15 =	sadd.s32 $0x2, s16;
	s16 =	sadd.s32 $0x4, s16;
	v7 =	vbroadcast v13, $0x0;
	v13 =	vmov s18;
	[tilespmem:s13+$0xFFFFFF30] =	vst v14;
	v12 =	vmul.f32 v10, v3;
	v10 =	vld [tilespmem:s13+$0xFFFFFFB0]  }
0x311: {  	v14 =	vld [tilespmem:s13+$0xFFFFFFC0]  }
0x312: {  	v16 =	vld [tilespmem:s13+$0xFFFFFFD0]  }
0x313: {  	v17 =	vld [tilespmem:s13+$0xFFFFFFE0]  }
0x314: {  	v18 =	vld [tilespmem:s13+$0xFFFFFFF0]  }
0x315: {  	v24 =	vld [tilespmem:s13+$0x0];
	[tilespmem:s13+$0xFFFFFF40] =	vst v11;
	v5 =	vmul.f32 v5, v3  }
0x316: {  	v6 =	vld.idx.msk [tilespmem:v6+s26+$0x0], $0xffff;
	[tilespmem:s13+$0xFFFFFF50] =	vst v12;
	v3 =	vmul.f32 v4, v3  }
0x317: {  	s16 =	sadd.s32 $0x200, s13;
	v25 =	vld.idx.msk [tilespmem:v7+s26+$0x0], $0xffff;
	v9 =	vmul.f32 v9, v2;
	[tilespmem:s13+$0xFFFFFF60] =	vst v5  }
0x318: {  	v30 =	vld [tilespmem:s16+$0xFFFFFF80];
	v26 =	vmul.f32 v8, v2;
	[tilespmem:s13+$0xFFFFFF70] =	vst v3  }
0x319: {  	v31 =	vld [tilespmem:s16+$0xFFFFFE10];
	[tilespmem:s13+$0xFFFFFF90] =	vst v9;
	v3 =	vmul.f32 v10, v2  }
0x31a: {  	v15 =	vmov s15;
	v33 =	vld [tilespmem:s16+$0xFFFFFE20];
	[tilespmem:s13+$0xFFFFFFA0] =	vst v26;
	v29 =	vmul.f32 v14, v2  }
0x31b: {  	v15 =	vand.u32 $0xFFFFFFFE, v15;
	v34 =	vld [tilespmem:s16+$0xFFFFFE30];
	[tilespmem:s13+$0xFFFFFFB0] =	vst v3;
	v3 =	vmul.f32 v16, v2  }
0x31c: {  	v13 =	vand.u32 $0xFFFFFFFD, v13;
	v35 =	vld [tilespmem:s16+$0xFFFFFE40];
	v15 =	vbroadcast v15, $0x0;
	v32 =	vmul.f32 v17, v2;
	[tilespmem:s13+$0xFFFFFFC0] =	vst v29  }
0x31d: {  	v13 =	vbroadcast v13, $0x0;
	v37 =	vld [tilespmem:s16+$0xFFFFFE60];
	[tilespmem:s6+$0xFFFFFFD0] =	vst v3;
	v3 =	vmul.f32 v18, v2  }
0x31e: {  	v39 =	vld [tilespmem:s16+$0xFFFFFE70];
	[tilespmem:s6+$0xFFFFFFE0] =	vst v32;
	v2 =	vmul.f32 v24, v2  }
0x31f: {  	v38 =	vmul.f32 v33, v25;
	[tilespmem:s6+$0xFFFFFFF0] =	vst v3;
	v3 =	vld [tilespmem:s16+$0xFFFFFE50]  }
0x320: {  	v40 =	vld [tilespmem:s16+$0xFFFFFE80];
	[tilespmem:s6+$0x0] =	vst v2;
	v2 =	vmul.f32 v31, v25  }
0x321: {  	v41 =	vld [tilespmem:s16+$0xFFFFFE90];
	v5 =	vmul.f32 v35, v25;
	[tilespmem:s16+$0xFFFFFE20] =	vst v38  }
0x322: {  	v28 =	vld.idx.msk [tilespmem:v15+s26+$0x0], $0xffff;
	[tilespmem:s16+$0xFFFFFE10] =	vst v2;
	v2 =	vmul.f32 v34, v25  }
0x323: {  	v42 =	vmul.f32 v37, v25;
	v27 =	vld.idx.msk [tilespmem:v13+s26+$0x0], $0xffff;
	[tilespmem:s16+$0xFFFFFE40] =	vst v5  }
0x324: {  	[tilespmem:s16+$0xFFFFFE30] =	vst v2;
	v2 =	vmul.f32 v3, v25;
	v3 =	vld [tilespmem:s16+$0xFFFFFEA0]  }
0x325: {  	v43 =	vld [tilespmem:s16+$0xFFFFFEB0];
	v4 =	vmul.f32 v40, v25;
	[tilespmem:s16+$0xFFFFFE60] =	vst v42  }
0x326: {  	v44 =	vld [tilespmem:s16+$0xFFFFFEC0];
	[tilespmem:s16+$0xFFFFFE50] =	vst v2;
	v2 =	vmul.f32 v39, v25  }
0x327: {  	v45 =	vld [tilespmem:s16+$0xFFFFFED0];
	[tilespmem:s16+$0xFFFFFE80] =	vst v4;
	v36 =	vmul.f32 v30, v28  }
0x328: {  	v46 =	vld [tilespmem:s16+$0xFFFFFEE0];
	[tilespmem:s16+$0xFFFFFE70] =	vst v2;
	v2 =	vmul.f32 v41, v27  }
0x329: {  	v47 =	vld [tilespmem:s16+$0xFFFFFEF0];
	[tilespmem:s16+$0xFFFFFF80] =	vst v36;
	v3 =	vmul.f32 v3, v27  }
0x32a: {  	v48 =	vld [tilespmem:s16+$0xFFFFFF00];
	[tilespmem:s16+$0xFFFFFE90] =	vst v2;
	v2 =	vmul.f32 v43, v27  }
0x32b: {  	v49 =	vld [tilespmem:s16+$0xFFFFFF10];
	[tilespmem:s16+$0xFFFFFEA0] =	vst v3;
	v3 =	vmul.f32 v44, v27  }
0x32c: {  	v50 =	vld [tilespmem:s16+$0xFFFFFF20];
	[tilespmem:s16+$0xFFFFFEB0] =	vst v2;
	v2 =	vmul.f32 v45, v27  }
0x32d: {  	v51 =	vld [tilespmem:s16+$0xFFFFFF30];
	[tilespmem:s16+$0xFFFFFEC0] =	vst v3;
	v3 =	vmul.f32 v46, v27  }
0x32e: {  	v52 =	vld [tilespmem:s16+$0xFFFFFF40];
	[tilespmem:s16+$0xFFFFFED0] =	vst v2;
	v2 =	vmul.f32 v47, v27  }
0x32f: {  	v53 =	vld [tilespmem:s16+$0xFFFFFF50];
	[tilespmem:s16+$0xFFFFFEE0] =	vst v3;
	v3 =	vmul.f32 v48, v27  }
0x330: {  	v54 =	vld [tilespmem:s16+$0xFFFFFF60];
	[tilespmem:s16+$0xFFFFFEF0] =	vst v2;
	v2 =	vmul.f32 v49, v28  }
0x331: {  	v55 =	vld [tilespmem:s16+$0xFFFFFF70];
	[tilespmem:s16+$0xFFFFFF00] =	vst v3;
	v3 =	vmul.f32 v50, v28  }
0x332: {  	v56 =	vld [tilespmem:s16+$0xFFFFFF90];
	[tilespmem:s16+$0xFFFFFF10] =	vst v2;
	v2 =	vmul.f32 v51, v28  }
0x333: {  	v57 =	vld [tilespmem:s16+$0xFFFFFFA0];
	[tilespmem:s16+$0xFFFFFF20] =	vst v3;
	v3 =	vmul.f32 v52, v28  }
0x334: {  	v58 =	vld [tilespmem:s16+$0xFFFFFFB0];
	[tilespmem:s16+$0xFFFFFF30] =	vst v2;
	v2 =	vmul.f32 v53, v28  }
0x335: {  	v59 =	vld [tilespmem:s16+$0xFFFFFFC0];
	[tilespmem:s16+$0xFFFFFF40] =	vst v3;
	v3 =	vmul.f32 v54, v28  }
0x336: {  	v60 =	vld [tilespmem:s16+$0xFFFFFFD0];
	[tilespmem:s16+$0xFFFFFF50] =	vst v2;
	v2 =	vmul.f32 v55, v28  }
0x337: {  	v61 =	vld [tilespmem:s16+$0xFFFFFFE0];
	[tilespmem:s16+$0xFFFFFF60] =	vst v3;
	v3 =	vmul.f32 v56, v6  }
0x338: {  	v62 =	vld [tilespmem:s16+$0xFFFFFFF0];
	[tilespmem:s16+$0xFFFFFF70] =	vst v2;
	v2 =	vmul.f32 v57, v6  }
0x339: {  	v63 =	vld [tilespmem:s16+$0x0];
	[tilespmem:s16+$0xFFFFFF90] =	vst v3;
	v3 =	vmul.f32 v58, v6  }
0x33a: {  	[tilespmem:s16+$0xFFFFFFA0] =	vst v2;
	v2 =	vmul.f32 v59, v6  }
0x33b: {  	[tilespmem:s16+$0xFFFFFFB0] =	vst v3;
	v3 =	vmul.f32 v60, v6  }
0x33c: {  	[tilespmem:s16+$0xFFFFFFC0] =	vst v2;
	v2 =	vmul.f32 v61, v6  }
0x33d: {  	s11 =	sadd.s32 $0x1, s11;
	[tilespmem:s16+$0xFFFFFFD0] =	vst v3;
	v3 =	vmul.f32 v62, v6  }
0x33e: {  	p1 =	sne.s32 s11, $0x32;
	[tilespmem:s16+$0xFFFFFFE0] =	vst v2;
	v2 =	vmul.f32 v63, v6  }
.Ltmp10:
0x33f: {  	[tilespmem:s16+$0xFFFFFFF0] =	vst v3;
	(pc) =	sbr.rel @p1 .LBB2_8-.Ltmp10, $4  }
0x340: {  	s29 =	simm.s32 $0x600;
	[tilespmem:s16+$0x0] =	vst v2  }
0x341: {  	[spmem:s4] =	stream.indirect.scatter.add.f32 [tilespmem:s31], [sflag:$0xA], $0x80, s29, s1, $0xb8;
	[tilespmem:$0x1ABF8] =	vst v63  }
0x342: {  	s17 =	simm.s32 $0x600  }
0x343: {  	[spmem:s5] =	stream.indirect.scatter.add.f32 [tilespmem:s23], [sflag:$0xF], $0x1, s29, s1, $0xb8;
	[tilespmem:$0x1ABF8] =	vst v63  }
0x344: {  	s6 =	simm.s32 $0x9  }
0x345: {  	_ =	swait.ge [sflag:s6], $0x1400  }
0x346: {  	[sflag:s6] =	ssyncset.done $0x0  }
0x347: {  	s11 =	simm.s32 $0xE;
	[sflag:s6] =	ssyncadd.s32 $0xFFFFEC00  }
0x348: {  	_ =	swait.ge [sflag:s11], $0x28  }
0x349: {  	[sflag:s11] =	ssyncset.done $0x0  }
0x34a: {  	s13 =	simm.s32 $0xA;
	[sflag:s11] =	ssyncadd.s32 $0xFFFFFFD8  }
0x34b: {  	_ =	swait.ge [sflag:s13], $0x1400  }
0x34c: {  	[sflag:s13] =	ssyncset.done $0x0  }
0x34d: {  	s15 =	simm.s32 $0xF;
	[sflag:s13] =	ssyncadd.s32 $0xFFFFEC00  }
0x34e: {  	_ =	swait.ge [sflag:s15], $0x28  }
0x34f: {  	[sflag:s15] =	ssyncset.done $0x0  }
0x350: {  	[sflag:s15] =	ssyncadd.s32 $0xFFFFFFD8  }
.Ltmp11:
0x351: {  	[bflag:$0x0] =	sbarrier.arrive $0xFFFF;
	(pc) =	sbr.rel @!p0 .LBB2_20-.Ltmp11, $4  }
0x352: {  	s11 =	rddreg [dreg:$0x15]  }
0x353: {  	s16 =	stileid.u32;
	p1 =	por $0x0, $0x0;
	s18 =	rddreg [dreg:$0x1a]  }
0x354: {  	s29 =	rddreg [dreg:$0x1b];
	s6 =	sshrl.u32 s11, $0x3;
	s13 =	sadd.s32 $0xFFFFFFFF, s18  }
0x355: {  	s24 =	sadd.s32 $0x2800, s11;
	s15 =	sshrl.u32 s29, $0x3;
	s11 =	sshll.u32 s16, $0x6  }
0x356: {  	s15 =	sadd.s32 s8, s15;
	s16 =	sor.u32 $0x1C1F, s11  }
0x357: {  	[hbm:s15], [sflag:s16] =	dma.local [spmem:s6], $0x500  }
0x358: {  	_ =	swait.ge [sflag:s20], $0x500  }
0x359: {  	[sflag:s20] =	ssyncset.done $0x0  }
0x35a: {  	s21 =	rddreg [dreg:$0xf];
	[sflag:s20] =	ssyncadd.s32 $0xFFFFFB00  }
0x35b: {  	[tilespmem:s22], [sflag:$0x1F] =	stream.linear.gather [spmem:s21], $0x50, $0x38;
	[tilespmem:$0x1ABF8] =	vst v63  }
0x35c: {  	p0 =	sne.s32 s13, $0x1;
	s18 =	sadd.s32 $0xFFFFFFFF, s13;
	_ =	swait.ge [sflag:s20], $0x50  }
0x35d: {  	s29 =	sadd.s32 $0x2800, s29;
	p1 =	por $0x1, $0x1;
	s30 =	rddreg [dreg:$0x10]  }
.Ltmp12:
0x35e: {  	[sflag:s20] =	ssyncset.done $0x0;
	s15 =	sshrl.u32 s30, $0x3;
	(pc) =	sbr.rel @!p0 .LBB2_22-.Ltmp12, $4  }
0x35f: {  	s6 =	sshrl.u32 s24, $0x3;
	[sflag:s20] =	ssyncadd.s32 $0xFFFFFFB0;
	s15 =	sadd.s32 s9, s15  }
0x360: {  	[hbm4b:s15+s7] =	stream.linear.scatter [tilespmem:s22], [sflag:$0x1F], $0x50, $0x38;
	[tilespmem:$0x1ABF8] =	vst v63  }
0x361: {  	s24 =	sadd.s32 $0x2800, s24;
	s16 =	sadd.s32 $0x50, s21;
	_ =	swait.ge [sflag:s20], $0x50  }
0x362: {  	s13 =	sadd.s32 $0x50, s30;
	s15 =	sshrl.u32 s29, $0x3;
	[sflag:s20] =	ssyncset.done $0x0  }
.LBB2_23:
0x363: {  	s15 =	sadd.s32 s8, s15;
	s30 =	sor.u32 $0x1C1F, s11;
	[sflag:s20] =	ssyncadd.s32 $0xFFFFFFB0  }
0x364: {  	[hbm:s15], [sflag:s30] =	dma.local [spmem:s6], $0x500  }
0x365: {  	p0 =	sne.s32 s18, $0x1;
	s6 =	sshrl.u32 s24, $0x3;
	_ =	swait.ge [sflag:s20], $0x500  }
0x366: {  	s18 =	sadd.s32 $0xFFFFFFFF, s18;
	s15 =	smov.u32 s13;
	[sflag:s20] =	ssyncset.done $0x0  }
0x367: {  	[sflag:s20] =	ssyncadd.s32 $0xFFFFFB00  }
0x368: {  	[tilespmem:s22], [sflag:$0x1F] =	stream.linear.gather [spmem:s16], $0x50, $0x38;
	[tilespmem:$0x1ABF8] =	vst v63  }
0x369: {  	s13 =	sadd.s32 $0x50, s13;
	_ =	swait.ge [sflag:s20], $0x50  }
.Ltmp13:
0x36a: {  	s15 =	sshrl.u32 s15, $0x3;
	[sflag:s20] =	ssyncset.done $0x0;
	(pc) =	sbr.rel @p0 .LBB2_23-.Ltmp13, $4  }
0x36b: {  	s15 =	sadd.s32 s9, s15;
	s16 =	sadd.s32 $0x50, s16;
	[sflag:s20] =	ssyncadd.s32 $0xFFFFFFB0  }
0x36c: {  	[hbm4b:s15+s7] =	stream.linear.scatter [tilespmem:s22], [sflag:$0x1F], $0x50, $0x38;
	[tilespmem:$0x1ABF8] =	vst v63  }
0x36d: {  	s29 =	sadd.s32 $0x2800, s29;
	s24 =	sadd.s32 $0x2800, s24;
	_ =	swait.ge [sflag:s20], $0x50  }
0x36e: {  	s15 =	sshrl.u32 s29, $0x3;
	[sflag:s20] =	ssyncset.done $0x0  }
0x36f: {  	s18 =	rddreg [dreg:$0x1a]  }
0x370: {  	s21 =	rddreg [dreg:$0x11]  }
0x371: {  	s30 =	rddreg [dreg:$0x18]  }
0x372: {  	s24 =	rddreg [dreg:$0x1c]  }
.LBB2_25:
0x373: {  	s15 =	sadd.s32 s8, s15;
	s11 =	sor.u32 $0x1C1F, s11;
	[sflag:s20] =	ssyncadd.s32 @p1 $0xFFFFFFB0  }
0x374: {  	[hbm:s15], [sflag:s11] =	dma.local [spmem:s6], $0x500  }
0x375: {  	_ =	swait.ge [sflag:s20], $0x500  }
0x376: {  	[sflag:s20] =	ssyncset.done $0x0  }
0x377: {  	[sflag:s20] =	ssyncadd.s32 $0xFFFFFB00  }
0x378: {  	[tilespmem:s22], [sflag:$0x1F] =	stream.linear.gather [spmem:s16], $0x50, $0x38;
	[tilespmem:$0x1ABF8] =	vst v63  }
0x379: {  	_ =	swait.ge [sflag:s20], $0x50  }
0x37a: {  	s16 =	sshrl.u32 s13, $0x3;
	[sflag:s20] =	ssyncset.done $0x0  }
0x37b: {  	s6 =	sadd.s32 s9, s16;
	[sflag:s20] =	ssyncadd.s32 $0xFFFFFFB0  }
0x37c: {  	[hbm4b:s6+s7] =	stream.linear.scatter [tilespmem:s22], [sflag:$0x1F], $0x50, $0x38;
	[tilespmem:$0x1ABF8] =	vst v63  }
0x37d: {  	_ =	swait.ge [sflag:s20], $0x50  }
0x37e: {  	s24 =	sadd.s32 $0x1, s24;
	s29 =	rddreg [dreg:$0x14]  }
0x37f: {  	p0 =	sne.s32 s24, s29  }
.Ltmp14:
0x380: {  	_ = 	snop;
	(pc) =	sbr.rel @p0 .LBB2_1-.Ltmp14, $4  }
.Ltmp15:
0x381: {  	_ = 	snop;
	(pc) =	sbr.rel @!p0 .LBB2_26-.Ltmp15, $4  }
0x382: {  	_ = 	snop  }
0x383: {  	[sflag:s20] =	ssyncset.done $0x0  }
0x384: {  	[sflag:s20] =	ssyncadd.s32 $0xFFFFFFB0  }
0x385: {  	_ = 	snop  }
.LBB2_20:
.Ltmp16:
0x386: {  	(pc) =	sbr.rel .LBB2_25-.Ltmp16, $4  }
0x387: {  	_ = 	snop  }
0x388: {  	s13 =	rddreg [dreg:$0x10]  }
0x389: {  	s16 =	rddreg [dreg:$0xf]  }
0x38a: {  	s24 =	rddreg [dreg:$0x1c]  }
.LBB2_22:
.Ltmp17:
0x38b: {  	(pc) =	sbr.rel .LBB2_25-.Ltmp17, $4  }
0x38c: {  	s18 =	rddreg [dreg:$0x1a]  }
0x38d: {  	s21 =	rddreg [dreg:$0x11]  }
0x38e: {  	s30 =	rddreg [dreg:$0x18]  }
0x38f: {  	s24 =	rddreg [dreg:$0x1c]  }
.LBB2_26:
0x390: {  	_ =	sfence.sel $0x180000  }
0x391: {  	[bflag:$0x0] =	sbarrier.arrive $0xFFFF  }
0x392: {  	_ =	strace $0x90000047  }
0x393: {  	s0 =	stileid.u32;
	[bflag:$0x2] =	sbarrier.arrive $0xFFFF  }
0x394: {  	p0 =	sne.s32 s0, $0x0;
	s0 =	rddreg [dreg:$0x6]  }
0x395: {  	s0 =	sadd.s32 @!p0 $0x100000, s0  }
0x396: {  	[sflag:s0] =	ssyncadd.tile.s32 @!p0 $0x1;
	_ =	shalt  }
.Lfunc_end2:
_tile_overlayer_lowered:
.L_overlay_start_2:
0x397: {  	(tag) =	ssettag $0x2  }
0x398: {  	s0 =	rddreg [dreg:$0x0];
	s2 =	stileid.u32  }
0x399: {  	s1 =	rddreg [dreg:$0x1];
	p0 =	sne.s32 s2, $0x0  }
0x39a: {  	s3 =	rddreg [dreg:$0x2];
	[bflag:$0x3] =	sbarrier.arrive $0xFFFF;
	s2 =	simm.s32 @!p0 $0x1C1F  }
0x39b: {  	[timem:s3], [sflag:s2] =	dma.local @!p0 [hbm:s0], s1  }
0x39c: {  	s0 =	simm.s32 @!p0 $0x1F  }
0x39d: {  	_ =	swait.ge @!p0 [sflag:s0], s1  }
0x39e: {  	s1 =	ssub.s32 @!p0 $0x0, s1;
	[sflag:s0] =	ssyncset.done @!p0 $0x0  }
0x39f: {  	[sflag:s0] =	ssyncadd.s32 @!p0 s1  }
0x3a0: {  	[bflag:$0x3] =	sbarrier.arrive $0xFFFF  }
0x3a1: {  	_ =	shalt  }

</sc_bundles>
